<compile_context>
chip_gen: v7x
topology: tpu7x:2x2x1
jax: 0.10.2.dev20260603
libtpu: 0.0.44.dev20260713+nightly
codegen_flags: <defaults>
</compile_context>

<pallas_src>
import functools

import jax
import jax.numpy as jnp
from jax import lax
from jax.experimental import pallas as pl
from jax.experimental.pallas import tpu as pltpu
from jax.experimental.pallas import tpu_sc as plsc

N_NODES_C = 100000
B_C = 50000
K_C = 10
D_C = 128

CHUNK_B = 40
CHUNK_I = CHUNK_B * K_C
GATHER_SLICE = 80
N_GATHER = CHUNK_I // GATHER_SLICE
LANES = 16
D_VECS = D_C // LANES
UNROLL = 4


def _make_sc_kernel():
    info = plsc.get_sparse_core_info()
    nc, ns = info.num_cores, info.num_subcores
    nw = nc * ns
    n_chunks = -(-B_C // CHUNK_B)
    per_w = -(-n_chunks // nw)
    last_base = B_C - CHUNK_B

    mesh = plsc.VectorSubcoreMesh(core_axis_name="c", subcore_axis_name="s")

    @functools.partial(
        pl.kernel,
        mesh=mesh,
        out_type=jax.ShapeDtypeStruct((B_C, D_C), jnp.float32),
        scratch_types=[
            pltpu.VMEM((CHUNK_I,), jnp.int32),
            pltpu.VMEM((CHUNK_I,), jnp.int32),
            pltpu.VMEM((CHUNK_I, D_C), jnp.float32),
            pltpu.VMEM((CHUNK_I, D_C), jnp.float32),
            pltpu.VMEM((CHUNK_B, D_C), jnp.float32),
            pltpu.VMEM((CHUNK_B, D_C), jnp.float32),
            pltpu.SemaphoreType.DMA,
            pltpu.SemaphoreType.DMA,
            pltpu.SemaphoreType.DMA,
        ],
    )
    def sc_kernel(table_hbm, neigh_hbm, out_hbm, idx_a, idx_b,
                  rows_a, rows_b, out_a, out_b, isem, gsem, osem):
        wid = lax.axis_index("s") * nc + lax.axis_index("c")
        inv_k = jnp.float32(1.0 / K_C)

        def chunk_base(j):
            return jnp.minimum((wid * per_w + j) * CHUNK_B, last_base)

        def issue_idx(j, idx_ref):
            base = chunk_base(j)
            pltpu.async_copy(
                neigh_hbm.at[pl.ds(base * K_C, CHUNK_I)], idx_ref, isem)

        def drain_idx():
            pltpu.make_async_copy(
                neigh_hbm.at[pl.ds(0, CHUNK_I)], idx_a, isem).wait()

        def issue_gathers(idx_ref, rows_ref):
            for g in range(N_GATHER):
                sl = pl.ds(g * GATHER_SLICE, GATHER_SLICE)
                pltpu.async_copy(
                    table_hbm.at[idx_ref.at[sl]], rows_ref.at[sl], gsem)

        def drain_gathers():
            pltpu.make_async_copy(
                table_hbm.at[pl.ds(0, CHUNK_I)], rows_a, gsem).wait()

        def issue_out(j, out_ref):
            base = chunk_base(j)
            pltpu.async_copy(
                out_ref, out_hbm.at[pl.ds(base, CHUNK_B)], osem)

        def drain_out():
            pltpu.make_async_copy(
                out_a, out_hbm.at[pl.ds(0, CHUNK_B)], osem).wait()

        def reduce_chunk(rv, ov):
            def tree_ops(l, b, dsl):
                t = {}

                def fin():
                    t["c1"] = t["c0"] + t["a4"]
                    ov[b, dsl] = t["c1"] * inv_k

                return [
                    lambda: t.__setitem__("a0", l[0] + l[1]),
                    lambda: t.__setitem__("a1", l[2] + l[3]),
                    lambda: t.__setitem__("a2", l[4] + l[5]),
                    lambda: t.__setitem__("a3", l[6] + l[7]),
                    lambda: t.__setitem__("a4", l[8] + l[9]),
                    lambda: t.__setitem__("b0", t["a0"] + t["a1"]),
                    lambda: t.__setitem__("b1", t["a2"] + t["a3"]),
                    lambda: None,
                    lambda: t.__setitem__("c0", t["b0"] + t["b1"]),
                    fin,
                ]

            def center_body(i, carry2):
                b0 = i * UNROLL
                groups = [(b0 + u, d)
                          for u in range(UNROLL) for d in range(D_VECS)]
                pending = []
                for b, d in groups:
                    r0 = b * K_C
                    dsl = pl.ds(d * LANES, LANES)
                    loads = []
                    for k in range(K_C):
                        loads.append(rv[r0 + k, dsl])
                        if pending:
                            pending.pop(0)()
                    pending = tree_ops(loads, b, dsl)
                for op in pending:
                    op()
                return carry2

            lax.fori_loop(0, CHUNK_B // UNROLL, center_body, 0)

        issue_idx(0, idx_a)
        drain_idx()
        issue_idx(1, idx_b)
        issue_gathers(idx_a, rows_a)

        def chunk_body(j, carry):
            r = lax.rem(j, 2)
            nr = 1 - r

            drain_gathers()

            @pl.when(j < per_w - 2)
            def _():
                @pl.when(r == 0)
                def _():
                    issue_idx(j + 2, idx_a)

                @pl.when(r == 1)
                def _():
                    issue_idx(j + 2, idx_b)

            @pl.when(j < per_w - 1)
            def _():
                drain_idx()

                @pl.when(nr == 0)
                def _():
                    issue_gathers(idx_a, rows_a)

                @pl.when(nr == 1)
                def _():
                    issue_gathers(idx_b, rows_b)

            @pl.when(j >= 2)
            def _():
                drain_out()

            @pl.when(r == 0)
            def _():
                reduce_chunk(rows_a, out_a)
                issue_out(j, out_a)

            @pl.when(r == 1)
            def _():
                reduce_chunk(rows_b, out_b)
                issue_out(j, out_b)

            return carry

        lax.fori_loop(0, per_w, chunk_body, 0)

        drain_out()
        drain_out()

    return sc_kernel


_SC_KERNEL = _make_sc_kernel()


@jax.jit
def kernel(feat_table, neigh_idx):
    neigh_flat = neigh_idx.reshape(-1)
    return _SC_KERNEL(feat_table, neigh_flat)

# --- scband reference (transcript-rebuilt; emitter-appended) ---
"""Pipeline reference for scband-mean-aggregator-56599079026851 (READ-ONLY COPY).

The authoritative reference and input builder live on the scoring server;
editing this copy changes nothing except your own understanding.
"""

import jax, jax.numpy as jnp
import numpy as np

N_NODES = 100000
D_FEAT = 128
B = 50000
MAX_KEEP = 10

def setup_inputs(seed: int = 0) -> dict:
    key = jax.random.key(seed)
    k1, k2 = jax.random.split(key)
    # Learned/lookup feature table (stands in for the `features` embedding-lookup fn)
    feat_table = jax.random.normal(k1, (N_NODES, D_FEAT), dtype=jnp.float32)
    # Pre-sampled neighbor ids per center node (the python random.sample + set
    # construction in the torch code, materialized as a dense [B, K] index tensor;
    # each center node keeps exactly min(ceil(deg*keep_prob), max_keep)=10 neighbors).
    neigh_idx = jax.random.randint(k2, (B, MAX_KEEP), 0, N_NODES, dtype=jnp.int32)
    return {"feat_table": feat_table, "neigh_idx": neigh_idx}

def reference(feat_table, neigh_idx):
    # Faithful to: mask.mm(embed_matrix) where mask is the row-normalized
    # neighbor-incidence matrix. With a fixed K neighbors per row, the sparse
    # matmul is exactly a gather followed by a mean over the neighbor axis;
    # num_neigh = mask.sum(1, keepdim=True) and mask = mask / num_neigh.
    gathered = jnp.take(feat_table, neigh_idx, axis=0)  # [B, K, d] gather (embedding lookup)
    num_neigh = jnp.asarray(neigh_idx.shape[1], dtype=feat_table.dtype)
    to_feats = jnp.sum(gathered, axis=1) / num_neigh     # mask.div(num_neigh); mask.mm(embed)
    return to_feats

if __name__ == "__main__":
    import jax
    _d = setup_inputs()
    print(jax.jit(kernel)(*tuple(_d.values())))

</pallas_src>

<mosaic_0001>
#map = affine_map<(d0, d1) -> (0, 0)>
#map1 = affine_map<(d0, d1) -> (0)>
module attributes {stable_mosaic.version = 14 : i64} {
  func.func @sc_kernel(%arg0: i32, %arg1: i32, %arg2: memref<100000x128xf32, #tpu.memory_space<hbm>>, %arg3: memref<500000xi32, #tpu.memory_space<hbm>>, %arg4: memref<50000x128xf32, #tpu.memory_space<hbm>>, %arg5: memref<400xi32, #tpu.memory_space<vmem>>, %arg6: memref<400xi32, #tpu.memory_space<vmem>>, %arg7: memref<400x128xf32, #tpu.memory_space<vmem>>, %arg8: memref<400x128xf32, #tpu.memory_space<vmem>>, %arg9: memref<40x128xf32, #tpu.memory_space<vmem>>, %arg10: memref<40x128xf32, #tpu.memory_space<vmem>>, %arg11: memref<!tpu.dma_semaphore, #tpu.memory_space<semaphore_mem>>, %arg12: memref<!tpu.dma_semaphore, #tpu.memory_space<semaphore_mem>>, %arg13: memref<!tpu.dma_semaphore, #tpu.memory_space<semaphore_mem>>) attributes {dimension_semantics = [#tpu.dimension_semantics<core_parallel>, #tpu.dimension_semantics<subcore_parallel>], iteration_bounds = array<i64: 2, 16>, scalar_prefetch = 0 : i64, scratch_operands = 9 : i64, tpu.core_type = #tpu.core_type<sc_vector_subcore>, window_params = [{transform_indices = #map}, {transform_indices = #map1}, {transform_indices = #map}]} {
    %mul3A = arith.constant 2 : i32
    %mul3A_0 = arith.muli %arg1, %mul3A : i32
    %add3A = arith.addi %mul3A_0, %arg0 : i32
    %mul3A_1 = arith.constant 40 : i32
    %mul3A_2 = arith.muli %add3A, %mul3A_1 : i32
    %add3A_3 = arith.constant 0 : i32
    %add3A_4 = arith.addi %mul3A_2, %add3A_3 : i32
    %mul3A_5 = arith.constant 40 : i32
    %mul3A_6 = arith.muli %add3A_4, %mul3A_5 : i32
    %min3A = arith.constant 49960 : i32
    %min3A_7 = arith.minsi %mul3A_6, %min3A : i32
    %mul3A_8 = arith.constant 10 : i32
    %mul3A_9 = arith.muli %min3A_7, %mul3A_8 : i32
    %dma_start3A = tpu.memref_slice %arg3[%mul3A_9] : memref<500000xi32, #tpu.memory_space<hbm>> -> memref<400xi32, #tpu.memory_space<hbm>>
    %dma_start3A_10 = tpu.memref_slice %arg3[%mul3A_9] : memref<500000xi32, #tpu.memory_space<hbm>> -> memref<400xi32, #tpu.memory_space<hbm>>
    tpu.enqueue_dma source(%dma_start3A_10 : memref<400xi32, #tpu.memory_space<hbm>>) target(%arg5 : memref<400xi32, #tpu.memory_space<vmem>>) target_semaphore(%arg11 : memref<!tpu.dma_semaphore, #tpu.memory_space<semaphore_mem>>)
    %dma_wait3A = arith.constant 0 : i32
    %dma_wait3A_11 = tpu.memref_slice %arg3[%dma_wait3A] : memref<500000xi32, #tpu.memory_space<hbm>> -> memref<400xi32, #tpu.memory_space<hbm>>
    %dma_wait3A_12 = arith.constant 0 : i32
    %dma_wait3A_13 = tpu.memref_slice %arg3[%dma_wait3A_12] : memref<500000xi32, #tpu.memory_space<hbm>> -> memref<400xi32, #tpu.memory_space<hbm>>
    tpu.wait_dma2 semaphore(%arg11 : memref<!tpu.dma_semaphore, #tpu.memory_space<semaphore_mem>>) src(%dma_wait3A_13 : memref<400xi32, #tpu.memory_space<hbm>>) dst(%arg5 : memref<400xi32, #tpu.memory_space<vmem>>)
    %mul3A_14 = arith.constant 40 : i32
    %mul3A_15 = arith.muli %add3A, %mul3A_14 : i32
    %add3A_16 = arith.constant 1 : i32
    %add3A_17 = arith.addi %mul3A_15, %add3A_16 : i32
    %mul3A_18 = arith.constant 40 : i32
    %mul3A_19 = arith.muli %add3A_17, %mul3A_18 : i32
    %min3A_20 = arith.constant 49960 : i32
    %min3A_21 = arith.minsi %mul3A_19, %min3A_20 : i32
    %mul3A_22 = arith.constant 10 : i32
    %mul3A_23 = arith.muli %min3A_21, %mul3A_22 : i32
    %dma_start3A_24 = tpu.memref_slice %arg3[%mul3A_23] : memref<500000xi32, #tpu.memory_space<hbm>> -> memref<400xi32, #tpu.memory_space<hbm>>
    %dma_start3A_25 = tpu.memref_slice %arg3[%mul3A_23] : memref<500000xi32, #tpu.memory_space<hbm>> -> memref<400xi32, #tpu.memory_space<hbm>>
    tpu.enqueue_dma source(%dma_start3A_25 : memref<400xi32, #tpu.memory_space<hbm>>) target(%arg6 : memref<400xi32, #tpu.memory_space<vmem>>) target_semaphore(%arg11 : memref<!tpu.dma_semaphore, #tpu.memory_space<semaphore_mem>>)
    %dma_start3A_26 = arith.constant 0 : i32
    %dma_start3A_27 = arith.constant 0 : i32
    %dma_start3A_28 = tpu.memref_slice %arg7[%dma_start3A_26, %dma_start3A_27] : memref<400x128xf32, #tpu.memory_space<vmem>> -> memref<80x128xf32, #tpu.memory_space<vmem>>
    %dma_start3A_29 = arith.constant 0 : i32
    %dma_start3A_30 = tpu.memref_slice %arg5[%dma_start3A_29] : memref<400xi32, #tpu.memory_space<vmem>> -> memref<80xi32, #tpu.memory_space<vmem>>
    %dma_start3A_31 = arith.constant 0 : i32
    %dma_start3A_32 = arith.constant 0 : i32
    %dma_start3A_33 = tpu.memref_slice %arg2[%dma_start3A_31, %dma_start3A_32] : memref<100000x128xf32, #tpu.memory_space<hbm>> -> memref<100000x128xf32, #tpu.memory_space<hbm>>
    tpu.enqueue_indirect_dma source(%dma_start3A_33 : memref<100000x128xf32, #tpu.memory_space<hbm>>) target(%dma_start3A_28 : memref<80x128xf32, #tpu.memory_space<vmem>>) offsets(%dma_start3A_30 : memref<80xi32, #tpu.memory_space<vmem>>) semaphore(%arg12 : memref<!tpu.dma_semaphore, #tpu.memory_space<semaphore_mem>>)
    %dma_start3A_34 = arith.constant 80 : i32
    %dma_start3A_35 = arith.constant 0 : i32
    %dma_start3A_36 = tpu.memref_slice %arg7[%dma_start3A_34, %dma_start3A_35] : memref<400x128xf32, #tpu.memory_space<vmem>> -> memref<80x128xf32, #tpu.memory_space<vmem>>
    %dma_start3A_37 = arith.constant 80 : i32
    %dma_start3A_38 = tpu.memref_slice %arg5[%dma_start3A_37] : memref<400xi32, #tpu.memory_space<vmem>> -> memref<80xi32, #tpu.memory_space<vmem>>
    %dma_start3A_39 = arith.constant 0 : i32
    %dma_start3A_40 = arith.constant 0 : i32
    %dma_start3A_41 = tpu.memref_slice %arg2[%dma_start3A_39, %dma_start3A_40] : memref<100000x128xf32, #tpu.memory_space<hbm>> -> memref<100000x128xf32, #tpu.memory_space<hbm>>
    tpu.enqueue_indirect_dma source(%dma_start3A_41 : memref<100000x128xf32, #tpu.memory_space<hbm>>) target(%dma_start3A_36 : memref<80x128xf32, #tpu.memory_space<vmem>>) offsets(%dma_start3A_38 : memref<80xi32, #tpu.memory_space<vmem>>) semaphore(%arg12 : memref<!tpu.dma_semaphore, #tpu.memory_space<semaphore_mem>>)
    %dma_start3A_42 = arith.constant 160 : i32
    %dma_start3A_43 = arith.constant 0 : i32
    %dma_start3A_44 = tpu.memref_slice %arg7[%dma_start3A_42, %dma_start3A_43] : memref<400x128xf32, #tpu.memory_space<vmem>> -> memref<80x128xf32, #tpu.memory_space<vmem>>
    %dma_start3A_45 = arith.constant 160 : i32
    %dma_start3A_46 = tpu.memref_slice %arg5[%dma_start3A_45] : memref<400xi32, #tpu.memory_space<vmem>> -> memref<80xi32, #tpu.memory_space<vmem>>
    %dma_start3A_47 = arith.constant 0 : i32
    %dma_start3A_48 = arith.constant 0 : i32
    %dma_start3A_49 = tpu.memref_slice %arg2[%dma_start3A_47, %dma_start3A_48] : memref<100000x128xf32, #tpu.memory_space<hbm>> -> memref<100000x128xf32, #tpu.memory_space<hbm>>
    tpu.enqueue_indirect_dma source(%dma_start3A_49 : memref<100000x128xf32, #tpu.memory_space<hbm>>) target(%dma_start3A_44 : memref<80x128xf32, #tpu.memory_space<vmem>>) offsets(%dma_start3A_46 : memref<80xi32, #tpu.memory_space<vmem>>) semaphore(%arg12 : memref<!tpu.dma_semaphore, #tpu.memory_space<semaphore_mem>>)
    %dma_start3A_50 = arith.constant 240 : i32
    %dma_start3A_51 = arith.constant 0 : i32
    %dma_start3A_52 = tpu.memref_slice %arg7[%dma_start3A_50, %dma_start3A_51] : memref<400x128xf32, #tpu.memory_space<vmem>> -> memref<80x128xf32, #tpu.memory_space<vmem>>
    %dma_start3A_53 = arith.constant 240 : i32
    %dma_start3A_54 = tpu.memref_slice %arg5[%dma_start3A_53] : memref<400xi32, #tpu.memory_space<vmem>> -> memref<80xi32, #tpu.memory_space<vmem>>
    %dma_start3A_55 = arith.constant 0 : i32
    %dma_start3A_56 = arith.constant 0 : i32
    %dma_start3A_57 = tpu.memref_slice %arg2[%dma_start3A_55, %dma_start3A_56] : memref<100000x128xf32, #tpu.memory_space<hbm>> -> memref<100000x128xf32, #tpu.memory_space<hbm>>
    tpu.enqueue_indirect_dma source(%dma_start3A_57 : memref<100000x128xf32, #tpu.memory_space<hbm>>) target(%dma_start3A_52 : memref<80x128xf32, #tpu.memory_space<vmem>>) offsets(%dma_start3A_54 : memref<80xi32, #tpu.memory_space<vmem>>) semaphore(%arg12 : memref<!tpu.dma_semaphore, #tpu.memory_space<semaphore_mem>>)
    %dma_start3A_58 = arith.constant 320 : i32
    %dma_start3A_59 = arith.constant 0 : i32
    %dma_start3A_60 = tpu.memref_slice %arg7[%dma_start3A_58, %dma_start3A_59] : memref<400x128xf32, #tpu.memory_space<vmem>> -> memref<80x128xf32, #tpu.memory_space<vmem>>
    %dma_start3A_61 = arith.constant 320 : i32
    %dma_start3A_62 = tpu.memref_slice %arg5[%dma_start3A_61] : memref<400xi32, #tpu.memory_space<vmem>> -> memref<80xi32, #tpu.memory_space<vmem>>
    %dma_start3A_63 = arith.constant 0 : i32
    %dma_start3A_64 = arith.constant 0 : i32
    %dma_start3A_65 = tpu.memref_slice %arg2[%dma_start3A_63, %dma_start3A_64] : memref<100000x128xf32, #tpu.memory_space<hbm>> -> memref<100000x128xf32, #tpu.memory_space<hbm>>
    tpu.enqueue_indirect_dma source(%dma_start3A_65 : memref<100000x128xf32, #tpu.memory_space<hbm>>) target(%dma_start3A_60 : memref<80x128xf32, #tpu.memory_space<vmem>>) offsets(%dma_start3A_62 : memref<80xi32, #tpu.memory_space<vmem>>) semaphore(%arg12 : memref<!tpu.dma_semaphore, #tpu.memory_space<semaphore_mem>>)
    %scan3A = arith.constant 0 : i32
    %scan3A_66 = arith.constant 1.000000e-01 : f32
    %scan3A_67 = arith.constant 0 : i32
    %scan3A_68 = arith.constant 40 : i32
    %scan3A_69 = arith.addi %scan3A_67, %scan3A_68 : i32
    %scan3A_70 = arith.constant 1 : i32
    scf.for %scan3A_84 = %scan3A_67 to %scan3A_69 step %scan3A_70  : i32 {
      %rem3A = arith.constant 2 : i32
      %rem3A_85 = arith.remsi %scan3A_84, %rem3A : i32
      %sub3A = arith.constant 1 : i32
      %sub3A_86 = arith.subi %sub3A, %rem3A_85 : i32
      %dma_wait3A_87 = arith.constant 0 : i32
      %dma_wait3A_88 = arith.constant 0 : i32
      %dma_wait3A_89 = tpu.memref_slice %arg2[%dma_wait3A_87, %dma_wait3A_88] : memref<100000x128xf32, #tpu.memory_space<hbm>> -> memref<400x128xf32, #tpu.memory_space<hbm>>
      %dma_wait3A_90 = arith.constant 0 : i32
      %dma_wait3A_91 = arith.constant 0 : i32
      %dma_wait3A_92 = tpu.memref_slice %arg2[%dma_wait3A_90, %dma_wait3A_91] : memref<100000x128xf32, #tpu.memory_space<hbm>> -> memref<400x128xf32, #tpu.memory_space<hbm>>
      tpu.wait_dma2 semaphore(%arg12 : memref<!tpu.dma_semaphore, #tpu.memory_space<semaphore_mem>>) src(%dma_wait3A_92 : memref<400x128xf32, #tpu.memory_space<hbm>>) dst(%arg7 : memref<400x128xf32, #tpu.memory_space<vmem>>)
      %lt3A = arith.constant 38 : i32
      %lt3A_93 = arith.cmpi slt, %scan3A_84, %lt3A : i32
      %convert_element_type3A = arith.extui %lt3A_93 : i1 to i32
      %cond3A = arith.constant 0 : i32
      %cond3A_94 = arith.cmpi ne, %convert_element_type3A, %cond3A : i32
      scf.if %cond3A_94 {
        %eq3A_113 = arith.constant 0 : i32
        %eq3A_114 = arith.cmpi eq, %rem3A_85, %eq3A_113 : i32
        %convert_element_type3A_115 = arith.extui %eq3A_114 : i1 to i32
        %cond3A_116 = arith.constant 0 : i32
        %cond3A_117 = arith.cmpi ne, %convert_element_type3A_115, %cond3A_116 : i32
        scf.if %cond3A_117 {
          %add3A_123 = arith.constant 2 : i32
          %add3A_124 = arith.addi %scan3A_84, %add3A_123 : i32
          %mul3A_125 = arith.constant 40 : i32
          %mul3A_126 = arith.muli %add3A, %mul3A_125 : i32
          %add3A_127 = arith.addi %mul3A_126, %add3A_124 : i32
          %mul3A_128 = arith.constant 40 : i32
          %mul3A_129 = arith.muli %add3A_127, %mul3A_128 : i32
          %min3A_130 = arith.constant 49960 : i32
          %min3A_131 = arith.minsi %mul3A_129, %min3A_130 : i32
          %mul3A_132 = arith.constant 10 : i32
          %mul3A_133 = arith.muli %min3A_131, %mul3A_132 : i32
          %dma_start3A_134 = tpu.memref_slice %arg3[%mul3A_133] : memref<500000xi32, #tpu.memory_space<hbm>> -> memref<400xi32, #tpu.memory_space<hbm>>
          %dma_start3A_135 = tpu.memref_slice %arg3[%mul3A_133] : memref<500000xi32, #tpu.memory_space<hbm>> -> memref<400xi32, #tpu.memory_space<hbm>>
          tpu.enqueue_dma source(%dma_start3A_135 : memref<400xi32, #tpu.memory_space<hbm>>) target(%arg5 : memref<400xi32, #tpu.memory_space<vmem>>) target_semaphore(%arg11 : memref<!tpu.dma_semaphore, #tpu.memory_space<semaphore_mem>>)
        } else {
        }
        %eq3A_118 = arith.constant 1 : i32
        %eq3A_119 = arith.cmpi eq, %rem3A_85, %eq3A_118 : i32
        %convert_element_type3A_120 = arith.extui %eq3A_119 : i1 to i32
        %cond3A_121 = arith.constant 0 : i32
        %cond3A_122 = arith.cmpi ne, %convert_element_type3A_120, %cond3A_121 : i32
        scf.if %cond3A_122 {
          %add3A_123 = arith.constant 2 : i32
          %add3A_124 = arith.addi %scan3A_84, %add3A_123 : i32
          %mul3A_125 = arith.constant 40 : i32
          %mul3A_126 = arith.muli %add3A, %mul3A_125 : i32
          %add3A_127 = arith.addi %mul3A_126, %add3A_124 : i32
          %mul3A_128 = arith.constant 40 : i32
          %mul3A_129 = arith.muli %add3A_127, %mul3A_128 : i32
          %min3A_130 = arith.constant 49960 : i32
          %min3A_131 = arith.minsi %mul3A_129, %min3A_130 : i32
          %mul3A_132 = arith.constant 10 : i32
          %mul3A_133 = arith.muli %min3A_131, %mul3A_132 : i32
          %dma_start3A_134 = tpu.memref_slice %arg3[%mul3A_133] : memref<500000xi32, #tpu.memory_space<hbm>> -> memref<400xi32, #tpu.memory_space<hbm>>
          %dma_start3A_135 = tpu.memref_slice %arg3[%mul3A_133] : memref<500000xi32, #tpu.memory_space<hbm>> -> memref<400xi32, #tpu.memory_space<hbm>>
          tpu.enqueue_dma source(%dma_start3A_135 : memref<400xi32, #tpu.memory_space<hbm>>) target(%arg6 : memref<400xi32, #tpu.memory_space<vmem>>) target_semaphore(%arg11 : memref<!tpu.dma_semaphore, #tpu.memory_space<semaphore_mem>>)
        } else {
        }
      } else {
      }
      %lt3A_95 = arith.constant 39 : i32
      %lt3A_96 = arith.cmpi slt, %scan3A_84, %lt3A_95 : i32
      %convert_element_type3A_97 = arith.extui %lt3A_96 : i1 to i32
      %cond3A_98 = arith.constant 0 : i32
      %cond3A_99 = arith.cmpi ne, %convert_element_type3A_97, %cond3A_98 : i32
      scf.if %cond3A_99 {
        %dma_wait3A_113 = arith.constant 0 : i32
        %dma_wait3A_114 = tpu.memref_slice %arg3[%dma_wait3A_113] : memref<500000xi32, #tpu.memory_space<hbm>> -> memref<400xi32, #tpu.memory_space<hbm>>
        %dma_wait3A_115 = arith.constant 0 : i32
        %dma_wait3A_116 = tpu.memref_slice %arg3[%dma_wait3A_115] : memref<500000xi32, #tpu.memory_space<hbm>> -> memref<400xi32, #tpu.memory_space<hbm>>
        tpu.wait_dma2 semaphore(%arg11 : memref<!tpu.dma_semaphore, #tpu.memory_space<semaphore_mem>>) src(%dma_wait3A_116 : memref<400xi32, #tpu.memory_space<hbm>>) dst(%arg5 : memref<400xi32, #tpu.memory_space<vmem>>)
        %eq3A_117 = arith.constant 0 : i32
        %eq3A_118 = arith.cmpi eq, %sub3A_86, %eq3A_117 : i32
        %convert_element_type3A_119 = arith.extui %eq3A_118 : i1 to i32
        %cond3A_120 = arith.constant 0 : i32
        %cond3A_121 = arith.cmpi ne, %convert_element_type3A_119, %cond3A_120 : i32
        scf.if %cond3A_121 {
          %dma_start3A_127 = arith.constant 0 : i32
          %dma_start3A_128 = arith.constant 0 : i32
          %dma_start3A_129 = tpu.memref_slice %arg7[%dma_start3A_127, %dma_start3A_128] : memref<400x128xf32, #tpu.memory_space<vmem>> -> memref<80x128xf32, #tpu.memory_space<vmem>>
          %dma_start3A_130 = arith.constant 0 : i32
          %dma_start3A_131 = tpu.memref_slice %arg5[%dma_start3A_130] : memref<400xi32, #tpu.memory_space<vmem>> -> memref<80xi32, #tpu.memory_space<vmem>>
          %dma_start3A_132 = arith.constant 0 : i32
          %dma_start3A_133 = arith.constant 0 : i32
          %dma_start3A_134 = tpu.memref_slice %arg2[%dma_start3A_132, %dma_start3A_133] : memref<100000x128xf32, #tpu.memory_space<hbm>> -> memref<100000x128xf32, #tpu.memory_space<hbm>>
          tpu.enqueue_indirect_dma source(%dma_start3A_134 : memref<100000x128xf32, #tpu.memory_space<hbm>>) target(%dma_start3A_129 : memref<80x128xf32, #tpu.memory_space<vmem>>) offsets(%dma_start3A_131 : memref<80xi32, #tpu.memory_space<vmem>>) semaphore(%arg12 : memref<!tpu.dma_semaphore, #tpu.memory_space<semaphore_mem>>)
          %dma_start3A_135 = arith.constant 80 : i32
          %dma_start3A_136 = arith.constant 0 : i32
          %dma_start3A_137 = tpu.memref_slice %arg7[%dma_start3A_135, %dma_start3A_136] : memref<400x128xf32, #tpu.memory_space<vmem>> -> memref<80x128xf32, #tpu.memory_space<vmem>>
          %dma_start3A_138 = arith.constant 80 : i32
          %dma_start3A_139 = tpu.memref_slice %arg5[%dma_start3A_138] : memref<400xi32, #tpu.memory_space<vmem>> -> memref<80xi32, #tpu.memory_space<vmem>>
          %dma_start3A_140 = arith.constant 0 : i32
          %dma_start3A_141 = arith.constant 0 : i32
          %dma_start3A_142 = tpu.memref_slice %arg2[%dma_start3A_140, %dma_start3A_141] : memref<100000x128xf32, #tpu.memory_space<hbm>> -> memref<100000x128xf32, #tpu.memory_space<hbm>>
          tpu.enqueue_indirect_dma source(%dma_start3A_142 : memref<100000x128xf32, #tpu.memory_space<hbm>>) target(%dma_start3A_137 : memref<80x128xf32, #tpu.memory_space<vmem>>) offsets(%dma_start3A_139 : memref<80xi32, #tpu.memory_space<vmem>>) semaphore(%arg12 : memref<!tpu.dma_semaphore, #tpu.memory_space<semaphore_mem>>)
          %dma_start3A_143 = arith.constant 160 : i32
          %dma_start3A_144 = arith.constant 0 : i32
          %dma_start3A_145 = tpu.memref_slice %arg7[%dma_start3A_143, %dma_start3A_144] : memref<400x128xf32, #tpu.memory_space<vmem>> -> memref<80x128xf32, #tpu.memory_space<vmem>>
          %dma_start3A_146 = arith.constant 160 : i32
          %dma_start3A_147 = tpu.memref_slice %arg5[%dma_start3A_146] : memref<400xi32, #tpu.memory_space<vmem>> -> memref<80xi32, #tpu.memory_space<vmem>>
          %dma_start3A_148 = arith.constant 0 : i32
          %dma_start3A_149 = arith.constant 0 : i32
          %dma_start3A_150 = tpu.memref_slice %arg2[%dma_start3A_148, %dma_start3A_149] : memref<100000x128xf32, #tpu.memory_space<hbm>> -> memref<100000x128xf32, #tpu.memory_space<hbm>>
          tpu.enqueue_indirect_dma source(%dma_start3A_150 : memref<100000x128xf32, #tpu.memory_space<hbm>>) target(%dma_start3A_145 : memref<80x128xf32, #tpu.memory_space<vmem>>) offsets(%dma_start3A_147 : memref<80xi32, #tpu.memory_space<vmem>>) semaphore(%arg12 : memref<!tpu.dma_semaphore, #tpu.memory_space<semaphore_mem>>)
          %dma_start3A_151 = arith.constant 240 : i32
          %dma_start3A_152 = arith.constant 0 : i32
          %dma_start3A_153 = tpu.memref_slice %arg7[%dma_start3A_151, %dma_start3A_152] : memref<400x128xf32, #tpu.memory_space<vmem>> -> memref<80x128xf32, #tpu.memory_space<vmem>>
          %dma_start3A_154 = arith.constant 240 : i32
          %dma_start3A_155 = tpu.memref_slice %arg5[%dma_start3A_154] : memref<400xi32, #tpu.memory_space<vmem>> -> memref<80xi32, #tpu.memory_space<vmem>>
          %dma_start3A_156 = arith.constant 0 : i32
          %dma_start3A_157 = arith.constant 0 : i32
          %dma_start3A_158 = tpu.memref_slice %arg2[%dma_start3A_156, %dma_start3A_157] : memref<100000x128xf32, #tpu.memory_space<hbm>> -> memref<100000x128xf32, #tpu.memory_space<hbm>>
          tpu.enqueue_indirect_dma source(%dma_start3A_158 : memref<100000x128xf32, #tpu.memory_space<hbm>>) target(%dma_start3A_153 : memref<80x128xf32, #tpu.memory_space<vmem>>) offsets(%dma_start3A_155 : memref<80xi32, #tpu.memory_space<vmem>>) semaphore(%arg12 : memref<!tpu.dma_semaphore, #tpu.memory_space<semaphore_mem>>)
          %dma_start3A_159 = arith.constant 320 : i32
          %dma_start3A_160 = arith.constant 0 : i32
          %dma_start3A_161 = tpu.memref_slice %arg7[%dma_start3A_159, %dma_start3A_160] : memref<400x128xf32, #tpu.memory_space<vmem>> -> memref<80x128xf32, #tpu.memory_space<vmem>>
          %dma_start3A_162 = arith.constant 320 : i32
          %dma_start3A_163 = tpu.memref_slice %arg5[%dma_start3A_162] : memref<400xi32, #tpu.memory_space<vmem>> -> memref<80xi32, #tpu.memory_space<vmem>>
          %dma_start3A_164 = arith.constant 0 : i32
          %dma_start3A_165 = arith.constant 0 : i32
          %dma_start3A_166 = tpu.memref_slice %arg2[%dma_start3A_164, %dma_start3A_165] : memref<100000x128xf32, #tpu.memory_space<hbm>> -> memref<100000x128xf32, #tpu.memory_space<hbm>>
          tpu.enqueue_indirect_dma source(%dma_start3A_166 : memref<100000x128xf32, #tpu.memory_space<hbm>>) target(%dma_start3A_161 : memref<80x128xf32, #tpu.memory_space<vmem>>) offsets(%dma_start3A_163 : memref<80xi32, #tpu.memory_space<vmem>>) semaphore(%arg12 : memref<!tpu.dma_semaphore, #tpu.memory_space<semaphore_mem>>)
        } else {
        }
        %eq3A_122 = arith.constant 1 : i32
        %eq3A_123 = arith.cmpi eq, %sub3A_86, %eq3A_122 : i32
        %convert_element_type3A_124 = arith.extui %eq3A_123 : i1 to i32
        %cond3A_125 = arith.constant 0 : i32
        %cond3A_126 = arith.cmpi ne, %convert_element_type3A_124, %cond3A_125 : i32
        scf.if %cond3A_126 {
          %dma_start3A_127 = arith.constant 0 : i32
          %dma_start3A_128 = arith.constant 0 : i32
          %dma_start3A_129 = tpu.memref_slice %arg8[%dma_start3A_127, %dma_start3A_128] : memref<400x128xf32, #tpu.memory_space<vmem>> -> memref<80x128xf32, #tpu.memory_space<vmem>>
          %dma_start3A_130 = arith.constant 0 : i32
          %dma_start3A_131 = tpu.memref_slice %arg6[%dma_start3A_130] : memref<400xi32, #tpu.memory_space<vmem>> -> memref<80xi32, #tpu.memory_space<vmem>>
          %dma_start3A_132 = arith.constant 0 : i32
          %dma_start3A_133 = arith.constant 0 : i32
          %dma_start3A_134 = tpu.memref_slice %arg2[%dma_start3A_132, %dma_start3A_133] : memref<100000x128xf32, #tpu.memory_space<hbm>> -> memref<100000x128xf32, #tpu.memory_space<hbm>>
          tpu.enqueue_indirect_dma source(%dma_start3A_134 : memref<100000x128xf32, #tpu.memory_space<hbm>>) target(%dma_start3A_129 : memref<80x128xf32, #tpu.memory_space<vmem>>) offsets(%dma_start3A_131 : memref<80xi32, #tpu.memory_space<vmem>>) semaphore(%arg12 : memref<!tpu.dma_semaphore, #tpu.memory_space<semaphore_mem>>)
          %dma_start3A_135 = arith.constant 80 : i32
          %dma_start3A_136 = arith.constant 0 : i32
          %dma_start3A_137 = tpu.memref_slice %arg8[%dma_start3A_135, %dma_start3A_136] : memref<400x128xf32, #tpu.memory_space<vmem>> -> memref<80x128xf32, #tpu.memory_space<vmem>>
          %dma_start3A_138 = arith.constant 80 : i32
          %dma_start3A_139 = tpu.memref_slice %arg6[%dma_start3A_138] : memref<400xi32, #tpu.memory_space<vmem>> -> memref<80xi32, #tpu.memory_space<vmem>>
          %dma_start3A_140 = arith.constant 0 : i32
          %dma_start3A_141 = arith.constant 0 : i32
          %dma_start3A_142 = tpu.memref_slice %arg2[%dma_start3A_140, %dma_start3A_141] : memref<100000x128xf32, #tpu.memory_space<hbm>> -> memref<100000x128xf32, #tpu.memory_space<hbm>>
          tpu.enqueue_indirect_dma source(%dma_start3A_142 : memref<100000x128xf32, #tpu.memory_space<hbm>>) target(%dma_start3A_137 : memref<80x128xf32, #tpu.memory_space<vmem>>) offsets(%dma_start3A_139 : memref<80xi32, #tpu.memory_space<vmem>>) semaphore(%arg12 : memref<!tpu.dma_semaphore, #tpu.memory_space<semaphore_mem>>)
          %dma_start3A_143 = arith.constant 160 : i32
          %dma_start3A_144 = arith.constant 0 : i32
          %dma_start3A_145 = tpu.memref_slice %arg8[%dma_start3A_143, %dma_start3A_144] : memref<400x128xf32, #tpu.memory_space<vmem>> -> memref<80x128xf32, #tpu.memory_space<vmem>>
          %dma_start3A_146 = arith.constant 160 : i32
          %dma_start3A_147 = tpu.memref_slice %arg6[%dma_start3A_146] : memref<400xi32, #tpu.memory_space<vmem>> -> memref<80xi32, #tpu.memory_space<vmem>>
          %dma_start3A_148 = arith.constant 0 : i32
          %dma_start3A_149 = arith.constant 0 : i32
          %dma_start3A_150 = tpu.memref_slice %arg2[%dma_start3A_148, %dma_start3A_149] : memref<100000x128xf32, #tpu.memory_space<hbm>> -> memref<100000x128xf32, #tpu.memory_space<hbm>>
          tpu.enqueue_indirect_dma source(%dma_start3A_150 : memref<100000x128xf32, #tpu.memory_space<hbm>>) target(%dma_start3A_145 : memref<80x128xf32, #tpu.memory_space<vmem>>) offsets(%dma_start3A_147 : memref<80xi32, #tpu.memory_space<vmem>>) semaphore(%arg12 : memref<!tpu.dma_semaphore, #tpu.memory_space<semaphore_mem>>)
          %dma_start3A_151 = arith.constant 240 : i32
          %dma_start3A_152 = arith.constant 0 : i32
          %dma_start3A_153 = tpu.memref_slice %arg8[%dma_start3A_151, %dma_start3A_152] : memref<400x128xf32, #tpu.memory_space<vmem>> -> memref<80x128xf32, #tpu.memory_space<vmem>>
          %dma_start3A_154 = arith.constant 240 : i32
          %dma_start3A_155 = tpu.memref_slice %arg6[%dma_start3A_154] : memref<400xi32, #tpu.memory_space<vmem>> -> memref<80xi32, #tpu.memory_space<vmem>>
          %dma_start3A_156 = arith.constant 0 : i32
          %dma_start3A_157 = arith.constant 0 : i32
          %dma_start3A_158 = tpu.memref_slice %arg2[%dma_start3A_156, %dma_start3A_157] : memref<100000x128xf32, #tpu.memory_space<hbm>> -> memref<100000x128xf32, #tpu.memory_space<hbm>>
          tpu.enqueue_indirect_dma source(%dma_start3A_158 : memref<100000x128xf32, #tpu.memory_space<hbm>>) target(%dma_start3A_153 : memref<80x128xf32, #tpu.memory_space<vmem>>) offsets(%dma_start3A_155 : memref<80xi32, #tpu.memory_space<vmem>>) semaphore(%arg12 : memref<!tpu.dma_semaphore, #tpu.memory_space<semaphore_mem>>)
          %dma_start3A_159 = arith.constant 320 : i32
          %dma_start3A_160 = arith.constant 0 : i32
          %dma_start3A_161 = tpu.memref_slice %arg8[%dma_start3A_159, %dma_start3A_160] : memref<400x128xf32, #tpu.memory_space<vmem>> -> memref<80x128xf32, #tpu.memory_space<vmem>>
          %dma_start3A_162 = arith.constant 320 : i32
          %dma_start3A_163 = tpu.memref_slice %arg6[%dma_start3A_162] : memref<400xi32, #tpu.memory_space<vmem>> -> memref<80xi32, #tpu.memory_space<vmem>>
          %dma_start3A_164 = arith.constant 0 : i32
          %dma_start3A_165 = arith.constant 0 : i32
          %dma_start3A_166 = tpu.memref_slice %arg2[%dma_start3A_164, %dma_start3A_165] : memref<100000x128xf32, #tpu.memory_space<hbm>> -> memref<100000x128xf32, #tpu.memory_space<hbm>>
          tpu.enqueue_indirect_dma source(%dma_start3A_166 : memref<100000x128xf32, #tpu.memory_space<hbm>>) target(%dma_start3A_161 : memref<80x128xf32, #tpu.memory_space<vmem>>) offsets(%dma_start3A_163 : memref<80xi32, #tpu.memory_space<vmem>>) semaphore(%arg12 : memref<!tpu.dma_semaphore, #tpu.memory_space<semaphore_mem>>)
        } else {
        }
      } else {
      }
      %ge3A = arith.constant 2 : i32
      %ge3A_100 = arith.cmpi sge, %scan3A_84, %ge3A : i32
      %convert_element_type3A_101 = arith.extui %ge3A_100 : i1 to i32
      %cond3A_102 = arith.constant 0 : i32
      %cond3A_103 = arith.cmpi ne, %convert_element_type3A_101, %cond3A_102 : i32
      scf.if %cond3A_103 {
        %dma_wait3A_113 = arith.constant 0 : i32
        %dma_wait3A_114 = arith.constant 0 : i32
        %dma_wait3A_115 = tpu.memref_slice %arg4[%dma_wait3A_113, %dma_wait3A_114] : memref<50000x128xf32, #tpu.memory_space<hbm>> -> memref<40x128xf32, #tpu.memory_space<hbm>>
        %dma_wait3A_116 = arith.constant 0 : i32
        %dma_wait3A_117 = arith.constant 0 : i32
        %dma_wait3A_118 = tpu.memref_slice %arg4[%dma_wait3A_116, %dma_wait3A_117] : memref<50000x128xf32, #tpu.memory_space<hbm>> -> memref<40x128xf32, #tpu.memory_space<hbm>>
        tpu.wait_dma2 semaphore(%arg13 : memref<!tpu.dma_semaphore, #tpu.memory_space<semaphore_mem>>) src(%arg9 : memref<40x128xf32, #tpu.memory_space<vmem>>) dst(%dma_wait3A_118 : memref<40x128xf32, #tpu.memory_space<hbm>>)
      } else {
      }
      %eq3A = arith.constant 0 : i32
      %eq3A_104 = arith.cmpi eq, %rem3A_85, %eq3A : i32
      %convert_element_type3A_105 = arith.extui %eq3A_104 : i1 to i32
      %cond3A_106 = arith.constant 0 : i32
      %cond3A_107 = arith.cmpi ne, %convert_element_type3A_105, %cond3A_106 : i32
      scf.if %cond3A_107 {
        %scan3A_113 = arith.constant 0 : i32
        %scan3A_114 = arith.constant 0 : i32
        %scan3A_115 = arith.constant 10 : i32
        %scan3A_116 = arith.addi %scan3A_114, %scan3A_115 : i32
        %scan3A_117 = arith.constant 1 : i32
        scf.for %scan3A_130 = %scan3A_114 to %scan3A_116 step %scan3A_117  : i32 {
          %mul3A_131 = arith.constant 4 : i32
          %mul3A_132 = arith.muli %scan3A_130, %mul3A_131 : i32
          %add3A_133 = arith.constant 0 : i32
          %add3A_134 = arith.addi %mul3A_132, %add3A_133 : i32
          %add3A_135 = arith.constant 0 : i32
          %add3A_136 = arith.addi %mul3A_132, %add3A_135 : i32
          %add3A_137 = arith.constant 0 : i32
          %add3A_138 = arith.addi %mul3A_132, %add3A_137 : i32
          %add3A_139 = arith.constant 0 : i32
          %add3A_140 = arith.addi %mul3A_132, %add3A_139 : i32
          %add3A_141 = arith.constant 0 : i32
          %add3A_142 = arith.addi %mul3A_132, %add3A_141 : i32
          %add3A_143 = arith.constant 0 : i32
          %add3A_144 = arith.addi %mul3A_132, %add3A_143 : i32
          %add3A_145 = arith.constant 0 : i32
          %add3A_146 = arith.addi %mul3A_132, %add3A_145 : i32
          %add3A_147 = arith.constant 0 : i32
          %add3A_148 = arith.addi %mul3A_132, %add3A_147 : i32
          %add3A_149 = arith.constant 1 : i32
          %add3A_150 = arith.addi %mul3A_132, %add3A_149 : i32
          %add3A_151 = arith.constant 1 : i32
          %add3A_152 = arith.addi %mul3A_132, %add3A_151 : i32
          %add3A_153 = arith.constant 1 : i32
          %add3A_154 = arith.addi %mul3A_132, %add3A_153 : i32
          %add3A_155 = arith.constant 1 : i32
          %add3A_156 = arith.addi %mul3A_132, %add3A_155 : i32
          %add3A_157 = arith.constant 1 : i32
          %add3A_158 = arith.addi %mul3A_132, %add3A_157 : i32
          %add3A_159 = arith.constant 1 : i32
          %add3A_160 = arith.addi %mul3A_132, %add3A_159 : i32
          %add3A_161 = arith.constant 1 : i32
          %add3A_162 = arith.addi %mul3A_132, %add3A_161 : i32
          %add3A_163 = arith.constant 1 : i32
          %add3A_164 = arith.addi %mul3A_132, %add3A_163 : i32
          %add3A_165 = arith.constant 2 : i32
          %add3A_166 = arith.addi %mul3A_132, %add3A_165 : i32
          %add3A_167 = arith.constant 2 : i32
          %add3A_168 = arith.addi %mul3A_132, %add3A_167 : i32
          %add3A_169 = arith.constant 2 : i32
          %add3A_170 = arith.addi %mul3A_132, %add3A_169 : i32
          %add3A_171 = arith.constant 2 : i32
          %add3A_172 = arith.addi %mul3A_132, %add3A_171 : i32
          %add3A_173 = arith.constant 2 : i32
          %add3A_174 = arith.addi %mul3A_132, %add3A_173 : i32
          %add3A_175 = arith.constant 2 : i32
          %add3A_176 = arith.addi %mul3A_132, %add3A_175 : i32
          %add3A_177 = arith.constant 2 : i32
          %add3A_178 = arith.addi %mul3A_132, %add3A_177 : i32
          %add3A_179 = arith.constant 2 : i32
          %add3A_180 = arith.addi %mul3A_132, %add3A_179 : i32
          %add3A_181 = arith.constant 3 : i32
          %add3A_182 = arith.addi %mul3A_132, %add3A_181 : i32
          %add3A_183 = arith.constant 3 : i32
          %add3A_184 = arith.addi %mul3A_132, %add3A_183 : i32
          %add3A_185 = arith.constant 3 : i32
          %add3A_186 = arith.addi %mul3A_132, %add3A_185 : i32
          %add3A_187 = arith.constant 3 : i32
          %add3A_188 = arith.addi %mul3A_132, %add3A_187 : i32
          %add3A_189 = arith.constant 3 : i32
          %add3A_190 = arith.addi %mul3A_132, %add3A_189 : i32
          %add3A_191 = arith.constant 3 : i32
          %add3A_192 = arith.addi %mul3A_132, %add3A_191 : i32
          %add3A_193 = arith.constant 3 : i32
          %add3A_194 = arith.addi %mul3A_132, %add3A_193 : i32
          %add3A_195 = arith.constant 3 : i32
          %add3A_196 = arith.addi %mul3A_132, %add3A_195 : i32
          %mul3A_197 = arith.constant 10 : i32
          %mul3A_198 = arith.muli %add3A_134, %mul3A_197 : i32
          %add3A_199 = arith.constant 0 : i32
          %add3A_200 = arith.addi %mul3A_198, %add3A_199 : i32
          %get3A = arith.index_cast %add3A_200 : i32 to index
          %get3A_201 = arith.constant 0 : index
          %get3A_202 = tpu.vector_load %arg7[%get3A, %get3A_201] {strides = array<i32>} : memref<400x128xf32, #tpu.memory_space<vmem>>, vector<1x16xf32>,
          %get3A_203 = vector.shape_cast %get3A_202 : vector<1x16xf32> to vector<16xf32>
          %add3A_204 = arith.constant 1 : i32
          %add3A_205 = arith.addi %mul3A_198, %add3A_204 : i32
          %get3A_206 = arith.index_cast %add3A_205 : i32 to index
          %get3A_207 = arith.constant 0 : index
          %get3A_208 = tpu.vector_load %arg7[%get3A_206, %get3A_207] {strides = array<i32>} : memref<400x128xf32, #tpu.memory_space<vmem>>, vector<1x16xf32>,
          %get3A_209 = vector.shape_cast %get3A_208 : vector<1x16xf32> to vector<16xf32>
          %add3A_210 = arith.constant 2 : i32
          %add3A_211 = arith.addi %mul3A_198, %add3A_210 : i32
          %get3A_212 = arith.index_cast %add3A_211 : i32 to index
          %get3A_213 = arith.constant 0 : index
          %get3A_214 = tpu.vector_load %arg7[%get3A_212, %get3A_213] {strides = array<i32>} : memref<400x128xf32, #tpu.memory_space<vmem>>, vector<1x16xf32>,
          %get3A_215 = vector.shape_cast %get3A_214 : vector<1x16xf32> to vector<16xf32>
          %add3A_216 = arith.constant 3 : i32
          %add3A_217 = arith.addi %mul3A_198, %add3A_216 : i32
          %get3A_218 = arith.index_cast %add3A_217 : i32 to index
          %get3A_219 = arith.constant 0 : index
          %get3A_220 = tpu.vector_load %arg7[%get3A_218, %get3A_219] {strides = array<i32>} : memref<400x128xf32, #tpu.memory_space<vmem>>, vector<1x16xf32>,
          %get3A_221 = vector.shape_cast %get3A_220 : vector<1x16xf32> to vector<16xf32>
          %add3A_222 = arith.constant 4 : i32
          %add3A_223 = arith.addi %mul3A_198, %add3A_222 : i32
          %get3A_224 = arith.index_cast %add3A_223 : i32 to index
          %get3A_225 = arith.constant 0 : index
          %get3A_226 = tpu.vector_load %arg7[%get3A_224, %get3A_225] {strides = array<i32>} : memref<400x128xf32, #tpu.memory_space<vmem>>, vector<1x16xf32>,
          %get3A_227 = vector.shape_cast %get3A_226 : vector<1x16xf32> to vector<16xf32>
          %add3A_228 = arith.constant 5 : i32
          %add3A_229 = arith.addi %mul3A_198, %add3A_228 : i32
          %get3A_230 = arith.index_cast %add3A_229 : i32 to index
          %get3A_231 = arith.constant 0 : index
          %get3A_232 = tpu.vector_load %arg7[%get3A_230, %get3A_231] {strides = array<i32>} : memref<400x128xf32, #tpu.memory_space<vmem>>, vector<1x16xf32>,
          %get3A_233 = vector.shape_cast %get3A_232 : vector<1x16xf32> to vector<16xf32>
          %add3A_234 = arith.constant 6 : i32
          %add3A_235 = arith.addi %mul3A_198, %add3A_234 : i32
          %get3A_236 = arith.index_cast %add3A_235 : i32 to index
          %get3A_237 = arith.constant 0 : index
          %get3A_238 = tpu.vector_load %arg7[%get3A_236, %get3A_237] {strides = array<i32>} : memref<400x128xf32, #tpu.memory_space<vmem>>, vector<1x16xf32>,
          %get3A_239 = vector.shape_cast %get3A_238 : vector<1x16xf32> to vector<16xf32>
          %add3A_240 = arith.constant 7 : i32
          %add3A_241 = arith.addi %mul3A_198, %add3A_240 : i32
          %get3A_242 = arith.index_cast %add3A_241 : i32 to index
          %get3A_243 = arith.constant 0 : index
          %get3A_244 = tpu.vector_load %arg7[%get3A_242, %get3A_243] {strides = array<i32>} : memref<400x128xf32, #tpu.memory_space<vmem>>, vector<1x16xf32>,
          %get3A_245 = vector.shape_cast %get3A_244 : vector<1x16xf32> to vector<16xf32>
          %add3A_246 = arith.constant 8 : i32
          %add3A_247 = arith.addi %mul3A_198, %add3A_246 : i32
          %get3A_248 = arith.index_cast %add3A_247 : i32 to index
          %get3A_249 = arith.constant 0 : index
          %get3A_250 = tpu.vector_load %arg7[%get3A_248, %get3A_249] {strides = array<i32>} : memref<400x128xf32, #tpu.memory_space<vmem>>, vector<1x16xf32>,
          %get3A_251 = vector.shape_cast %get3A_250 : vector<1x16xf32> to vector<16xf32>
          %add3A_252 = arith.constant 9 : i32
          %add3A_253 = arith.addi %mul3A_198, %add3A_252 : i32
          %get3A_254 = arith.index_cast %add3A_253 : i32 to index
          %get3A_255 = arith.constant 0 : index
          %get3A_256 = tpu.vector_load %arg7[%get3A_254, %get3A_255] {strides = array<i32>} : memref<400x128xf32, #tpu.memory_space<vmem>>, vector<1x16xf32>,
          %get3A_257 = vector.shape_cast %get3A_256 : vector<1x16xf32> to vector<16xf32>
          %mul3A_258 = arith.constant 10 : i32
          %mul3A_259 = arith.muli %add3A_136, %mul3A_258 : i32
          %add3A_260 = arith.constant 0 : i32
          %add3A_261 = arith.addi %mul3A_259, %add3A_260 : i32
          %get3A_262 = arith.index_cast %add3A_261 : i32 to index
          %get3A_263 = arith.constant 16 : index
          %get3A_264 = tpu.vector_load %arg7[%get3A_262, %get3A_263] {strides = array<i32>} : memref<400x128xf32, #tpu.memory_space<vmem>>, vector<1x16xf32>,
          %get3A_265 = vector.shape_cast %get3A_264 : vector<1x16xf32> to vector<16xf32>
          %add3A_266 = arith.addf %get3A_203, %get3A_209 : vector<16xf32>
          %add3A_267 = arith.constant 1 : i32
          %add3A_268 = arith.addi %mul3A_259, %add3A_267 : i32
          %get3A_269 = arith.index_cast %add3A_268 : i32 to index
          %get3A_270 = arith.constant 16 : index
          %get3A_271 = tpu.vector_load %arg7[%get3A_269, %get3A_270] {strides = array<i32>} : memref<400x128xf32, #tpu.memory_space<vmem>>, vector<1x16xf32>,
          %get3A_272 = vector.shape_cast %get3A_271 : vector<1x16xf32> to vector<16xf32>
          %add3A_273 = arith.addf %get3A_215, %get3A_221 : vector<16xf32>
          %add3A_274 = arith.constant 2 : i32
          %add3A_275 = arith.addi %mul3A_259, %add3A_274 : i32
          %get3A_276 = arith.index_cast %add3A_275 : i32 to index
          %get3A_277 = arith.constant 16 : index
          %get3A_278 = tpu.vector_load %arg7[%get3A_276, %get3A_277] {strides = array<i32>} : memref<400x128xf32, #tpu.memory_space<vmem>>, vector<1x16xf32>,
          %get3A_279 = vector.shape_cast %get3A_278 : vector<1x16xf32> to vector<16xf32>
          %add3A_280 = arith.addf %get3A_227, %get3A_233 : vector<16xf32>
          %add3A_281 = arith.constant 3 : i32
          %add3A_282 = arith.addi %mul3A_259, %add3A_281 : i32
          %get3A_283 = arith.index_cast %add3A_282 : i32 to index
          %get3A_284 = arith.constant 16 : index
          %get3A_285 = tpu.vector_load %arg7[%get3A_283, %get3A_284] {strides = array<i32>} : memref<400x128xf32, #tpu.memory_space<vmem>>, vector<1x16xf32>,
          %get3A_286 = vector.shape_cast %get3A_285 : vector<1x16xf32> to vector<16xf32>
          %add3A_287 = arith.addf %get3A_239, %get3A_245 : vector<16xf32>
          %add3A_288 = arith.constant 4 : i32
          %add3A_289 = arith.addi %mul3A_259, %add3A_288 : i32
          %get3A_290 = arith.index_cast %add3A_289 : i32 to index
          %get3A_291 = arith.constant 16 : index
          %get3A_292 = tpu.vector_load %arg7[%get3A_290, %get3A_291] {strides = array<i32>} : memref<400x128xf32, #tpu.memory_space<vmem>>, vector<1x16xf32>,
          %get3A_293 = vector.shape_cast %get3A_292 : vector<1x16xf32> to vector<16xf32>
          %add3A_294 = arith.addf %get3A_251, %get3A_257 : vector<16xf32>
          %add3A_295 = arith.constant 5 : i32
          %add3A_296 = arith.addi %mul3A_259, %add3A_295 : i32
          %get3A_297 = arith.index_cast %add3A_296 : i32 to index
          %get3A_298 = arith.constant 16 : index
          %get3A_299 = tpu.vector_load %arg7[%get3A_297, %get3A_298] {strides = array<i32>} : memref<400x128xf32, #tpu.memory_space<vmem>>, vector<1x16xf32>,
          %get3A_300 = vector.shape_cast %get3A_299 : vector<1x16xf32> to vector<16xf32>
          %add3A_301 = arith.addf %add3A_266, %add3A_273 : vector<16xf32>
          %add3A_302 = arith.constant 6 : i32
          %add3A_303 = arith.addi %mul3A_259, %add3A_302 : i32
          %get3A_304 = arith.index_cast %add3A_303 : i32 to index
          %get3A_305 = arith.constant 16 : index
          %get3A_306 = tpu.vector_load %arg7[%get3A_304, %get3A_305] {strides = array<i32>} : memref<400x128xf32, #tpu.memory_space<vmem>>, vector<1x16xf32>,
          %get3A_307 = vector.shape_cast %get3A_306 : vector<1x16xf32> to vector<16xf32>
          %add3A_308 = arith.addf %add3A_280, %add3A_287 : vector<16xf32>
          %add3A_309 = arith.constant 7 : i32
          %add3A_310 = arith.addi %mul3A_259, %add3A_309 : i32
          %get3A_311 = arith.index_cast %add3A_310 : i32 to index
          %get3A_312 = arith.constant 16 : index
          %get3A_313 = tpu.vector_load %arg7[%get3A_311, %get3A_312] {strides = array<i32>} : memref<400x128xf32, #tpu.memory_space<vmem>>, vector<1x16xf32>,
          %get3A_314 = vector.shape_cast %get3A_313 : vector<1x16xf32> to vector<16xf32>
          %add3A_315 = arith.constant 8 : i32
          %add3A_316 = arith.addi %mul3A_259, %add3A_315 : i32
          %get3A_317 = arith.index_cast %add3A_316 : i32 to index
          %get3A_318 = arith.constant 16 : index
          %get3A_319 = tpu.vector_load %arg7[%get3A_317, %get3A_318] {strides = array<i32>} : memref<400x128xf32, #tpu.memory_space<vmem>>, vector<1x16xf32>,
          %get3A_320 = vector.shape_cast %get3A_319 : vector<1x16xf32> to vector<16xf32>
          %add3A_321 = arith.addf %add3A_301, %add3A_308 : vector<16xf32>
          %add3A_322 = arith.constant 9 : i32
          %add3A_323 = arith.addi %mul3A_259, %add3A_322 : i32
          %get3A_324 = arith.index_cast %add3A_323 : i32 to index
          %get3A_325 = arith.constant 16 : index
          %get3A_326 = tpu.vector_load %arg7[%get3A_324, %get3A_325] {strides = array<i32>} : memref<400x128xf32, #tpu.memory_space<vmem>>, vector<1x16xf32>,
          %get3A_327 = vector.shape_cast %get3A_326 : vector<1x16xf32> to vector<16xf32>
          %add3A_328 = arith.addf %add3A_321, %add3A_294 : vector<16xf32>
          %mul3A_329 = vector.broadcast %scan3A_66 : f32 to vector<16xf32>
          %mul3A_330 = arith.mulf %add3A_328, %mul3A_329 : vector<16xf32>
          %swap3A = arith.index_cast %add3A_134 : i32 to index
          %swap3A_331 = arith.constant 0 : index
          %swap3A_332 = tpu.vector_load %arg9[%swap3A, %swap3A_331] {strides = array<i32>} : memref<40x128xf32, #tpu.memory_space<vmem>>, vector<1x16xf32>,
          %swap3A_333 = vector.shape_cast %swap3A_332 : vector<1x16xf32> to vector<16xf32>
          %swap3A_334 = vector.shape_cast %mul3A_330 : vector<16xf32> to vector<1x16xf32>
          tpu.vector_store %arg9[%swap3A, %swap3A_331], %swap3A_334 {strides = array<i32>} : memref<40x128xf32, #tpu.memory_space<vmem>>, vector<1x16xf32>,
          %mul3A_335 = arith.constant 10 : i32
          %mul3A_336 = arith.muli %add3A_138, %mul3A_335 : i32
          %add3A_337 = arith.constant 0 : i32
          %add3A_338 = arith.addi %mul3A_336, %add3A_337 : i32
          %get3A_339 = arith.index_cast %add3A_338 : i32 to index
          %get3A_340 = arith.constant 32 : index
          %get3A_341 = tpu.vector_load %arg7[%get3A_339, %get3A_340] {strides = array<i32>} : memref<400x128xf32, #tpu.memory_space<vmem>>, vector<1x16xf32>,
          %get3A_342 = vector.shape_cast %get3A_341 : vector<1x16xf32> to vector<16xf32>
          %add3A_343 = arith.addf %get3A_265, %get3A_272 : vector<16xf32>
          %add3A_344 = arith.constant 1 : i32
          %add3A_345 = arith.addi %mul3A_336, %add3A_344 : i32
          %get3A_346 = arith.index_cast %add3A_345 : i32 to index
          %get3A_347 = arith.constant 32 : index
          %get3A_348 = tpu.vector_load %arg7[%get3A_346, %get3A_347] {strides = array<i32>} : memref<400x128xf32, #tpu.memory_space<vmem>>, vector<1x16xf32>,
          %get3A_349 = vector.shape_cast %get3A_348 : vector<1x16xf32> to vector<16xf32>
          %add3A_350 = arith.addf %get3A_279, %get3A_286 : vector<16xf32>
          %add3A_351 = arith.constant 2 : i32
          %add3A_352 = arith.addi %mul3A_336, %add3A_351 : i32
          %get3A_353 = arith.index_cast %add3A_352 : i32 to index
          %get3A_354 = arith.constant 32 : index
          %get3A_355 = tpu.vector_load %arg7[%get3A_353, %get3A_354] {strides = array<i32>} : memref<400x128xf32, #tpu.memory_space<vmem>>, vector<1x16xf32>,
          %get3A_356 = vector.shape_cast %get3A_355 : vector<1x16xf32> to vector<16xf32>
          %add3A_357 = arith.addf %get3A_293, %get3A_300 : vector<16xf32>
          %add3A_358 = arith.constant 3 : i32
          %add3A_359 = arith.addi %mul3A_336, %add3A_358 : i32
          %get3A_360 = arith.index_cast %add3A_359 : i32 to index
          %get3A_361 = arith.constant 32 : index
          %get3A_362 = tpu.vector_load %arg7[%get3A_360, %get3A_361] {strides = array<i32>} : memref<400x128xf32, #tpu.memory_space<vmem>>, vector<1x16xf32>,
          %get3A_363 = vector.shape_cast %get3A_362 : vector<1x16xf32> to vector<16xf32>
          %add3A_364 = arith.addf %get3A_307, %get3A_314 : vector<16xf32>
          %add3A_365 = arith.constant 4 : i32
          %add3A_366 = arith.addi %mul3A_336, %add3A_365 : i32
          %get3A_367 = arith.index_cast %add3A_366 : i32 to index
          %get3A_368 = arith.constant 32 : index
          %get3A_369 = tpu.vector_load %arg7[%get3A_367, %get3A_368] {strides = array<i32>} : memref<400x128xf32, #tpu.memory_space<vmem>>, vector<1x16xf32>,
          %get3A_370 = vector.shape_cast %get3A_369 : vector<1x16xf32> to vector<16xf32>
          %add3A_371 = arith.addf %get3A_320, %get3A_327 : vector<16xf32>
          %add3A_372 = arith.constant 5 : i32
          %add3A_373 = arith.addi %mul3A_336, %add3A_372 : i32
          %get3A_374 = arith.index_cast %add3A_373 : i32 to index
          %get3A_375 = arith.constant 32 : index
          %get3A_376 = tpu.vector_load %arg7[%get3A_374, %get3A_375] {strides = array<i32>} : memref<400x128xf32, #tpu.memory_space<vmem>>, vector<1x16xf32>,
          %get3A_377 = vector.shape_cast %get3A_376 : vector<1x16xf32> to vector<16xf32>
          %add3A_378 = arith.addf %add3A_343, %add3A_350 : vector<16xf32>
          %add3A_379 = arith.constant 6 : i32
          %add3A_380 = arith.addi %mul3A_336, %add3A_379 : i32
          %get3A_381 = arith.index_cast %add3A_380 : i32 to index
          %get3A_382 = arith.constant 32 : index
          %get3A_383 = tpu.vector_load %arg7[%get3A_381, %get3A_382] {strides = array<i32>} : memref<400x128xf32, #tpu.memory_space<vmem>>, vector<1x16xf32>,
          %get3A_384 = vector.shape_cast %get3A_383 : vector<1x16xf32> to vector<16xf32>
          %add3A_385 = arith.addf %add3A_357, %add3A_364 : vector<16xf32>
          %add3A_386 = arith.constant 7 : i32
          %add3A_387 = arith.addi %mul3A_336, %add3A_386 : i32
          %get3A_388 = arith.index_cast %add3A_387 : i32 to index
          %get3A_389 = arith.constant 32 : index
          %get3A_390 = tpu.vector_load %arg7[%get3A_388, %get3A_389] {strides = array<i32>} : memref<400x128xf32, #tpu.memory_space<vmem>>, vector<1x16xf32>,
          %get3A_391 = vector.shape_cast %get3A_390 : vector<1x16xf32> to vector<16xf32>
          %add3A_392 = arith.constant 8 : i32
          %add3A_393 = arith.addi %mul3A_336, %add3A_392 : i32
          %get3A_394 = arith.index_cast %add3A_393 : i32 to index
          %get3A_395 = arith.constant 32 : index
          %get3A_396 = tpu.vector_load %arg7[%get3A_394, %get3A_395] {strides = array<i32>} : memref<400x128xf32, #tpu.memory_space<vmem>>, vector<1x16xf32>,
          %get3A_397 = vector.shape_cast %get3A_396 : vector<1x16xf32> to vector<16xf32>
          %add3A_398 = arith.addf %add3A_378, %add3A_385 : vector<16xf32>
          %add3A_399 = arith.constant 9 : i32
          %add3A_400 = arith.addi %mul3A_336, %add3A_399 : i32
          %get3A_401 = arith.index_cast %add3A_400 : i32 to index
          %get3A_402 = arith.constant 32 : index
          %get3A_403 = tpu.vector_load %arg7[%get3A_401, %get3A_402] {strides = array<i32>} : memref<400x128xf32, #tpu.memory_space<vmem>>, vector<1x16xf32>,
          %get3A_404 = vector.shape_cast %get3A_403 : vector<1x16xf32> to vector<16xf32>
          %add3A_405 = arith.addf %add3A_398, %add3A_371 : vector<16xf32>
          %mul3A_406 = vector.broadcast %scan3A_66 : f32 to vector<16xf32>
          %mul3A_407 = arith.mulf %add3A_405, %mul3A_406 : vector<16xf32>
          %swap3A_408 = arith.index_cast %add3A_136 : i32 to index
          %swap3A_409 = arith.constant 16 : index
          %swap3A_410 = tpu.vector_load %arg9[%swap3A_408, %swap3A_409] {strides = array<i32>} : memref<40x128xf32, #tpu.memory_space<vmem>>, vector<1x16xf32>,
          %swap3A_411 = vector.shape_cast %swap3A_410 : vector<1x16xf32> to vector<16xf32>
          %swap3A_412 = vector.shape_cast %mul3A_407 : vector<16xf32> to vector<1x16xf32>
          tpu.vector_store %arg9[%swap3A_408, %swap3A_409], %swap3A_412 {strides = array<i32>} : memref<40x128xf32, #tpu.memory_space<vmem>>, vector<1x16xf32>,
          %mul3A_413 = arith.constant 10 : i32
          %mul3A_414 = arith.muli %add3A_140, %mul3A_413 : i32
          %add3A_415 = arith.constant 0 : i32
          %add3A_416 = arith.addi %mul3A_414, %add3A_415 : i32
          %get3A_417 = arith.index_cast %add3A_416 : i32 to index
          %get3A_418 = arith.constant 48 : index
          %get3A_419 = tpu.vector_load %arg7[%get3A_417, %get3A_418] {strides = array<i32>} : memref<400x128xf32, #tpu.memory_space<vmem>>, vector<1x16xf32>,
          %get3A_420 = vector.shape_cast %get3A_419 : vector<1x16xf32> to vector<16xf32>
          %add3A_421 = arith.addf %get3A_342, %get3A_349 : vector<16xf32>
          %add3A_422 = arith.constant 1 : i32
          %add3A_423 = arith.addi %mul3A_414, %add3A_422 : i32
          %get3A_424 = arith.index_cast %add3A_423 : i32 to index
          %get3A_425 = arith.constant 48 : index
          %get3A_426 = tpu.vector_load %arg7[%get3A_424, %get3A_425] {strides = array<i32>} : memref<400x128xf32, #tpu.memory_space<vmem>>, vector<1x16xf32>,
          %get3A_427 = vector.shape_cast %get3A_426 : vector<1x16xf32> to vector<16xf32>
          %add3A_428 = arith.addf %get3A_356, %get3A_363 : vector<16xf32>
          %add3A_429 = arith.constant 2 : i32
          %add3A_430 = arith.addi %mul3A_414, %add3A_429 : i32
          %get3A_431 = arith.index_cast %add3A_430 : i32 to index
          %get3A_432 = arith.constant 48 : index
          %get3A_433 = tpu.vector_load %arg7[%get3A_431, %get3A_432] {strides = array<i32>} : memref<400x128xf32, #tpu.memory_space<vmem>>, vector<1x16xf32>,
          %get3A_434 = vector.shape_cast %get3A_433 : vector<1x16xf32> to vector<16xf32>
          %add3A_435 = arith.addf %get3A_370, %get3A_377 : vector<16xf32>
          %add3A_436 = arith.constant 3 : i32
          %add3A_437 = arith.addi %mul3A_414, %add3A_436 : i32
          %get3A_438 = arith.index_cast %add3A_437 : i32 to index
          %get3A_439 = arith.constant 48 : index
          %get3A_440 = tpu.vector_load %arg7[%get3A_438, %get3A_439] {strides = array<i32>} : memref<400x128xf32, #tpu.memory_space<vmem>>, vector<1x16xf32>,
          %get3A_441 = vector.shape_cast %get3A_440 : vector<1x16xf32> to vector<16xf32>
          %add3A_442 = arith.addf %get3A_384, %get3A_391 : vector<16xf32>
          %add3A_443 = arith.constant 4 : i32
          %add3A_444 = arith.addi %mul3A_414, %add3A_443 : i32
          %get3A_445 = arith.index_cast %add3A_444 : i32 to index
          %get3A_446 = arith.constant 48 : index
          %get3A_447 = tpu.vector_load %arg7[%get3A_445, %get3A_446] {strides = array<i32>} : memref<400x128xf32, #tpu.memory_space<vmem>>, vector<1x16xf32>,
          %get3A_448 = vector.shape_cast %get3A_447 : vector<1x16xf32> to vector<16xf32>
          %add3A_449 = arith.addf %get3A_397, %get3A_404 : vector<16xf32>
          %add3A_450 = arith.constant 5 : i32
          %add3A_451 = arith.addi %mul3A_414, %add3A_450 : i32
          %get3A_452 = arith.index_cast %add3A_451 : i32 to index
          %get3A_453 = arith.constant 48 : index
          %get3A_454 = tpu.vector_load %arg7[%get3A_452, %get3A_453] {strides = array<i32>} : memref<400x128xf32, #tpu.memory_space<vmem>>, vector<1x16xf32>,
          %get3A_455 = vector.shape_cast %get3A_454 : vector<1x16xf32> to vector<16xf32>
          %add3A_456 = arith.addf %add3A_421, %add3A_428 : vector<16xf32>
          %add3A_457 = arith.constant 6 : i32
          %add3A_458 = arith.addi %mul3A_414, %add3A_457 : i32
          %get3A_459 = arith.index_cast %add3A_458 : i32 to index
          %get3A_460 = arith.constant 48 : index
          %get3A_461 = tpu.vector_load %arg7[%get3A_459, %get3A_460] {strides = array<i32>} : memref<400x128xf32, #tpu.memory_space<vmem>>, vector<1x16xf32>,
          %get3A_462 = vector.shape_cast %get3A_461 : vector<1x16xf32> to vector<16xf32>
          %add3A_463 = arith.addf %add3A_435, %add3A_442 : vector<16xf32>
          %add3A_464 = arith.constant 7 : i32
          %add3A_465 = arith.addi %mul3A_414, %add3A_464 : i32
          %get3A_466 = arith.index_cast %add3A_465 : i32 to index
          %get3A_467 = arith.constant 48 : index
          %get3A_468 = tpu.vector_load %arg7[%get3A_466, %get3A_467] {strides = array<i32>} : memref<400x128xf32, #tpu.memory_space<vmem>>, vector<1x16xf32>,
          %get3A_469 = vector.shape_cast %get3A_468 : vector<1x16xf32> to vector<16xf32>
          %add3A_470 = arith.constant 8 : i32
          %add3A_471 = arith.addi %mul3A_414, %add3A_470 : i32
          %get3A_472 = arith.index_cast %add3A_471 : i32 to index
          %get3A_473 = arith.constant 48 : index
          %get3A_474 = tpu.vector_load %arg7[%get3A_472, %get3A_473] {strides = array<i32>} : memref<400x128xf32, #tpu.memory_space<vmem>>, vector<1x16xf32>,
          %get3A_475 = vector.shape_cast %get3A_474 : vector<1x16xf32> to vector<16xf32>
          %add3A_476 = arith.addf %add3A_456, %add3A_463 : vector<16xf32>
          %add3A_477 = arith.constant 9 : i32
          %add3A_478 = arith.addi %mul3A_414, %add3A_477 : i32
          %get3A_479 = arith.index_cast %add3A_478 : i32 to index
          %get3A_480 = arith.constant 48 : index
          %get3A_481 = tpu.vector_load %arg7[%get3A_479, %get3A_480] {strides = array<i32>} : memref<400x128xf32, #tpu.memory_space<vmem>>, vector<1x16xf32>,
          %get3A_482 = vector.shape_cast %get3A_481 : vector<1x16xf32> to vector<16xf32>
          %add3A_483 = arith.addf %add3A_476, %add3A_449 : vector<16xf32>
          %mul3A_484 = vector.broadcast %scan3A_66 : f32 to vector<16xf32>
          %mul3A_485 = arith.mulf %add3A_483, %mul3A_484 : vector<16xf32>
          %swap3A_486 = arith.index_cast %add3A_138 : i32 to index
          %swap3A_487 = arith.constant 32 : index
          %swap3A_488 = tpu.vector_load %arg9[%swap3A_486, %swap3A_487] {strides = array<i32>} : memref<40x128xf32, #tpu.memory_space<vmem>>, vector<1x16xf32>,
          %swap3A_489 = vector.shape_cast %swap3A_488 : vector<1x16xf32> to vector<16xf32>
          %swap3A_490 = vector.shape_cast %mul3A_485 : vector<16xf32> to vector<1x16xf32>
          tpu.vector_store %arg9[%swap3A_486, %swap3A_487], %swap3A_490 {strides = array<i32>} : memref<40x128xf32, #tpu.memory_space<vmem>>, vector<1x16xf32>,
          %mul3A_491 = arith.constant 10 : i32
          %mul3A_492 = arith.muli %add3A_142, %mul3A_491 : i32
          %add3A_493 = arith.constant 0 : i32
          %add3A_494 = arith.addi %mul3A_492, %add3A_493 : i32
          %get3A_495 = arith.index_cast %add3A_494 : i32 to index
          %get3A_496 = arith.constant 64 : index
          %get3A_497 = tpu.vector_load %arg7[%get3A_495, %get3A_496] {strides = array<i32>} : memref<400x128xf32, #tpu.memory_space<vmem>>, vector<1x16xf32>,
          %get3A_498 = vector.shape_cast %get3A_497 : vector<1x16xf32> to vector<16xf32>
          %add3A_499 = arith.addf %get3A_420, %get3A_427 : vector<16xf32>
          %add3A_500 = arith.constant 1 : i32
          %add3A_501 = arith.addi %mul3A_492, %add3A_500 : i32
          %get3A_502 = arith.index_cast %add3A_501 : i32 to index
          %get3A_503 = arith.constant 64 : index
          %get3A_504 = tpu.vector_load %arg7[%get3A_502, %get3A_503] {strides = array<i32>} : memref<400x128xf32, #tpu.memory_space<vmem>>, vector<1x16xf32>,
          %get3A_505 = vector.shape_cast %get3A_504 : vector<1x16xf32> to vector<16xf32>
          %add3A_506 = arith.addf %get3A_434, %get3A_441 : vector<16xf32>
          %add3A_507 = arith.constant 2 : i32
          %add3A_508 = arith.addi %mul3A_492, %add3A_507 : i32
          %get3A_509 = arith.index_cast %add3A_508 : i32 to index
          %get3A_510 = arith.constant 64 : index
          %get3A_511 = tpu.vector_load %arg7[%get3A_509, %get3A_510] {strides = array<i32>} : memref<400x128xf32, #tpu.memory_space<vmem>>, vector<1x16xf32>,
          %get3A_512 = vector.shape_cast %get3A_511 : vector<1x16xf32> to vector<16xf32>
          %add3A_513 = arith.addf %get3A_448, %get3A_455 : vector<16xf32>
          %add3A_514 = arith.constant 3 : i32
          %add3A_515 = arith.addi %mul3A_492, %add3A_514 : i32
          %get3A_516 = arith.index_cast %add3A_515 : i32 to index
          %get3A_517 = arith.constant 64 : index
          %get3A_518 = tpu.vector_load %arg7[%get3A_516, %get3A_517] {strides = array<i32>} : memref<400x128xf32, #tpu.memory_space<vmem>>, vector<1x16xf32>,
          %get3A_519 = vector.shape_cast %get3A_518 : vector<1x16xf32> to vector<16xf32>
          %add3A_520 = arith.addf %get3A_462, %get3A_469 : vector<16xf32>
          %add3A_521 = arith.constant 4 : i32
          %add3A_522 = arith.addi %mul3A_492, %add3A_521 : i32
          %get3A_523 = arith.index_cast %add3A_522 : i32 to index
          %get3A_524 = arith.constant 64 : index
          %get3A_525 = tpu.vector_load %arg7[%get3A_523, %get3A_524] {strides = array<i32>} : memref<400x128xf32, #tpu.memory_space<vmem>>, vector<1x16xf32>,
          %get3A_526 = vector.shape_cast %get3A_525 : vector<1x16xf32> to vector<16xf32>
          %add3A_527 = arith.addf %get3A_475, %get3A_482 : vector<16xf32>
          %add3A_528 = arith.constant 5 : i32
          %add3A_529 = arith.addi %mul3A_492, %add3A_528 : i32
          %get3A_530 = arith.index_cast %add3A_529 : i32 to index
          %get3A_531 = arith.constant 64 : index
          %get3A_532 = tpu.vector_load %arg7[%get3A_530, %get3A_531] {strides = array<i32>} : memref<400x128xf32, #tpu.memory_space<vmem>>, vector<1x16xf32>,
          %get3A_533 = vector.shape_cast %get3A_532 : vector<1x16xf32> to vector<16xf32>
          %add3A_534 = arith.addf %add3A_499, %add3A_506 : vector<16xf32>
          %add3A_535 = arith.constant 6 : i32
          %add3A_536 = arith.addi %mul3A_492, %add3A_535 : i32
          %get3A_537 = arith.index_cast %add3A_536 : i32 to index
          %get3A_538 = arith.constant 64 : index
          %get3A_539 = tpu.vector_load %arg7[%get3A_537, %get3A_538] {strides = array<i32>} : memref<400x128xf32, #tpu.memory_space<vmem>>, vector<1x16xf32>,
          %get3A_540 = vector.shape_cast %get3A_539 : vector<1x16xf32> to vector<16xf32>
          %add3A_541 = arith.addf %add3A_513, %add3A_520 : vector<16xf32>
          %add3A_542 = arith.constant 7 : i32
          %add3A_543 = arith.addi %mul3A_492, %add3A_542 : i32
          %get3A_544 = arith.index_cast %add3A_543 : i32 to index
          %get3A_545 = arith.constant 64 : index
          %get3A_546 = tpu.vector_load %arg7[%get3A_544, %get3A_545] {strides = array<i32>} : memref<400x128xf32, #tpu.memory_space<vmem>>, vector<1x16xf32>,
          %get3A_547 = vector.shape_cast %get3A_546 : vector<1x16xf32> to vector<16xf32>
          %add3A_548 = arith.constant 8 : i32
          %add3A_549 = arith.addi %mul3A_492, %add3A_548 : i32
          %get3A_550 = arith.index_cast %add3A_549 : i32 to index
          %get3A_551 = arith.constant 64 : index
          %get3A_552 = tpu.vector_load %arg7[%get3A_550, %get3A_551] {strides = array<i32>} : memref<400x128xf32, #tpu.memory_space<vmem>>, vector<1x16xf32>,
          %get3A_553 = vector.shape_cast %get3A_552 : vector<1x16xf32> to vector<16xf32>
          %add3A_554 = arith.addf %add3A_534, %add3A_541 : vector<16xf32>
          %add3A_555 = arith.constant 9 : i32
          %add3A_556 = arith.addi %mul3A_492, %add3A_555 : i32
          %get3A_557 = arith.index_cast %add3A_556 : i32 to index
          %get3A_558 = arith.constant 64 : index
          %get3A_559 = tpu.vector_load %arg7[%get3A_557, %get3A_558] {strides = array<i32>} : memref<400x128xf32, #tpu.memory_space<vmem>>, vector<1x16xf32>,
          %get3A_560 = vector.shape_cast %get3A_559 : vector<1x16xf32> to vector<16xf32>
          %add3A_561 = arith.addf %add3A_554, %add3A_527 : vector<16xf32>
          %mul3A_562 = vector.broadcast %scan3A_66 : f32 to vector<16xf32>
          %mul3A_563 = arith.mulf %add3A_561, %mul3A_562 : vector<16xf32>
          %swap3A_564 = arith.index_cast %add3A_140 : i32 to index
          %swap3A_565 = arith.constant 48 : index
          %swap3A_566 = tpu.vector_load %arg9[%swap3A_564, %swap3A_565] {strides = array<i32>} : memref<40x128xf32, #tpu.memory_space<vmem>>, vector<1x16xf32>,
          %swap3A_567 = vector.shape_cast %swap3A_566 : vector<1x16xf32> to vector<16xf32>
          %swap3A_568 = vector.shape_cast %mul3A_563 : vector<16xf32> to vector<1x16xf32>
          tpu.vector_store %arg9[%swap3A_564, %swap3A_565], %swap3A_568 {strides = array<i32>} : memref<40x128xf32, #tpu.memory_space<vmem>>, vector<1x16xf32>,
          %mul3A_569 = arith.constant 10 : i32
          %mul3A_570 = arith.muli %add3A_144, %mul3A_569 : i32
          %add3A_571 = arith.constant 0 : i32
          %add3A_572 = arith.addi %mul3A_570, %add3A_571 : i32
          %get3A_573 = arith.index_cast %add3A_572 : i32 to index
          %get3A_574 = arith.constant 80 : index
          %get3A_575 = tpu.vector_load %arg7[%get3A_573, %get3A_574] {strides = array<i32>} : memref<400x128xf32, #tpu.memory_space<vmem>>, vector<1x16xf32>,
          %get3A_576 = vector.shape_cast %get3A_575 : vector<1x16xf32> to vector<16xf32>
          %add3A_577 = arith.addf %get3A_498, %get3A_505 : vector<16xf32>
          %add3A_578 = arith.constant 1 : i32
          %add3A_579 = arith.addi %mul3A_570, %add3A_578 : i32
          %get3A_580 = arith.index_cast %add3A_579 : i32 to index
          %get3A_581 = arith.constant 80 : index
          %get3A_582 = tpu.vector_load %arg7[%get3A_580, %get3A_581] {strides = array<i32>} : memref<400x128xf32, #tpu.memory_space<vmem>>, vector<1x16xf32>,
          %get3A_583 = vector.shape_cast %get3A_582 : vector<1x16xf32> to vector<16xf32>
          %add3A_584 = arith.addf %get3A_512, %get3A_519 : vector<16xf32>
          %add3A_585 = arith.constant 2 : i32
          %add3A_586 = arith.addi %mul3A_570, %add3A_585 : i32
          %get3A_587 = arith.index_cast %add3A_586 : i32 to index
          %get3A_588 = arith.constant 80 : index
          %get3A_589 = tpu.vector_load %arg7[%get3A_587, %get3A_588] {strides = array<i32>} : memref<400x128xf32, #tpu.memory_space<vmem>>, vector<1x16xf32>,
          %get3A_590 = vector.shape_cast %get3A_589 : vector<1x16xf32> to vector<16xf32>
          %add3A_591 = arith.addf %get3A_526, %get3A_533 : vector<16xf32>
          %add3A_592 = arith.constant 3 : i32
          %add3A_593 = arith.addi %mul3A_570, %add3A_592 : i32
          %get3A_594 = arith.index_cast %add3A_593 : i32 to index
          %get3A_595 = arith.constant 80 : index
          %get3A_596 = tpu.vector_load %arg7[%get3A_594, %get3A_595] {strides = array<i32>} : memref<400x128xf32, #tpu.memory_space<vmem>>, vector<1x16xf32>,
          %get3A_597 = vector.shape_cast %get3A_596 : vector<1x16xf32> to vector<16xf32>
          %add3A_598 = arith.addf %get3A_540, %get3A_547 : vector<16xf32>
          %add3A_599 = arith.constant 4 : i32
          %add3A_600 = arith.addi %mul3A_570, %add3A_599 : i32
          %get3A_601 = arith.index_cast %add3A_600 : i32 to index
          %get3A_602 = arith.constant 80 : index
          %get3A_603 = tpu.vector_load %arg7[%get3A_601, %get3A_602] {strides = array<i32>} : memref<400x128xf32, #tpu.memory_space<vmem>>, vector<1x16xf32>,
          %get3A_604 = vector.shape_cast %get3A_603 : vector<1x16xf32> to vector<16xf32>
          %add3A_605 = arith.addf %get3A_553, %get3A_560 : vector<16xf32>
          %add3A_606 = arith.constant 5 : i32
          %add3A_607 = arith.addi %mul3A_570, %add3A_606 : i32
          %get3A_608 = arith.index_cast %add3A_607 : i32 to index
          %get3A_609 = arith.constant 80 : index
          %get3A_610 = tpu.vector_load %arg7[%get3A_608, %get3A_609] {strides = array<i32>} : memref<400x128xf32, #tpu.memory_space<vmem>>, vector<1x16xf32>,
          %get3A_611 = vector.shape_cast %get3A_610 : vector<1x16xf32> to vector<16xf32>
          %add3A_612 = arith.addf %add3A_577, %add3A_584 : vector<16xf32>
          %add3A_613 = arith.constant 6 : i32
          %add3A_614 = arith.addi %mul3A_570, %add3A_613 : i32
          %get3A_615 = arith.index_cast %add3A_614 : i32 to index
          %get3A_616 = arith.constant 80 : index
          %get3A_617 = tpu.vector_load %arg7[%get3A_615, %get3A_616] {strides = array<i32>} : memref<400x128xf32, #tpu.memory_space<vmem>>, vector<1x16xf32>,
          %get3A_618 = vector.shape_cast %get3A_617 : vector<1x16xf32> to vector<16xf32>
          %add3A_619 = arith.addf %add3A_591, %add3A_598 : vector<16xf32>
          %add3A_620 = arith.constant 7 : i32
          %add3A_621 = arith.addi %mul3A_570, %add3A_620 : i32
          %get3A_622 = arith.index_cast %add3A_621 : i32 to index
          %get3A_623 = arith.constant 80 : index
          %get3A_624 = tpu.vector_load %arg7[%get3A_622, %get3A_623] {strides = array<i32>} : memref<400x128xf32, #tpu.memory_space<vmem>>, vector<1x16xf32>,
          %get3A_625 = vector.shape_cast %get3A_624 : vector<1x16xf32> to vector<16xf32>
          %add3A_626 = arith.constant 8 : i32
          %add3A_627 = arith.addi %mul3A_570, %add3A_626 : i32
          %get3A_628 = arith.index_cast %add3A_627 : i32 to index
          %get3A_629 = arith.constant 80 : index
          %get3A_630 = tpu.vector_load %arg7[%get3A_628, %get3A_629] {strides = array<i32>} : memref<400x128xf32, #tpu.memory_space<vmem>>, vector<1x16xf32>,
          %get3A_631 = vector.shape_cast %get3A_630 : vector<1x16xf32> to vector<16xf32>
          %add3A_632 = arith.addf %add3A_612, %add3A_619 : vector<16xf32>
          %add3A_633 = arith.constant 9 : i32
          %add3A_634 = arith.addi %mul3A_570, %add3A_633 : i32
          %get3A_635 = arith.index_cast %add3A_634 : i32 to index
          %get3A_636 = arith.constant 80 : index
          %get3A_637 = tpu.vector_load %arg7[%get3A_635, %get3A_636] {strides = array<i32>} : memref<400x128xf32, #tpu.memory_space<vmem>>, vector<1x16xf32>,
          %get3A_638 = vector.shape_cast %get3A_637 : vector<1x16xf32> to vector<16xf32>
          %add3A_639 = arith.addf %add3A_632, %add3A_605 : vector<16xf32>
          %mul3A_640 = vector.broadcast %scan3A_66 : f32 to vector<16xf32>
          %mul3A_641 = arith.mulf %add3A_639, %mul3A_640 : vector<16xf32>
          %swap3A_642 = arith.index_cast %add3A_142 : i32 to index
          %swap3A_643 = arith.constant 64 : index
          %swap3A_644 = tpu.vector_load %arg9[%swap3A_642, %swap3A_643] {strides = array<i32>} : memref<40x128xf32, #tpu.memory_space<vmem>>, vector<1x16xf32>,
          %swap3A_645 = vector.shape_cast %swap3A_644 : vector<1x16xf32> to vector<16xf32>
          %swap3A_646 = vector.shape_cast %mul3A_641 : vector<16xf32> to vector<1x16xf32>
          tpu.vector_store %arg9[%swap3A_642, %swap3A_643], %swap3A_646 {strides = array<i32>} : memref<40x128xf32, #tpu.memory_space<vmem>>, vector<1x16xf32>,
          %mul3A_647 = arith.constant 10 : i32
          %mul3A_648 = arith.muli %add3A_146, %mul3A_647 : i32
          %add3A_649 = arith.constant 0 : i32
          %add3A_650 = arith.addi %mul3A_648, %add3A_649 : i32
          %get3A_651 = arith.index_cast %add3A_650 : i32 to index
          %get3A_652 = arith.constant 96 : index
          %get3A_653 = tpu.vector_load %arg7[%get3A_651, %get3A_652] {strides = array<i32>} : memref<400x128xf32, #tpu.memory_space<vmem>>, vector<1x16xf32>,
          %get3A_654 = vector.shape_cast %get3A_653 : vector<1x16xf32> to vector<16xf32>
          %add3A_655 = arith.addf %get3A_576, %get3A_583 : vector<16xf32>
          %add3A_656 = arith.constant 1 : i32
          %add3A_657 = arith.addi %mul3A_648, %add3A_656 : i32
          %get3A_658 = arith.index_cast %add3A_657 : i32 to index
          %get3A_659 = arith.constant 96 : index
          %get3A_660 = tpu.vector_load %arg7[%get3A_658, %get3A_659] {strides = array<i32>} : memref<400x128xf32, #tpu.memory_space<vmem>>, vector<1x16xf32>,
          %get3A_661 = vector.shape_cast %get3A_660 : vector<1x16xf32> to vector<16xf32>
          %add3A_662 = arith.addf %get3A_590, %get3A_597 : vector<16xf32>
          %add3A_663 = arith.constant 2 : i32
          %add3A_664 = arith.addi %mul3A_648, %add3A_663 : i32
          %get3A_665 = arith.index_cast %add3A_664 : i32 to index
          %get3A_666 = arith.constant 96 : index
          %get3A_667 = tpu.vector_load %arg7[%get3A_665, %get3A_666] {strides = array<i32>} : memref<400x128xf32, #tpu.memory_space<vmem>>, vector<1x16xf32>,
          %get3A_668 = vector.shape_cast %get3A_667 : vector<1x16xf32> to vector<16xf32>
          %add3A_669 = arith.addf %get3A_604, %get3A_611 : vector<16xf32>
          %add3A_670 = arith.constant 3 : i32
          %add3A_671 = arith.addi %mul3A_648, %add3A_670 : i32
          %get3A_672 = arith.index_cast %add3A_671 : i32 to index
          %get3A_673 = arith.constant 96 : index
          %get3A_674 = tpu.vector_load %arg7[%get3A_672, %get3A_673] {strides = array<i32>} : memref<400x128xf32, #tpu.memory_space<vmem>>, vector<1x16xf32>,
          %get3A_675 = vector.shape_cast %get3A_674 : vector<1x16xf32> to vector<16xf32>
          %add3A_676 = arith.addf %get3A_618, %get3A_625 : vector<16xf32>
          %add3A_677 = arith.constant 4 : i32
          %add3A_678 = arith.addi %mul3A_648, %add3A_677 : i32
          %get3A_679 = arith.index_cast %add3A_678 : i32 to index
          %get3A_680 = arith.constant 96 : index
          %get3A_681 = tpu.vector_load %arg7[%get3A_679, %get3A_680] {strides = array<i32>} : memref<400x128xf32, #tpu.memory_space<vmem>>, vector<1x16xf32>,
          %get3A_682 = vector.shape_cast %get3A_681 : vector<1x16xf32> to vector<16xf32>
          %add3A_683 = arith.addf %get3A_631, %get3A_638 : vector<16xf32>
          %add3A_684 = arith.constant 5 : i32
          %add3A_685 = arith.addi %mul3A_648, %add3A_684 : i32
          %get3A_686 = arith.index_cast %add3A_685 : i32 to index
          %get3A_687 = arith.constant 96 : index
          %get3A_688 = tpu.vector_load %arg7[%get3A_686, %get3A_687] {strides = array<i32>} : memref<400x128xf32, #tpu.memory_space<vmem>>, vector<1x16xf32>,
          %get3A_689 = vector.shape_cast %get3A_688 : vector<1x16xf32> to vector<16xf32>
          %add3A_690 = arith.addf %add3A_655, %add3A_662 : vector<16xf32>
          %add3A_691 = arith.constant 6 : i32
          %add3A_692 = arith.addi %mul3A_648, %add3A_691 : i32
          %get3A_693 = arith.index_cast %add3A_692 : i32 to index
          %get3A_694 = arith.constant 96 : index
          %get3A_695 = tpu.vector_load %arg7[%get3A_693, %get3A_694] {strides = array<i32>} : memref<400x128xf32, #tpu.memory_space<vmem>>, vector<1x16xf32>,
          %get3A_696 = vector.shape_cast %get3A_695 : vector<1x16xf32> to vector<16xf32>
          %add3A_697 = arith.addf %add3A_669, %add3A_676 : vector<16xf32>
          %add3A_698 = arith.constant 7 : i32
          %add3A_699 = arith.addi %mul3A_648, %add3A_698 : i32
          %get3A_700 = arith.index_cast %add3A_699 : i32 to index
          %get3A_701 = arith.constant 96 : index
          %get3A_702 = tpu.vector_load %arg7[%get3A_700, %get3A_701] {strides = array<i32>} : memref<400x128xf32, #tpu.memory_space<vmem>>, vector<1x16xf32>,
          %get3A_703 = vector.shape_cast %get3A_702 : vector<1x16xf32> to vector<16xf32>
          %add3A_704 = arith.constant 8 : i32
          %add3A_705 = arith.addi %mul3A_648, %add3A_704 : i32
          %get3A_706 = arith.index_cast %add3A_705 : i32 to index
          %get3A_707 = arith.constant 96 : index
          %get3A_708 = tpu.vector_load %arg7[%get3A_706, %get3A_707] {strides = array<i32>} : memref<400x128xf32, #tpu.memory_space<vmem>>, vector<1x16xf32>,
          %get3A_709 = vector.shape_cast %get3A_708 : vector<1x16xf32> to vector<16xf32>
          %add3A_710 = arith.addf %add3A_690, %add3A_697 : vector<16xf32>
          %add3A_711 = arith.constant 9 : i32
          %add3A_712 = arith.addi %mul3A_648, %add3A_711 : i32
          %get3A_713 = arith.index_cast %add3A_712 : i32 to index
          %get3A_714 = arith.constant 96 : index
          %get3A_715 = tpu.vector_load %arg7[%get3A_713, %get3A_714] {strides = array<i32>} : memref<400x128xf32, #tpu.memory_space<vmem>>, vector<1x16xf32>,
          %get3A_716 = vector.shape_cast %get3A_715 : vector<1x16xf32> to vector<16xf32>
          %add3A_717 = arith.addf %add3A_710, %add3A_683 : vector<16xf32>
          %mul3A_718 = vector.broadcast %scan3A_66 : f32 to vector<16xf32>
          %mul3A_719 = arith.mulf %add3A_717, %mul3A_718 : vector<16xf32>
          %swap3A_720 = arith.index_cast %add3A_144 : i32 to index
          %swap3A_721 = arith.constant 80 : index
          %swap3A_722 = tpu.vector_load %arg9[%swap3A_720, %swap3A_721] {strides = array<i32>} : memref<40x128xf32, #tpu.memory_space<vmem>>, vector<1x16xf32>,
          %swap3A_723 = vector.shape_cast %swap3A_722 : vector<1x16xf32> to vector<16xf32>
          %swap3A_724 = vector.shape_cast %mul3A_719 : vector<16xf32> to vector<1x16xf32>
          tpu.vector_store %arg9[%swap3A_720, %swap3A_721], %swap3A_724 {strides = array<i32>} : memref<40x128xf32, #tpu.memory_space<vmem>>, vector<1x16xf32>,
          %mul3A_725 = arith.constant 10 : i32
          %mul3A_726 = arith.muli %add3A_148, %mul3A_725 : i32
          %add3A_727 = arith.constant 0 : i32
          %add3A_728 = arith.addi %mul3A_726, %add3A_727 : i32
          %get3A_729 = arith.index_cast %add3A_728 : i32 to index
          %get3A_730 = arith.constant 112 : index
          %get3A_731 = tpu.vector_load %arg7[%get3A_729, %get3A_730] {strides = array<i32>} : memref<400x128xf32, #tpu.memory_space<vmem>>, vector<1x16xf32>,
          %get3A_732 = vector.shape_cast %get3A_731 : vector<1x16xf32> to vector<16xf32>
          %add3A_733 = arith.addf %get3A_654, %get3A_661 : vector<16xf32>
          %add3A_734 = arith.constant 1 : i32
          %add3A_735 = arith.addi %mul3A_726, %add3A_734 : i32
          %get3A_736 = arith.index_cast %add3A_735 : i32 to index
          %get3A_737 = arith.constant 112 : index
          %get3A_738 = tpu.vector_load %arg7[%get3A_736, %get3A_737] {strides = array<i32>} : memref<400x128xf32, #tpu.memory_space<vmem>>, vector<1x16xf32>,
          %get3A_739 = vector.shape_cast %get3A_738 : vector<1x16xf32> to vector<16xf32>
          %add3A_740 = arith.addf %get3A_668, %get3A_675 : vector<16xf32>
          %add3A_741 = arith.constant 2 : i32
          %add3A_742 = arith.addi %mul3A_726, %add3A_741 : i32
          %get3A_743 = arith.index_cast %add3A_742 : i32 to index
          %get3A_744 = arith.constant 112 : index
          %get3A_745 = tpu.vector_load %arg7[%get3A_743, %get3A_744] {strides = array<i32>} : memref<400x128xf32, #tpu.memory_space<vmem>>, vector<1x16xf32>,
          %get3A_746 = vector.shape_cast %get3A_745 : vector<1x16xf32> to vector<16xf32>
          %add3A_747 = arith.addf %get3A_682, %get3A_689 : vector<16xf32>
          %add3A_748 = arith.constant 3 : i32
          %add3A_749 = arith.addi %mul3A_726, %add3A_748 : i32
          %get3A_750 = arith.index_cast %add3A_749 : i32 to index
          %get3A_751 = arith.constant 112 : index
          %get3A_752 = tpu.vector_load %arg7[%get3A_750, %get3A_751] {strides = array<i32>} : memref<400x128xf32, #tpu.memory_space<vmem>>, vector<1x16xf32>,
          %get3A_753 = vector.shape_cast %get3A_752 : vector<1x16xf32> to vector<16xf32>
          %add3A_754 = arith.addf %get3A_696, %get3A_703 : vector<16xf32>
          %add3A_755 = arith.constant 4 : i32
          %add3A_756 = arith.addi %mul3A_726, %add3A_755 : i32
          %get3A_757 = arith.index_cast %add3A_756 : i32 to index
          %get3A_758 = arith.constant 112 : index
          %get3A_759 = tpu.vector_load %arg7[%get3A_757, %get3A_758] {strides = array<i32>} : memref<400x128xf32, #tpu.memory_space<vmem>>, vector<1x16xf32>,
          %get3A_760 = vector.shape_cast %get3A_759 : vector<1x16xf32> to vector<16xf32>
          %add3A_761 = arith.addf %get3A_709, %get3A_716 : vector<16xf32>
          %add3A_762 = arith.constant 5 : i32
          %add3A_763 = arith.addi %mul3A_726, %add3A_762 : i32
          %get3A_764 = arith.index_cast %add3A_763 : i32 to index
          %get3A_765 = arith.constant 112 : index
          %get3A_766 = tpu.vector_load %arg7[%get3A_764, %get3A_765] {strides = array<i32>} : memref<400x128xf32, #tpu.memory_space<vmem>>, vector<1x16xf32>,
          %get3A_767 = vector.shape_cast %get3A_766 : vector<1x16xf32> to vector<16xf32>
          %add3A_768 = arith.addf %add3A_733, %add3A_740 : vector<16xf32>
          %add3A_769 = arith.constant 6 : i32
          %add3A_770 = arith.addi %mul3A_726, %add3A_769 : i32
          %get3A_771 = arith.index_cast %add3A_770 : i32 to index
          %get3A_772 = arith.constant 112 : index
          %get3A_773 = tpu.vector_load %arg7[%get3A_771, %get3A_772] {strides = array<i32>} : memref<400x128xf32, #tpu.memory_space<vmem>>, vector<1x16xf32>,
          %get3A_774 = vector.shape_cast %get3A_773 : vector<1x16xf32> to vector<16xf32>
          %add3A_775 = arith.addf %add3A_747, %add3A_754 : vector<16xf32>
          %add3A_776 = arith.constant 7 : i32
          %add3A_777 = arith.addi %mul3A_726, %add3A_776 : i32
          %get3A_778 = arith.index_cast %add3A_777 : i32 to index
          %get3A_779 = arith.constant 112 : index
          %get3A_780 = tpu.vector_load %arg7[%get3A_778, %get3A_779] {strides = array<i32>} : memref<400x128xf32, #tpu.memory_space<vmem>>, vector<1x16xf32>,
          %get3A_781 = vector.shape_cast %get3A_780 : vector<1x16xf32> to vector<16xf32>
          %add3A_782 = arith.constant 8 : i32
          %add3A_783 = arith.addi %mul3A_726, %add3A_782 : i32
          %get3A_784 = arith.index_cast %add3A_783 : i32 to index
          %get3A_785 = arith.constant 112 : index
          %get3A_786 = tpu.vector_load %arg7[%get3A_784, %get3A_785] {strides = array<i32>} : memref<400x128xf32, #tpu.memory_space<vmem>>, vector<1x16xf32>,
          %get3A_787 = vector.shape_cast %get3A_786 : vector<1x16xf32> to vector<16xf32>
          %add3A_788 = arith.addf %add3A_768, %add3A_775 : vector<16xf32>
          %add3A_789 = arith.constant 9 : i32
          %add3A_790 = arith.addi %mul3A_726, %add3A_789 : i32
          %get3A_791 = arith.index_cast %add3A_790 : i32 to index
          %get3A_792 = arith.constant 112 : index
          %get3A_793 = tpu.vector_load %arg7[%get3A_791, %get3A_792] {strides = array<i32>} : memref<400x128xf32, #tpu.memory_space<vmem>>, vector<1x16xf32>,
          %get3A_794 = vector.shape_cast %get3A_793 : vector<1x16xf32> to vector<16xf32>
          %add3A_795 = arith.addf %add3A_788, %add3A_761 : vector<16xf32>
          %mul3A_796 = vector.broadcast %scan3A_66 : f32 to vector<16xf32>
          %mul3A_797 = arith.mulf %add3A_795, %mul3A_796 : vector<16xf32>
          %swap3A_798 = arith.index_cast %add3A_146 : i32 to index
          %swap3A_799 = arith.constant 96 : index
          %swap3A_800 = tpu.vector_load %arg9[%swap3A_798, %swap3A_799] {strides = array<i32>} : memref<40x128xf32, #tpu.memory_space<vmem>>, vector<1x16xf32>,
          %swap3A_801 = vector.shape_cast %swap3A_800 : vector<1x16xf32> to vector<16xf32>
          %swap3A_802 = vector.shape_cast %mul3A_797 : vector<16xf32> to vector<1x16xf32>
          tpu.vector_store %arg9[%swap3A_798, %swap3A_799], %swap3A_802 {strides = array<i32>} : memref<40x128xf32, #tpu.memory_space<vmem>>, vector<1x16xf32>,
          %mul3A_803 = arith.constant 10 : i32
          %mul3A_804 = arith.muli %add3A_150, %mul3A_803 : i32
          %add3A_805 = arith.constant 0 : i32
          %add3A_806 = arith.addi %mul3A_804, %add3A_805 : i32
          %get3A_807 = arith.index_cast %add3A_806 : i32 to index
          %get3A_808 = arith.constant 0 : index
          %get3A_809 = tpu.vector_load %arg7[%get3A_807, %get3A_808] {strides = array<i32>} : memref<400x128xf32, #tpu.memory_space<vmem>>, vector<1x16xf32>,
          %get3A_810 = vector.shape_cast %get3A_809 : vector<1x16xf32> to vector<16xf32>
          %add3A_811 = arith.addf %get3A_732, %get3A_739 : vector<16xf32>
          %add3A_812 = arith.constant 1 : i32
          %add3A_813 = arith.addi %mul3A_804, %add3A_812 : i32
          %get3A_814 = arith.index_cast %add3A_813 : i32 to index
          %get3A_815 = arith.constant 0 : index
          %get3A_816 = tpu.vector_load %arg7[%get3A_814, %get3A_815] {strides = array<i32>} : memref<400x128xf32, #tpu.memory_space<vmem>>, vector<1x16xf32>,
          %get3A_817 = vector.shape_cast %get3A_816 : vector<1x16xf32> to vector<16xf32>
          %add3A_818 = arith.addf %get3A_746, %get3A_753 : vector<16xf32>
          %add3A_819 = arith.constant 2 : i32
          %add3A_820 = arith.addi %mul3A_804, %add3A_819 : i32
          %get3A_821 = arith.index_cast %add3A_820 : i32 to index
          %get3A_822 = arith.constant 0 : index
          %get3A_823 = tpu.vector_load %arg7[%get3A_821, %get3A_822] {strides = array<i32>} : memref<400x128xf32, #tpu.memory_space<vmem>>, vector<1x16xf32>,
          %get3A_824 = vector.shape_cast %get3A_823 : vector<1x16xf32> to vector<16xf32>
          %add3A_825 = arith.addf %get3A_760, %get3A_767 : vector<16xf32>
          %add3A_826 = arith.constant 3 : i32
          %add3A_827 = arith.addi %mul3A_804, %add3A_826 : i32
          %get3A_828 = arith.index_cast %add3A_827 : i32 to index
          %get3A_829 = arith.constant 0 : index
          %get3A_830 = tpu.vector_load %arg7[%get3A_828, %get3A_829] {strides = array<i32>} : memref<400x128xf32, #tpu.memory_space<vmem>>, vector<1x16xf32>,
          %get3A_831 = vector.shape_cast %get3A_830 : vector<1x16xf32> to vector<16xf32>
          %add3A_832 = arith.addf %get3A_774, %get3A_781 : vector<16xf32>
          %add3A_833 = arith.constant 4 : i32
          %add3A_834 = arith.addi %mul3A_804, %add3A_833 : i32
          %get3A_835 = arith.index_cast %add3A_834 : i32 to index
          %get3A_836 = arith.constant 0 : index
          %get3A_837 = tpu.vector_load %arg7[%get3A_835, %get3A_836] {strides = array<i32>} : memref<400x128xf32, #tpu.memory_space<vmem>>, vector<1x16xf32>,
          %get3A_838 = vector.shape_cast %get3A_837 : vector<1x16xf32> to vector<16xf32>
          %add3A_839 = arith.addf %get3A_787, %get3A_794 : vector<16xf32>
          %add3A_840 = arith.constant 5 : i32
          %add3A_841 = arith.addi %mul3A_804, %add3A_840 : i32
          %get3A_842 = arith.index_cast %add3A_841 : i32 to index
          %get3A_843 = arith.constant 0 : index
          %get3A_844 = tpu.vector_load %arg7[%get3A_842, %get3A_843] {strides = array<i32>} : memref<400x128xf32, #tpu.memory_space<vmem>>, vector<1x16xf32>,
          %get3A_845 = vector.shape_cast %get3A_844 : vector<1x16xf32> to vector<16xf32>
          %add3A_846 = arith.addf %add3A_811, %add3A_818 : vector<16xf32>
          %add3A_847 = arith.constant 6 : i32
          %add3A_848 = arith.addi %mul3A_804, %add3A_847 : i32
          %get3A_849 = arith.index_cast %add3A_848 : i32 to index
          %get3A_850 = arith.constant 0 : index
          %get3A_851 = tpu.vector_load %arg7[%get3A_849, %get3A_850] {strides = array<i32>} : memref<400x128xf32, #tpu.memory_space<vmem>>, vector<1x16xf32>,
          %get3A_852 = vector.shape_cast %get3A_851 : vector<1x16xf32> to vector<16xf32>
          %add3A_853 = arith.addf %add3A_825, %add3A_832 : vector<16xf32>
          %add3A_854 = arith.constant 7 : i32
          %add3A_855 = arith.addi %mul3A_804, %add3A_854 : i32
          %get3A_856 = arith.index_cast %add3A_855 : i32 to index
          %get3A_857 = arith.constant 0 : index
          %get3A_858 = tpu.vector_load %arg7[%get3A_856, %get3A_857] {strides = array<i32>} : memref<400x128xf32, #tpu.memory_space<vmem>>, vector<1x16xf32>,
          %get3A_859 = vector.shape_cast %get3A_858 : vector<1x16xf32> to vector<16xf32>
          %add3A_860 = arith.constant 8 : i32
          %add3A_861 = arith.addi %mul3A_804, %add3A_860 : i32
          %get3A_862 = arith.index_cast %add3A_861 : i32 to index
          %get3A_863 = arith.constant 0 : index
          %get3A_864 = tpu.vector_load %arg7[%get3A_862, %get3A_863] {strides = array<i32>} : memref<400x128xf32, #tpu.memory_space<vmem>>, vector<1x16xf32>,
          %get3A_865 = vector.shape_cast %get3A_864 : vector<1x16xf32> to vector<16xf32>
          %add3A_866 = arith.addf %add3A_846, %add3A_853 : vector<16xf32>
          %add3A_867 = arith.constant 9 : i32
          %add3A_868 = arith.addi %mul3A_804, %add3A_867 : i32
          %get3A_869 = arith.index_cast %add3A_868 : i32 to index
          %get3A_870 = arith.constant 0 : index
          %get3A_871 = tpu.vector_load %arg7[%get3A_869, %get3A_870] {strides = array<i32>} : memref<400x128xf32, #tpu.memory_space<vmem>>, vector<1x16xf32>,
          %get3A_872 = vector.shape_cast %get3A_871 : vector<1x16xf32> to vector<16xf32>
          %add3A_873 = arith.addf %add3A_866, %add3A_839 : vector<16xf32>
          %mul3A_874 = vector.broadcast %scan3A_66 : f32 to vector<16xf32>
          %mul3A_875 = arith.mulf %add3A_873, %mul3A_874 : vector<16xf32>
          %swap3A_876 = arith.index_cast %add3A_148 : i32 to index
          %swap3A_877 = arith.constant 112 : index
          %swap3A_878 = tpu.vector_load %arg9[%swap3A_876, %swap3A_877] {strides = array<i32>} : memref<40x128xf32, #tpu.memory_space<vmem>>, vector<1x16xf32>,
          %swap3A_879 = vector.shape_cast %swap3A_878 : vector<1x16xf32> to vector<16xf32>
          %swap3A_880 = vector.shape_cast %mul3A_875 : vector<16xf32> to vector<1x16xf32>
          tpu.vector_store %arg9[%swap3A_876, %swap3A_877], %swap3A_880 {strides = array<i32>} : memref<40x128xf32, #tpu.memory_space<vmem>>, vector<1x16xf32>,
          %mul3A_881 = arith.constant 10 : i32
          %mul3A_882 = arith.muli %add3A_152, %mul3A_881 : i32
          %add3A_883 = arith.constant 0 : i32
          %add3A_884 = arith.addi %mul3A_882, %add3A_883 : i32
          %get3A_885 = arith.index_cast %add3A_884 : i32 to index
          %get3A_886 = arith.constant 16 : index
          %get3A_887 = tpu.vector_load %arg7[%get3A_885, %get3A_886] {strides = array<i32>} : memref<400x128xf32, #tpu.memory_space<vmem>>, vector<1x16xf32>,
          %get3A_888 = vector.shape_cast %get3A_887 : vector<1x16xf32> to vector<16xf32>
          %add3A_889 = arith.addf %get3A_810, %get3A_817 : vector<16xf32>
          %add3A_890 = arith.constant 1 : i32
          %add3A_891 = arith.addi %mul3A_882, %add3A_890 : i32
          %get3A_892 = arith.index_cast %add3A_891 : i32 to index
          %get3A_893 = arith.constant 16 : index
          %get3A_894 = tpu.vector_load %arg7[%get3A_892, %get3A_893] {strides = array<i32>} : memref<400x128xf32, #tpu.memory_space<vmem>>, vector<1x16xf32>,
          %get3A_895 = vector.shape_cast %get3A_894 : vector<1x16xf32> to vector<16xf32>
          %add3A_896 = arith.addf %get3A_824, %get3A_831 : vector<16xf32>
          %add3A_897 = arith.constant 2 : i32
          %add3A_898 = arith.addi %mul3A_882, %add3A_897 : i32
          %get3A_899 = arith.index_cast %add3A_898 : i32 to index
          %get3A_900 = arith.constant 16 : index
          %get3A_901 = tpu.vector_load %arg7[%get3A_899, %get3A_900] {strides = array<i32>} : memref<400x128xf32, #tpu.memory_space<vmem>>, vector<1x16xf32>,
          %get3A_902 = vector.shape_cast %get3A_901 : vector<1x16xf32> to vector<16xf32>
          %add3A_903 = arith.addf %get3A_838, %get3A_845 : vector<16xf32>
          %add3A_904 = arith.constant 3 : i32
          %add3A_905 = arith.addi %mul3A_882, %add3A_904 : i32
          %get3A_906 = arith.index_cast %add3A_905 : i32 to index
          %get3A_907 = arith.constant 16 : index
          %get3A_908 = tpu.vector_load %arg7[%get3A_906, %get3A_907] {strides = array<i32>} : memref<400x128xf32, #tpu.memory_space<vmem>>, vector<1x16xf32>,
          %get3A_909 = vector.shape_cast %get3A_908 : vector<1x16xf32> to vector<16xf32>
          %add3A_910 = arith.addf %get3A_852, %get3A_859 : vector<16xf32>
          %add3A_911 = arith.constant 4 : i32
          %add3A_912 = arith.addi %mul3A_882, %add3A_911 : i32
          %get3A_913 = arith.index_cast %add3A_912 : i32 to index
          %get3A_914 = arith.constant 16 : index
          %get3A_915 = tpu.vector_load %arg7[%get3A_913, %get3A_914] {strides = array<i32>} : memref<400x128xf32, #tpu.memory_space<vmem>>, vector<1x16xf32>,
          %get3A_916 = vector.shape_cast %get3A_915 : vector<1x16xf32> to vector<16xf32>
          %add3A_917 = arith.addf %get3A_865, %get3A_872 : vector<16xf32>
          %add3A_918 = arith.constant 5 : i32
          %add3A_919 = arith.addi %mul3A_882, %add3A_918 : i32
          %get3A_920 = arith.index_cast %add3A_919 : i32 to index
          %get3A_921 = arith.constant 16 : index
          %get3A_922 = tpu.vector_load %arg7[%get3A_920, %get3A_921] {strides = array<i32>} : memref<400x128xf32, #tpu.memory_space<vmem>>, vector<1x16xf32>,
          %get3A_923 = vector.shape_cast %get3A_922 : vector<1x16xf32> to vector<16xf32>
          %add3A_924 = arith.addf %add3A_889, %add3A_896 : vector<16xf32>
          %add3A_925 = arith.constant 6 : i32
          %add3A_926 = arith.addi %mul3A_882, %add3A_925 : i32
          %get3A_927 = arith.index_cast %add3A_926 : i32 to index
          %get3A_928 = arith.constant 16 : index
          %get3A_929 = tpu.vector_load %arg7[%get3A_927, %get3A_928] {strides = array<i32>} : memref<400x128xf32, #tpu.memory_space<vmem>>, vector<1x16xf32>,
          %get3A_930 = vector.shape_cast %get3A_929 : vector<1x16xf32> to vector<16xf32>
          %add3A_931 = arith.addf %add3A_903, %add3A_910 : vector<16xf32>
          %add3A_932 = arith.constant 7 : i32
          %add3A_933 = arith.addi %mul3A_882, %add3A_932 : i32
          %get3A_934 = arith.index_cast %add3A_933 : i32 to index
          %get3A_935 = arith.constant 16 : index
          %get3A_936 = tpu.vector_load %arg7[%get3A_934, %get3A_935] {strides = array<i32>} : memref<400x128xf32, #tpu.memory_space<vmem>>, vector<1x16xf32>,
          %get3A_937 = vector.shape_cast %get3A_936 : vector<1x16xf32> to vector<16xf32>
          %add3A_938 = arith.constant 8 : i32
          %add3A_939 = arith.addi %mul3A_882, %add3A_938 : i32
          %get3A_940 = arith.index_cast %add3A_939 : i32 to index
          %get3A_941 = arith.constant 16 : index
          %get3A_942 = tpu.vector_load %arg7[%get3A_940, %get3A_941] {strides = array<i32>} : memref<400x128xf32, #tpu.memory_space<vmem>>, vector<1x16xf32>,
          %get3A_943 = vector.shape_cast %get3A_942 : vector<1x16xf32> to vector<16xf32>
          %add3A_944 = arith.addf %add3A_924, %add3A_931 : vector<16xf32>
          %add3A_945 = arith.constant 9 : i32
          %add3A_946 = arith.addi %mul3A_882, %add3A_945 : i32
          %get3A_947 = arith.index_cast %add3A_946 : i32 to index
          %get3A_948 = arith.constant 16 : index
          %get3A_949 = tpu.vector_load %arg7[%get3A_947, %get3A_948] {strides = array<i32>} : memref<400x128xf32, #tpu.memory_space<vmem>>, vector<1x16xf32>,
          %get3A_950 = vector.shape_cast %get3A_949 : vector<1x16xf32> to vector<16xf32>
          %add3A_951 = arith.addf %add3A_944, %add3A_917 : vector<16xf32>
          %mul3A_952 = vector.broadcast %scan3A_66 : f32 to vector<16xf32>
          %mul3A_953 = arith.mulf %add3A_951, %mul3A_952 : vector<16xf32>
          %swap3A_954 = arith.index_cast %add3A_150 : i32 to index
          %swap3A_955 = arith.constant 0 : index
          %swap3A_956 = tpu.vector_load %arg9[%swap3A_954, %swap3A_955] {strides = array<i32>} : memref<40x128xf32, #tpu.memory_space<vmem>>, vector<1x16xf32>,
          %swap3A_957 = vector.shape_cast %swap3A_956 : vector<1x16xf32> to vector<16xf32>
          %swap3A_958 = vector.shape_cast %mul3A_953 : vector<16xf32> to vector<1x16xf32>
          tpu.vector_store %arg9[%swap3A_954, %swap3A_955], %swap3A_958 {strides = array<i32>} : memref<40x128xf32, #tpu.memory_space<vmem>>, vector<1x16xf32>,
          %mul3A_959 = arith.constant 10 : i32
          %mul3A_960 = arith.muli %add3A_154, %mul3A_959 : i32
          %add3A_961 = arith.constant 0 : i32
          %add3A_962 = arith.addi %mul3A_960, %add3A_961 : i32
          %get3A_963 = arith.index_cast %add3A_962 : i32 to index
          %get3A_964 = arith.constant 32 : index
          %get3A_965 = tpu.vector_load %arg7[%get3A_963, %get3A_964] {strides = array<i32>} : memref<400x128xf32, #tpu.memory_space<vmem>>, vector<1x16xf32>,
          %get3A_966 = vector.shape_cast %get3A_965 : vector<1x16xf32> to vector<16xf32>
          %add3A_967 = arith.addf %get3A_888, %get3A_895 : vector<16xf32>
          %add3A_968 = arith.constant 1 : i32
          %add3A_969 = arith.addi %mul3A_960, %add3A_968 : i32
          %get3A_970 = arith.index_cast %add3A_969 : i32 to index
          %get3A_971 = arith.constant 32 : index
          %get3A_972 = tpu.vector_load %arg7[%get3A_970, %get3A_971] {strides = array<i32>} : memref<400x128xf32, #tpu.memory_space<vmem>>, vector<1x16xf32>,
          %get3A_973 = vector.shape_cast %get3A_972 : vector<1x16xf32> to vector<16xf32>
          %add3A_974 = arith.addf %get3A_902, %get3A_909 : vector<16xf32>
          %add3A_975 = arith.constant 2 : i32
          %add3A_976 = arith.addi %mul3A_960, %add3A_975 : i32
          %get3A_977 = arith.index_cast %add3A_976 : i32 to index
          %get3A_978 = arith.constant 32 : index
          %get3A_979 = tpu.vector_load %arg7[%get3A_977, %get3A_978] {strides = array<i32>} : memref<400x128xf32, #tpu.memory_space<vmem>>, vector<1x16xf32>,
          %get3A_980 = vector.shape_cast %get3A_979 : vector<1x16xf32> to vector<16xf32>
          %add3A_981 = arith.addf %get3A_916, %get3A_923 : vector<16xf32>
          %add3A_982 = arith.constant 3 : i32
          %add3A_983 = arith.addi %mul3A_960, %add3A_982 : i32
          %get3A_984 = arith.index_cast %add3A_983 : i32 to index
          %get3A_985 = arith.constant 32 : index
          %get3A_986 = tpu.vector_load %arg7[%get3A_984, %get3A_985] {strides = array<i32>} : memref<400x128xf32, #tpu.memory_space<vmem>>, vector<1x16xf32>,
          %get3A_987 = vector.shape_cast %get3A_986 : vector<1x16xf32> to vector<16xf32>
          %add3A_988 = arith.addf %get3A_930, %get3A_937 : vector<16xf32>
          %add3A_989 = arith.constant 4 : i32
          %add3A_990 = arith.addi %mul3A_960, %add3A_989 : i32
          %get3A_991 = arith.index_cast %add3A_990 : i32 to index
          %get3A_992 = arith.constant 32 : index
          %get3A_993 = tpu.vector_load %arg7[%get3A_991, %get3A_992] {strides = array<i32>} : memref<400x128xf32, #tpu.memory_space<vmem>>, vector<1x16xf32>,
          %get3A_994 = vector.shape_cast %get3A_993 : vector<1x16xf32> to vector<16xf32>
          %add3A_995 = arith.addf %get3A_943, %get3A_950 : vector<16xf32>
          %add3A_996 = arith.constant 5 : i32
          %add3A_997 = arith.addi %mul3A_960, %add3A_996 : i32
          %get3A_998 = arith.index_cast %add3A_997 : i32 to index
          %get3A_999 = arith.constant 32 : index
          %get3A_1000 = tpu.vector_load %arg7[%get3A_998, %get3A_999] {strides = array<i32>} : memref<400x128xf32, #tpu.memory_space<vmem>>, vector<1x16xf32>,
          %get3A_1001 = vector.shape_cast %get3A_1000 : vector<1x16xf32> to vector<16xf32>
          %add3A_1002 = arith.addf %add3A_967, %add3A_974 : vector<16xf32>
          %add3A_1003 = arith.constant 6 : i32
          %add3A_1004 = arith.addi %mul3A_960, %add3A_1003 : i32
          %get3A_1005 = arith.index_cast %add3A_1004 : i32 to index
          %get3A_1006 = arith.constant 32 : index
          %get3A_1007 = tpu.vector_load %arg7[%get3A_1005, %get3A_1006] {strides = array<i32>} : memref<400x128xf32, #tpu.memory_space<vmem>>, vector<1x16xf32>,
          %get3A_1008 = vector.shape_cast %get3A_1007 : vector<1x16xf32> to vector<16xf32>
          %add3A_1009 = arith.addf %add3A_981, %add3A_988 : vector<16xf32>
          %add3A_1010 = arith.constant 7 : i32
          %add3A_1011 = arith.addi %mul3A_960, %add3A_1010 : i32
          %get3A_1012 = arith.index_cast %add3A_1011 : i32 to index
          %get3A_1013 = arith.constant 32 : index
          %get3A_1014 = tpu.vector_load %arg7[%get3A_1012, %get3A_1013] {strides = array<i32>} : memref<400x128xf32, #tpu.memory_space<vmem>>, vector<1x16xf32>,
          %get3A_1015 = vector.shape_cast %get3A_1014 : vector<1x16xf32> to vector<16xf32>
          %add3A_1016 = arith.constant 8 : i32
          %add3A_1017 = arith.addi %mul3A_960, %add3A_1016 : i32
          %get3A_1018 = arith.index_cast %add3A_1017 : i32 to index
          %get3A_1019 = arith.constant 32 : index
          %get3A_1020 = tpu.vector_load %arg7[%get3A_1018, %get3A_1019] {strides = array<i32>} : memref<400x128xf32, #tpu.memory_space<vmem>>, vector<1x16xf32>,
          %get3A_1021 = vector.shape_cast %get3A_1020 : vector<1x16xf32> to vector<16xf32>
          %add3A_1022 = arith.addf %add3A_1002, %add3A_1009 : vector<16xf32>
          %add3A_1023 = arith.constant 9 : i32
          %add3A_1024 = arith.addi %mul3A_960, %add3A_1023 : i32
          %get3A_1025 = arith.index_cast %add3A_1024 : i32 to index
          %get3A_1026 = arith.constant 32 : index
          %get3A_1027 = tpu.vector_load %arg7[%get3A_1025, %get3A_1026] {strides = array<i32>} : memref<400x128xf32, #tpu.memory_space<vmem>>, vector<1x16xf32>,
          %get3A_1028 = vector.shape_cast %get3A_1027 : vector<1x16xf32> to vector<16xf32>
          %add3A_1029 = arith.addf %add3A_1022, %add3A_995 : vector<16xf32>
          %mul3A_1030 = vector.broadcast %scan3A_66 : f32 to vector<16xf32>
          %mul3A_1031 = arith.mulf %add3A_1029, %mul3A_1030 : vector<16xf32>
          %swap3A_1032 = arith.index_cast %add3A_152 : i32 to index
          %swap3A_1033 = arith.constant 16 : index
          %swap3A_1034 = tpu.vector_load %arg9[%swap3A_1032, %swap3A_1033] {strides = array<i32>} : memref<40x128xf32, #tpu.memory_space<vmem>>, vector<1x16xf32>,
          %swap3A_1035 = vector.shape_cast %swap3A_1034 : vector<1x16xf32> to vector<16xf32>
          %swap3A_1036 = vector.shape_cast %mul3A_1031 : vector<16xf32> to vector<1x16xf32>
          tpu.vector_store %arg9[%swap3A_1032, %swap3A_1033], %swap3A_1036 {strides = array<i32>} : memref<40x128xf32, #tpu.memory_space<vmem>>, vector<1x16xf32>,
          %mul3A_1037 = arith.constant 10 : i32
          %mul3A_1038 = arith.muli %add3A_156, %mul3A_1037 : i32
          %add3A_1039 = arith.constant 0 : i32
          %add3A_1040 = arith.addi %mul3A_1038, %add3A_1039 : i32
          %get3A_1041 = arith.index_cast %add3A_1040 : i32 to index
          %get3A_1042 = arith.constant 48 : index
          %get3A_1043 = tpu.vector_load %arg7[%get3A_1041, %get3A_1042] {strides = array<i32>} : memref<400x128xf32, #tpu.memory_space<vmem>>, vector<1x16xf32>,
          %get3A_1044 = vector.shape_cast %get3A_1043 : vector<1x16xf32> to vector<16xf32>
          %add3A_1045 = arith.addf %get3A_966, %get3A_973 : vector<16xf32>
          %add3A_1046 = arith.constant 1 : i32
          %add3A_1047 = arith.addi %mul3A_1038, %add3A_1046 : i32
          %get3A_1048 = arith.index_cast %add3A_1047 : i32 to index
          %get3A_1049 = arith.constant 48 : index
          %get3A_1050 = tpu.vector_load %arg7[%get3A_1048, %get3A_1049] {strides = array<i32>} : memref<400x128xf32, #tpu.memory_space<vmem>>, vector<1x16xf32>,
          %get3A_1051 = vector.shape_cast %get3A_1050 : vector<1x16xf32> to vector<16xf32>
          %add3A_1052 = arith.addf %get3A_980, %get3A_987 : vector<16xf32>
          %add3A_1053 = arith.constant 2 : i32
          %add3A_1054 = arith.addi %mul3A_1038, %add3A_1053 : i32
          %get3A_1055 = arith.index_cast %add3A_1054 : i32 to index
          %get3A_1056 = arith.constant 48 : index
          %get3A_1057 = tpu.vector_load %arg7[%get3A_1055, %get3A_1056] {strides = array<i32>} : memref<400x128xf32, #tpu.memory_space<vmem>>, vector<1x16xf32>,
          %get3A_1058 = vector.shape_cast %get3A_1057 : vector<1x16xf32> to vector<16xf32>
          %add3A_1059 = arith.addf %get3A_994, %get3A_1001 : vector<16xf32>
          %add3A_1060 = arith.constant 3 : i32
          %add3A_1061 = arith.addi %mul3A_1038, %add3A_1060 : i32
          %get3A_1062 = arith.index_cast %add3A_1061 : i32 to index
          %get3A_1063 = arith.constant 48 : index
          %get3A_1064 = tpu.vector_load %arg7[%get3A_1062, %get3A_1063] {strides = array<i32>} : memref<400x128xf32, #tpu.memory_space<vmem>>, vector<1x16xf32>,
          %get3A_1065 = vector.shape_cast %get3A_1064 : vector<1x16xf32> to vector<16xf32>
          %add3A_1066 = arith.addf %get3A_1008, %get3A_1015 : vector<16xf32>
          %add3A_1067 = arith.constant 4 : i32
          %add3A_1068 = arith.addi %mul3A_1038, %add3A_1067 : i32
          %get3A_1069 = arith.index_cast %add3A_1068 : i32 to index
          %get3A_1070 = arith.constant 48 : index
          %get3A_1071 = tpu.vector_load %arg7[%get3A_1069, %get3A_1070] {strides = array<i32>} : memref<400x128xf32, #tpu.memory_space<vmem>>, vector<1x16xf32>,
          %get3A_1072 = vector.shape_cast %get3A_1071 : vector<1x16xf32> to vector<16xf32>
          %add3A_1073 = arith.addf %get3A_1021, %get3A_1028 : vector<16xf32>
          %add3A_1074 = arith.constant 5 : i32
          %add3A_1075 = arith.addi %mul3A_1038, %add3A_1074 : i32
          %get3A_1076 = arith.index_cast %add3A_1075 : i32 to index
          %get3A_1077 = arith.constant 48 : index
          %get3A_1078 = tpu.vector_load %arg7[%get3A_1076, %get3A_1077] {strides = array<i32>} : memref<400x128xf32, #tpu.memory_space<vmem>>, vector<1x16xf32>,
          %get3A_1079 = vector.shape_cast %get3A_1078 : vector<1x16xf32> to vector<16xf32>
          %add3A_1080 = arith.addf %add3A_1045, %add3A_1052 : vector<16xf32>
          %add3A_1081 = arith.constant 6 : i32
          %add3A_1082 = arith.addi %mul3A_1038, %add3A_1081 : i32
          %get3A_1083 = arith.index_cast %add3A_1082 : i32 to index
          %get3A_1084 = arith.constant 48 : index
          %get3A_1085 = tpu.vector_load %arg7[%get3A_1083, %get3A_1084] {strides = array<i32>} : memref<400x128xf32, #tpu.memory_space<vmem>>, vector<1x16xf32>,
          %get3A_1086 = vector.shape_cast %get3A_1085 : vector<1x16xf32> to vector<16xf32>
          %add3A_1087 = arith.addf %add3A_1059, %add3A_1066 : vector<16xf32>
          %add3A_1088 = arith.constant 7 : i32
          %add3A_1089 = arith.addi %mul3A_1038, %add3A_1088 : i32
          %get3A_1090 = arith.index_cast %add3A_1089 : i32 to index
          %get3A_1091 = arith.constant 48 : index
          %get3A_1092 = tpu.vector_load %arg7[%get3A_1090, %get3A_1091] {strides = array<i32>} : memref<400x128xf32, #tpu.memory_space<vmem>>, vector<1x16xf32>,
          %get3A_1093 = vector.shape_cast %get3A_1092 : vector<1x16xf32> to vector<16xf32>
          %add3A_1094 = arith.constant 8 : i32
          %add3A_1095 = arith.addi %mul3A_1038, %add3A_1094 : i32
          %get3A_1096 = arith.index_cast %add3A_1095 : i32 to index
          %get3A_1097 = arith.constant 48 : index
          %get3A_1098 = tpu.vector_load %arg7[%get3A_1096, %get3A_1097] {strides = array<i32>} : memref<400x128xf32, #tpu.memory_space<vmem>>, vector<1x16xf32>,
          %get3A_1099 = vector.shape_cast %get3A_1098 : vector<1x16xf32> to vector<16xf32>
          %add3A_1100 = arith.addf %add3A_1080, %add3A_1087 : vector<16xf32>
          %add3A_1101 = arith.constant 9 : i32
          %add3A_1102 = arith.addi %mul3A_1038, %add3A_1101 : i32
          %get3A_1103 = arith.index_cast %add3A_1102 : i32 to index
          %get3A_1104 = arith.constant 48 : index
          %get3A_1105 = tpu.vector_load %arg7[%get3A_1103, %get3A_1104] {strides = array<i32>} : memref<400x128xf32, #tpu.memory_space<vmem>>, vector<1x16xf32>,
          %get3A_1106 = vector.shape_cast %get3A_1105 : vector<1x16xf32> to vector<16xf32>
          %add3A_1107 = arith.addf %add3A_1100, %add3A_1073 : vector<16xf32>
          %mul3A_1108 = vector.broadcast %scan3A_66 : f32 to vector<16xf32>
          %mul3A_1109 = arith.mulf %add3A_1107, %mul3A_1108 : vector<16xf32>
          %swap3A_1110 = arith.index_cast %add3A_154 : i32 to index
          %swap3A_1111 = arith.constant 32 : index
          %swap3A_1112 = tpu.vector_load %arg9[%swap3A_1110, %swap3A_1111] {strides = array<i32>} : memref<40x128xf32, #tpu.memory_space<vmem>>, vector<1x16xf32>,
          %swap3A_1113 = vector.shape_cast %swap3A_1112 : vector<1x16xf32> to vector<16xf32>
          %swap3A_1114 = vector.shape_cast %mul3A_1109 : vector<16xf32> to vector<1x16xf32>
          tpu.vector_store %arg9[%swap3A_1110, %swap3A_1111], %swap3A_1114 {strides = array<i32>} : memref<40x128xf32, #tpu.memory_space<vmem>>, vector<1x16xf32>,
          %mul3A_1115 = arith.constant 10 : i32
          %mul3A_1116 = arith.muli %add3A_158, %mul3A_1115 : i32
          %add3A_1117 = arith.constant 0 : i32
          %add3A_1118 = arith.addi %mul3A_1116, %add3A_1117 : i32
          %get3A_1119 = arith.index_cast %add3A_1118 : i32 to index
          %get3A_1120 = arith.constant 64 : index
          %get3A_1121 = tpu.vector_load %arg7[%get3A_1119, %get3A_1120] {strides = array<i32>} : memref<400x128xf32, #tpu.memory_space<vmem>>, vector<1x16xf32>,
          %get3A_1122 = vector.shape_cast %get3A_1121 : vector<1x16xf32> to vector<16xf32>
          %add3A_1123 = arith.addf %get3A_1044, %get3A_1051 : vector<16xf32>
          %add3A_1124 = arith.constant 1 : i32
          %add3A_1125 = arith.addi %mul3A_1116, %add3A_1124 : i32
          %get3A_1126 = arith.index_cast %add3A_1125 : i32 to index
          %get3A_1127 = arith.constant 64 : index
          %get3A_1128 = tpu.vector_load %arg7[%get3A_1126, %get3A_1127] {strides = array<i32>} : memref<400x128xf32, #tpu.memory_space<vmem>>, vector<1x16xf32>,
          %get3A_1129 = vector.shape_cast %get3A_1128 : vector<1x16xf32> to vector<16xf32>
          %add3A_1130 = arith.addf %get3A_1058, %get3A_1065 : vector<16xf32>
          %add3A_1131 = arith.constant 2 : i32
          %add3A_1132 = arith.addi %mul3A_1116, %add3A_1131 : i32
          %get3A_1133 = arith.index_cast %add3A_1132 : i32 to index
          %get3A_1134 = arith.constant 64 : index
          %get3A_1135 = tpu.vector_load %arg7[%get3A_1133, %get3A_1134] {strides = array<i32>} : memref<400x128xf32, #tpu.memory_space<vmem>>, vector<1x16xf32>,
          %get3A_1136 = vector.shape_cast %get3A_1135 : vector<1x16xf32> to vector<16xf32>
          %add3A_1137 = arith.addf %get3A_1072, %get3A_1079 : vector<16xf32>
          %add3A_1138 = arith.constant 3 : i32
          %add3A_1139 = arith.addi %mul3A_1116, %add3A_1138 : i32
          %get3A_1140 = arith.index_cast %add3A_1139 : i32 to index
          %get3A_1141 = arith.constant 64 : index
          %get3A_1142 = tpu.vector_load %arg7[%get3A_1140, %get3A_1141] {strides = array<i32>} : memref<400x128xf32, #tpu.memory_space<vmem>>, vector<1x16xf32>,
          %get3A_1143 = vector.shape_cast %get3A_1142 : vector<1x16xf32> to vector<16xf32>
          %add3A_1144 = arith.addf %get3A_1086, %get3A_1093 : vector<16xf32>
          %add3A_1145 = arith.constant 4 : i32
          %add3A_1146 = arith.addi %mul3A_1116, %add3A_1145 : i32
          %get3A_1147 = arith.index_cast %add3A_1146 : i32 to index
          %get3A_1148 = arith.constant 64 : index
          %get3A_1149 = tpu.vector_load %arg7[%get3A_1147, %get3A_1148] {strides = array<i32>} : memref<400x128xf32, #tpu.memory_space<vmem>>, vector<1x16xf32>,
          %get3A_1150 = vector.shape_cast %get3A_1149 : vector<1x16xf32> to vector<16xf32>
          %add3A_1151 = arith.addf %get3A_1099, %get3A_1106 : vector<16xf32>
          %add3A_1152 = arith.constant 5 : i32
          %add3A_1153 = arith.addi %mul3A_1116, %add3A_1152 : i32
          %get3A_1154 = arith.index_cast %add3A_1153 : i32 to index
          %get3A_1155 = arith.constant 64 : index
          %get3A_1156 = tpu.vector_load %arg7[%get3A_1154, %get3A_1155] {strides = array<i32>} : memref<400x128xf32, #tpu.memory_space<vmem>>, vector<1x16xf32>,
          %get3A_1157 = vector.shape_cast %get3A_1156 : vector<1x16xf32> to vector<16xf32>
          %add3A_1158 = arith.addf %add3A_1123, %add3A_1130 : vector<16xf32>
          %add3A_1159 = arith.constant 6 : i32
          %add3A_1160 = arith.addi %mul3A_1116, %add3A_1159 : i32
          %get3A_1161 = arith.index_cast %add3A_1160 : i32 to index
          %get3A_1162 = arith.constant 64 : index
          %get3A_1163 = tpu.vector_load %arg7[%get3A_1161, %get3A_1162] {strides = array<i32>} : memref<400x128xf32, #tpu.memory_space<vmem>>, vector<1x16xf32>,
          %get3A_1164 = vector.shape_cast %get3A_1163 : vector<1x16xf32> to vector<16xf32>
          %add3A_1165 = arith.addf %add3A_1137, %add3A_1144 : vector<16xf32>
          %add3A_1166 = arith.constant 7 : i32
          %add3A_1167 = arith.addi %mul3A_1116, %add3A_1166 : i32
          %get3A_1168 = arith.index_cast %add3A_1167 : i32 to index
          %get3A_1169 = arith.constant 64 : index
          %get3A_1170 = tpu.vector_load %arg7[%get3A_1168, %get3A_1169] {strides = array<i32>} : memref<400x128xf32, #tpu.memory_space<vmem>>, vector<1x16xf32>,
          %get3A_1171 = vector.shape_cast %get3A_1170 : vector<1x16xf32> to vector<16xf32>
          %add3A_1172 = arith.constant 8 : i32
          %add3A_1173 = arith.addi %mul3A_1116, %add3A_1172 : i32
          %get3A_1174 = arith.index_cast %add3A_1173 : i32 to index
          %get3A_1175 = arith.constant 64 : index
          %get3A_1176 = tpu.vector_load %arg7[%get3A_1174, %get3A_1175] {strides = array<i32>} : memref<400x128xf32, #tpu.memory_space<vmem>>, vector<1x16xf32>,
          %get3A_1177 = vector.shape_cast %get3A_1176 : vector<1x16xf32> to vector<16xf32>
          %add3A_1178 = arith.addf %add3A_1158, %add3A_1165 : vector<16xf32>
          %add3A_1179 = arith.constant 9 : i32
          %add3A_1180 = arith.addi %mul3A_1116, %add3A_1179 : i32
          %get3A_1181 = arith.index_cast %add3A_1180 : i32 to index
          %get3A_1182 = arith.constant 64 : index
          %get3A_1183 = tpu.vector_load %arg7[%get3A_1181, %get3A_1182] {strides = array<i32>} : memref<400x128xf32, #tpu.memory_space<vmem>>, vector<1x16xf32>,
          %get3A_1184 = vector.shape_cast %get3A_1183 : vector<1x16xf32> to vector<16xf32>
          %add3A_1185 = arith.addf %add3A_1178, %add3A_1151 : vector<16xf32>
          %mul3A_1186 = vector.broadcast %scan3A_66 : f32 to vector<16xf32>
          %mul3A_1187 = arith.mulf %add3A_1185, %mul3A_1186 : vector<16xf32>
          %swap3A_1188 = arith.index_cast %add3A_156 : i32 to index
          %swap3A_1189 = arith.constant 48 : index
          %swap3A_1190 = tpu.vector_load %arg9[%swap3A_1188, %swap3A_1189] {strides = array<i32>} : memref<40x128xf32, #tpu.memory_space<vmem>>, vector<1x16xf32>,
          %swap3A_1191 = vector.shape_cast %swap3A_1190 : vector<1x16xf32> to vector<16xf32>
          %swap3A_1192 = vector.shape_cast %mul3A_1187 : vector<16xf32> to vector<1x16xf32>
          tpu.vector_store %arg9[%swap3A_1188, %swap3A_1189], %swap3A_1192 {strides = array<i32>} : memref<40x128xf32, #tpu.memory_space<vmem>>, vector<1x16xf32>,
          %mul3A_1193 = arith.constant 10 : i32
          %mul3A_1194 = arith.muli %add3A_160, %mul3A_1193 : i32
          %add3A_1195 = arith.constant 0 : i32
          %add3A_1196 = arith.addi %mul3A_1194, %add3A_1195 : i32
          %get3A_1197 = arith.index_cast %add3A_1196 : i32 to index
          %get3A_1198 = arith.constant 80 : index
          %get3A_1199 = tpu.vector_load %arg7[%get3A_1197, %get3A_1198] {strides = array<i32>} : memref<400x128xf32, #tpu.memory_space<vmem>>, vector<1x16xf32>,
          %get3A_1200 = vector.shape_cast %get3A_1199 : vector<1x16xf32> to vector<16xf32>
          %add3A_1201 = arith.addf %get3A_1122, %get3A_1129 : vector<16xf32>
          %add3A_1202 = arith.constant 1 : i32
          %add3A_1203 = arith.addi %mul3A_1194, %add3A_1202 : i32
          %get3A_1204 = arith.index_cast %add3A_1203 : i32 to index
          %get3A_1205 = arith.constant 80 : index
          %get3A_1206 = tpu.vector_load %arg7[%get3A_1204, %get3A_1205] {strides = array<i32>} : memref<400x128xf32, #tpu.memory_space<vmem>>, vector<1x16xf32>,
          %get3A_1207 = vector.shape_cast %get3A_1206 : vector<1x16xf32> to vector<16xf32>
          %add3A_1208 = arith.addf %get3A_1136, %get3A_1143 : vector<16xf32>
          %add3A_1209 = arith.constant 2 : i32
          %add3A_1210 = arith.addi %mul3A_1194, %add3A_1209 : i32
          %get3A_1211 = arith.index_cast %add3A_1210 : i32 to index
          %get3A_1212 = arith.constant 80 : index
          %get3A_1213 = tpu.vector_load %arg7[%get3A_1211, %get3A_1212] {strides = array<i32>} : memref<400x128xf32, #tpu.memory_space<vmem>>, vector<1x16xf32>,
          %get3A_1214 = vector.shape_cast %get3A_1213 : vector<1x16xf32> to vector<16xf32>
          %add3A_1215 = arith.addf %get3A_1150, %get3A_1157 : vector<16xf32>
          %add3A_1216 = arith.constant 3 : i32
          %add3A_1217 = arith.addi %mul3A_1194, %add3A_1216 : i32
          %get3A_1218 = arith.index_cast %add3A_1217 : i32 to index
          %get3A_1219 = arith.constant 80 : index
          %get3A_1220 = tpu.vector_load %arg7[%get3A_1218, %get3A_1219] {strides = array<i32>} : memref<400x128xf32, #tpu.memory_space<vmem>>, vector<1x16xf32>,
          %get3A_1221 = vector.shape_cast %get3A_1220 : vector<1x16xf32> to vector<16xf32>
          %add3A_1222 = arith.addf %get3A_1164, %get3A_1171 : vector<16xf32>
          %add3A_1223 = arith.constant 4 : i32
          %add3A_1224 = arith.addi %mul3A_1194, %add3A_1223 : i32
          %get3A_1225 = arith.index_cast %add3A_1224 : i32 to index
          %get3A_1226 = arith.constant 80 : index
          %get3A_1227 = tpu.vector_load %arg7[%get3A_1225, %get3A_1226] {strides = array<i32>} : memref<400x128xf32, #tpu.memory_space<vmem>>, vector<1x16xf32>,
          %get3A_1228 = vector.shape_cast %get3A_1227 : vector<1x16xf32> to vector<16xf32>
          %add3A_1229 = arith.addf %get3A_1177, %get3A_1184 : vector<16xf32>
          %add3A_1230 = arith.constant 5 : i32
          %add3A_1231 = arith.addi %mul3A_1194, %add3A_1230 : i32
          %get3A_1232 = arith.index_cast %add3A_1231 : i32 to index
          %get3A_1233 = arith.constant 80 : index
          %get3A_1234 = tpu.vector_load %arg7[%get3A_1232, %get3A_1233] {strides = array<i32>} : memref<400x128xf32, #tpu.memory_space<vmem>>, vector<1x16xf32>,
          %get3A_1235 = vector.shape_cast %get3A_1234 : vector<1x16xf32> to vector<16xf32>
          %add3A_1236 = arith.addf %add3A_1201, %add3A_1208 : vector<16xf32>
          %add3A_1237 = arith.constant 6 : i32
          %add3A_1238 = arith.addi %mul3A_1194, %add3A_1237 : i32
          %get3A_1239 = arith.index_cast %add3A_1238 : i32 to index
          %get3A_1240 = arith.constant 80 : index
          %get3A_1241 = tpu.vector_load %arg7[%get3A_1239, %get3A_1240] {strides = array<i32>} : memref<400x128xf32, #tpu.memory_space<vmem>>, vector<1x16xf32>,
          %get3A_1242 = vector.shape_cast %get3A_1241 : vector<1x16xf32> to vector<16xf32>
          %add3A_1243 = arith.addf %add3A_1215, %add3A_1222 : vector<16xf32>
          %add3A_1244 = arith.constant 7 : i32
          %add3A_1245 = arith.addi %mul3A_1194, %add3A_1244 : i32
          %get3A_1246 = arith.index_cast %add3A_1245 : i32 to index
          %get3A_1247 = arith.constant 80 : index
          %get3A_1248 = tpu.vector_load %arg7[%get3A_1246, %get3A_1247] {strides = array<i32>} : memref<400x128xf32, #tpu.memory_space<vmem>>, vector<1x16xf32>,
          %get3A_1249 = vector.shape_cast %get3A_1248 : vector<1x16xf32> to vector<16xf32>
          %add3A_1250 = arith.constant 8 : i32
          %add3A_1251 = arith.addi %mul3A_1194, %add3A_1250 : i32
          %get3A_1252 = arith.index_cast %add3A_1251 : i32 to index
          %get3A_1253 = arith.constant 80 : index
          %get3A_1254 = tpu.vector_load %arg7[%get3A_1252, %get3A_1253] {strides = array<i32>} : memref<400x128xf32, #tpu.memory_space<vmem>>, vector<1x16xf32>,
          %get3A_1255 = vector.shape_cast %get3A_1254 : vector<1x16xf32> to vector<16xf32>
          %add3A_1256 = arith.addf %add3A_1236, %add3A_1243 : vector<16xf32>
          %add3A_1257 = arith.constant 9 : i32
          %add3A_1258 = arith.addi %mul3A_1194, %add3A_1257 : i32
          %get3A_1259 = arith.index_cast %add3A_1258 : i32 to index
          %get3A_1260 = arith.constant 80 : index
          %get3A_1261 = tpu.vector_load %arg7[%get3A_1259, %get3A_1260] {strides = array<i32>} : memref<400x128xf32, #tpu.memory_space<vmem>>, vector<1x16xf32>,
          %get3A_1262 = vector.shape_cast %get3A_1261 : vector<1x16xf32> to vector<16xf32>
          %add3A_1263 = arith.addf %add3A_1256, %add3A_1229 : vector<16xf32>
          %mul3A_1264 = vector.broadcast %scan3A_66 : f32 to vector<16xf32>
          %mul3A_1265 = arith.mulf %add3A_1263, %mul3A_1264 : vector<16xf32>
          %swap3A_1266 = arith.index_cast %add3A_158 : i32 to index
          %swap3A_1267 = arith.constant 64 : index
          %swap3A_1268 = tpu.vector_load %arg9[%swap3A_1266, %swap3A_1267] {strides = array<i32>} : memref<40x128xf32, #tpu.memory_space<vmem>>, vector<1x16xf32>,
          %swap3A_1269 = vector.shape_cast %swap3A_1268 : vector<1x16xf32> to vector<16xf32>
          %swap3A_1270 = vector.shape_cast %mul3A_1265 : vector<16xf32> to vector<1x16xf32>
          tpu.vector_store %arg9[%swap3A_1266, %swap3A_1267], %swap3A_1270 {strides = array<i32>} : memref<40x128xf32, #tpu.memory_space<vmem>>, vector<1x16xf32>,
          %mul3A_1271 = arith.constant 10 : i32
          %mul3A_1272 = arith.muli %add3A_162, %mul3A_1271 : i32
          %add3A_1273 = arith.constant 0 : i32
          %add3A_1274 = arith.addi %mul3A_1272, %add3A_1273 : i32
          %get3A_1275 = arith.index_cast %add3A_1274 : i32 to index
          %get3A_1276 = arith.constant 96 : index
          %get3A_1277 = tpu.vector_load %arg7[%get3A_1275, %get3A_1276] {strides = array<i32>} : memref<400x128xf32, #tpu.memory_space<vmem>>, vector<1x16xf32>,
          %get3A_1278 = vector.shape_cast %get3A_1277 : vector<1x16xf32> to vector<16xf32>
          %add3A_1279 = arith.addf %get3A_1200, %get3A_1207 : vector<16xf32>
          %add3A_1280 = arith.constant 1 : i32
          %add3A_1281 = arith.addi %mul3A_1272, %add3A_1280 : i32
          %get3A_1282 = arith.index_cast %add3A_1281 : i32 to index
          %get3A_1283 = arith.constant 96 : index
          %get3A_1284 = tpu.vector_load %arg7[%get3A_1282, %get3A_1283] {strides = array<i32>} : memref<400x128xf32, #tpu.memory_space<vmem>>, vector<1x16xf32>,
          %get3A_1285 = vector.shape_cast %get3A_1284 : vector<1x16xf32> to vector<16xf32>
          %add3A_1286 = arith.addf %get3A_1214, %get3A_1221 : vector<16xf32>
          %add3A_1287 = arith.constant 2 : i32
          %add3A_1288 = arith.addi %mul3A_1272, %add3A_1287 : i32
          %get3A_1289 = arith.index_cast %add3A_1288 : i32 to index
          %get3A_1290 = arith.constant 96 : index
          %get3A_1291 = tpu.vector_load %arg7[%get3A_1289, %get3A_1290] {strides = array<i32>} : memref<400x128xf32, #tpu.memory_space<vmem>>, vector<1x16xf32>,
          %get3A_1292 = vector.shape_cast %get3A_1291 : vector<1x16xf32> to vector<16xf32>
          %add3A_1293 = arith.addf %get3A_1228, %get3A_1235 : vector<16xf32>
          %add3A_1294 = arith.constant 3 : i32
          %add3A_1295 = arith.addi %mul3A_1272, %add3A_1294 : i32
          %get3A_1296 = arith.index_cast %add3A_1295 : i32 to index
          %get3A_1297 = arith.constant 96 : index
          %get3A_1298 = tpu.vector_load %arg7[%get3A_1296, %get3A_1297] {strides = array<i32>} : memref<400x128xf32, #tpu.memory_space<vmem>>, vector<1x16xf32>,
          %get3A_1299 = vector.shape_cast %get3A_1298 : vector<1x16xf32> to vector<16xf32>
          %add3A_1300 = arith.addf %get3A_1242, %get3A_1249 : vector<16xf32>
          %add3A_1301 = arith.constant 4 : i32
          %add3A_1302 = arith.addi %mul3A_1272, %add3A_1301 : i32
          %get3A_1303 = arith.index_cast %add3A_1302 : i32 to index
          %get3A_1304 = arith.constant 96 : index
          %get3A_1305 = tpu.vector_load %arg7[%get3A_1303, %get3A_1304] {strides = array<i32>} : memref<400x128xf32, #tpu.memory_space<vmem>>, vector<1x16xf32>,
          %get3A_1306 = vector.shape_cast %get3A_1305 : vector<1x16xf32> to vector<16xf32>
          %add3A_1307 = arith.addf %get3A_1255, %get3A_1262 : vector<16xf32>
          %add3A_1308 = arith.constant 5 : i32
          %add3A_1309 = arith.addi %mul3A_1272, %add3A_1308 : i32
          %get3A_1310 = arith.index_cast %add3A_1309 : i32 to index
          %get3A_1311 = arith.constant 96 : index
          %get3A_1312 = tpu.vector_load %arg7[%get3A_1310, %get3A_1311] {strides = array<i32>} : memref<400x128xf32, #tpu.memory_space<vmem>>, vector<1x16xf32>,
          %get3A_1313 = vector.shape_cast %get3A_1312 : vector<1x16xf32> to vector<16xf32>
          %add3A_1314 = arith.addf %add3A_1279, %add3A_1286 : vector<16xf32>
          %add3A_1315 = arith.constant 6 : i32
          %add3A_1316 = arith.addi %mul3A_1272, %add3A_1315 : i32
          %get3A_1317 = arith.index_cast %add3A_1316 : i32 to index
          %get3A_1318 = arith.constant 96 : index
          %get3A_1319 = tpu.vector_load %arg7[%get3A_1317, %get3A_1318] {strides = array<i32>} : memref<400x128xf32, #tpu.memory_space<vmem>>, vector<1x16xf32>,
          %get3A_1320 = vector.shape_cast %get3A_1319 : vector<1x16xf32> to vector<16xf32>
          %add3A_1321 = arith.addf %add3A_1293, %add3A_1300 : vector<16xf32>
          %add3A_1322 = arith.constant 7 : i32
          %add3A_1323 = arith.addi %mul3A_1272, %add3A_1322 : i32
          %get3A_1324 = arith.index_cast %add3A_1323 : i32 to index
          %get3A_1325 = arith.constant 96 : index
          %get3A_1326 = tpu.vector_load %arg7[%get3A_1324, %get3A_1325] {strides = array<i32>} : memref<400x128xf32, #tpu.memory_space<vmem>>, vector<1x16xf32>,
          %get3A_1327 = vector.shape_cast %get3A_1326 : vector<1x16xf32> to vector<16xf32>
          %add3A_1328 = arith.constant 8 : i32
          %add3A_1329 = arith.addi %mul3A_1272, %add3A_1328 : i32
          %get3A_1330 = arith.index_cast %add3A_1329 : i32 to index
          %get3A_1331 = arith.constant 96 : index
          %get3A_1332 = tpu.vector_load %arg7[%get3A_1330, %get3A_1331] {strides = array<i32>} : memref<400x128xf32, #tpu.memory_space<vmem>>, vector<1x16xf32>,
          %get3A_1333 = vector.shape_cast %get3A_1332 : vector<1x16xf32> to vector<16xf32>
          %add3A_1334 = arith.addf %add3A_1314, %add3A_1321 : vector<16xf32>
          %add3A_1335 = arith.constant 9 : i32
          %add3A_1336 = arith.addi %mul3A_1272, %add3A_1335 : i32
          %get3A_1337 = arith.index_cast %add3A_1336 : i32 to index
          %get3A_1338 = arith.constant 96 : index
          %get3A_1339 = tpu.vector_load %arg7[%get3A_1337, %get3A_1338] {strides = array<i32>} : memref<400x128xf32, #tpu.memory_space<vmem>>, vector<1x16xf32>,
          %get3A_1340 = vector.shape_cast %get3A_1339 : vector<1x16xf32> to vector<16xf32>
          %add3A_1341 = arith.addf %add3A_1334, %add3A_1307 : vector<16xf32>
          %mul3A_1342 = vector.broadcast %scan3A_66 : f32 to vector<16xf32>
          %mul3A_1343 = arith.mulf %add3A_1341, %mul3A_1342 : vector<16xf32>
          %swap3A_1344 = arith.index_cast %add3A_160 : i32 to index
          %swap3A_1345 = arith.constant 80 : index
          %swap3A_1346 = tpu.vector_load %arg9[%swap3A_1344, %swap3A_1345] {strides = array<i32>} : memref<40x128xf32, #tpu.memory_space<vmem>>, vector<1x16xf32>,
          %swap3A_1347 = vector.shape_cast %swap3A_1346 : vector<1x16xf32> to vector<16xf32>
          %swap3A_1348 = vector.shape_cast %mul3A_1343 : vector<16xf32> to vector<1x16xf32>
          tpu.vector_store %arg9[%swap3A_1344, %swap3A_1345], %swap3A_1348 {strides = array<i32>} : memref<40x128xf32, #tpu.memory_space<vmem>>, vector<1x16xf32>,
          %mul3A_1349 = arith.constant 10 : i32
          %mul3A_1350 = arith.muli %add3A_164, %mul3A_1349 : i32
          %add3A_1351 = arith.constant 0 : i32
          %add3A_1352 = arith.addi %mul3A_1350, %add3A_1351 : i32
          %get3A_1353 = arith.index_cast %add3A_1352 : i32 to index
          %get3A_1354 = arith.constant 112 : index
          %get3A_1355 = tpu.vector_load %arg7[%get3A_1353, %get3A_1354] {strides = array<i32>} : memref<400x128xf32, #tpu.memory_space<vmem>>, vector<1x16xf32>,
          %get3A_1356 = vector.shape_cast %get3A_1355 : vector<1x16xf32> to vector<16xf32>
          %add3A_1357 = arith.addf %get3A_1278, %get3A_1285 : vector<16xf32>
          %add3A_1358 = arith.constant 1 : i32
          %add3A_1359 = arith.addi %mul3A_1350, %add3A_1358 : i32
          %get3A_1360 = arith.index_cast %add3A_1359 : i32 to index
          %get3A_1361 = arith.constant 112 : index
          %get3A_1362 = tpu.vector_load %arg7[%get3A_1360, %get3A_1361] {strides = array<i32>} : memref<400x128xf32, #tpu.memory_space<vmem>>, vector<1x16xf32>,
          %get3A_1363 = vector.shape_cast %get3A_1362 : vector<1x16xf32> to vector<16xf32>
          %add3A_1364 = arith.addf %get3A_1292, %get3A_1299 : vector<16xf32>
          %add3A_1365 = arith.constant 2 : i32
          %add3A_1366 = arith.addi %mul3A_1350, %add3A_1365 : i32
          %get3A_1367 = arith.index_cast %add3A_1366 : i32 to index
          %get3A_1368 = arith.constant 112 : index
          %get3A_1369 = tpu.vector_load %arg7[%get3A_1367, %get3A_1368] {strides = array<i32>} : memref<400x128xf32, #tpu.memory_space<vmem>>, vector<1x16xf32>,
          %get3A_1370 = vector.shape_cast %get3A_1369 : vector<1x16xf32> to vector<16xf32>
          %add3A_1371 = arith.addf %get3A_1306, %get3A_1313 : vector<16xf32>
          %add3A_1372 = arith.constant 3 : i32
          %add3A_1373 = arith.addi %mul3A_1350, %add3A_1372 : i32
          %get3A_1374 = arith.index_cast %add3A_1373 : i32 to index
          %get3A_1375 = arith.constant 112 : index
          %get3A_1376 = tpu.vector_load %arg7[%get3A_1374, %get3A_1375] {strides = array<i32>} : memref<400x128xf32, #tpu.memory_space<vmem>>, vector<1x16xf32>,
          %get3A_1377 = vector.shape_cast %get3A_1376 : vector<1x16xf32> to vector<16xf32>
          %add3A_1378 = arith.addf %get3A_1320, %get3A_1327 : vector<16xf32>
          %add3A_1379 = arith.constant 4 : i32
          %add3A_1380 = arith.addi %mul3A_1350, %add3A_1379 : i32
          %get3A_1381 = arith.index_cast %add3A_1380 : i32 to index
          %get3A_1382 = arith.constant 112 : index
          %get3A_1383 = tpu.vector_load %arg7[%get3A_1381, %get3A_1382] {strides = array<i32>} : memref<400x128xf32, #tpu.memory_space<vmem>>, vector<1x16xf32>,
          %get3A_1384 = vector.shape_cast %get3A_1383 : vector<1x16xf32> to vector<16xf32>
          %add3A_1385 = arith.addf %get3A_1333, %get3A_1340 : vector<16xf32>
          %add3A_1386 = arith.constant 5 : i32
          %add3A_1387 = arith.addi %mul3A_1350, %add3A_1386 : i32
          %get3A_1388 = arith.index_cast %add3A_1387 : i32 to index
          %get3A_1389 = arith.constant 112 : index
          %get3A_1390 = tpu.vector_load %arg7[%get3A_1388, %get3A_1389] {strides = array<i32>} : memref<400x128xf32, #tpu.memory_space<vmem>>, vector<1x16xf32>,
          %get3A_1391 = vector.shape_cast %get3A_1390 : vector<1x16xf32> to vector<16xf32>
          %add3A_1392 = arith.addf %add3A_1357, %add3A_1364 : vector<16xf32>
          %add3A_1393 = arith.constant 6 : i32
          %add3A_1394 = arith.addi %mul3A_1350, %add3A_1393 : i32
          %get3A_1395 = arith.index_cast %add3A_1394 : i32 to index
          %get3A_1396 = arith.constant 112 : index
          %get3A_1397 = tpu.vector_load %arg7[%get3A_1395, %get3A_1396] {strides = array<i32>} : memref<400x128xf32, #tpu.memory_space<vmem>>, vector<1x16xf32>,
          %get3A_1398 = vector.shape_cast %get3A_1397 : vector<1x16xf32> to vector<16xf32>
          %add3A_1399 = arith.addf %add3A_1371, %add3A_1378 : vector<16xf32>
          %add3A_1400 = arith.constant 7 : i32
          %add3A_1401 = arith.addi %mul3A_1350, %add3A_1400 : i32
          %get3A_1402 = arith.index_cast %add3A_1401 : i32 to index
          %get3A_1403 = arith.constant 112 : index
          %get3A_1404 = tpu.vector_load %arg7[%get3A_1402, %get3A_1403] {strides = array<i32>} : memref<400x128xf32, #tpu.memory_space<vmem>>, vector<1x16xf32>,
          %get3A_1405 = vector.shape_cast %get3A_1404 : vector<1x16xf32> to vector<16xf32>
          %add3A_1406 = arith.constant 8 : i32
          %add3A_1407 = arith.addi %mul3A_1350, %add3A_1406 : i32
          %get3A_1408 = arith.index_cast %add3A_1407 : i32 to index
          %get3A_1409 = arith.constant 112 : index
          %get3A_1410 = tpu.vector_load %arg7[%get3A_1408, %get3A_1409] {strides = array<i32>} : memref<400x128xf32, #tpu.memory_space<vmem>>, vector<1x16xf32>,
          %get3A_1411 = vector.shape_cast %get3A_1410 : vector<1x16xf32> to vector<16xf32>
          %add3A_1412 = arith.addf %add3A_1392, %add3A_1399 : vector<16xf32>
          %add3A_1413 = arith.constant 9 : i32
          %add3A_1414 = arith.addi %mul3A_1350, %add3A_1413 : i32
          %get3A_1415 = arith.index_cast %add3A_1414 : i32 to index
          %get3A_1416 = arith.constant 112 : index
          %get3A_1417 = tpu.vector_load %arg7[%get3A_1415, %get3A_1416] {strides = array<i32>} : memref<400x128xf32, #tpu.memory_space<vmem>>, vector<1x16xf32>,
          %get3A_1418 = vector.shape_cast %get3A_1417 : vector<1x16xf32> to vector<16xf32>
          %add3A_1419 = arith.addf %add3A_1412, %add3A_1385 : vector<16xf32>
          %mul3A_1420 = vector.broadcast %scan3A_66 : f32 to vector<16xf32>
          %mul3A_1421 = arith.mulf %add3A_1419, %mul3A_1420 : vector<16xf32>
          %swap3A_1422 = arith.index_cast %add3A_162 : i32 to index
          %swap3A_1423 = arith.constant 96 : index
          %swap3A_1424 = tpu.vector_load %arg9[%swap3A_1422, %swap3A_1423] {strides = array<i32>} : memref<40x128xf32, #tpu.memory_space<vmem>>, vector<1x16xf32>,
          %swap3A_1425 = vector.shape_cast %swap3A_1424 : vector<1x16xf32> to vector<16xf32>
          %swap3A_1426 = vector.shape_cast %mul3A_1421 : vector<16xf32> to vector<1x16xf32>
          tpu.vector_store %arg9[%swap3A_1422, %swap3A_1423], %swap3A_1426 {strides = array<i32>} : memref<40x128xf32, #tpu.memory_space<vmem>>, vector<1x16xf32>,
          %mul3A_1427 = arith.constant 10 : i32
          %mul3A_1428 = arith.muli %add3A_166, %mul3A_1427 : i32
          %add3A_1429 = arith.constant 0 : i32
          %add3A_1430 = arith.addi %mul3A_1428, %add3A_1429 : i32
          %get3A_1431 = arith.index_cast %add3A_1430 : i32 to index
          %get3A_1432 = arith.constant 0 : index
          %get3A_1433 = tpu.vector_load %arg7[%get3A_1431, %get3A_1432] {strides = array<i32>} : memref<400x128xf32, #tpu.memory_space<vmem>>, vector<1x16xf32>,
          %get3A_1434 = vector.shape_cast %get3A_1433 : vector<1x16xf32> to vector<16xf32>
          %add3A_1435 = arith.addf %get3A_1356, %get3A_1363 : vector<16xf32>
          %add3A_1436 = arith.constant 1 : i32
          %add3A_1437 = arith.addi %mul3A_1428, %add3A_1436 : i32
          %get3A_1438 = arith.index_cast %add3A_1437 : i32 to index
          %get3A_1439 = arith.constant 0 : index
          %get3A_1440 = tpu.vector_load %arg7[%get3A_1438, %get3A_1439] {strides = array<i32>} : memref<400x128xf32, #tpu.memory_space<vmem>>, vector<1x16xf32>,
          %get3A_1441 = vector.shape_cast %get3A_1440 : vector<1x16xf32> to vector<16xf32>
          %add3A_1442 = arith.addf %get3A_1370, %get3A_1377 : vector<16xf32>
          %add3A_1443 = arith.constant 2 : i32
          %add3A_1444 = arith.addi %mul3A_1428, %add3A_1443 : i32
          %get3A_1445 = arith.index_cast %add3A_1444 : i32 to index
          %get3A_1446 = arith.constant 0 : index
          %get3A_1447 = tpu.vector_load %arg7[%get3A_1445, %get3A_1446] {strides = array<i32>} : memref<400x128xf32, #tpu.memory_space<vmem>>, vector<1x16xf32>,
          %get3A_1448 = vector.shape_cast %get3A_1447 : vector<1x16xf32> to vector<16xf32>
          %add3A_1449 = arith.addf %get3A_1384, %get3A_1391 : vector<16xf32>
          %add3A_1450 = arith.constant 3 : i32
          %add3A_1451 = arith.addi %mul3A_1428, %add3A_1450 : i32
          %get3A_1452 = arith.index_cast %add3A_1451 : i32 to index
          %get3A_1453 = arith.constant 0 : index
          %get3A_1454 = tpu.vector_load %arg7[%get3A_1452, %get3A_1453] {strides = array<i32>} : memref<400x128xf32, #tpu.memory_space<vmem>>, vector<1x16xf32>,
          %get3A_1455 = vector.shape_cast %get3A_1454 : vector<1x16xf32> to vector<16xf32>
          %add3A_1456 = arith.addf %get3A_1398, %get3A_1405 : vector<16xf32>
          %add3A_1457 = arith.constant 4 : i32
          %add3A_1458 = arith.addi %mul3A_1428, %add3A_1457 : i32
          %get3A_1459 = arith.index_cast %add3A_1458 : i32 to index
          %get3A_1460 = arith.constant 0 : index
          %get3A_1461 = tpu.vector_load %arg7[%get3A_1459, %get3A_1460] {strides = array<i32>} : memref<400x128xf32, #tpu.memory_space<vmem>>, vector<1x16xf32>,
          %get3A_1462 = vector.shape_cast %get3A_1461 : vector<1x16xf32> to vector<16xf32>
          %add3A_1463 = arith.addf %get3A_1411, %get3A_1418 : vector<16xf32>
          %add3A_1464 = arith.constant 5 : i32
          %add3A_1465 = arith.addi %mul3A_1428, %add3A_1464 : i32
          %get3A_1466 = arith.index_cast %add3A_1465 : i32 to index
          %get3A_1467 = arith.constant 0 : index
          %get3A_1468 = tpu.vector_load %arg7[%get3A_1466, %get3A_1467] {strides = array<i32>} : memref<400x128xf32, #tpu.memory_space<vmem>>, vector<1x16xf32>,
          %get3A_1469 = vector.shape_cast %get3A_1468 : vector<1x16xf32> to vector<16xf32>
          %add3A_1470 = arith.addf %add3A_1435, %add3A_1442 : vector<16xf32>
          %add3A_1471 = arith.constant 6 : i32
          %add3A_1472 = arith.addi %mul3A_1428, %add3A_1471 : i32
          %get3A_1473 = arith.index_cast %add3A_1472 : i32 to index
          %get3A_1474 = arith.constant 0 : index
          %get3A_1475 = tpu.vector_load %arg7[%get3A_1473, %get3A_1474] {strides = array<i32>} : memref<400x128xf32, #tpu.memory_space<vmem>>, vector<1x16xf32>,
          %get3A_1476 = vector.shape_cast %get3A_1475 : vector<1x16xf32> to vector<16xf32>
          %add3A_1477 = arith.addf %add3A_1449, %add3A_1456 : vector<16xf32>
          %add3A_1478 = arith.constant 7 : i32
          %add3A_1479 = arith.addi %mul3A_1428, %add3A_1478 : i32
          %get3A_1480 = arith.index_cast %add3A_1479 : i32 to index
          %get3A_1481 = arith.constant 0 : index
          %get3A_1482 = tpu.vector_load %arg7[%get3A_1480, %get3A_1481] {strides = array<i32>} : memref<400x128xf32, #tpu.memory_space<vmem>>, vector<1x16xf32>,
          %get3A_1483 = vector.shape_cast %get3A_1482 : vector<1x16xf32> to vector<16xf32>
          %add3A_1484 = arith.constant 8 : i32
          %add3A_1485 = arith.addi %mul3A_1428, %add3A_1484 : i32
          %get3A_1486 = arith.index_cast %add3A_1485 : i32 to index
          %get3A_1487 = arith.constant 0 : index
          %get3A_1488 = tpu.vector_load %arg7[%get3A_1486, %get3A_1487] {strides = array<i32>} : memref<400x128xf32, #tpu.memory_space<vmem>>, vector<1x16xf32>,
          %get3A_1489 = vector.shape_cast %get3A_1488 : vector<1x16xf32> to vector<16xf32>
          %add3A_1490 = arith.addf %add3A_1470, %add3A_1477 : vector<16xf32>
          %add3A_1491 = arith.constant 9 : i32
          %add3A_1492 = arith.addi %mul3A_1428, %add3A_1491 : i32
          %get3A_1493 = arith.index_cast %add3A_1492 : i32 to index
          %get3A_1494 = arith.constant 0 : index
          %get3A_1495 = tpu.vector_load %arg7[%get3A_1493, %get3A_1494] {strides = array<i32>} : memref<400x128xf32, #tpu.memory_space<vmem>>, vector<1x16xf32>,
          %get3A_1496 = vector.shape_cast %get3A_1495 : vector<1x16xf32> to vector<16xf32>
          %add3A_1497 = arith.addf %add3A_1490, %add3A_1463 : vector<16xf32>
          %mul3A_1498 = vector.broadcast %scan3A_66 : f32 to vector<16xf32>
          %mul3A_1499 = arith.mulf %add3A_1497, %mul3A_1498 : vector<16xf32>
          %swap3A_1500 = arith.index_cast %add3A_164 : i32 to index
          %swap3A_1501 = arith.constant 112 : index
          %swap3A_1502 = tpu.vector_load %arg9[%swap3A_1500, %swap3A_1501] {strides = array<i32>} : memref<40x128xf32, #tpu.memory_space<vmem>>, vector<1x16xf32>,
          %swap3A_1503 = vector.shape_cast %swap3A_1502 : vector<1x16xf32> to vector<16xf32>
          %swap3A_1504 = vector.shape_cast %mul3A_1499 : vector<16xf32> to vector<1x16xf32>
          tpu.vector_store %arg9[%swap3A_1500, %swap3A_1501], %swap3A_1504 {strides = array<i32>} : memref<40x128xf32, #tpu.memory_space<vmem>>, vector<1x16xf32>,
          %mul3A_1505 = arith.constant 10 : i32
          %mul3A_1506 = arith.muli %add3A_168, %mul3A_1505 : i32
          %add3A_1507 = arith.constant 0 : i32
          %add3A_1508 = arith.addi %mul3A_1506, %add3A_1507 : i32
          %get3A_1509 = arith.index_cast %add3A_1508 : i32 to index
          %get3A_1510 = arith.constant 16 : index
          %get3A_1511 = tpu.vector_load %arg7[%get3A_1509, %get3A_1510] {strides = array<i32>} : memref<400x128xf32, #tpu.memory_space<vmem>>, vector<1x16xf32>,
          %get3A_1512 = vector.shape_cast %get3A_1511 : vector<1x16xf32> to vector<16xf32>
          %add3A_1513 = arith.addf %get3A_1434, %get3A_1441 : vector<16xf32>
          %add3A_1514 = arith.constant 1 : i32
          %add3A_1515 = arith.addi %mul3A_1506, %add3A_1514 : i32
          %get3A_1516 = arith.index_cast %add3A_1515 : i32 to index
          %get3A_1517 = arith.constant 16 : index
          %get3A_1518 = tpu.vector_load %arg7[%get3A_1516, %get3A_1517] {strides = array<i32>} : memref<400x128xf32, #tpu.memory_space<vmem>>, vector<1x16xf32>,
          %get3A_1519 = vector.shape_cast %get3A_1518 : vector<1x16xf32> to vector<16xf32>
          %add3A_1520 = arith.addf %get3A_1448, %get3A_1455 : vector<16xf32>
          %add3A_1521 = arith.constant 2 : i32
          %add3A_1522 = arith.addi %mul3A_1506, %add3A_1521 : i32
          %get3A_1523 = arith.index_cast %add3A_1522 : i32 to index
          %get3A_1524 = arith.constant 16 : index
          %get3A_1525 = tpu.vector_load %arg7[%get3A_1523, %get3A_1524] {strides = array<i32>} : memref<400x128xf32, #tpu.memory_space<vmem>>, vector<1x16xf32>,
          %get3A_1526 = vector.shape_cast %get3A_1525 : vector<1x16xf32> to vector<16xf32>
          %add3A_1527 = arith.addf %get3A_1462, %get3A_1469 : vector<16xf32>
          %add3A_1528 = arith.constant 3 : i32
          %add3A_1529 = arith.addi %mul3A_1506, %add3A_1528 : i32
          %get3A_1530 = arith.index_cast %add3A_1529 : i32 to index
          %get3A_1531 = arith.constant 16 : index
          %get3A_1532 = tpu.vector_load %arg7[%get3A_1530, %get3A_1531] {strides = array<i32>} : memref<400x128xf32, #tpu.memory_space<vmem>>, vector<1x16xf32>,
          %get3A_1533 = vector.shape_cast %get3A_1532 : vector<1x16xf32> to vector<16xf32>
          %add3A_1534 = arith.addf %get3A_1476, %get3A_1483 : vector<16xf32>
          %add3A_1535 = arith.constant 4 : i32
          %add3A_1536 = arith.addi %mul3A_1506, %add3A_1535 : i32
          %get3A_1537 = arith.index_cast %add3A_1536 : i32 to index
          %get3A_1538 = arith.constant 16 : index
          %get3A_1539 = tpu.vector_load %arg7[%get3A_1537, %get3A_1538] {strides = array<i32>} : memref<400x128xf32, #tpu.memory_space<vmem>>, vector<1x16xf32>,
          %get3A_1540 = vector.shape_cast %get3A_1539 : vector<1x16xf32> to vector<16xf32>
          %add3A_1541 = arith.addf %get3A_1489, %get3A_1496 : vector<16xf32>
          %add3A_1542 = arith.constant 5 : i32
          %add3A_1543 = arith.addi %mul3A_1506, %add3A_1542 : i32
          %get3A_1544 = arith.index_cast %add3A_1543 : i32 to index
          %get3A_1545 = arith.constant 16 : index
          %get3A_1546 = tpu.vector_load %arg7[%get3A_1544, %get3A_1545] {strides = array<i32>} : memref<400x128xf32, #tpu.memory_space<vmem>>, vector<1x16xf32>,
          %get3A_1547 = vector.shape_cast %get3A_1546 : vector<1x16xf32> to vector<16xf32>
          %add3A_1548 = arith.addf %add3A_1513, %add3A_1520 : vector<16xf32>
          %add3A_1549 = arith.constant 6 : i32
          %add3A_1550 = arith.addi %mul3A_1506, %add3A_1549 : i32
          %get3A_1551 = arith.index_cast %add3A_1550 : i32 to index
          %get3A_1552 = arith.constant 16 : index
          %get3A_1553 = tpu.vector_load %arg7[%get3A_1551, %get3A_1552] {strides = array<i32>} : memref<400x128xf32, #tpu.memory_space<vmem>>, vector<1x16xf32>,
          %get3A_1554 = vector.shape_cast %get3A_1553 : vector<1x16xf32> to vector<16xf32>
          %add3A_1555 = arith.addf %add3A_1527, %add3A_1534 : vector<16xf32>
          %add3A_1556 = arith.constant 7 : i32
          %add3A_1557 = arith.addi %mul3A_1506, %add3A_1556 : i32
          %get3A_1558 = arith.index_cast %add3A_1557 : i32 to index
          %get3A_1559 = arith.constant 16 : index
          %get3A_1560 = tpu.vector_load %arg7[%get3A_1558, %get3A_1559] {strides = array<i32>} : memref<400x128xf32, #tpu.memory_space<vmem>>, vector<1x16xf32>,
          %get3A_1561 = vector.shape_cast %get3A_1560 : vector<1x16xf32> to vector<16xf32>
          %add3A_1562 = arith.constant 8 : i32
          %add3A_1563 = arith.addi %mul3A_1506, %add3A_1562 : i32
          %get3A_1564 = arith.index_cast %add3A_1563 : i32 to index
          %get3A_1565 = arith.constant 16 : index
          %get3A_1566 = tpu.vector_load %arg7[%get3A_1564, %get3A_1565] {strides = array<i32>} : memref<400x128xf32, #tpu.memory_space<vmem>>, vector<1x16xf32>,
          %get3A_1567 = vector.shape_cast %get3A_1566 : vector<1x16xf32> to vector<16xf32>
          %add3A_1568 = arith.addf %add3A_1548, %add3A_1555 : vector<16xf32>
          %add3A_1569 = arith.constant 9 : i32
          %add3A_1570 = arith.addi %mul3A_1506, %add3A_1569 : i32
          %get3A_1571 = arith.index_cast %add3A_1570 : i32 to index
          %get3A_1572 = arith.constant 16 : index
          %get3A_1573 = tpu.vector_load %arg7[%get3A_1571, %get3A_1572] {strides = array<i32>} : memref<400x128xf32, #tpu.memory_space<vmem>>, vector<1x16xf32>,
          %get3A_1574 = vector.shape_cast %get3A_1573 : vector<1x16xf32> to vector<16xf32>
          %add3A_1575 = arith.addf %add3A_1568, %add3A_1541 : vector<16xf32>
          %mul3A_1576 = vector.broadcast %scan3A_66 : f32 to vector<16xf32>
          %mul3A_1577 = arith.mulf %add3A_1575, %mul3A_1576 : vector<16xf32>
          %swap3A_1578 = arith.index_cast %add3A_166 : i32 to index
          %swap3A_1579 = arith.constant 0 : index
          %swap3A_1580 = tpu.vector_load %arg9[%swap3A_1578, %swap3A_1579] {strides = array<i32>} : memref<40x128xf32, #tpu.memory_space<vmem>>, vector<1x16xf32>,
          %swap3A_1581 = vector.shape_cast %swap3A_1580 : vector<1x16xf32> to vector<16xf32>
          %swap3A_1582 = vector.shape_cast %mul3A_1577 : vector<16xf32> to vector<1x16xf32>
          tpu.vector_store %arg9[%swap3A_1578, %swap3A_1579], %swap3A_1582 {strides = array<i32>} : memref<40x128xf32, #tpu.memory_space<vmem>>, vector<1x16xf32>,
          %mul3A_1583 = arith.constant 10 : i32
          %mul3A_1584 = arith.muli %add3A_170, %mul3A_1583 : i32
          %add3A_1585 = arith.constant 0 : i32
          %add3A_1586 = arith.addi %mul3A_1584, %add3A_1585 : i32
          %get3A_1587 = arith.index_cast %add3A_1586 : i32 to index
          %get3A_1588 = arith.constant 32 : index
          %get3A_1589 = tpu.vector_load %arg7[%get3A_1587, %get3A_1588] {strides = array<i32>} : memref<400x128xf32, #tpu.memory_space<vmem>>, vector<1x16xf32>,
          %get3A_1590 = vector.shape_cast %get3A_1589 : vector<1x16xf32> to vector<16xf32>
          %add3A_1591 = arith.addf %get3A_1512, %get3A_1519 : vector<16xf32>
          %add3A_1592 = arith.constant 1 : i32
          %add3A_1593 = arith.addi %mul3A_1584, %add3A_1592 : i32
          %get3A_1594 = arith.index_cast %add3A_1593 : i32 to index
          %get3A_1595 = arith.constant 32 : index
          %get3A_1596 = tpu.vector_load %arg7[%get3A_1594, %get3A_1595] {strides = array<i32>} : memref<400x128xf32, #tpu.memory_space<vmem>>, vector<1x16xf32>,
          %get3A_1597 = vector.shape_cast %get3A_1596 : vector<1x16xf32> to vector<16xf32>
          %add3A_1598 = arith.addf %get3A_1526, %get3A_1533 : vector<16xf32>
          %add3A_1599 = arith.constant 2 : i32
          %add3A_1600 = arith.addi %mul3A_1584, %add3A_1599 : i32
          %get3A_1601 = arith.index_cast %add3A_1600 : i32 to index
          %get3A_1602 = arith.constant 32 : index
          %get3A_1603 = tpu.vector_load %arg7[%get3A_1601, %get3A_1602] {strides = array<i32>} : memref<400x128xf32, #tpu.memory_space<vmem>>, vector<1x16xf32>,
          %get3A_1604 = vector.shape_cast %get3A_1603 : vector<1x16xf32> to vector<16xf32>
          %add3A_1605 = arith.addf %get3A_1540, %get3A_1547 : vector<16xf32>
          %add3A_1606 = arith.constant 3 : i32
          %add3A_1607 = arith.addi %mul3A_1584, %add3A_1606 : i32
          %get3A_1608 = arith.index_cast %add3A_1607 : i32 to index
          %get3A_1609 = arith.constant 32 : index
          %get3A_1610 = tpu.vector_load %arg7[%get3A_1608, %get3A_1609] {strides = array<i32>} : memref<400x128xf32, #tpu.memory_space<vmem>>, vector<1x16xf32>,
          %get3A_1611 = vector.shape_cast %get3A_1610 : vector<1x16xf32> to vector<16xf32>
          %add3A_1612 = arith.addf %get3A_1554, %get3A_1561 : vector<16xf32>
          %add3A_1613 = arith.constant 4 : i32
          %add3A_1614 = arith.addi %mul3A_1584, %add3A_1613 : i32
          %get3A_1615 = arith.index_cast %add3A_1614 : i32 to index
          %get3A_1616 = arith.constant 32 : index
          %get3A_1617 = tpu.vector_load %arg7[%get3A_1615, %get3A_1616] {strides = array<i32>} : memref<400x128xf32, #tpu.memory_space<vmem>>, vector<1x16xf32>,
          %get3A_1618 = vector.shape_cast %get3A_1617 : vector<1x16xf32> to vector<16xf32>
          %add3A_1619 = arith.addf %get3A_1567, %get3A_1574 : vector<16xf32>
          %add3A_1620 = arith.constant 5 : i32
          %add3A_1621 = arith.addi %mul3A_1584, %add3A_1620 : i32
          %get3A_1622 = arith.index_cast %add3A_1621 : i32 to index
          %get3A_1623 = arith.constant 32 : index
          %get3A_1624 = tpu.vector_load %arg7[%get3A_1622, %get3A_1623] {strides = array<i32>} : memref<400x128xf32, #tpu.memory_space<vmem>>, vector<1x16xf32>,
          %get3A_1625 = vector.shape_cast %get3A_1624 : vector<1x16xf32> to vector<16xf32>
          %add3A_1626 = arith.addf %add3A_1591, %add3A_1598 : vector<16xf32>
          %add3A_1627 = arith.constant 6 : i32
          %add3A_1628 = arith.addi %mul3A_1584, %add3A_1627 : i32
          %get3A_1629 = arith.index_cast %add3A_1628 : i32 to index
          %get3A_1630 = arith.constant 32 : index
          %get3A_1631 = tpu.vector_load %arg7[%get3A_1629, %get3A_1630] {strides = array<i32>} : memref<400x128xf32, #tpu.memory_space<vmem>>, vector<1x16xf32>,
          %get3A_1632 = vector.shape_cast %get3A_1631 : vector<1x16xf32> to vector<16xf32>
          %add3A_1633 = arith.addf %add3A_1605, %add3A_1612 : vector<16xf32>
          %add3A_1634 = arith.constant 7 : i32
          %add3A_1635 = arith.addi %mul3A_1584, %add3A_1634 : i32
          %get3A_1636 = arith.index_cast %add3A_1635 : i32 to index
          %get3A_1637 = arith.constant 32 : index
          %get3A_1638 = tpu.vector_load %arg7[%get3A_1636, %get3A_1637] {strides = array<i32>} : memref<400x128xf32, #tpu.memory_space<vmem>>, vector<1x16xf32>,
          %get3A_1639 = vector.shape_cast %get3A_1638 : vector<1x16xf32> to vector<16xf32>
          %add3A_1640 = arith.constant 8 : i32
          %add3A_1641 = arith.addi %mul3A_1584, %add3A_1640 : i32
          %get3A_1642 = arith.index_cast %add3A_1641 : i32 to index
          %get3A_1643 = arith.constant 32 : index
          %get3A_1644 = tpu.vector_load %arg7[%get3A_1642, %get3A_1643] {strides = array<i32>} : memref<400x128xf32, #tpu.memory_space<vmem>>, vector<1x16xf32>,
          %get3A_1645 = vector.shape_cast %get3A_1644 : vector<1x16xf32> to vector<16xf32>
          %add3A_1646 = arith.addf %add3A_1626, %add3A_1633 : vector<16xf32>
          %add3A_1647 = arith.constant 9 : i32
          %add3A_1648 = arith.addi %mul3A_1584, %add3A_1647 : i32
          %get3A_1649 = arith.index_cast %add3A_1648 : i32 to index
          %get3A_1650 = arith.constant 32 : index
          %get3A_1651 = tpu.vector_load %arg7[%get3A_1649, %get3A_1650] {strides = array<i32>} : memref<400x128xf32, #tpu.memory_space<vmem>>, vector<1x16xf32>,
          %get3A_1652 = vector.shape_cast %get3A_1651 : vector<1x16xf32> to vector<16xf32>
          %add3A_1653 = arith.addf %add3A_1646, %add3A_1619 : vector<16xf32>
          %mul3A_1654 = vector.broadcast %scan3A_66 : f32 to vector<16xf32>
          %mul3A_1655 = arith.mulf %add3A_1653, %mul3A_1654 : vector<16xf32>
          %swap3A_1656 = arith.index_cast %add3A_168 : i32 to index
          %swap3A_1657 = arith.constant 16 : index
          %swap3A_1658 = tpu.vector_load %arg9[%swap3A_1656, %swap3A_1657] {strides = array<i32>} : memref<40x128xf32, #tpu.memory_space<vmem>>, vector<1x16xf32>,
          %swap3A_1659 = vector.shape_cast %swap3A_1658 : vector<1x16xf32> to vector<16xf32>
          %swap3A_1660 = vector.shape_cast %mul3A_1655 : vector<16xf32> to vector<1x16xf32>
          tpu.vector_store %arg9[%swap3A_1656, %swap3A_1657], %swap3A_1660 {strides = array<i32>} : memref<40x128xf32, #tpu.memory_space<vmem>>, vector<1x16xf32>,
          %mul3A_1661 = arith.constant 10 : i32
          %mul3A_1662 = arith.muli %add3A_172, %mul3A_1661 : i32
          %add3A_1663 = arith.constant 0 : i32
          %add3A_1664 = arith.addi %mul3A_1662, %add3A_1663 : i32
          %get3A_1665 = arith.index_cast %add3A_1664 : i32 to index
          %get3A_1666 = arith.constant 48 : index
          %get3A_1667 = tpu.vector_load %arg7[%get3A_1665, %get3A_1666] {strides = array<i32>} : memref<400x128xf32, #tpu.memory_space<vmem>>, vector<1x16xf32>,
          %get3A_1668 = vector.shape_cast %get3A_1667 : vector<1x16xf32> to vector<16xf32>
          %add3A_1669 = arith.addf %get3A_1590, %get3A_1597 : vector<16xf32>
          %add3A_1670 = arith.constant 1 : i32
          %add3A_1671 = arith.addi %mul3A_1662, %add3A_1670 : i32
          %get3A_1672 = arith.index_cast %add3A_1671 : i32 to index
          %get3A_1673 = arith.constant 48 : index
          %get3A_1674 = tpu.vector_load %arg7[%get3A_1672, %get3A_1673] {strides = array<i32>} : memref<400x128xf32, #tpu.memory_space<vmem>>, vector<1x16xf32>,
          %get3A_1675 = vector.shape_cast %get3A_1674 : vector<1x16xf32> to vector<16xf32>
          %add3A_1676 = arith.addf %get3A_1604, %get3A_1611 : vector<16xf32>
          %add3A_1677 = arith.constant 2 : i32
          %add3A_1678 = arith.addi %mul3A_1662, %add3A_1677 : i32
          %get3A_1679 = arith.index_cast %add3A_1678 : i32 to index
          %get3A_1680 = arith.constant 48 : index
          %get3A_1681 = tpu.vector_load %arg7[%get3A_1679, %get3A_1680] {strides = array<i32>} : memref<400x128xf32, #tpu.memory_space<vmem>>, vector<1x16xf32>,
          %get3A_1682 = vector.shape_cast %get3A_1681 : vector<1x16xf32> to vector<16xf32>
          %add3A_1683 = arith.addf %get3A_1618, %get3A_1625 : vector<16xf32>
          %add3A_1684 = arith.constant 3 : i32
          %add3A_1685 = arith.addi %mul3A_1662, %add3A_1684 : i32
          %get3A_1686 = arith.index_cast %add3A_1685 : i32 to index
          %get3A_1687 = arith.constant 48 : index
          %get3A_1688 = tpu.vector_load %arg7[%get3A_1686, %get3A_1687] {strides = array<i32>} : memref<400x128xf32, #tpu.memory_space<vmem>>, vector<1x16xf32>,
          %get3A_1689 = vector.shape_cast %get3A_1688 : vector<1x16xf32> to vector<16xf32>
          %add3A_1690 = arith.addf %get3A_1632, %get3A_1639 : vector<16xf32>
          %add3A_1691 = arith.constant 4 : i32
          %add3A_1692 = arith.addi %mul3A_1662, %add3A_1691 : i32
          %get3A_1693 = arith.index_cast %add3A_1692 : i32 to index
          %get3A_1694 = arith.constant 48 : index
          %get3A_1695 = tpu.vector_load %arg7[%get3A_1693, %get3A_1694] {strides = array<i32>} : memref<400x128xf32, #tpu.memory_space<vmem>>, vector<1x16xf32>,
          %get3A_1696 = vector.shape_cast %get3A_1695 : vector<1x16xf32> to vector<16xf32>
          %add3A_1697 = arith.addf %get3A_1645, %get3A_1652 : vector<16xf32>
          %add3A_1698 = arith.constant 5 : i32
          %add3A_1699 = arith.addi %mul3A_1662, %add3A_1698 : i32
          %get3A_1700 = arith.index_cast %add3A_1699 : i32 to index
          %get3A_1701 = arith.constant 48 : index
          %get3A_1702 = tpu.vector_load %arg7[%get3A_1700, %get3A_1701] {strides = array<i32>} : memref<400x128xf32, #tpu.memory_space<vmem>>, vector<1x16xf32>,
          %get3A_1703 = vector.shape_cast %get3A_1702 : vector<1x16xf32> to vector<16xf32>
          %add3A_1704 = arith.addf %add3A_1669, %add3A_1676 : vector<16xf32>
          %add3A_1705 = arith.constant 6 : i32
          %add3A_1706 = arith.addi %mul3A_1662, %add3A_1705 : i32
          %get3A_1707 = arith.index_cast %add3A_1706 : i32 to index
          %get3A_1708 = arith.constant 48 : index
          %get3A_1709 = tpu.vector_load %arg7[%get3A_1707, %get3A_1708] {strides = array<i32>} : memref<400x128xf32, #tpu.memory_space<vmem>>, vector<1x16xf32>,
          %get3A_1710 = vector.shape_cast %get3A_1709 : vector<1x16xf32> to vector<16xf32>
          %add3A_1711 = arith.addf %add3A_1683, %add3A_1690 : vector<16xf32>
          %add3A_1712 = arith.constant 7 : i32
          %add3A_1713 = arith.addi %mul3A_1662, %add3A_1712 : i32
          %get3A_1714 = arith.index_cast %add3A_1713 : i32 to index
          %get3A_1715 = arith.constant 48 : index
          %get3A_1716 = tpu.vector_load %arg7[%get3A_1714, %get3A_1715] {strides = array<i32>} : memref<400x128xf32, #tpu.memory_space<vmem>>, vector<1x16xf32>,
          %get3A_1717 = vector.shape_cast %get3A_1716 : vector<1x16xf32> to vector<16xf32>
          %add3A_1718 = arith.constant 8 : i32
          %add3A_1719 = arith.addi %mul3A_1662, %add3A_1718 : i32
          %get3A_1720 = arith.index_cast %add3A_1719 : i32 to index
          %get3A_1721 = arith.constant 48 : index
          %get3A_1722 = tpu.vector_load %arg7[%get3A_1720, %get3A_1721] {strides = array<i32>} : memref<400x128xf32, #tpu.memory_space<vmem>>, vector<1x16xf32>,
          %get3A_1723 = vector.shape_cast %get3A_1722 : vector<1x16xf32> to vector<16xf32>
          %add3A_1724 = arith.addf %add3A_1704, %add3A_1711 : vector<16xf32>
          %add3A_1725 = arith.constant 9 : i32
          %add3A_1726 = arith.addi %mul3A_1662, %add3A_1725 : i32
          %get3A_1727 = arith.index_cast %add3A_1726 : i32 to index
          %get3A_1728 = arith.constant 48 : index
          %get3A_1729 = tpu.vector_load %arg7[%get3A_1727, %get3A_1728] {strides = array<i32>} : memref<400x128xf32, #tpu.memory_space<vmem>>, vector<1x16xf32>,
          %get3A_1730 = vector.shape_cast %get3A_1729 : vector<1x16xf32> to vector<16xf32>
          %add3A_1731 = arith.addf %add3A_1724, %add3A_1697 : vector<16xf32>
          %mul3A_1732 = vector.broadcast %scan3A_66 : f32 to vector<16xf32>
          %mul3A_1733 = arith.mulf %add3A_1731, %mul3A_1732 : vector<16xf32>
          %swap3A_1734 = arith.index_cast %add3A_170 : i32 to index
          %swap3A_1735 = arith.constant 32 : index
          %swap3A_1736 = tpu.vector_load %arg9[%swap3A_1734, %swap3A_1735] {strides = array<i32>} : memref<40x128xf32, #tpu.memory_space<vmem>>, vector<1x16xf32>,
          %swap3A_1737 = vector.shape_cast %swap3A_1736 : vector<1x16xf32> to vector<16xf32>
          %swap3A_1738 = vector.shape_cast %mul3A_1733 : vector<16xf32> to vector<1x16xf32>
          tpu.vector_store %arg9[%swap3A_1734, %swap3A_1735], %swap3A_1738 {strides = array<i32>} : memref<40x128xf32, #tpu.memory_space<vmem>>, vector<1x16xf32>,
          %mul3A_1739 = arith.constant 10 : i32
          %mul3A_1740 = arith.muli %add3A_174, %mul3A_1739 : i32
          %add3A_1741 = arith.constant 0 : i32
          %add3A_1742 = arith.addi %mul3A_1740, %add3A_1741 : i32
          %get3A_1743 = arith.index_cast %add3A_1742 : i32 to index
          %get3A_1744 = arith.constant 64 : index
          %get3A_1745 = tpu.vector_load %arg7[%get3A_1743, %get3A_1744] {strides = array<i32>} : memref<400x128xf32, #tpu.memory_space<vmem>>, vector<1x16xf32>,
          %get3A_1746 = vector.shape_cast %get3A_1745 : vector<1x16xf32> to vector<16xf32>
          %add3A_1747 = arith.addf %get3A_1668, %get3A_1675 : vector<16xf32>
          %add3A_1748 = arith.constant 1 : i32
          %add3A_1749 = arith.addi %mul3A_1740, %add3A_1748 : i32
          %get3A_1750 = arith.index_cast %add3A_1749 : i32 to index
          %get3A_1751 = arith.constant 64 : index
          %get3A_1752 = tpu.vector_load %arg7[%get3A_1750, %get3A_1751] {strides = array<i32>} : memref<400x128xf32, #tpu.memory_space<vmem>>, vector<1x16xf32>,
          %get3A_1753 = vector.shape_cast %get3A_1752 : vector<1x16xf32> to vector<16xf32>
          %add3A_1754 = arith.addf %get3A_1682, %get3A_1689 : vector<16xf32>
          %add3A_1755 = arith.constant 2 : i32
          %add3A_1756 = arith.addi %mul3A_1740, %add3A_1755 : i32
          %get3A_1757 = arith.index_cast %add3A_1756 : i32 to index
          %get3A_1758 = arith.constant 64 : index
          %get3A_1759 = tpu.vector_load %arg7[%get3A_1757, %get3A_1758] {strides = array<i32>} : memref<400x128xf32, #tpu.memory_space<vmem>>, vector<1x16xf32>,
          %get3A_1760 = vector.shape_cast %get3A_1759 : vector<1x16xf32> to vector<16xf32>
          %add3A_1761 = arith.addf %get3A_1696, %get3A_1703 : vector<16xf32>
          %add3A_1762 = arith.constant 3 : i32
          %add3A_1763 = arith.addi %mul3A_1740, %add3A_1762 : i32
          %get3A_1764 = arith.index_cast %add3A_1763 : i32 to index
          %get3A_1765 = arith.constant 64 : index
          %get3A_1766 = tpu.vector_load %arg7[%get3A_1764, %get3A_1765] {strides = array<i32>} : memref<400x128xf32, #tpu.memory_space<vmem>>, vector<1x16xf32>,
          %get3A_1767 = vector.shape_cast %get3A_1766 : vector<1x16xf32> to vector<16xf32>
          %add3A_1768 = arith.addf %get3A_1710, %get3A_1717 : vector<16xf32>
          %add3A_1769 = arith.constant 4 : i32
          %add3A_1770 = arith.addi %mul3A_1740, %add3A_1769 : i32
          %get3A_1771 = arith.index_cast %add3A_1770 : i32 to index
          %get3A_1772 = arith.constant 64 : index
          %get3A_1773 = tpu.vector_load %arg7[%get3A_1771, %get3A_1772] {strides = array<i32>} : memref<400x128xf32, #tpu.memory_space<vmem>>, vector<1x16xf32>,
          %get3A_1774 = vector.shape_cast %get3A_1773 : vector<1x16xf32> to vector<16xf32>
          %add3A_1775 = arith.addf %get3A_1723, %get3A_1730 : vector<16xf32>
          %add3A_1776 = arith.constant 5 : i32
          %add3A_1777 = arith.addi %mul3A_1740, %add3A_1776 : i32
          %get3A_1778 = arith.index_cast %add3A_1777 : i32 to index
          %get3A_1779 = arith.constant 64 : index
          %get3A_1780 = tpu.vector_load %arg7[%get3A_1778, %get3A_1779] {strides = array<i32>} : memref<400x128xf32, #tpu.memory_space<vmem>>, vector<1x16xf32>,
          %get3A_1781 = vector.shape_cast %get3A_1780 : vector<1x16xf32> to vector<16xf32>
          %add3A_1782 = arith.addf %add3A_1747, %add3A_1754 : vector<16xf32>
          %add3A_1783 = arith.constant 6 : i32
          %add3A_1784 = arith.addi %mul3A_1740, %add3A_1783 : i32
          %get3A_1785 = arith.index_cast %add3A_1784 : i32 to index
          %get3A_1786 = arith.constant 64 : index
          %get3A_1787 = tpu.vector_load %arg7[%get3A_1785, %get3A_1786] {strides = array<i32>} : memref<400x128xf32, #tpu.memory_space<vmem>>, vector<1x16xf32>,
          %get3A_1788 = vector.shape_cast %get3A_1787 : vector<1x16xf32> to vector<16xf32>
          %add3A_1789 = arith.addf %add3A_1761, %add3A_1768 : vector<16xf32>
          %add3A_1790 = arith.constant 7 : i32
          %add3A_1791 = arith.addi %mul3A_1740, %add3A_1790 : i32
          %get3A_1792 = arith.index_cast %add3A_1791 : i32 to index
          %get3A_1793 = arith.constant 64 : index
          %get3A_1794 = tpu.vector_load %arg7[%get3A_1792, %get3A_1793] {strides = array<i32>} : memref<400x128xf32, #tpu.memory_space<vmem>>, vector<1x16xf32>,
          %get3A_1795 = vector.shape_cast %get3A_1794 : vector<1x16xf32> to vector<16xf32>
          %add3A_1796 = arith.constant 8 : i32
          %add3A_1797 = arith.addi %mul3A_1740, %add3A_1796 : i32
          %get3A_1798 = arith.index_cast %add3A_1797 : i32 to index
          %get3A_1799 = arith.constant 64 : index
          %get3A_1800 = tpu.vector_load %arg7[%get3A_1798, %get3A_1799] {strides = array<i32>} : memref<400x128xf32, #tpu.memory_space<vmem>>, vector<1x16xf32>,
          %get3A_1801 = vector.shape_cast %get3A_1800 : vector<1x16xf32> to vector<16xf32>
          %add3A_1802 = arith.addf %add3A_1782, %add3A_1789 : vector<16xf32>
          %add3A_1803 = arith.constant 9 : i32
          %add3A_1804 = arith.addi %mul3A_1740, %add3A_1803 : i32
          %get3A_1805 = arith.index_cast %add3A_1804 : i32 to index
          %get3A_1806 = arith.constant 64 : index
          %get3A_1807 = tpu.vector_load %arg7[%get3A_1805, %get3A_1806] {strides = array<i32>} : memref<400x128xf32, #tpu.memory_space<vmem>>, vector<1x16xf32>,
          %get3A_1808 = vector.shape_cast %get3A_1807 : vector<1x16xf32> to vector<16xf32>
          %add3A_1809 = arith.addf %add3A_1802, %add3A_1775 : vector<16xf32>
          %mul3A_1810 = vector.broadcast %scan3A_66 : f32 to vector<16xf32>
          %mul3A_1811 = arith.mulf %add3A_1809, %mul3A_1810 : vector<16xf32>
          %swap3A_1812 = arith.index_cast %add3A_172 : i32 to index
          %swap3A_1813 = arith.constant 48 : index
          %swap3A_1814 = tpu.vector_load %arg9[%swap3A_1812, %swap3A_1813] {strides = array<i32>} : memref<40x128xf32, #tpu.memory_space<vmem>>, vector<1x16xf32>,
          %swap3A_1815 = vector.shape_cast %swap3A_1814 : vector<1x16xf32> to vector<16xf32>
          %swap3A_1816 = vector.shape_cast %mul3A_1811 : vector<16xf32> to vector<1x16xf32>
          tpu.vector_store %arg9[%swap3A_1812, %swap3A_1813], %swap3A_1816 {strides = array<i32>} : memref<40x128xf32, #tpu.memory_space<vmem>>, vector<1x16xf32>,
          %mul3A_1817 = arith.constant 10 : i32
          %mul3A_1818 = arith.muli %add3A_176, %mul3A_1817 : i32
          %add3A_1819 = arith.constant 0 : i32
          %add3A_1820 = arith.addi %mul3A_1818, %add3A_1819 : i32
          %get3A_1821 = arith.index_cast %add3A_1820 : i32 to index
          %get3A_1822 = arith.constant 80 : index
          %get3A_1823 = tpu.vector_load %arg7[%get3A_1821, %get3A_1822] {strides = array<i32>} : memref<400x128xf32, #tpu.memory_space<vmem>>, vector<1x16xf32>,
          %get3A_1824 = vector.shape_cast %get3A_1823 : vector<1x16xf32> to vector<16xf32>
          %add3A_1825 = arith.addf %get3A_1746, %get3A_1753 : vector<16xf32>
          %add3A_1826 = arith.constant 1 : i32
          %add3A_1827 = arith.addi %mul3A_1818, %add3A_1826 : i32
          %get3A_1828 = arith.index_cast %add3A_1827 : i32 to index
          %get3A_1829 = arith.constant 80 : index
          %get3A_1830 = tpu.vector_load %arg7[%get3A_1828, %get3A_1829] {strides = array<i32>} : memref<400x128xf32, #tpu.memory_space<vmem>>, vector<1x16xf32>,
          %get3A_1831 = vector.shape_cast %get3A_1830 : vector<1x16xf32> to vector<16xf32>
          %add3A_1832 = arith.addf %get3A_1760, %get3A_1767 : vector<16xf32>
          %add3A_1833 = arith.constant 2 : i32
          %add3A_1834 = arith.addi %mul3A_1818, %add3A_1833 : i32
          %get3A_1835 = arith.index_cast %add3A_1834 : i32 to index
          %get3A_1836 = arith.constant 80 : index
          %get3A_1837 = tpu.vector_load %arg7[%get3A_1835, %get3A_1836] {strides = array<i32>} : memref<400x128xf32, #tpu.memory_space<vmem>>, vector<1x16xf32>,
          %get3A_1838 = vector.shape_cast %get3A_1837 : vector<1x16xf32> to vector<16xf32>
          %add3A_1839 = arith.addf %get3A_1774, %get3A_1781 : vector<16xf32>
          %add3A_1840 = arith.constant 3 : i32
          %add3A_1841 = arith.addi %mul3A_1818, %add3A_1840 : i32
          %get3A_1842 = arith.index_cast %add3A_1841 : i32 to index
          %get3A_1843 = arith.constant 80 : index
          %get3A_1844 = tpu.vector_load %arg7[%get3A_1842, %get3A_1843] {strides = array<i32>} : memref<400x128xf32, #tpu.memory_space<vmem>>, vector<1x16xf32>,
          %get3A_1845 = vector.shape_cast %get3A_1844 : vector<1x16xf32> to vector<16xf32>
          %add3A_1846 = arith.addf %get3A_1788, %get3A_1795 : vector<16xf32>
          %add3A_1847 = arith.constant 4 : i32
          %add3A_1848 = arith.addi %mul3A_1818, %add3A_1847 : i32
          %get3A_1849 = arith.index_cast %add3A_1848 : i32 to index
          %get3A_1850 = arith.constant 80 : index
          %get3A_1851 = tpu.vector_load %arg7[%get3A_1849, %get3A_1850] {strides = array<i32>} : memref<400x128xf32, #tpu.memory_space<vmem>>, vector<1x16xf32>,
          %get3A_1852 = vector.shape_cast %get3A_1851 : vector<1x16xf32> to vector<16xf32>
          %add3A_1853 = arith.addf %get3A_1801, %get3A_1808 : vector<16xf32>
          %add3A_1854 = arith.constant 5 : i32
          %add3A_1855 = arith.addi %mul3A_1818, %add3A_1854 : i32
          %get3A_1856 = arith.index_cast %add3A_1855 : i32 to index
          %get3A_1857 = arith.constant 80 : index
          %get3A_1858 = tpu.vector_load %arg7[%get3A_1856, %get3A_1857] {strides = array<i32>} : memref<400x128xf32, #tpu.memory_space<vmem>>, vector<1x16xf32>,
          %get3A_1859 = vector.shape_cast %get3A_1858 : vector<1x16xf32> to vector<16xf32>
          %add3A_1860 = arith.addf %add3A_1825, %add3A_1832 : vector<16xf32>
          %add3A_1861 = arith.constant 6 : i32
          %add3A_1862 = arith.addi %mul3A_1818, %add3A_1861 : i32
          %get3A_1863 = arith.index_cast %add3A_1862 : i32 to index
          %get3A_1864 = arith.constant 80 : index
          %get3A_1865 = tpu.vector_load %arg7[%get3A_1863, %get3A_1864] {strides = array<i32>} : memref<400x128xf32, #tpu.memory_space<vmem>>, vector<1x16xf32>,
          %get3A_1866 = vector.shape_cast %get3A_1865 : vector<1x16xf32> to vector<16xf32>
          %add3A_1867 = arith.addf %add3A_1839, %add3A_1846 : vector<16xf32>
          %add3A_1868 = arith.constant 7 : i32
          %add3A_1869 = arith.addi %mul3A_1818, %add3A_1868 : i32
          %get3A_1870 = arith.index_cast %add3A_1869 : i32 to index
          %get3A_1871 = arith.constant 80 : index
          %get3A_1872 = tpu.vector_load %arg7[%get3A_1870, %get3A_1871] {strides = array<i32>} : memref<400x128xf32, #tpu.memory_space<vmem>>, vector<1x16xf32>,
          %get3A_1873 = vector.shape_cast %get3A_1872 : vector<1x16xf32> to vector<16xf32>
          %add3A_1874 = arith.constant 8 : i32
          %add3A_1875 = arith.addi %mul3A_1818, %add3A_1874 : i32
          %get3A_1876 = arith.index_cast %add3A_1875 : i32 to index
          %get3A_1877 = arith.constant 80 : index
          %get3A_1878 = tpu.vector_load %arg7[%get3A_1876, %get3A_1877] {strides = array<i32>} : memref<400x128xf32, #tpu.memory_space<vmem>>, vector<1x16xf32>,
          %get3A_1879 = vector.shape_cast %get3A_1878 : vector<1x16xf32> to vector<16xf32>
          %add3A_1880 = arith.addf %add3A_1860, %add3A_1867 : vector<16xf32>
          %add3A_1881 = arith.constant 9 : i32
          %add3A_1882 = arith.addi %mul3A_1818, %add3A_1881 : i32
          %get3A_1883 = arith.index_cast %add3A_1882 : i32 to index
          %get3A_1884 = arith.constant 80 : index
          %get3A_1885 = tpu.vector_load %arg7[%get3A_1883, %get3A_1884] {strides = array<i32>} : memref<400x128xf32, #tpu.memory_space<vmem>>, vector<1x16xf32>,
          %get3A_1886 = vector.shape_cast %get3A_1885 : vector<1x16xf32> to vector<16xf32>
          %add3A_1887 = arith.addf %add3A_1880, %add3A_1853 : vector<16xf32>
          %mul3A_1888 = vector.broadcast %scan3A_66 : f32 to vector<16xf32>
          %mul3A_1889 = arith.mulf %add3A_1887, %mul3A_1888 : vector<16xf32>
          %swap3A_1890 = arith.index_cast %add3A_174 : i32 to index
          %swap3A_1891 = arith.constant 64 : index
          %swap3A_1892 = tpu.vector_load %arg9[%swap3A_1890, %swap3A_1891] {strides = array<i32>} : memref<40x128xf32, #tpu.memory_space<vmem>>, vector<1x16xf32>,
          %swap3A_1893 = vector.shape_cast %swap3A_1892 : vector<1x16xf32> to vector<16xf32>
          %swap3A_1894 = vector.shape_cast %mul3A_1889 : vector<16xf32> to vector<1x16xf32>
          tpu.vector_store %arg9[%swap3A_1890, %swap3A_1891], %swap3A_1894 {strides = array<i32>} : memref<40x128xf32, #tpu.memory_space<vmem>>, vector<1x16xf32>,
          %mul3A_1895 = arith.constant 10 : i32
          %mul3A_1896 = arith.muli %add3A_178, %mul3A_1895 : i32
          %add3A_1897 = arith.constant 0 : i32
          %add3A_1898 = arith.addi %mul3A_1896, %add3A_1897 : i32
          %get3A_1899 = arith.index_cast %add3A_1898 : i32 to index
          %get3A_1900 = arith.constant 96 : index
          %get3A_1901 = tpu.vector_load %arg7[%get3A_1899, %get3A_1900] {strides = array<i32>} : memref<400x128xf32, #tpu.memory_space<vmem>>, vector<1x16xf32>,
          %get3A_1902 = vector.shape_cast %get3A_1901 : vector<1x16xf32> to vector<16xf32>
          %add3A_1903 = arith.addf %get3A_1824, %get3A_1831 : vector<16xf32>
          %add3A_1904 = arith.constant 1 : i32
          %add3A_1905 = arith.addi %mul3A_1896, %add3A_1904 : i32
          %get3A_1906 = arith.index_cast %add3A_1905 : i32 to index
          %get3A_1907 = arith.constant 96 : index
          %get3A_1908 = tpu.vector_load %arg7[%get3A_1906, %get3A_1907] {strides = array<i32>} : memref<400x128xf32, #tpu.memory_space<vmem>>, vector<1x16xf32>,
          %get3A_1909 = vector.shape_cast %get3A_1908 : vector<1x16xf32> to vector<16xf32>
          %add3A_1910 = arith.addf %get3A_1838, %get3A_1845 : vector<16xf32>
          %add3A_1911 = arith.constant 2 : i32
          %add3A_1912 = arith.addi %mul3A_1896, %add3A_1911 : i32
          %get3A_1913 = arith.index_cast %add3A_1912 : i32 to index
          %get3A_1914 = arith.constant 96 : index
          %get3A_1915 = tpu.vector_load %arg7[%get3A_1913, %get3A_1914] {strides = array<i32>} : memref<400x128xf32, #tpu.memory_space<vmem>>, vector<1x16xf32>,
          %get3A_1916 = vector.shape_cast %get3A_1915 : vector<1x16xf32> to vector<16xf32>
          %add3A_1917 = arith.addf %get3A_1852, %get3A_1859 : vector<16xf32>
          %add3A_1918 = arith.constant 3 : i32
          %add3A_1919 = arith.addi %mul3A_1896, %add3A_1918 : i32
          %get3A_1920 = arith.index_cast %add3A_1919 : i32 to index
          %get3A_1921 = arith.constant 96 : index
          %get3A_1922 = tpu.vector_load %arg7[%get3A_1920, %get3A_1921] {strides = array<i32>} : memref<400x128xf32, #tpu.memory_space<vmem>>, vector<1x16xf32>,
          %get3A_1923 = vector.shape_cast %get3A_1922 : vector<1x16xf32> to vector<16xf32>
          %add3A_1924 = arith.addf %get3A_1866, %get3A_1873 : vector<16xf32>
          %add3A_1925 = arith.constant 4 : i32
          %add3A_1926 = arith.addi %mul3A_1896, %add3A_1925 : i32
          %get3A_1927 = arith.index_cast %add3A_1926 : i32 to index
          %get3A_1928 = arith.constant 96 : index
          %get3A_1929 = tpu.vector_load %arg7[%get3A_1927, %get3A_1928] {strides = array<i32>} : memref<400x128xf32, #tpu.memory_space<vmem>>, vector<1x16xf32>,
          %get3A_1930 = vector.shape_cast %get3A_1929 : vector<1x16xf32> to vector<16xf32>
          %add3A_1931 = arith.addf %get3A_1879, %get3A_1886 : vector<16xf32>
          %add3A_1932 = arith.constant 5 : i32
          %add3A_1933 = arith.addi %mul3A_1896, %add3A_1932 : i32
          %get3A_1934 = arith.index_cast %add3A_1933 : i32 to index
          %get3A_1935 = arith.constant 96 : index
          %get3A_1936 = tpu.vector_load %arg7[%get3A_1934, %get3A_1935] {strides = array<i32>} : memref<400x128xf32, #tpu.memory_space<vmem>>, vector<1x16xf32>,
          %get3A_1937 = vector.shape_cast %get3A_1936 : vector<1x16xf32> to vector<16xf32>
          %add3A_1938 = arith.addf %add3A_1903, %add3A_1910 : vector<16xf32>
          %add3A_1939 = arith.constant 6 : i32
          %add3A_1940 = arith.addi %mul3A_1896, %add3A_1939 : i32
          %get3A_1941 = arith.index_cast %add3A_1940 : i32 to index
          %get3A_1942 = arith.constant 96 : index
          %get3A_1943 = tpu.vector_load %arg7[%get3A_1941, %get3A_1942] {strides = array<i32>} : memref<400x128xf32, #tpu.memory_space<vmem>>, vector<1x16xf32>,
          %get3A_1944 = vector.shape_cast %get3A_1943 : vector<1x16xf32> to vector<16xf32>
          %add3A_1945 = arith.addf %add3A_1917, %add3A_1924 : vector<16xf32>
          %add3A_1946 = arith.constant 7 : i32
          %add3A_1947 = arith.addi %mul3A_1896, %add3A_1946 : i32
          %get3A_1948 = arith.index_cast %add3A_1947 : i32 to index
          %get3A_1949 = arith.constant 96 : index
          %get3A_1950 = tpu.vector_load %arg7[%get3A_1948, %get3A_1949] {strides = array<i32>} : memref<400x128xf32, #tpu.memory_space<vmem>>, vector<1x16xf32>,
          %get3A_1951 = vector.shape_cast %get3A_1950 : vector<1x16xf32> to vector<16xf32>
          %add3A_1952 = arith.constant 8 : i32
          %add3A_1953 = arith.addi %mul3A_1896, %add3A_1952 : i32
          %get3A_1954 = arith.index_cast %add3A_1953 : i32 to index
          %get3A_1955 = arith.constant 96 : index
          %get3A_1956 = tpu.vector_load %arg7[%get3A_1954, %get3A_1955] {strides = array<i32>} : memref<400x128xf32, #tpu.memory_space<vmem>>, vector<1x16xf32>,
          %get3A_1957 = vector.shape_cast %get3A_1956 : vector<1x16xf32> to vector<16xf32>
          %add3A_1958 = arith.addf %add3A_1938, %add3A_1945 : vector<16xf32>
          %add3A_1959 = arith.constant 9 : i32
          %add3A_1960 = arith.addi %mul3A_1896, %add3A_1959 : i32
          %get3A_1961 = arith.index_cast %add3A_1960 : i32 to index
          %get3A_1962 = arith.constant 96 : index
          %get3A_1963 = tpu.vector_load %arg7[%get3A_1961, %get3A_1962] {strides = array<i32>} : memref<400x128xf32, #tpu.memory_space<vmem>>, vector<1x16xf32>,
          %get3A_1964 = vector.shape_cast %get3A_1963 : vector<1x16xf32> to vector<16xf32>
          %add3A_1965 = arith.addf %add3A_1958, %add3A_1931 : vector<16xf32>
          %mul3A_1966 = vector.broadcast %scan3A_66 : f32 to vector<16xf32>
          %mul3A_1967 = arith.mulf %add3A_1965, %mul3A_1966 : vector<16xf32>
          %swap3A_1968 = arith.index_cast %add3A_176 : i32 to index
          %swap3A_1969 = arith.constant 80 : index
          %swap3A_1970 = tpu.vector_load %arg9[%swap3A_1968, %swap3A_1969] {strides = array<i32>} : memref<40x128xf32, #tpu.memory_space<vmem>>, vector<1x16xf32>,
          %swap3A_1971 = vector.shape_cast %swap3A_1970 : vector<1x16xf32> to vector<16xf32>
          %swap3A_1972 = vector.shape_cast %mul3A_1967 : vector<16xf32> to vector<1x16xf32>
          tpu.vector_store %arg9[%swap3A_1968, %swap3A_1969], %swap3A_1972 {strides = array<i32>} : memref<40x128xf32, #tpu.memory_space<vmem>>, vector<1x16xf32>,
          %mul3A_1973 = arith.constant 10 : i32
          %mul3A_1974 = arith.muli %add3A_180, %mul3A_1973 : i32
          %add3A_1975 = arith.constant 0 : i32
          %add3A_1976 = arith.addi %mul3A_1974, %add3A_1975 : i32
          %get3A_1977 = arith.index_cast %add3A_1976 : i32 to index
          %get3A_1978 = arith.constant 112 : index
          %get3A_1979 = tpu.vector_load %arg7[%get3A_1977, %get3A_1978] {strides = array<i32>} : memref<400x128xf32, #tpu.memory_space<vmem>>, vector<1x16xf32>,
          %get3A_1980 = vector.shape_cast %get3A_1979 : vector<1x16xf32> to vector<16xf32>
          %add3A_1981 = arith.addf %get3A_1902, %get3A_1909 : vector<16xf32>
          %add3A_1982 = arith.constant 1 : i32
          %add3A_1983 = arith.addi %mul3A_1974, %add3A_1982 : i32
          %get3A_1984 = arith.index_cast %add3A_1983 : i32 to index
          %get3A_1985 = arith.constant 112 : index
          %get3A_1986 = tpu.vector_load %arg7[%get3A_1984, %get3A_1985] {strides = array<i32>} : memref<400x128xf32, #tpu.memory_space<vmem>>, vector<1x16xf32>,
          %get3A_1987 = vector.shape_cast %get3A_1986 : vector<1x16xf32> to vector<16xf32>
          %add3A_1988 = arith.addf %get3A_1916, %get3A_1923 : vector<16xf32>
          %add3A_1989 = arith.constant 2 : i32
          %add3A_1990 = arith.addi %mul3A_1974, %add3A_1989 : i32
          %get3A_1991 = arith.index_cast %add3A_1990 : i32 to index
          %get3A_1992 = arith.constant 112 : index
          %get3A_1993 = tpu.vector_load %arg7[%get3A_1991, %get3A_1992] {strides = array<i32>} : memref<400x128xf32, #tpu.memory_space<vmem>>, vector<1x16xf32>,
          %get3A_1994 = vector.shape_cast %get3A_1993 : vector<1x16xf32> to vector<16xf32>
          %add3A_1995 = arith.addf %get3A_1930, %get3A_1937 : vector<16xf32>
          %add3A_1996 = arith.constant 3 : i32
          %add3A_1997 = arith.addi %mul3A_1974, %add3A_1996 : i32
          %get3A_1998 = arith.index_cast %add3A_1997 : i32 to index
          %get3A_1999 = arith.constant 112 : index
          %get3A_2000 = tpu.vector_load %arg7[%get3A_1998, %get3A_1999] {strides = array<i32>} : memref<400x128xf32, #tpu.memory_space<vmem>>, vector<1x16xf32>,
          %get3A_2001 = vector.shape_cast %get3A_2000 : vector<1x16xf32> to vector<16xf32>
          %add3A_2002 = arith.addf %get3A_1944, %get3A_1951 : vector<16xf32>
          %add3A_2003 = arith.constant 4 : i32
          %add3A_2004 = arith.addi %mul3A_1974, %add3A_2003 : i32
          %get3A_2005 = arith.index_cast %add3A_2004 : i32 to index
          %get3A_2006 = arith.constant 112 : index
          %get3A_2007 = tpu.vector_load %arg7[%get3A_2005, %get3A_2006] {strides = array<i32>} : memref<400x128xf32, #tpu.memory_space<vmem>>, vector<1x16xf32>,
          %get3A_2008 = vector.shape_cast %get3A_2007 : vector<1x16xf32> to vector<16xf32>
          %add3A_2009 = arith.addf %get3A_1957, %get3A_1964 : vector<16xf32>
          %add3A_2010 = arith.constant 5 : i32
          %add3A_2011 = arith.addi %mul3A_1974, %add3A_2010 : i32
          %get3A_2012 = arith.index_cast %add3A_2011 : i32 to index
          %get3A_2013 = arith.constant 112 : index
          %get3A_2014 = tpu.vector_load %arg7[%get3A_2012, %get3A_2013] {strides = array<i32>} : memref<400x128xf32, #tpu.memory_space<vmem>>, vector<1x16xf32>,
          %get3A_2015 = vector.shape_cast %get3A_2014 : vector<1x16xf32> to vector<16xf32>
          %add3A_2016 = arith.addf %add3A_1981, %add3A_1988 : vector<16xf32>
          %add3A_2017 = arith.constant 6 : i32
          %add3A_2018 = arith.addi %mul3A_1974, %add3A_2017 : i32
          %get3A_2019 = arith.index_cast %add3A_2018 : i32 to index
          %get3A_2020 = arith.constant 112 : index
          %get3A_2021 = tpu.vector_load %arg7[%get3A_2019, %get3A_2020] {strides = array<i32>} : memref<400x128xf32, #tpu.memory_space<vmem>>, vector<1x16xf32>,
          %get3A_2022 = vector.shape_cast %get3A_2021 : vector<1x16xf32> to vector<16xf32>
          %add3A_2023 = arith.addf %add3A_1995, %add3A_2002 : vector<16xf32>
          %add3A_2024 = arith.constant 7 : i32
          %add3A_2025 = arith.addi %mul3A_1974, %add3A_2024 : i32
          %get3A_2026 = arith.index_cast %add3A_2025 : i32 to index
          %get3A_2027 = arith.constant 112 : index
          %get3A_2028 = tpu.vector_load %arg7[%get3A_2026, %get3A_2027] {strides = array<i32>} : memref<400x128xf32, #tpu.memory_space<vmem>>, vector<1x16xf32>,
          %get3A_2029 = vector.shape_cast %get3A_2028 : vector<1x16xf32> to vector<16xf32>
          %add3A_2030 = arith.constant 8 : i32
          %add3A_2031 = arith.addi %mul3A_1974, %add3A_2030 : i32
          %get3A_2032 = arith.index_cast %add3A_2031 : i32 to index
          %get3A_2033 = arith.constant 112 : index
          %get3A_2034 = tpu.vector_load %arg7[%get3A_2032, %get3A_2033] {strides = array<i32>} : memref<400x128xf32, #tpu.memory_space<vmem>>, vector<1x16xf32>,
          %get3A_2035 = vector.shape_cast %get3A_2034 : vector<1x16xf32> to vector<16xf32>
          %add3A_2036 = arith.addf %add3A_2016, %add3A_2023 : vector<16xf32>
          %add3A_2037 = arith.constant 9 : i32
          %add3A_2038 = arith.addi %mul3A_1974, %add3A_2037 : i32
          %get3A_2039 = arith.index_cast %add3A_2038 : i32 to index
          %get3A_2040 = arith.constant 112 : index
          %get3A_2041 = tpu.vector_load %arg7[%get3A_2039, %get3A_2040] {strides = array<i32>} : memref<400x128xf32, #tpu.memory_space<vmem>>, vector<1x16xf32>,
          %get3A_2042 = vector.shape_cast %get3A_2041 : vector<1x16xf32> to vector<16xf32>
          %add3A_2043 = arith.addf %add3A_2036, %add3A_2009 : vector<16xf32>
          %mul3A_2044 = vector.broadcast %scan3A_66 : f32 to vector<16xf32>
          %mul3A_2045 = arith.mulf %add3A_2043, %mul3A_2044 : vector<16xf32>
          %swap3A_2046 = arith.index_cast %add3A_178 : i32 to index
          %swap3A_2047 = arith.constant 96 : index
          %swap3A_2048 = tpu.vector_load %arg9[%swap3A_2046, %swap3A_2047] {strides = array<i32>} : memref<40x128xf32, #tpu.memory_space<vmem>>, vector<1x16xf32>,
          %swap3A_2049 = vector.shape_cast %swap3A_2048 : vector<1x16xf32> to vector<16xf32>
          %swap3A_2050 = vector.shape_cast %mul3A_2045 : vector<16xf32> to vector<1x16xf32>
          tpu.vector_store %arg9[%swap3A_2046, %swap3A_2047], %swap3A_2050 {strides = array<i32>} : memref<40x128xf32, #tpu.memory_space<vmem>>, vector<1x16xf32>,
          %mul3A_2051 = arith.constant 10 : i32
          %mul3A_2052 = arith.muli %add3A_182, %mul3A_2051 : i32
          %add3A_2053 = arith.constant 0 : i32
          %add3A_2054 = arith.addi %mul3A_2052, %add3A_2053 : i32
          %get3A_2055 = arith.index_cast %add3A_2054 : i32 to index
          %get3A_2056 = arith.constant 0 : index
          %get3A_2057 = tpu.vector_load %arg7[%get3A_2055, %get3A_2056] {strides = array<i32>} : memref<400x128xf32, #tpu.memory_space<vmem>>, vector<1x16xf32>,
          %get3A_2058 = vector.shape_cast %get3A_2057 : vector<1x16xf32> to vector<16xf32>
          %add3A_2059 = arith.addf %get3A_1980, %get3A_1987 : vector<16xf32>
          %add3A_2060 = arith.constant 1 : i32
          %add3A_2061 = arith.addi %mul3A_2052, %add3A_2060 : i32
          %get3A_2062 = arith.index_cast %add3A_2061 : i32 to index
          %get3A_2063 = arith.constant 0 : index
          %get3A_2064 = tpu.vector_load %arg7[%get3A_2062, %get3A_2063] {strides = array<i32>} : memref<400x128xf32, #tpu.memory_space<vmem>>, vector<1x16xf32>,
          %get3A_2065 = vector.shape_cast %get3A_2064 : vector<1x16xf32> to vector<16xf32>
          %add3A_2066 = arith.addf %get3A_1994, %get3A_2001 : vector<16xf32>
          %add3A_2067 = arith.constant 2 : i32
          %add3A_2068 = arith.addi %mul3A_2052, %add3A_2067 : i32
          %get3A_2069 = arith.index_cast %add3A_2068 : i32 to index
          %get3A_2070 = arith.constant 0 : index
          %get3A_2071 = tpu.vector_load %arg7[%get3A_2069, %get3A_2070] {strides = array<i32>} : memref<400x128xf32, #tpu.memory_space<vmem>>, vector<1x16xf32>,
          %get3A_2072 = vector.shape_cast %get3A_2071 : vector<1x16xf32> to vector<16xf32>
          %add3A_2073 = arith.addf %get3A_2008, %get3A_2015 : vector<16xf32>
          %add3A_2074 = arith.constant 3 : i32
          %add3A_2075 = arith.addi %mul3A_2052, %add3A_2074 : i32
          %get3A_2076 = arith.index_cast %add3A_2075 : i32 to index
          %get3A_2077 = arith.constant 0 : index
          %get3A_2078 = tpu.vector_load %arg7[%get3A_2076, %get3A_2077] {strides = array<i32>} : memref<400x128xf32, #tpu.memory_space<vmem>>, vector<1x16xf32>,
          %get3A_2079 = vector.shape_cast %get3A_2078 : vector<1x16xf32> to vector<16xf32>
          %add3A_2080 = arith.addf %get3A_2022, %get3A_2029 : vector<16xf32>
          %add3A_2081 = arith.constant 4 : i32
          %add3A_2082 = arith.addi %mul3A_2052, %add3A_2081 : i32
          %get3A_2083 = arith.index_cast %add3A_2082 : i32 to index
          %get3A_2084 = arith.constant 0 : index
          %get3A_2085 = tpu.vector_load %arg7[%get3A_2083, %get3A_2084] {strides = array<i32>} : memref<400x128xf32, #tpu.memory_space<vmem>>, vector<1x16xf32>,
          %get3A_2086 = vector.shape_cast %get3A_2085 : vector<1x16xf32> to vector<16xf32>
          %add3A_2087 = arith.addf %get3A_2035, %get3A_2042 : vector<16xf32>
          %add3A_2088 = arith.constant 5 : i32
          %add3A_2089 = arith.addi %mul3A_2052, %add3A_2088 : i32
          %get3A_2090 = arith.index_cast %add3A_2089 : i32 to index
          %get3A_2091 = arith.constant 0 : index
          %get3A_2092 = tpu.vector_load %arg7[%get3A_2090, %get3A_2091] {strides = array<i32>} : memref<400x128xf32, #tpu.memory_space<vmem>>, vector<1x16xf32>,
          %get3A_2093 = vector.shape_cast %get3A_2092 : vector<1x16xf32> to vector<16xf32>
          %add3A_2094 = arith.addf %add3A_2059, %add3A_2066 : vector<16xf32>
          %add3A_2095 = arith.constant 6 : i32
          %add3A_2096 = arith.addi %mul3A_2052, %add3A_2095 : i32
          %get3A_2097 = arith.index_cast %add3A_2096 : i32 to index
          %get3A_2098 = arith.constant 0 : index
          %get3A_2099 = tpu.vector_load %arg7[%get3A_2097, %get3A_2098] {strides = array<i32>} : memref<400x128xf32, #tpu.memory_space<vmem>>, vector<1x16xf32>,
          %get3A_2100 = vector.shape_cast %get3A_2099 : vector<1x16xf32> to vector<16xf32>
          %add3A_2101 = arith.addf %add3A_2073, %add3A_2080 : vector<16xf32>
          %add3A_2102 = arith.constant 7 : i32
          %add3A_2103 = arith.addi %mul3A_2052, %add3A_2102 : i32
          %get3A_2104 = arith.index_cast %add3A_2103 : i32 to index
          %get3A_2105 = arith.constant 0 : index
          %get3A_2106 = tpu.vector_load %arg7[%get3A_2104, %get3A_2105] {strides = array<i32>} : memref<400x128xf32, #tpu.memory_space<vmem>>, vector<1x16xf32>,
          %get3A_2107 = vector.shape_cast %get3A_2106 : vector<1x16xf32> to vector<16xf32>
          %add3A_2108 = arith.constant 8 : i32
          %add3A_2109 = arith.addi %mul3A_2052, %add3A_2108 : i32
          %get3A_2110 = arith.index_cast %add3A_2109 : i32 to index
          %get3A_2111 = arith.constant 0 : index
          %get3A_2112 = tpu.vector_load %arg7[%get3A_2110, %get3A_2111] {strides = array<i32>} : memref<400x128xf32, #tpu.memory_space<vmem>>, vector<1x16xf32>,
          %get3A_2113 = vector.shape_cast %get3A_2112 : vector<1x16xf32> to vector<16xf32>
          %add3A_2114 = arith.addf %add3A_2094, %add3A_2101 : vector<16xf32>
          %add3A_2115 = arith.constant 9 : i32
          %add3A_2116 = arith.addi %mul3A_2052, %add3A_2115 : i32
          %get3A_2117 = arith.index_cast %add3A_2116 : i32 to index
          %get3A_2118 = arith.constant 0 : index
          %get3A_2119 = tpu.vector_load %arg7[%get3A_2117, %get3A_2118] {strides = array<i32>} : memref<400x128xf32, #tpu.memory_space<vmem>>, vector<1x16xf32>,
          %get3A_2120 = vector.shape_cast %get3A_2119 : vector<1x16xf32> to vector<16xf32>
          %add3A_2121 = arith.addf %add3A_2114, %add3A_2087 : vector<16xf32>
          %mul3A_2122 = vector.broadcast %scan3A_66 : f32 to vector<16xf32>
          %mul3A_2123 = arith.mulf %add3A_2121, %mul3A_2122 : vector<16xf32>
          %swap3A_2124 = arith.index_cast %add3A_180 : i32 to index
          %swap3A_2125 = arith.constant 112 : index
          %swap3A_2126 = tpu.vector_load %arg9[%swap3A_2124, %swap3A_2125] {strides = array<i32>} : memref<40x128xf32, #tpu.memory_space<vmem>>, vector<1x16xf32>,
          %swap3A_2127 = vector.shape_cast %swap3A_2126 : vector<1x16xf32> to vector<16xf32>
          %swap3A_2128 = vector.shape_cast %mul3A_2123 : vector<16xf32> to vector<1x16xf32>
          tpu.vector_store %arg9[%swap3A_2124, %swap3A_2125], %swap3A_2128 {strides = array<i32>} : memref<40x128xf32, #tpu.memory_space<vmem>>, vector<1x16xf32>,
          %mul3A_2129 = arith.constant 10 : i32
          %mul3A_2130 = arith.muli %add3A_184, %mul3A_2129 : i32
          %add3A_2131 = arith.constant 0 : i32
          %add3A_2132 = arith.addi %mul3A_2130, %add3A_2131 : i32
          %get3A_2133 = arith.index_cast %add3A_2132 : i32 to index
          %get3A_2134 = arith.constant 16 : index
          %get3A_2135 = tpu.vector_load %arg7[%get3A_2133, %get3A_2134] {strides = array<i32>} : memref<400x128xf32, #tpu.memory_space<vmem>>, vector<1x16xf32>,
          %get3A_2136 = vector.shape_cast %get3A_2135 : vector<1x16xf32> to vector<16xf32>
          %add3A_2137 = arith.addf %get3A_2058, %get3A_2065 : vector<16xf32>
          %add3A_2138 = arith.constant 1 : i32
          %add3A_2139 = arith.addi %mul3A_2130, %add3A_2138 : i32
          %get3A_2140 = arith.index_cast %add3A_2139 : i32 to index
          %get3A_2141 = arith.constant 16 : index
          %get3A_2142 = tpu.vector_load %arg7[%get3A_2140, %get3A_2141] {strides = array<i32>} : memref<400x128xf32, #tpu.memory_space<vmem>>, vector<1x16xf32>,
          %get3A_2143 = vector.shape_cast %get3A_2142 : vector<1x16xf32> to vector<16xf32>
          %add3A_2144 = arith.addf %get3A_2072, %get3A_2079 : vector<16xf32>
          %add3A_2145 = arith.constant 2 : i32
          %add3A_2146 = arith.addi %mul3A_2130, %add3A_2145 : i32
          %get3A_2147 = arith.index_cast %add3A_2146 : i32 to index
          %get3A_2148 = arith.constant 16 : index
          %get3A_2149 = tpu.vector_load %arg7[%get3A_2147, %get3A_2148] {strides = array<i32>} : memref<400x128xf32, #tpu.memory_space<vmem>>, vector<1x16xf32>,
          %get3A_2150 = vector.shape_cast %get3A_2149 : vector<1x16xf32> to vector<16xf32>
          %add3A_2151 = arith.addf %get3A_2086, %get3A_2093 : vector<16xf32>
          %add3A_2152 = arith.constant 3 : i32
          %add3A_2153 = arith.addi %mul3A_2130, %add3A_2152 : i32
          %get3A_2154 = arith.index_cast %add3A_2153 : i32 to index
          %get3A_2155 = arith.constant 16 : index
          %get3A_2156 = tpu.vector_load %arg7[%get3A_2154, %get3A_2155] {strides = array<i32>} : memref<400x128xf32, #tpu.memory_space<vmem>>, vector<1x16xf32>,
          %get3A_2157 = vector.shape_cast %get3A_2156 : vector<1x16xf32> to vector<16xf32>
          %add3A_2158 = arith.addf %get3A_2100, %get3A_2107 : vector<16xf32>
          %add3A_2159 = arith.constant 4 : i32
          %add3A_2160 = arith.addi %mul3A_2130, %add3A_2159 : i32
          %get3A_2161 = arith.index_cast %add3A_2160 : i32 to index
          %get3A_2162 = arith.constant 16 : index
          %get3A_2163 = tpu.vector_load %arg7[%get3A_2161, %get3A_2162] {strides = array<i32>} : memref<400x128xf32, #tpu.memory_space<vmem>>, vector<1x16xf32>,
          %get3A_2164 = vector.shape_cast %get3A_2163 : vector<1x16xf32> to vector<16xf32>
          %add3A_2165 = arith.addf %get3A_2113, %get3A_2120 : vector<16xf32>
          %add3A_2166 = arith.constant 5 : i32
          %add3A_2167 = arith.addi %mul3A_2130, %add3A_2166 : i32
          %get3A_2168 = arith.index_cast %add3A_2167 : i32 to index
          %get3A_2169 = arith.constant 16 : index
          %get3A_2170 = tpu.vector_load %arg7[%get3A_2168, %get3A_2169] {strides = array<i32>} : memref<400x128xf32, #tpu.memory_space<vmem>>, vector<1x16xf32>,
          %get3A_2171 = vector.shape_cast %get3A_2170 : vector<1x16xf32> to vector<16xf32>
          %add3A_2172 = arith.addf %add3A_2137, %add3A_2144 : vector<16xf32>
          %add3A_2173 = arith.constant 6 : i32
          %add3A_2174 = arith.addi %mul3A_2130, %add3A_2173 : i32
          %get3A_2175 = arith.index_cast %add3A_2174 : i32 to index
          %get3A_2176 = arith.constant 16 : index
          %get3A_2177 = tpu.vector_load %arg7[%get3A_2175, %get3A_2176] {strides = array<i32>} : memref<400x128xf32, #tpu.memory_space<vmem>>, vector<1x16xf32>,
          %get3A_2178 = vector.shape_cast %get3A_2177 : vector<1x16xf32> to vector<16xf32>
          %add3A_2179 = arith.addf %add3A_2151, %add3A_2158 : vector<16xf32>
          %add3A_2180 = arith.constant 7 : i32
          %add3A_2181 = arith.addi %mul3A_2130, %add3A_2180 : i32
          %get3A_2182 = arith.index_cast %add3A_2181 : i32 to index
          %get3A_2183 = arith.constant 16 : index
          %get3A_2184 = tpu.vector_load %arg7[%get3A_2182, %get3A_2183] {strides = array<i32>} : memref<400x128xf32, #tpu.memory_space<vmem>>, vector<1x16xf32>,
          %get3A_2185 = vector.shape_cast %get3A_2184 : vector<1x16xf32> to vector<16xf32>
          %add3A_2186 = arith.constant 8 : i32
          %add3A_2187 = arith.addi %mul3A_2130, %add3A_2186 : i32
          %get3A_2188 = arith.index_cast %add3A_2187 : i32 to index
          %get3A_2189 = arith.constant 16 : index
          %get3A_2190 = tpu.vector_load %arg7[%get3A_2188, %get3A_2189] {strides = array<i32>} : memref<400x128xf32, #tpu.memory_space<vmem>>, vector<1x16xf32>,
          %get3A_2191 = vector.shape_cast %get3A_2190 : vector<1x16xf32> to vector<16xf32>
          %add3A_2192 = arith.addf %add3A_2172, %add3A_2179 : vector<16xf32>
          %add3A_2193 = arith.constant 9 : i32
          %add3A_2194 = arith.addi %mul3A_2130, %add3A_2193 : i32
          %get3A_2195 = arith.index_cast %add3A_2194 : i32 to index
          %get3A_2196 = arith.constant 16 : index
          %get3A_2197 = tpu.vector_load %arg7[%get3A_2195, %get3A_2196] {strides = array<i32>} : memref<400x128xf32, #tpu.memory_space<vmem>>, vector<1x16xf32>,
          %get3A_2198 = vector.shape_cast %get3A_2197 : vector<1x16xf32> to vector<16xf32>
          %add3A_2199 = arith.addf %add3A_2192, %add3A_2165 : vector<16xf32>
          %mul3A_2200 = vector.broadcast %scan3A_66 : f32 to vector<16xf32>
          %mul3A_2201 = arith.mulf %add3A_2199, %mul3A_2200 : vector<16xf32>
          %swap3A_2202 = arith.index_cast %add3A_182 : i32 to index
          %swap3A_2203 = arith.constant 0 : index
          %swap3A_2204 = tpu.vector_load %arg9[%swap3A_2202, %swap3A_2203] {strides = array<i32>} : memref<40x128xf32, #tpu.memory_space<vmem>>, vector<1x16xf32>,
          %swap3A_2205 = vector.shape_cast %swap3A_2204 : vector<1x16xf32> to vector<16xf32>
          %swap3A_2206 = vector.shape_cast %mul3A_2201 : vector<16xf32> to vector<1x16xf32>
          tpu.vector_store %arg9[%swap3A_2202, %swap3A_2203], %swap3A_2206 {strides = array<i32>} : memref<40x128xf32, #tpu.memory_space<vmem>>, vector<1x16xf32>,
          %mul3A_2207 = arith.constant 10 : i32
          %mul3A_2208 = arith.muli %add3A_186, %mul3A_2207 : i32
          %add3A_2209 = arith.constant 0 : i32
          %add3A_2210 = arith.addi %mul3A_2208, %add3A_2209 : i32
          %get3A_2211 = arith.index_cast %add3A_2210 : i32 to index
          %get3A_2212 = arith.constant 32 : index
          %get3A_2213 = tpu.vector_load %arg7[%get3A_2211, %get3A_2212] {strides = array<i32>} : memref<400x128xf32, #tpu.memory_space<vmem>>, vector<1x16xf32>,
          %get3A_2214 = vector.shape_cast %get3A_2213 : vector<1x16xf32> to vector<16xf32>
          %add3A_2215 = arith.addf %get3A_2136, %get3A_2143 : vector<16xf32>
          %add3A_2216 = arith.constant 1 : i32
          %add3A_2217 = arith.addi %mul3A_2208, %add3A_2216 : i32
          %get3A_2218 = arith.index_cast %add3A_2217 : i32 to index
          %get3A_2219 = arith.constant 32 : index
          %get3A_2220 = tpu.vector_load %arg7[%get3A_2218, %get3A_2219] {strides = array<i32>} : memref<400x128xf32, #tpu.memory_space<vmem>>, vector<1x16xf32>,
          %get3A_2221 = vector.shape_cast %get3A_2220 : vector<1x16xf32> to vector<16xf32>
          %add3A_2222 = arith.addf %get3A_2150, %get3A_2157 : vector<16xf32>
          %add3A_2223 = arith.constant 2 : i32
          %add3A_2224 = arith.addi %mul3A_2208, %add3A_2223 : i32
          %get3A_2225 = arith.index_cast %add3A_2224 : i32 to index
          %get3A_2226 = arith.constant 32 : index
          %get3A_2227 = tpu.vector_load %arg7[%get3A_2225, %get3A_2226] {strides = array<i32>} : memref<400x128xf32, #tpu.memory_space<vmem>>, vector<1x16xf32>,
          %get3A_2228 = vector.shape_cast %get3A_2227 : vector<1x16xf32> to vector<16xf32>
          %add3A_2229 = arith.addf %get3A_2164, %get3A_2171 : vector<16xf32>
          %add3A_2230 = arith.constant 3 : i32
          %add3A_2231 = arith.addi %mul3A_2208, %add3A_2230 : i32
          %get3A_2232 = arith.index_cast %add3A_2231 : i32 to index
          %get3A_2233 = arith.constant 32 : index
          %get3A_2234 = tpu.vector_load %arg7[%get3A_2232, %get3A_2233] {strides = array<i32>} : memref<400x128xf32, #tpu.memory_space<vmem>>, vector<1x16xf32>,
          %get3A_2235 = vector.shape_cast %get3A_2234 : vector<1x16xf32> to vector<16xf32>
          %add3A_2236 = arith.addf %get3A_2178, %get3A_2185 : vector<16xf32>
          %add3A_2237 = arith.constant 4 : i32
          %add3A_2238 = arith.addi %mul3A_2208, %add3A_2237 : i32
          %get3A_2239 = arith.index_cast %add3A_2238 : i32 to index
          %get3A_2240 = arith.constant 32 : index
          %get3A_2241 = tpu.vector_load %arg7[%get3A_2239, %get3A_2240] {strides = array<i32>} : memref<400x128xf32, #tpu.memory_space<vmem>>, vector<1x16xf32>,
          %get3A_2242 = vector.shape_cast %get3A_2241 : vector<1x16xf32> to vector<16xf32>
          %add3A_2243 = arith.addf %get3A_2191, %get3A_2198 : vector<16xf32>
          %add3A_2244 = arith.constant 5 : i32
          %add3A_2245 = arith.addi %mul3A_2208, %add3A_2244 : i32
          %get3A_2246 = arith.index_cast %add3A_2245 : i32 to index
          %get3A_2247 = arith.constant 32 : index
          %get3A_2248 = tpu.vector_load %arg7[%get3A_2246, %get3A_2247] {strides = array<i32>} : memref<400x128xf32, #tpu.memory_space<vmem>>, vector<1x16xf32>,
          %get3A_2249 = vector.shape_cast %get3A_2248 : vector<1x16xf32> to vector<16xf32>
          %add3A_2250 = arith.addf %add3A_2215, %add3A_2222 : vector<16xf32>
          %add3A_2251 = arith.constant 6 : i32
          %add3A_2252 = arith.addi %mul3A_2208, %add3A_2251 : i32
          %get3A_2253 = arith.index_cast %add3A_2252 : i32 to index
          %get3A_2254 = arith.constant 32 : index
          %get3A_2255 = tpu.vector_load %arg7[%get3A_2253, %get3A_2254] {strides = array<i32>} : memref<400x128xf32, #tpu.memory_space<vmem>>, vector<1x16xf32>,
          %get3A_2256 = vector.shape_cast %get3A_2255 : vector<1x16xf32> to vector<16xf32>
          %add3A_2257 = arith.addf %add3A_2229, %add3A_2236 : vector<16xf32>
          %add3A_2258 = arith.constant 7 : i32
          %add3A_2259 = arith.addi %mul3A_2208, %add3A_2258 : i32
          %get3A_2260 = arith.index_cast %add3A_2259 : i32 to index
          %get3A_2261 = arith.constant 32 : index
          %get3A_2262 = tpu.vector_load %arg7[%get3A_2260, %get3A_2261] {strides = array<i32>} : memref<400x128xf32, #tpu.memory_space<vmem>>, vector<1x16xf32>,
          %get3A_2263 = vector.shape_cast %get3A_2262 : vector<1x16xf32> to vector<16xf32>
          %add3A_2264 = arith.constant 8 : i32
          %add3A_2265 = arith.addi %mul3A_2208, %add3A_2264 : i32
          %get3A_2266 = arith.index_cast %add3A_2265 : i32 to index
          %get3A_2267 = arith.constant 32 : index
          %get3A_2268 = tpu.vector_load %arg7[%get3A_2266, %get3A_2267] {strides = array<i32>} : memref<400x128xf32, #tpu.memory_space<vmem>>, vector<1x16xf32>,
          %get3A_2269 = vector.shape_cast %get3A_2268 : vector<1x16xf32> to vector<16xf32>
          %add3A_2270 = arith.addf %add3A_2250, %add3A_2257 : vector<16xf32>
          %add3A_2271 = arith.constant 9 : i32
          %add3A_2272 = arith.addi %mul3A_2208, %add3A_2271 : i32
          %get3A_2273 = arith.index_cast %add3A_2272 : i32 to index
          %get3A_2274 = arith.constant 32 : index
          %get3A_2275 = tpu.vector_load %arg7[%get3A_2273, %get3A_2274] {strides = array<i32>} : memref<400x128xf32, #tpu.memory_space<vmem>>, vector<1x16xf32>,
          %get3A_2276 = vector.shape_cast %get3A_2275 : vector<1x16xf32> to vector<16xf32>
          %add3A_2277 = arith.addf %add3A_2270, %add3A_2243 : vector<16xf32>
          %mul3A_2278 = vector.broadcast %scan3A_66 : f32 to vector<16xf32>
          %mul3A_2279 = arith.mulf %add3A_2277, %mul3A_2278 : vector<16xf32>
          %swap3A_2280 = arith.index_cast %add3A_184 : i32 to index
          %swap3A_2281 = arith.constant 16 : index
          %swap3A_2282 = tpu.vector_load %arg9[%swap3A_2280, %swap3A_2281] {strides = array<i32>} : memref<40x128xf32, #tpu.memory_space<vmem>>, vector<1x16xf32>,
          %swap3A_2283 = vector.shape_cast %swap3A_2282 : vector<1x16xf32> to vector<16xf32>
          %swap3A_2284 = vector.shape_cast %mul3A_2279 : vector<16xf32> to vector<1x16xf32>
          tpu.vector_store %arg9[%swap3A_2280, %swap3A_2281], %swap3A_2284 {strides = array<i32>} : memref<40x128xf32, #tpu.memory_space<vmem>>, vector<1x16xf32>,
          %mul3A_2285 = arith.constant 10 : i32
          %mul3A_2286 = arith.muli %add3A_188, %mul3A_2285 : i32
          %add3A_2287 = arith.constant 0 : i32
          %add3A_2288 = arith.addi %mul3A_2286, %add3A_2287 : i32
          %get3A_2289 = arith.index_cast %add3A_2288 : i32 to index
          %get3A_2290 = arith.constant 48 : index
          %get3A_2291 = tpu.vector_load %arg7[%get3A_2289, %get3A_2290] {strides = array<i32>} : memref<400x128xf32, #tpu.memory_space<vmem>>, vector<1x16xf32>,
          %get3A_2292 = vector.shape_cast %get3A_2291 : vector<1x16xf32> to vector<16xf32>
          %add3A_2293 = arith.addf %get3A_2214, %get3A_2221 : vector<16xf32>
          %add3A_2294 = arith.constant 1 : i32
          %add3A_2295 = arith.addi %mul3A_2286, %add3A_2294 : i32
          %get3A_2296 = arith.index_cast %add3A_2295 : i32 to index
          %get3A_2297 = arith.constant 48 : index
          %get3A_2298 = tpu.vector_load %arg7[%get3A_2296, %get3A_2297] {strides = array<i32>} : memref<400x128xf32, #tpu.memory_space<vmem>>, vector<1x16xf32>,
          %get3A_2299 = vector.shape_cast %get3A_2298 : vector<1x16xf32> to vector<16xf32>
          %add3A_2300 = arith.addf %get3A_2228, %get3A_2235 : vector<16xf32>
          %add3A_2301 = arith.constant 2 : i32
          %add3A_2302 = arith.addi %mul3A_2286, %add3A_2301 : i32
          %get3A_2303 = arith.index_cast %add3A_2302 : i32 to index
          %get3A_2304 = arith.constant 48 : index
          %get3A_2305 = tpu.vector_load %arg7[%get3A_2303, %get3A_2304] {strides = array<i32>} : memref<400x128xf32, #tpu.memory_space<vmem>>, vector<1x16xf32>,
          %get3A_2306 = vector.shape_cast %get3A_2305 : vector<1x16xf32> to vector<16xf32>
          %add3A_2307 = arith.addf %get3A_2242, %get3A_2249 : vector<16xf32>
          %add3A_2308 = arith.constant 3 : i32
          %add3A_2309 = arith.addi %mul3A_2286, %add3A_2308 : i32
          %get3A_2310 = arith.index_cast %add3A_2309 : i32 to index
          %get3A_2311 = arith.constant 48 : index
          %get3A_2312 = tpu.vector_load %arg7[%get3A_2310, %get3A_2311] {strides = array<i32>} : memref<400x128xf32, #tpu.memory_space<vmem>>, vector<1x16xf32>,
          %get3A_2313 = vector.shape_cast %get3A_2312 : vector<1x16xf32> to vector<16xf32>
          %add3A_2314 = arith.addf %get3A_2256, %get3A_2263 : vector<16xf32>
          %add3A_2315 = arith.constant 4 : i32
          %add3A_2316 = arith.addi %mul3A_2286, %add3A_2315 : i32
          %get3A_2317 = arith.index_cast %add3A_2316 : i32 to index
          %get3A_2318 = arith.constant 48 : index
          %get3A_2319 = tpu.vector_load %arg7[%get3A_2317, %get3A_2318] {strides = array<i32>} : memref<400x128xf32, #tpu.memory_space<vmem>>, vector<1x16xf32>,
          %get3A_2320 = vector.shape_cast %get3A_2319 : vector<1x16xf32> to vector<16xf32>
          %add3A_2321 = arith.addf %get3A_2269, %get3A_2276 : vector<16xf32>
          %add3A_2322 = arith.constant 5 : i32
          %add3A_2323 = arith.addi %mul3A_2286, %add3A_2322 : i32
          %get3A_2324 = arith.index_cast %add3A_2323 : i32 to index
          %get3A_2325 = arith.constant 48 : index
          %get3A_2326 = tpu.vector_load %arg7[%get3A_2324, %get3A_2325] {strides = array<i32>} : memref<400x128xf32, #tpu.memory_space<vmem>>, vector<1x16xf32>,
          %get3A_2327 = vector.shape_cast %get3A_2326 : vector<1x16xf32> to vector<16xf32>
          %add3A_2328 = arith.addf %add3A_2293, %add3A_2300 : vector<16xf32>
          %add3A_2329 = arith.constant 6 : i32
          %add3A_2330 = arith.addi %mul3A_2286, %add3A_2329 : i32
          %get3A_2331 = arith.index_cast %add3A_2330 : i32 to index
          %get3A_2332 = arith.constant 48 : index
          %get3A_2333 = tpu.vector_load %arg7[%get3A_2331, %get3A_2332] {strides = array<i32>} : memref<400x128xf32, #tpu.memory_space<vmem>>, vector<1x16xf32>,
          %get3A_2334 = vector.shape_cast %get3A_2333 : vector<1x16xf32> to vector<16xf32>
          %add3A_2335 = arith.addf %add3A_2307, %add3A_2314 : vector<16xf32>
          %add3A_2336 = arith.constant 7 : i32
          %add3A_2337 = arith.addi %mul3A_2286, %add3A_2336 : i32
          %get3A_2338 = arith.index_cast %add3A_2337 : i32 to index
          %get3A_2339 = arith.constant 48 : index
          %get3A_2340 = tpu.vector_load %arg7[%get3A_2338, %get3A_2339] {strides = array<i32>} : memref<400x128xf32, #tpu.memory_space<vmem>>, vector<1x16xf32>,
          %get3A_2341 = vector.shape_cast %get3A_2340 : vector<1x16xf32> to vector<16xf32>
          %add3A_2342 = arith.constant 8 : i32
          %add3A_2343 = arith.addi %mul3A_2286, %add3A_2342 : i32
          %get3A_2344 = arith.index_cast %add3A_2343 : i32 to index
          %get3A_2345 = arith.constant 48 : index
          %get3A_2346 = tpu.vector_load %arg7[%get3A_2344, %get3A_2345] {strides = array<i32>} : memref<400x128xf32, #tpu.memory_space<vmem>>, vector<1x16xf32>,
          %get3A_2347 = vector.shape_cast %get3A_2346 : vector<1x16xf32> to vector<16xf32>
          %add3A_2348 = arith.addf %add3A_2328, %add3A_2335 : vector<16xf32>
          %add3A_2349 = arith.constant 9 : i32
          %add3A_2350 = arith.addi %mul3A_2286, %add3A_2349 : i32
          %get3A_2351 = arith.index_cast %add3A_2350 : i32 to index
          %get3A_2352 = arith.constant 48 : index
          %get3A_2353 = tpu.vector_load %arg7[%get3A_2351, %get3A_2352] {strides = array<i32>} : memref<400x128xf32, #tpu.memory_space<vmem>>, vector<1x16xf32>,
          %get3A_2354 = vector.shape_cast %get3A_2353 : vector<1x16xf32> to vector<16xf32>
          %add3A_2355 = arith.addf %add3A_2348, %add3A_2321 : vector<16xf32>
          %mul3A_2356 = vector.broadcast %scan3A_66 : f32 to vector<16xf32>
          %mul3A_2357 = arith.mulf %add3A_2355, %mul3A_2356 : vector<16xf32>
          %swap3A_2358 = arith.index_cast %add3A_186 : i32 to index
          %swap3A_2359 = arith.constant 32 : index
          %swap3A_2360 = tpu.vector_load %arg9[%swap3A_2358, %swap3A_2359] {strides = array<i32>} : memref<40x128xf32, #tpu.memory_space<vmem>>, vector<1x16xf32>,
          %swap3A_2361 = vector.shape_cast %swap3A_2360 : vector<1x16xf32> to vector<16xf32>
          %swap3A_2362 = vector.shape_cast %mul3A_2357 : vector<16xf32> to vector<1x16xf32>
          tpu.vector_store %arg9[%swap3A_2358, %swap3A_2359], %swap3A_2362 {strides = array<i32>} : memref<40x128xf32, #tpu.memory_space<vmem>>, vector<1x16xf32>,
          %mul3A_2363 = arith.constant 10 : i32
          %mul3A_2364 = arith.muli %add3A_190, %mul3A_2363 : i32
          %add3A_2365 = arith.constant 0 : i32
          %add3A_2366 = arith.addi %mul3A_2364, %add3A_2365 : i32
          %get3A_2367 = arith.index_cast %add3A_2366 : i32 to index
          %get3A_2368 = arith.constant 64 : index
          %get3A_2369 = tpu.vector_load %arg7[%get3A_2367, %get3A_2368] {strides = array<i32>} : memref<400x128xf32, #tpu.memory_space<vmem>>, vector<1x16xf32>,
          %get3A_2370 = vector.shape_cast %get3A_2369 : vector<1x16xf32> to vector<16xf32>
          %add3A_2371 = arith.addf %get3A_2292, %get3A_2299 : vector<16xf32>
          %add3A_2372 = arith.constant 1 : i32
          %add3A_2373 = arith.addi %mul3A_2364, %add3A_2372 : i32
          %get3A_2374 = arith.index_cast %add3A_2373 : i32 to index
          %get3A_2375 = arith.constant 64 : index
          %get3A_2376 = tpu.vector_load %arg7[%get3A_2374, %get3A_2375] {strides = array<i32>} : memref<400x128xf32, #tpu.memory_space<vmem>>, vector<1x16xf32>,
          %get3A_2377 = vector.shape_cast %get3A_2376 : vector<1x16xf32> to vector<16xf32>
          %add3A_2378 = arith.addf %get3A_2306, %get3A_2313 : vector<16xf32>
          %add3A_2379 = arith.constant 2 : i32
          %add3A_2380 = arith.addi %mul3A_2364, %add3A_2379 : i32
          %get3A_2381 = arith.index_cast %add3A_2380 : i32 to index
          %get3A_2382 = arith.constant 64 : index
          %get3A_2383 = tpu.vector_load %arg7[%get3A_2381, %get3A_2382] {strides = array<i32>} : memref<400x128xf32, #tpu.memory_space<vmem>>, vector<1x16xf32>,
          %get3A_2384 = vector.shape_cast %get3A_2383 : vector<1x16xf32> to vector<16xf32>
          %add3A_2385 = arith.addf %get3A_2320, %get3A_2327 : vector<16xf32>
          %add3A_2386 = arith.constant 3 : i32
          %add3A_2387 = arith.addi %mul3A_2364, %add3A_2386 : i32
          %get3A_2388 = arith.index_cast %add3A_2387 : i32 to index
          %get3A_2389 = arith.constant 64 : index
          %get3A_2390 = tpu.vector_load %arg7[%get3A_2388, %get3A_2389] {strides = array<i32>} : memref<400x128xf32, #tpu.memory_space<vmem>>, vector<1x16xf32>,
          %get3A_2391 = vector.shape_cast %get3A_2390 : vector<1x16xf32> to vector<16xf32>
          %add3A_2392 = arith.addf %get3A_2334, %get3A_2341 : vector<16xf32>
          %add3A_2393 = arith.constant 4 : i32
          %add3A_2394 = arith.addi %mul3A_2364, %add3A_2393 : i32
          %get3A_2395 = arith.index_cast %add3A_2394 : i32 to index
          %get3A_2396 = arith.constant 64 : index
          %get3A_2397 = tpu.vector_load %arg7[%get3A_2395, %get3A_2396] {strides = array<i32>} : memref<400x128xf32, #tpu.memory_space<vmem>>, vector<1x16xf32>,
          %get3A_2398 = vector.shape_cast %get3A_2397 : vector<1x16xf32> to vector<16xf32>
          %add3A_2399 = arith.addf %get3A_2347, %get3A_2354 : vector<16xf32>
          %add3A_2400 = arith.constant 5 : i32
          %add3A_2401 = arith.addi %mul3A_2364, %add3A_2400 : i32
          %get3A_2402 = arith.index_cast %add3A_2401 : i32 to index
          %get3A_2403 = arith.constant 64 : index
          %get3A_2404 = tpu.vector_load %arg7[%get3A_2402, %get3A_2403] {strides = array<i32>} : memref<400x128xf32, #tpu.memory_space<vmem>>, vector<1x16xf32>,
          %get3A_2405 = vector.shape_cast %get3A_2404 : vector<1x16xf32> to vector<16xf32>
          %add3A_2406 = arith.addf %add3A_2371, %add3A_2378 : vector<16xf32>
          %add3A_2407 = arith.constant 6 : i32
          %add3A_2408 = arith.addi %mul3A_2364, %add3A_2407 : i32
          %get3A_2409 = arith.index_cast %add3A_2408 : i32 to index
          %get3A_2410 = arith.constant 64 : index
          %get3A_2411 = tpu.vector_load %arg7[%get3A_2409, %get3A_2410] {strides = array<i32>} : memref<400x128xf32, #tpu.memory_space<vmem>>, vector<1x16xf32>,
          %get3A_2412 = vector.shape_cast %get3A_2411 : vector<1x16xf32> to vector<16xf32>
          %add3A_2413 = arith.addf %add3A_2385, %add3A_2392 : vector<16xf32>
          %add3A_2414 = arith.constant 7 : i32
          %add3A_2415 = arith.addi %mul3A_2364, %add3A_2414 : i32
          %get3A_2416 = arith.index_cast %add3A_2415 : i32 to index
          %get3A_2417 = arith.constant 64 : index
          %get3A_2418 = tpu.vector_load %arg7[%get3A_2416, %get3A_2417] {strides = array<i32>} : memref<400x128xf32, #tpu.memory_space<vmem>>, vector<1x16xf32>,
          %get3A_2419 = vector.shape_cast %get3A_2418 : vector<1x16xf32> to vector<16xf32>
          %add3A_2420 = arith.constant 8 : i32
          %add3A_2421 = arith.addi %mul3A_2364, %add3A_2420 : i32
          %get3A_2422 = arith.index_cast %add3A_2421 : i32 to index
          %get3A_2423 = arith.constant 64 : index
          %get3A_2424 = tpu.vector_load %arg7[%get3A_2422, %get3A_2423] {strides = array<i32>} : memref<400x128xf32, #tpu.memory_space<vmem>>, vector<1x16xf32>,
          %get3A_2425 = vector.shape_cast %get3A_2424 : vector<1x16xf32> to vector<16xf32>
          %add3A_2426 = arith.addf %add3A_2406, %add3A_2413 : vector<16xf32>
          %add3A_2427 = arith.constant 9 : i32
          %add3A_2428 = arith.addi %mul3A_2364, %add3A_2427 : i32
          %get3A_2429 = arith.index_cast %add3A_2428 : i32 to index
          %get3A_2430 = arith.constant 64 : index
          %get3A_2431 = tpu.vector_load %arg7[%get3A_2429, %get3A_2430] {strides = array<i32>} : memref<400x128xf32, #tpu.memory_space<vmem>>, vector<1x16xf32>,
          %get3A_2432 = vector.shape_cast %get3A_2431 : vector<1x16xf32> to vector<16xf32>
          %add3A_2433 = arith.addf %add3A_2426, %add3A_2399 : vector<16xf32>
          %mul3A_2434 = vector.broadcast %scan3A_66 : f32 to vector<16xf32>
          %mul3A_2435 = arith.mulf %add3A_2433, %mul3A_2434 : vector<16xf32>
          %swap3A_2436 = arith.index_cast %add3A_188 : i32 to index
          %swap3A_2437 = arith.constant 48 : index
          %swap3A_2438 = tpu.vector_load %arg9[%swap3A_2436, %swap3A_2437] {strides = array<i32>} : memref<40x128xf32, #tpu.memory_space<vmem>>, vector<1x16xf32>,
          %swap3A_2439 = vector.shape_cast %swap3A_2438 : vector<1x16xf32> to vector<16xf32>
          %swap3A_2440 = vector.shape_cast %mul3A_2435 : vector<16xf32> to vector<1x16xf32>
          tpu.vector_store %arg9[%swap3A_2436, %swap3A_2437], %swap3A_2440 {strides = array<i32>} : memref<40x128xf32, #tpu.memory_space<vmem>>, vector<1x16xf32>,
          %mul3A_2441 = arith.constant 10 : i32
          %mul3A_2442 = arith.muli %add3A_192, %mul3A_2441 : i32
          %add3A_2443 = arith.constant 0 : i32
          %add3A_2444 = arith.addi %mul3A_2442, %add3A_2443 : i32
          %get3A_2445 = arith.index_cast %add3A_2444 : i32 to index
          %get3A_2446 = arith.constant 80 : index
          %get3A_2447 = tpu.vector_load %arg7[%get3A_2445, %get3A_2446] {strides = array<i32>} : memref<400x128xf32, #tpu.memory_space<vmem>>, vector<1x16xf32>,
          %get3A_2448 = vector.shape_cast %get3A_2447 : vector<1x16xf32> to vector<16xf32>
          %add3A_2449 = arith.addf %get3A_2370, %get3A_2377 : vector<16xf32>
          %add3A_2450 = arith.constant 1 : i32
          %add3A_2451 = arith.addi %mul3A_2442, %add3A_2450 : i32
          %get3A_2452 = arith.index_cast %add3A_2451 : i32 to index
          %get3A_2453 = arith.constant 80 : index
          %get3A_2454 = tpu.vector_load %arg7[%get3A_2452, %get3A_2453] {strides = array<i32>} : memref<400x128xf32, #tpu.memory_space<vmem>>, vector<1x16xf32>,
          %get3A_2455 = vector.shape_cast %get3A_2454 : vector<1x16xf32> to vector<16xf32>
          %add3A_2456 = arith.addf %get3A_2384, %get3A_2391 : vector<16xf32>
          %add3A_2457 = arith.constant 2 : i32
          %add3A_2458 = arith.addi %mul3A_2442, %add3A_2457 : i32
          %get3A_2459 = arith.index_cast %add3A_2458 : i32 to index
          %get3A_2460 = arith.constant 80 : index
          %get3A_2461 = tpu.vector_load %arg7[%get3A_2459, %get3A_2460] {strides = array<i32>} : memref<400x128xf32, #tpu.memory_space<vmem>>, vector<1x16xf32>,
          %get3A_2462 = vector.shape_cast %get3A_2461 : vector<1x16xf32> to vector<16xf32>
          %add3A_2463 = arith.addf %get3A_2398, %get3A_2405 : vector<16xf32>
          %add3A_2464 = arith.constant 3 : i32
          %add3A_2465 = arith.addi %mul3A_2442, %add3A_2464 : i32
          %get3A_2466 = arith.index_cast %add3A_2465 : i32 to index
          %get3A_2467 = arith.constant 80 : index
          %get3A_2468 = tpu.vector_load %arg7[%get3A_2466, %get3A_2467] {strides = array<i32>} : memref<400x128xf32, #tpu.memory_space<vmem>>, vector<1x16xf32>,
          %get3A_2469 = vector.shape_cast %get3A_2468 : vector<1x16xf32> to vector<16xf32>
          %add3A_2470 = arith.addf %get3A_2412, %get3A_2419 : vector<16xf32>
          %add3A_2471 = arith.constant 4 : i32
          %add3A_2472 = arith.addi %mul3A_2442, %add3A_2471 : i32
          %get3A_2473 = arith.index_cast %add3A_2472 : i32 to index
          %get3A_2474 = arith.constant 80 : index
          %get3A_2475 = tpu.vector_load %arg7[%get3A_2473, %get3A_2474] {strides = array<i32>} : memref<400x128xf32, #tpu.memory_space<vmem>>, vector<1x16xf32>,
          %get3A_2476 = vector.shape_cast %get3A_2475 : vector<1x16xf32> to vector<16xf32>
          %add3A_2477 = arith.addf %get3A_2425, %get3A_2432 : vector<16xf32>
          %add3A_2478 = arith.constant 5 : i32
          %add3A_2479 = arith.addi %mul3A_2442, %add3A_2478 : i32
          %get3A_2480 = arith.index_cast %add3A_2479 : i32 to index
          %get3A_2481 = arith.constant 80 : index
          %get3A_2482 = tpu.vector_load %arg7[%get3A_2480, %get3A_2481] {strides = array<i32>} : memref<400x128xf32, #tpu.memory_space<vmem>>, vector<1x16xf32>,
          %get3A_2483 = vector.shape_cast %get3A_2482 : vector<1x16xf32> to vector<16xf32>
          %add3A_2484 = arith.addf %add3A_2449, %add3A_2456 : vector<16xf32>
          %add3A_2485 = arith.constant 6 : i32
          %add3A_2486 = arith.addi %mul3A_2442, %add3A_2485 : i32
          %get3A_2487 = arith.index_cast %add3A_2486 : i32 to index
          %get3A_2488 = arith.constant 80 : index
          %get3A_2489 = tpu.vector_load %arg7[%get3A_2487, %get3A_2488] {strides = array<i32>} : memref<400x128xf32, #tpu.memory_space<vmem>>, vector<1x16xf32>,
          %get3A_2490 = vector.shape_cast %get3A_2489 : vector<1x16xf32> to vector<16xf32>
          %add3A_2491 = arith.addf %add3A_2463, %add3A_2470 : vector<16xf32>
          %add3A_2492 = arith.constant 7 : i32
          %add3A_2493 = arith.addi %mul3A_2442, %add3A_2492 : i32
          %get3A_2494 = arith.index_cast %add3A_2493 : i32 to index
          %get3A_2495 = arith.constant 80 : index
          %get3A_2496 = tpu.vector_load %arg7[%get3A_2494, %get3A_2495] {strides = array<i32>} : memref<400x128xf32, #tpu.memory_space<vmem>>, vector<1x16xf32>,
          %get3A_2497 = vector.shape_cast %get3A_2496 : vector<1x16xf32> to vector<16xf32>
          %add3A_2498 = arith.constant 8 : i32
          %add3A_2499 = arith.addi %mul3A_2442, %add3A_2498 : i32
          %get3A_2500 = arith.index_cast %add3A_2499 : i32 to index
          %get3A_2501 = arith.constant 80 : index
          %get3A_2502 = tpu.vector_load %arg7[%get3A_2500, %get3A_2501] {strides = array<i32>} : memref<400x128xf32, #tpu.memory_space<vmem>>, vector<1x16xf32>,
          %get3A_2503 = vector.shape_cast %get3A_2502 : vector<1x16xf32> to vector<16xf32>
          %add3A_2504 = arith.addf %add3A_2484, %add3A_2491 : vector<16xf32>
          %add3A_2505 = arith.constant 9 : i32
          %add3A_2506 = arith.addi %mul3A_2442, %add3A_2505 : i32
          %get3A_2507 = arith.index_cast %add3A_2506 : i32 to index
          %get3A_2508 = arith.constant 80 : index
          %get3A_2509 = tpu.vector_load %arg7[%get3A_2507, %get3A_2508] {strides = array<i32>} : memref<400x128xf32, #tpu.memory_space<vmem>>, vector<1x16xf32>,
          %get3A_2510 = vector.shape_cast %get3A_2509 : vector<1x16xf32> to vector<16xf32>
          %add3A_2511 = arith.addf %add3A_2504, %add3A_2477 : vector<16xf32>
          %mul3A_2512 = vector.broadcast %scan3A_66 : f32 to vector<16xf32>
          %mul3A_2513 = arith.mulf %add3A_2511, %mul3A_2512 : vector<16xf32>
          %swap3A_2514 = arith.index_cast %add3A_190 : i32 to index
          %swap3A_2515 = arith.constant 64 : index
          %swap3A_2516 = tpu.vector_load %arg9[%swap3A_2514, %swap3A_2515] {strides = array<i32>} : memref<40x128xf32, #tpu.memory_space<vmem>>, vector<1x16xf32>,
          %swap3A_2517 = vector.shape_cast %swap3A_2516 : vector<1x16xf32> to vector<16xf32>
          %swap3A_2518 = vector.shape_cast %mul3A_2513 : vector<16xf32> to vector<1x16xf32>
          tpu.vector_store %arg9[%swap3A_2514, %swap3A_2515], %swap3A_2518 {strides = array<i32>} : memref<40x128xf32, #tpu.memory_space<vmem>>, vector<1x16xf32>,
          %mul3A_2519 = arith.constant 10 : i32
          %mul3A_2520 = arith.muli %add3A_194, %mul3A_2519 : i32
          %add3A_2521 = arith.constant 0 : i32
          %add3A_2522 = arith.addi %mul3A_2520, %add3A_2521 : i32
          %get3A_2523 = arith.index_cast %add3A_2522 : i32 to index
          %get3A_2524 = arith.constant 96 : index
          %get3A_2525 = tpu.vector_load %arg7[%get3A_2523, %get3A_2524] {strides = array<i32>} : memref<400x128xf32, #tpu.memory_space<vmem>>, vector<1x16xf32>,
          %get3A_2526 = vector.shape_cast %get3A_2525 : vector<1x16xf32> to vector<16xf32>
          %add3A_2527 = arith.addf %get3A_2448, %get3A_2455 : vector<16xf32>
          %add3A_2528 = arith.constant 1 : i32
          %add3A_2529 = arith.addi %mul3A_2520, %add3A_2528 : i32
          %get3A_2530 = arith.index_cast %add3A_2529 : i32 to index
          %get3A_2531 = arith.constant 96 : index
          %get3A_2532 = tpu.vector_load %arg7[%get3A_2530, %get3A_2531] {strides = array<i32>} : memref<400x128xf32, #tpu.memory_space<vmem>>, vector<1x16xf32>,
          %get3A_2533 = vector.shape_cast %get3A_2532 : vector<1x16xf32> to vector<16xf32>
          %add3A_2534 = arith.addf %get3A_2462, %get3A_2469 : vector<16xf32>
          %add3A_2535 = arith.constant 2 : i32
          %add3A_2536 = arith.addi %mul3A_2520, %add3A_2535 : i32
          %get3A_2537 = arith.index_cast %add3A_2536 : i32 to index
          %get3A_2538 = arith.constant 96 : index
          %get3A_2539 = tpu.vector_load %arg7[%get3A_2537, %get3A_2538] {strides = array<i32>} : memref<400x128xf32, #tpu.memory_space<vmem>>, vector<1x16xf32>,
          %get3A_2540 = vector.shape_cast %get3A_2539 : vector<1x16xf32> to vector<16xf32>
          %add3A_2541 = arith.addf %get3A_2476, %get3A_2483 : vector<16xf32>
          %add3A_2542 = arith.constant 3 : i32
          %add3A_2543 = arith.addi %mul3A_2520, %add3A_2542 : i32
          %get3A_2544 = arith.index_cast %add3A_2543 : i32 to index
          %get3A_2545 = arith.constant 96 : index
          %get3A_2546 = tpu.vector_load %arg7[%get3A_2544, %get3A_2545] {strides = array<i32>} : memref<400x128xf32, #tpu.memory_space<vmem>>, vector<1x16xf32>,
          %get3A_2547 = vector.shape_cast %get3A_2546 : vector<1x16xf32> to vector<16xf32>
          %add3A_2548 = arith.addf %get3A_2490, %get3A_2497 : vector<16xf32>
          %add3A_2549 = arith.constant 4 : i32
          %add3A_2550 = arith.addi %mul3A_2520, %add3A_2549 : i32
          %get3A_2551 = arith.index_cast %add3A_2550 : i32 to index
          %get3A_2552 = arith.constant 96 : index
          %get3A_2553 = tpu.vector_load %arg7[%get3A_2551, %get3A_2552] {strides = array<i32>} : memref<400x128xf32, #tpu.memory_space<vmem>>, vector<1x16xf32>,
          %get3A_2554 = vector.shape_cast %get3A_2553 : vector<1x16xf32> to vector<16xf32>
          %add3A_2555 = arith.addf %get3A_2503, %get3A_2510 : vector<16xf32>
          %add3A_2556 = arith.constant 5 : i32
          %add3A_2557 = arith.addi %mul3A_2520, %add3A_2556 : i32
          %get3A_2558 = arith.index_cast %add3A_2557 : i32 to index
          %get3A_2559 = arith.constant 96 : index
          %get3A_2560 = tpu.vector_load %arg7[%get3A_2558, %get3A_2559] {strides = array<i32>} : memref<400x128xf32, #tpu.memory_space<vmem>>, vector<1x16xf32>,
          %get3A_2561 = vector.shape_cast %get3A_2560 : vector<1x16xf32> to vector<16xf32>
          %add3A_2562 = arith.addf %add3A_2527, %add3A_2534 : vector<16xf32>
          %add3A_2563 = arith.constant 6 : i32
          %add3A_2564 = arith.addi %mul3A_2520, %add3A_2563 : i32
          %get3A_2565 = arith.index_cast %add3A_2564 : i32 to index
          %get3A_2566 = arith.constant 96 : index
          %get3A_2567 = tpu.vector_load %arg7[%get3A_2565, %get3A_2566] {strides = array<i32>} : memref<400x128xf32, #tpu.memory_space<vmem>>, vector<1x16xf32>,
          %get3A_2568 = vector.shape_cast %get3A_2567 : vector<1x16xf32> to vector<16xf32>
          %add3A_2569 = arith.addf %add3A_2541, %add3A_2548 : vector<16xf32>
          %add3A_2570 = arith.constant 7 : i32
          %add3A_2571 = arith.addi %mul3A_2520, %add3A_2570 : i32
          %get3A_2572 = arith.index_cast %add3A_2571 : i32 to index
          %get3A_2573 = arith.constant 96 : index
          %get3A_2574 = tpu.vector_load %arg7[%get3A_2572, %get3A_2573] {strides = array<i32>} : memref<400x128xf32, #tpu.memory_space<vmem>>, vector<1x16xf32>,
          %get3A_2575 = vector.shape_cast %get3A_2574 : vector<1x16xf32> to vector<16xf32>
          %add3A_2576 = arith.constant 8 : i32
          %add3A_2577 = arith.addi %mul3A_2520, %add3A_2576 : i32
          %get3A_2578 = arith.index_cast %add3A_2577 : i32 to index
          %get3A_2579 = arith.constant 96 : index
          %get3A_2580 = tpu.vector_load %arg7[%get3A_2578, %get3A_2579] {strides = array<i32>} : memref<400x128xf32, #tpu.memory_space<vmem>>, vector<1x16xf32>,
          %get3A_2581 = vector.shape_cast %get3A_2580 : vector<1x16xf32> to vector<16xf32>
          %add3A_2582 = arith.addf %add3A_2562, %add3A_2569 : vector<16xf32>
          %add3A_2583 = arith.constant 9 : i32
          %add3A_2584 = arith.addi %mul3A_2520, %add3A_2583 : i32
          %get3A_2585 = arith.index_cast %add3A_2584 : i32 to index
          %get3A_2586 = arith.constant 96 : index
          %get3A_2587 = tpu.vector_load %arg7[%get3A_2585, %get3A_2586] {strides = array<i32>} : memref<400x128xf32, #tpu.memory_space<vmem>>, vector<1x16xf32>,
          %get3A_2588 = vector.shape_cast %get3A_2587 : vector<1x16xf32> to vector<16xf32>
          %add3A_2589 = arith.addf %add3A_2582, %add3A_2555 : vector<16xf32>
          %mul3A_2590 = vector.broadcast %scan3A_66 : f32 to vector<16xf32>
          %mul3A_2591 = arith.mulf %add3A_2589, %mul3A_2590 : vector<16xf32>
          %swap3A_2592 = arith.index_cast %add3A_192 : i32 to index
          %swap3A_2593 = arith.constant 80 : index
          %swap3A_2594 = tpu.vector_load %arg9[%swap3A_2592, %swap3A_2593] {strides = array<i32>} : memref<40x128xf32, #tpu.memory_space<vmem>>, vector<1x16xf32>,
          %swap3A_2595 = vector.shape_cast %swap3A_2594 : vector<1x16xf32> to vector<16xf32>
          %swap3A_2596 = vector.shape_cast %mul3A_2591 : vector<16xf32> to vector<1x16xf32>
          tpu.vector_store %arg9[%swap3A_2592, %swap3A_2593], %swap3A_2596 {strides = array<i32>} : memref<40x128xf32, #tpu.memory_space<vmem>>, vector<1x16xf32>,
          %mul3A_2597 = arith.constant 10 : i32
          %mul3A_2598 = arith.muli %add3A_196, %mul3A_2597 : i32
          %add3A_2599 = arith.constant 0 : i32
          %add3A_2600 = arith.addi %mul3A_2598, %add3A_2599 : i32
          %get3A_2601 = arith.index_cast %add3A_2600 : i32 to index
          %get3A_2602 = arith.constant 112 : index
          %get3A_2603 = tpu.vector_load %arg7[%get3A_2601, %get3A_2602] {strides = array<i32>} : memref<400x128xf32, #tpu.memory_space<vmem>>, vector<1x16xf32>,
          %get3A_2604 = vector.shape_cast %get3A_2603 : vector<1x16xf32> to vector<16xf32>
          %add3A_2605 = arith.addf %get3A_2526, %get3A_2533 : vector<16xf32>
          %add3A_2606 = arith.constant 1 : i32
          %add3A_2607 = arith.addi %mul3A_2598, %add3A_2606 : i32
          %get3A_2608 = arith.index_cast %add3A_2607 : i32 to index
          %get3A_2609 = arith.constant 112 : index
          %get3A_2610 = tpu.vector_load %arg7[%get3A_2608, %get3A_2609] {strides = array<i32>} : memref<400x128xf32, #tpu.memory_space<vmem>>, vector<1x16xf32>,
          %get3A_2611 = vector.shape_cast %get3A_2610 : vector<1x16xf32> to vector<16xf32>
          %add3A_2612 = arith.addf %get3A_2540, %get3A_2547 : vector<16xf32>
          %add3A_2613 = arith.constant 2 : i32
          %add3A_2614 = arith.addi %mul3A_2598, %add3A_2613 : i32
          %get3A_2615 = arith.index_cast %add3A_2614 : i32 to index
          %get3A_2616 = arith.constant 112 : index
          %get3A_2617 = tpu.vector_load %arg7[%get3A_2615, %get3A_2616] {strides = array<i32>} : memref<400x128xf32, #tpu.memory_space<vmem>>, vector<1x16xf32>,
          %get3A_2618 = vector.shape_cast %get3A_2617 : vector<1x16xf32> to vector<16xf32>
          %add3A_2619 = arith.addf %get3A_2554, %get3A_2561 : vector<16xf32>
          %add3A_2620 = arith.constant 3 : i32
          %add3A_2621 = arith.addi %mul3A_2598, %add3A_2620 : i32
          %get3A_2622 = arith.index_cast %add3A_2621 : i32 to index
          %get3A_2623 = arith.constant 112 : index
          %get3A_2624 = tpu.vector_load %arg7[%get3A_2622, %get3A_2623] {strides = array<i32>} : memref<400x128xf32, #tpu.memory_space<vmem>>, vector<1x16xf32>,
          %get3A_2625 = vector.shape_cast %get3A_2624 : vector<1x16xf32> to vector<16xf32>
          %add3A_2626 = arith.addf %get3A_2568, %get3A_2575 : vector<16xf32>
          %add3A_2627 = arith.constant 4 : i32
          %add3A_2628 = arith.addi %mul3A_2598, %add3A_2627 : i32
          %get3A_2629 = arith.index_cast %add3A_2628 : i32 to index
          %get3A_2630 = arith.constant 112 : index
          %get3A_2631 = tpu.vector_load %arg7[%get3A_2629, %get3A_2630] {strides = array<i32>} : memref<400x128xf32, #tpu.memory_space<vmem>>, vector<1x16xf32>,
          %get3A_2632 = vector.shape_cast %get3A_2631 : vector<1x16xf32> to vector<16xf32>
          %add3A_2633 = arith.addf %get3A_2581, %get3A_2588 : vector<16xf32>
          %add3A_2634 = arith.constant 5 : i32
          %add3A_2635 = arith.addi %mul3A_2598, %add3A_2634 : i32
          %get3A_2636 = arith.index_cast %add3A_2635 : i32 to index
          %get3A_2637 = arith.constant 112 : index
          %get3A_2638 = tpu.vector_load %arg7[%get3A_2636, %get3A_2637] {strides = array<i32>} : memref<400x128xf32, #tpu.memory_space<vmem>>, vector<1x16xf32>,
          %get3A_2639 = vector.shape_cast %get3A_2638 : vector<1x16xf32> to vector<16xf32>
          %add3A_2640 = arith.addf %add3A_2605, %add3A_2612 : vector<16xf32>
          %add3A_2641 = arith.constant 6 : i32
          %add3A_2642 = arith.addi %mul3A_2598, %add3A_2641 : i32
          %get3A_2643 = arith.index_cast %add3A_2642 : i32 to index
          %get3A_2644 = arith.constant 112 : index
          %get3A_2645 = tpu.vector_load %arg7[%get3A_2643, %get3A_2644] {strides = array<i32>} : memref<400x128xf32, #tpu.memory_space<vmem>>, vector<1x16xf32>,
          %get3A_2646 = vector.shape_cast %get3A_2645 : vector<1x16xf32> to vector<16xf32>
          %add3A_2647 = arith.addf %add3A_2619, %add3A_2626 : vector<16xf32>
          %add3A_2648 = arith.constant 7 : i32
          %add3A_2649 = arith.addi %mul3A_2598, %add3A_2648 : i32
          %get3A_2650 = arith.index_cast %add3A_2649 : i32 to index
          %get3A_2651 = arith.constant 112 : index
          %get3A_2652 = tpu.vector_load %arg7[%get3A_2650, %get3A_2651] {strides = array<i32>} : memref<400x128xf32, #tpu.memory_space<vmem>>, vector<1x16xf32>,
          %get3A_2653 = vector.shape_cast %get3A_2652 : vector<1x16xf32> to vector<16xf32>
          %add3A_2654 = arith.constant 8 : i32
          %add3A_2655 = arith.addi %mul3A_2598, %add3A_2654 : i32
          %get3A_2656 = arith.index_cast %add3A_2655 : i32 to index
          %get3A_2657 = arith.constant 112 : index
          %get3A_2658 = tpu.vector_load %arg7[%get3A_2656, %get3A_2657] {strides = array<i32>} : memref<400x128xf32, #tpu.memory_space<vmem>>, vector<1x16xf32>,
          %get3A_2659 = vector.shape_cast %get3A_2658 : vector<1x16xf32> to vector<16xf32>
          %add3A_2660 = arith.addf %add3A_2640, %add3A_2647 : vector<16xf32>
          %add3A_2661 = arith.constant 9 : i32
          %add3A_2662 = arith.addi %mul3A_2598, %add3A_2661 : i32
          %get3A_2663 = arith.index_cast %add3A_2662 : i32 to index
          %get3A_2664 = arith.constant 112 : index
          %get3A_2665 = tpu.vector_load %arg7[%get3A_2663, %get3A_2664] {strides = array<i32>} : memref<400x128xf32, #tpu.memory_space<vmem>>, vector<1x16xf32>,
          %get3A_2666 = vector.shape_cast %get3A_2665 : vector<1x16xf32> to vector<16xf32>
          %add3A_2667 = arith.addf %add3A_2660, %add3A_2633 : vector<16xf32>
          %mul3A_2668 = vector.broadcast %scan3A_66 : f32 to vector<16xf32>
          %mul3A_2669 = arith.mulf %add3A_2667, %mul3A_2668 : vector<16xf32>
          %swap3A_2670 = arith.index_cast %add3A_194 : i32 to index
          %swap3A_2671 = arith.constant 96 : index
          %swap3A_2672 = tpu.vector_load %arg9[%swap3A_2670, %swap3A_2671] {strides = array<i32>} : memref<40x128xf32, #tpu.memory_space<vmem>>, vector<1x16xf32>,
          %swap3A_2673 = vector.shape_cast %swap3A_2672 : vector<1x16xf32> to vector<16xf32>
          %swap3A_2674 = vector.shape_cast %mul3A_2669 : vector<16xf32> to vector<1x16xf32>
          tpu.vector_store %arg9[%swap3A_2670, %swap3A_2671], %swap3A_2674 {strides = array<i32>} : memref<40x128xf32, #tpu.memory_space<vmem>>, vector<1x16xf32>,
          %add3A_2675 = arith.addf %get3A_2604, %get3A_2611 : vector<16xf32>
          %add3A_2676 = arith.addf %get3A_2618, %get3A_2625 : vector<16xf32>
          %add3A_2677 = arith.addf %get3A_2632, %get3A_2639 : vector<16xf32>
          %add3A_2678 = arith.addf %get3A_2646, %get3A_2653 : vector<16xf32>
          %add3A_2679 = arith.addf %get3A_2659, %get3A_2666 : vector<16xf32>
          %add3A_2680 = arith.addf %add3A_2675, %add3A_2676 : vector<16xf32>
          %add3A_2681 = arith.addf %add3A_2677, %add3A_2678 : vector<16xf32>
          %add3A_2682 = arith.addf %add3A_2680, %add3A_2681 : vector<16xf32>
          %add3A_2683 = arith.addf %add3A_2682, %add3A_2679 : vector<16xf32>
          %mul3A_2684 = vector.broadcast %scan3A_66 : f32 to vector<16xf32>
          %mul3A_2685 = arith.mulf %add3A_2683, %mul3A_2684 : vector<16xf32>
          %swap3A_2686 = arith.index_cast %add3A_196 : i32 to index
          %swap3A_2687 = arith.constant 112 : index
          %swap3A_2688 = tpu.vector_load %arg9[%swap3A_2686, %swap3A_2687] {strides = array<i32>} : memref<40x128xf32, #tpu.memory_space<vmem>>, vector<1x16xf32>,
          %swap3A_2689 = vector.shape_cast %swap3A_2688 : vector<1x16xf32> to vector<16xf32>
          %swap3A_2690 = vector.shape_cast %mul3A_2685 : vector<16xf32> to vector<1x16xf32>
          tpu.vector_store %arg9[%swap3A_2686, %swap3A_2687], %swap3A_2690 {strides = array<i32>} : memref<40x128xf32, #tpu.memory_space<vmem>>, vector<1x16xf32>,
        }
        %scan3A_118 = arith.constant 10 : i32
        %mul3A_119 = arith.constant 40 : i32
        %mul3A_120 = arith.muli %add3A, %mul3A_119 : i32
        %add3A_121 = arith.addi %mul3A_120, %scan3A_84 : i32
        %mul3A_122 = arith.constant 40 : i32
        %mul3A_123 = arith.muli %add3A_121, %mul3A_122 : i32
        %min3A_124 = arith.constant 49960 : i32
        %min3A_125 = arith.minsi %mul3A_123, %min3A_124 : i32
        %dma_start3A_126 = arith.constant 0 : i32
        %dma_start3A_127 = tpu.memref_slice %arg4[%min3A_125, %dma_start3A_126] : memref<50000x128xf32, #tpu.memory_space<hbm>> -> memref<40x128xf32, #tpu.memory_space<hbm>>
        %dma_start3A_128 = arith.constant 0 : i32
        %dma_start3A_129 = tpu.memref_slice %arg4[%min3A_125, %dma_start3A_128] : memref<50000x128xf32, #tpu.memory_space<hbm>> -> memref<40x128xf32, #tpu.memory_space<hbm>>
        tpu.enqueue_dma source(%arg9 : memref<40x128xf32, #tpu.memory_space<vmem>>) target(%dma_start3A_129 : memref<40x128xf32, #tpu.memory_space<hbm>>) target_semaphore(%arg13 : memref<!tpu.dma_semaphore, #tpu.memory_space<semaphore_mem>>)
      } else {
      }
      %eq3A_108 = arith.constant 1 : i32
      %eq3A_109 = arith.cmpi eq, %rem3A_85, %eq3A_108 : i32
      %convert_element_type3A_110 = arith.extui %eq3A_109 : i1 to i32
      %cond3A_111 = arith.constant 0 : i32
      %cond3A_112 = arith.cmpi ne, %convert_element_type3A_110, %cond3A_111 : i32
      scf.if %cond3A_112 {
        %scan3A_113 = arith.constant 0 : i32
        %scan3A_114 = arith.constant 0 : i32
        %scan3A_115 = arith.constant 10 : i32
        %scan3A_116 = arith.addi %scan3A_114, %scan3A_115 : i32
        %scan3A_117 = arith.constant 1 : i32
        scf.for %scan3A_130 = %scan3A_114 to %scan3A_116 step %scan3A_117  : i32 {
          %mul3A_131 = arith.constant 4 : i32
          %mul3A_132 = arith.muli %scan3A_130, %mul3A_131 : i32
          %add3A_133 = arith.constant 0 : i32
          %add3A_134 = arith.addi %mul3A_132, %add3A_133 : i32
          %add3A_135 = arith.constant 0 : i32
          %add3A_136 = arith.addi %mul3A_132, %add3A_135 : i32
          %add3A_137 = arith.constant 0 : i32
          %add3A_138 = arith.addi %mul3A_132, %add3A_137 : i32
          %add3A_139 = arith.constant 0 : i32
          %add3A_140 = arith.addi %mul3A_132, %add3A_139 : i32
          %add3A_141 = arith.constant 0 : i32
          %add3A_142 = arith.addi %mul3A_132, %add3A_141 : i32
          %add3A_143 = arith.constant 0 : i32
          %add3A_144 = arith.addi %mul3A_132, %add3A_143 : i32
          %add3A_145 = arith.constant 0 : i32
          %add3A_146 = arith.addi %mul3A_132, %add3A_145 : i32
          %add3A_147 = arith.constant 0 : i32
          %add3A_148 = arith.addi %mul3A_132, %add3A_147 : i32
          %add3A_149 = arith.constant 1 : i32
          %add3A_150 = arith.addi %mul3A_132, %add3A_149 : i32
          %add3A_151 = arith.constant 1 : i32
          %add3A_152 = arith.addi %mul3A_132, %add3A_151 : i32
          %add3A_153 = arith.constant 1 : i32
          %add3A_154 = arith.addi %mul3A_132, %add3A_153 : i32
          %add3A_155 = arith.constant 1 : i32
          %add3A_156 = arith.addi %mul3A_132, %add3A_155 : i32
          %add3A_157 = arith.constant 1 : i32
          %add3A_158 = arith.addi %mul3A_132, %add3A_157 : i32
          %add3A_159 = arith.constant 1 : i32
          %add3A_160 = arith.addi %mul3A_132, %add3A_159 : i32
          %add3A_161 = arith.constant 1 : i32
          %add3A_162 = arith.addi %mul3A_132, %add3A_161 : i32
          %add3A_163 = arith.constant 1 : i32
          %add3A_164 = arith.addi %mul3A_132, %add3A_163 : i32
          %add3A_165 = arith.constant 2 : i32
          %add3A_166 = arith.addi %mul3A_132, %add3A_165 : i32
          %add3A_167 = arith.constant 2 : i32
          %add3A_168 = arith.addi %mul3A_132, %add3A_167 : i32
          %add3A_169 = arith.constant 2 : i32
          %add3A_170 = arith.addi %mul3A_132, %add3A_169 : i32
          %add3A_171 = arith.constant 2 : i32
          %add3A_172 = arith.addi %mul3A_132, %add3A_171 : i32
          %add3A_173 = arith.constant 2 : i32
          %add3A_174 = arith.addi %mul3A_132, %add3A_173 : i32
          %add3A_175 = arith.constant 2 : i32
          %add3A_176 = arith.addi %mul3A_132, %add3A_175 : i32
          %add3A_177 = arith.constant 2 : i32
          %add3A_178 = arith.addi %mul3A_132, %add3A_177 : i32
          %add3A_179 = arith.constant 2 : i32
          %add3A_180 = arith.addi %mul3A_132, %add3A_179 : i32
          %add3A_181 = arith.constant 3 : i32
          %add3A_182 = arith.addi %mul3A_132, %add3A_181 : i32
          %add3A_183 = arith.constant 3 : i32
          %add3A_184 = arith.addi %mul3A_132, %add3A_183 : i32
          %add3A_185 = arith.constant 3 : i32
          %add3A_186 = arith.addi %mul3A_132, %add3A_185 : i32
          %add3A_187 = arith.constant 3 : i32
          %add3A_188 = arith.addi %mul3A_132, %add3A_187 : i32
          %add3A_189 = arith.constant 3 : i32
          %add3A_190 = arith.addi %mul3A_132, %add3A_189 : i32
          %add3A_191 = arith.constant 3 : i32
          %add3A_192 = arith.addi %mul3A_132, %add3A_191 : i32
          %add3A_193 = arith.constant 3 : i32
          %add3A_194 = arith.addi %mul3A_132, %add3A_193 : i32
          %add3A_195 = arith.constant 3 : i32
          %add3A_196 = arith.addi %mul3A_132, %add3A_195 : i32
          %mul3A_197 = arith.constant 10 : i32
          %mul3A_198 = arith.muli %add3A_134, %mul3A_197 : i32
          %add3A_199 = arith.constant 0 : i32
          %add3A_200 = arith.addi %mul3A_198, %add3A_199 : i32
          %get3A = arith.index_cast %add3A_200 : i32 to index
          %get3A_201 = arith.constant 0 : index
          %get3A_202 = tpu.vector_load %arg8[%get3A, %get3A_201] {strides = array<i32>} : memref<400x128xf32, #tpu.memory_space<vmem>>, vector<1x16xf32>,
          %get3A_203 = vector.shape_cast %get3A_202 : vector<1x16xf32> to vector<16xf32>
          %add3A_204 = arith.constant 1 : i32
          %add3A_205 = arith.addi %mul3A_198, %add3A_204 : i32
          %get3A_206 = arith.index_cast %add3A_205 : i32 to index
          %get3A_207 = arith.constant 0 : index
          %get3A_208 = tpu.vector_load %arg8[%get3A_206, %get3A_207] {strides = array<i32>} : memref<400x128xf32, #tpu.memory_space<vmem>>, vector<1x16xf32>,
          %get3A_209 = vector.shape_cast %get3A_208 : vector<1x16xf32> to vector<16xf32>
          %add3A_210 = arith.constant 2 : i32
          %add3A_211 = arith.addi %mul3A_198, %add3A_210 : i32
          %get3A_212 = arith.index_cast %add3A_211 : i32 to index
          %get3A_213 = arith.constant 0 : index
          %get3A_214 = tpu.vector_load %arg8[%get3A_212, %get3A_213] {strides = array<i32>} : memref<400x128xf32, #tpu.memory_space<vmem>>, vector<1x16xf32>,
          %get3A_215 = vector.shape_cast %get3A_214 : vector<1x16xf32> to vector<16xf32>
          %add3A_216 = arith.constant 3 : i32
          %add3A_217 = arith.addi %mul3A_198, %add3A_216 : i32
          %get3A_218 = arith.index_cast %add3A_217 : i32 to index
          %get3A_219 = arith.constant 0 : index
          %get3A_220 = tpu.vector_load %arg8[%get3A_218, %get3A_219] {strides = array<i32>} : memref<400x128xf32, #tpu.memory_space<vmem>>, vector<1x16xf32>,
          %get3A_221 = vector.shape_cast %get3A_220 : vector<1x16xf32> to vector<16xf32>
          %add3A_222 = arith.constant 4 : i32
          %add3A_223 = arith.addi %mul3A_198, %add3A_222 : i32
          %get3A_224 = arith.index_cast %add3A_223 : i32 to index
          %get3A_225 = arith.constant 0 : index
          %get3A_226 = tpu.vector_load %arg8[%get3A_224, %get3A_225] {strides = array<i32>} : memref<400x128xf32, #tpu.memory_space<vmem>>, vector<1x16xf32>,
          %get3A_227 = vector.shape_cast %get3A_226 : vector<1x16xf32> to vector<16xf32>
          %add3A_228 = arith.constant 5 : i32
          %add3A_229 = arith.addi %mul3A_198, %add3A_228 : i32
          %get3A_230 = arith.index_cast %add3A_229 : i32 to index
          %get3A_231 = arith.constant 0 : index
          %get3A_232 = tpu.vector_load %arg8[%get3A_230, %get3A_231] {strides = array<i32>} : memref<400x128xf32, #tpu.memory_space<vmem>>, vector<1x16xf32>,
          %get3A_233 = vector.shape_cast %get3A_232 : vector<1x16xf32> to vector<16xf32>
          %add3A_234 = arith.constant 6 : i32
          %add3A_235 = arith.addi %mul3A_198, %add3A_234 : i32
          %get3A_236 = arith.index_cast %add3A_235 : i32 to index
          %get3A_237 = arith.constant 0 : index
          %get3A_238 = tpu.vector_load %arg8[%get3A_236, %get3A_237] {strides = array<i32>} : memref<400x128xf32, #tpu.memory_space<vmem>>, vector<1x16xf32>,
          %get3A_239 = vector.shape_cast %get3A_238 : vector<1x16xf32> to vector<16xf32>
          %add3A_240 = arith.constant 7 : i32
          %add3A_241 = arith.addi %mul3A_198, %add3A_240 : i32
          %get3A_242 = arith.index_cast %add3A_241 : i32 to index
          %get3A_243 = arith.constant 0 : index
          %get3A_244 = tpu.vector_load %arg8[%get3A_242, %get3A_243] {strides = array<i32>} : memref<400x128xf32, #tpu.memory_space<vmem>>, vector<1x16xf32>,
          %get3A_245 = vector.shape_cast %get3A_244 : vector<1x16xf32> to vector<16xf32>
          %add3A_246 = arith.constant 8 : i32
          %add3A_247 = arith.addi %mul3A_198, %add3A_246 : i32
          %get3A_248 = arith.index_cast %add3A_247 : i32 to index
          %get3A_249 = arith.constant 0 : index
          %get3A_250 = tpu.vector_load %arg8[%get3A_248, %get3A_249] {strides = array<i32>} : memref<400x128xf32, #tpu.memory_space<vmem>>, vector<1x16xf32>,
          %get3A_251 = vector.shape_cast %get3A_250 : vector<1x16xf32> to vector<16xf32>
          %add3A_252 = arith.constant 9 : i32
          %add3A_253 = arith.addi %mul3A_198, %add3A_252 : i32
          %get3A_254 = arith.index_cast %add3A_253 : i32 to index
          %get3A_255 = arith.constant 0 : index
          %get3A_256 = tpu.vector_load %arg8[%get3A_254, %get3A_255] {strides = array<i32>} : memref<400x128xf32, #tpu.memory_space<vmem>>, vector<1x16xf32>,
          %get3A_257 = vector.shape_cast %get3A_256 : vector<1x16xf32> to vector<16xf32>
          %mul3A_258 = arith.constant 10 : i32
          %mul3A_259 = arith.muli %add3A_136, %mul3A_258 : i32
          %add3A_260 = arith.constant 0 : i32
          %add3A_261 = arith.addi %mul3A_259, %add3A_260 : i32
          %get3A_262 = arith.index_cast %add3A_261 : i32 to index
          %get3A_263 = arith.constant 16 : index
          %get3A_264 = tpu.vector_load %arg8[%get3A_262, %get3A_263] {strides = array<i32>} : memref<400x128xf32, #tpu.memory_space<vmem>>, vector<1x16xf32>,
          %get3A_265 = vector.shape_cast %get3A_264 : vector<1x16xf32> to vector<16xf32>
          %add3A_266 = arith.addf %get3A_203, %get3A_209 : vector<16xf32>
          %add3A_267 = arith.constant 1 : i32
          %add3A_268 = arith.addi %mul3A_259, %add3A_267 : i32
          %get3A_269 = arith.index_cast %add3A_268 : i32 to index
          %get3A_270 = arith.constant 16 : index
          %get3A_271 = tpu.vector_load %arg8[%get3A_269, %get3A_270] {strides = array<i32>} : memref<400x128xf32, #tpu.memory_space<vmem>>, vector<1x16xf32>,
          %get3A_272 = vector.shape_cast %get3A_271 : vector<1x16xf32> to vector<16xf32>
          %add3A_273 = arith.addf %get3A_215, %get3A_221 : vector<16xf32>
          %add3A_274 = arith.constant 2 : i32
          %add3A_275 = arith.addi %mul3A_259, %add3A_274 : i32
          %get3A_276 = arith.index_cast %add3A_275 : i32 to index
          %get3A_277 = arith.constant 16 : index
          %get3A_278 = tpu.vector_load %arg8[%get3A_276, %get3A_277] {strides = array<i32>} : memref<400x128xf32, #tpu.memory_space<vmem>>, vector<1x16xf32>,
          %get3A_279 = vector.shape_cast %get3A_278 : vector<1x16xf32> to vector<16xf32>
          %add3A_280 = arith.addf %get3A_227, %get3A_233 : vector<16xf32>
          %add3A_281 = arith.constant 3 : i32
          %add3A_282 = arith.addi %mul3A_259, %add3A_281 : i32
          %get3A_283 = arith.index_cast %add3A_282 : i32 to index
          %get3A_284 = arith.constant 16 : index
          %get3A_285 = tpu.vector_load %arg8[%get3A_283, %get3A_284] {strides = array<i32>} : memref<400x128xf32, #tpu.memory_space<vmem>>, vector<1x16xf32>,
          %get3A_286 = vector.shape_cast %get3A_285 : vector<1x16xf32> to vector<16xf32>
          %add3A_287 = arith.addf %get3A_239, %get3A_245 : vector<16xf32>
          %add3A_288 = arith.constant 4 : i32
          %add3A_289 = arith.addi %mul3A_259, %add3A_288 : i32
          %get3A_290 = arith.index_cast %add3A_289 : i32 to index
          %get3A_291 = arith.constant 16 : index
          %get3A_292 = tpu.vector_load %arg8[%get3A_290, %get3A_291] {strides = array<i32>} : memref<400x128xf32, #tpu.memory_space<vmem>>, vector<1x16xf32>,
          %get3A_293 = vector.shape_cast %get3A_292 : vector<1x16xf32> to vector<16xf32>
          %add3A_294 = arith.addf %get3A_251, %get3A_257 : vector<16xf32>
          %add3A_295 = arith.constant 5 : i32
          %add3A_296 = arith.addi %mul3A_259, %add3A_295 : i32
          %get3A_297 = arith.index_cast %add3A_296 : i32 to index
          %get3A_298 = arith.constant 16 : index
          %get3A_299 = tpu.vector_load %arg8[%get3A_297, %get3A_298] {strides = array<i32>} : memref<400x128xf32, #tpu.memory_space<vmem>>, vector<1x16xf32>,
          %get3A_300 = vector.shape_cast %get3A_299 : vector<1x16xf32> to vector<16xf32>
          %add3A_301 = arith.addf %add3A_266, %add3A_273 : vector<16xf32>
          %add3A_302 = arith.constant 6 : i32
          %add3A_303 = arith.addi %mul3A_259, %add3A_302 : i32
          %get3A_304 = arith.index_cast %add3A_303 : i32 to index
          %get3A_305 = arith.constant 16 : index
          %get3A_306 = tpu.vector_load %arg8[%get3A_304, %get3A_305] {strides = array<i32>} : memref<400x128xf32, #tpu.memory_space<vmem>>, vector<1x16xf32>,
          %get3A_307 = vector.shape_cast %get3A_306 : vector<1x16xf32> to vector<16xf32>
          %add3A_308 = arith.addf %add3A_280, %add3A_287 : vector<16xf32>
          %add3A_309 = arith.constant 7 : i32
          %add3A_310 = arith.addi %mul3A_259, %add3A_309 : i32
          %get3A_311 = arith.index_cast %add3A_310 : i32 to index
          %get3A_312 = arith.constant 16 : index
          %get3A_313 = tpu.vector_load %arg8[%get3A_311, %get3A_312] {strides = array<i32>} : memref<400x128xf32, #tpu.memory_space<vmem>>, vector<1x16xf32>,
          %get3A_314 = vector.shape_cast %get3A_313 : vector<1x16xf32> to vector<16xf32>
          %add3A_315 = arith.constant 8 : i32
          %add3A_316 = arith.addi %mul3A_259, %add3A_315 : i32
          %get3A_317 = arith.index_cast %add3A_316 : i32 to index
          %get3A_318 = arith.constant 16 : index
          %get3A_319 = tpu.vector_load %arg8[%get3A_317, %get3A_318] {strides = array<i32>} : memref<400x128xf32, #tpu.memory_space<vmem>>, vector<1x16xf32>,
          %get3A_320 = vector.shape_cast %get3A_319 : vector<1x16xf32> to vector<16xf32>
          %add3A_321 = arith.addf %add3A_301, %add3A_308 : vector<16xf32>
          %add3A_322 = arith.constant 9 : i32
          %add3A_323 = arith.addi %mul3A_259, %add3A_322 : i32
          %get3A_324 = arith.index_cast %add3A_323 : i32 to index
          %get3A_325 = arith.constant 16 : index
          %get3A_326 = tpu.vector_load %arg8[%get3A_324, %get3A_325] {strides = array<i32>} : memref<400x128xf32, #tpu.memory_space<vmem>>, vector<1x16xf32>,
          %get3A_327 = vector.shape_cast %get3A_326 : vector<1x16xf32> to vector<16xf32>
          %add3A_328 = arith.addf %add3A_321, %add3A_294 : vector<16xf32>
          %mul3A_329 = vector.broadcast %scan3A_66 : f32 to vector<16xf32>
          %mul3A_330 = arith.mulf %add3A_328, %mul3A_329 : vector<16xf32>
          %swap3A = arith.index_cast %add3A_134 : i32 to index
          %swap3A_331 = arith.constant 0 : index
          %swap3A_332 = tpu.vector_load %arg10[%swap3A, %swap3A_331] {strides = array<i32>} : memref<40x128xf32, #tpu.memory_space<vmem>>, vector<1x16xf32>,
          %swap3A_333 = vector.shape_cast %swap3A_332 : vector<1x16xf32> to vector<16xf32>
          %swap3A_334 = vector.shape_cast %mul3A_330 : vector<16xf32> to vector<1x16xf32>
          tpu.vector_store %arg10[%swap3A, %swap3A_331], %swap3A_334 {strides = array<i32>} : memref<40x128xf32, #tpu.memory_space<vmem>>, vector<1x16xf32>,
          %mul3A_335 = arith.constant 10 : i32
          %mul3A_336 = arith.muli %add3A_138, %mul3A_335 : i32
          %add3A_337 = arith.constant 0 : i32
          %add3A_338 = arith.addi %mul3A_336, %add3A_337 : i32
          %get3A_339 = arith.index_cast %add3A_338 : i32 to index
          %get3A_340 = arith.constant 32 : index
          %get3A_341 = tpu.vector_load %arg8[%get3A_339, %get3A_340] {strides = array<i32>} : memref<400x128xf32, #tpu.memory_space<vmem>>, vector<1x16xf32>,
          %get3A_342 = vector.shape_cast %get3A_341 : vector<1x16xf32> to vector<16xf32>
          %add3A_343 = arith.addf %get3A_265, %get3A_272 : vector<16xf32>
          %add3A_344 = arith.constant 1 : i32
          %add3A_345 = arith.addi %mul3A_336, %add3A_344 : i32
          %get3A_346 = arith.index_cast %add3A_345 : i32 to index
          %get3A_347 = arith.constant 32 : index
          %get3A_348 = tpu.vector_load %arg8[%get3A_346, %get3A_347] {strides = array<i32>} : memref<400x128xf32, #tpu.memory_space<vmem>>, vector<1x16xf32>,
          %get3A_349 = vector.shape_cast %get3A_348 : vector<1x16xf32> to vector<16xf32>
          %add3A_350 = arith.addf %get3A_279, %get3A_286 : vector<16xf32>
          %add3A_351 = arith.constant 2 : i32
          %add3A_352 = arith.addi %mul3A_336, %add3A_351 : i32
          %get3A_353 = arith.index_cast %add3A_352 : i32 to index
          %get3A_354 = arith.constant 32 : index
          %get3A_355 = tpu.vector_load %arg8[%get3A_353, %get3A_354] {strides = array<i32>} : memref<400x128xf32, #tpu.memory_space<vmem>>, vector<1x16xf32>,
          %get3A_356 = vector.shape_cast %get3A_355 : vector<1x16xf32> to vector<16xf32>
          %add3A_357 = arith.addf %get3A_293, %get3A_300 : vector<16xf32>
          %add3A_358 = arith.constant 3 : i32
          %add3A_359 = arith.addi %mul3A_336, %add3A_358 : i32
          %get3A_360 = arith.index_cast %add3A_359 : i32 to index
          %get3A_361 = arith.constant 32 : index
          %get3A_362 = tpu.vector_load %arg8[%get3A_360, %get3A_361] {strides = array<i32>} : memref<400x128xf32, #tpu.memory_space<vmem>>, vector<1x16xf32>,
          %get3A_363 = vector.shape_cast %get3A_362 : vector<1x16xf32> to vector<16xf32>
          %add3A_364 = arith.addf %get3A_307, %get3A_314 : vector<16xf32>
          %add3A_365 = arith.constant 4 : i32
          %add3A_366 = arith.addi %mul3A_336, %add3A_365 : i32
          %get3A_367 = arith.index_cast %add3A_366 : i32 to index
          %get3A_368 = arith.constant 32 : index
          %get3A_369 = tpu.vector_load %arg8[%get3A_367, %get3A_368] {strides = array<i32>} : memref<400x128xf32, #tpu.memory_space<vmem>>, vector<1x16xf32>,
          %get3A_370 = vector.shape_cast %get3A_369 : vector<1x16xf32> to vector<16xf32>
          %add3A_371 = arith.addf %get3A_320, %get3A_327 : vector<16xf32>
          %add3A_372 = arith.constant 5 : i32
          %add3A_373 = arith.addi %mul3A_336, %add3A_372 : i32
          %get3A_374 = arith.index_cast %add3A_373 : i32 to index
          %get3A_375 = arith.constant 32 : index
          %get3A_376 = tpu.vector_load %arg8[%get3A_374, %get3A_375] {strides = array<i32>} : memref<400x128xf32, #tpu.memory_space<vmem>>, vector<1x16xf32>,
          %get3A_377 = vector.shape_cast %get3A_376 : vector<1x16xf32> to vector<16xf32>
          %add3A_378 = arith.addf %add3A_343, %add3A_350 : vector<16xf32>
          %add3A_379 = arith.constant 6 : i32
          %add3A_380 = arith.addi %mul3A_336, %add3A_379 : i32
          %get3A_381 = arith.index_cast %add3A_380 : i32 to index
          %get3A_382 = arith.constant 32 : index
          %get3A_383 = tpu.vector_load %arg8[%get3A_381, %get3A_382] {strides = array<i32>} : memref<400x128xf32, #tpu.memory_space<vmem>>, vector<1x16xf32>,
          %get3A_384 = vector.shape_cast %get3A_383 : vector<1x16xf32> to vector<16xf32>
          %add3A_385 = arith.addf %add3A_357, %add3A_364 : vector<16xf32>
          %add3A_386 = arith.constant 7 : i32
          %add3A_387 = arith.addi %mul3A_336, %add3A_386 : i32
          %get3A_388 = arith.index_cast %add3A_387 : i32 to index
          %get3A_389 = arith.constant 32 : index
          %get3A_390 = tpu.vector_load %arg8[%get3A_388, %get3A_389] {strides = array<i32>} : memref<400x128xf32, #tpu.memory_space<vmem>>, vector<1x16xf32>,
          %get3A_391 = vector.shape_cast %get3A_390 : vector<1x16xf32> to vector<16xf32>
          %add3A_392 = arith.constant 8 : i32
          %add3A_393 = arith.addi %mul3A_336, %add3A_392 : i32
          %get3A_394 = arith.index_cast %add3A_393 : i32 to index
          %get3A_395 = arith.constant 32 : index
          %get3A_396 = tpu.vector_load %arg8[%get3A_394, %get3A_395] {strides = array<i32>} : memref<400x128xf32, #tpu.memory_space<vmem>>, vector<1x16xf32>,
          %get3A_397 = vector.shape_cast %get3A_396 : vector<1x16xf32> to vector<16xf32>
          %add3A_398 = arith.addf %add3A_378, %add3A_385 : vector<16xf32>
          %add3A_399 = arith.constant 9 : i32
          %add3A_400 = arith.addi %mul3A_336, %add3A_399 : i32
          %get3A_401 = arith.index_cast %add3A_400 : i32 to index
          %get3A_402 = arith.constant 32 : index
          %get3A_403 = tpu.vector_load %arg8[%get3A_401, %get3A_402] {strides = array<i32>} : memref<400x128xf32, #tpu.memory_space<vmem>>, vector<1x16xf32>,
          %get3A_404 = vector.shape_cast %get3A_403 : vector<1x16xf32> to vector<16xf32>
          %add3A_405 = arith.addf %add3A_398, %add3A_371 : vector<16xf32>
          %mul3A_406 = vector.broadcast %scan3A_66 : f32 to vector<16xf32>
          %mul3A_407 = arith.mulf %add3A_405, %mul3A_406 : vector<16xf32>
          %swap3A_408 = arith.index_cast %add3A_136 : i32 to index
          %swap3A_409 = arith.constant 16 : index
          %swap3A_410 = tpu.vector_load %arg10[%swap3A_408, %swap3A_409] {strides = array<i32>} : memref<40x128xf32, #tpu.memory_space<vmem>>, vector<1x16xf32>,
          %swap3A_411 = vector.shape_cast %swap3A_410 : vector<1x16xf32> to vector<16xf32>
          %swap3A_412 = vector.shape_cast %mul3A_407 : vector<16xf32> to vector<1x16xf32>
          tpu.vector_store %arg10[%swap3A_408, %swap3A_409], %swap3A_412 {strides = array<i32>} : memref<40x128xf32, #tpu.memory_space<vmem>>, vector<1x16xf32>,
          %mul3A_413 = arith.constant 10 : i32
          %mul3A_414 = arith.muli %add3A_140, %mul3A_413 : i32
          %add3A_415 = arith.constant 0 : i32
          %add3A_416 = arith.addi %mul3A_414, %add3A_415 : i32
          %get3A_417 = arith.index_cast %add3A_416 : i32 to index
          %get3A_418 = arith.constant 48 : index
          %get3A_419 = tpu.vector_load %arg8[%get3A_417, %get3A_418] {strides = array<i32>} : memref<400x128xf32, #tpu.memory_space<vmem>>, vector<1x16xf32>,
          %get3A_420 = vector.shape_cast %get3A_419 : vector<1x16xf32> to vector<16xf32>
          %add3A_421 = arith.addf %get3A_342, %get3A_349 : vector<16xf32>
          %add3A_422 = arith.constant 1 : i32
          %add3A_423 = arith.addi %mul3A_414, %add3A_422 : i32
          %get3A_424 = arith.index_cast %add3A_423 : i32 to index
          %get3A_425 = arith.constant 48 : index
          %get3A_426 = tpu.vector_load %arg8[%get3A_424, %get3A_425] {strides = array<i32>} : memref<400x128xf32, #tpu.memory_space<vmem>>, vector<1x16xf32>,
          %get3A_427 = vector.shape_cast %get3A_426 : vector<1x16xf32> to vector<16xf32>
          %add3A_428 = arith.addf %get3A_356, %get3A_363 : vector<16xf32>
          %add3A_429 = arith.constant 2 : i32
          %add3A_430 = arith.addi %mul3A_414, %add3A_429 : i32
          %get3A_431 = arith.index_cast %add3A_430 : i32 to index
          %get3A_432 = arith.constant 48 : index
          %get3A_433 = tpu.vector_load %arg8[%get3A_431, %get3A_432] {strides = array<i32>} : memref<400x128xf32, #tpu.memory_space<vmem>>, vector<1x16xf32>,
          %get3A_434 = vector.shape_cast %get3A_433 : vector<1x16xf32> to vector<16xf32>
          %add3A_435 = arith.addf %get3A_370, %get3A_377 : vector<16xf32>
          %add3A_436 = arith.constant 3 : i32
          %add3A_437 = arith.addi %mul3A_414, %add3A_436 : i32
          %get3A_438 = arith.index_cast %add3A_437 : i32 to index
          %get3A_439 = arith.constant 48 : index
          %get3A_440 = tpu.vector_load %arg8[%get3A_438, %get3A_439] {strides = array<i32>} : memref<400x128xf32, #tpu.memory_space<vmem>>, vector<1x16xf32>,
          %get3A_441 = vector.shape_cast %get3A_440 : vector<1x16xf32> to vector<16xf32>
          %add3A_442 = arith.addf %get3A_384, %get3A_391 : vector<16xf32>
          %add3A_443 = arith.constant 4 : i32
          %add3A_444 = arith.addi %mul3A_414, %add3A_443 : i32
          %get3A_445 = arith.index_cast %add3A_444 : i32 to index
          %get3A_446 = arith.constant 48 : index
          %get3A_447 = tpu.vector_load %arg8[%get3A_445, %get3A_446] {strides = array<i32>} : memref<400x128xf32, #tpu.memory_space<vmem>>, vector<1x16xf32>,
          %get3A_448 = vector.shape_cast %get3A_447 : vector<1x16xf32> to vector<16xf32>
          %add3A_449 = arith.addf %get3A_397, %get3A_404 : vector<16xf32>
          %add3A_450 = arith.constant 5 : i32
          %add3A_451 = arith.addi %mul3A_414, %add3A_450 : i32
          %get3A_452 = arith.index_cast %add3A_451 : i32 to index
          %get3A_453 = arith.constant 48 : index
          %get3A_454 = tpu.vector_load %arg8[%get3A_452, %get3A_453] {strides = array<i32>} : memref<400x128xf32, #tpu.memory_space<vmem>>, vector<1x16xf32>,
          %get3A_455 = vector.shape_cast %get3A_454 : vector<1x16xf32> to vector<16xf32>
          %add3A_456 = arith.addf %add3A_421, %add3A_428 : vector<16xf32>
          %add3A_457 = arith.constant 6 : i32
          %add3A_458 = arith.addi %mul3A_414, %add3A_457 : i32
          %get3A_459 = arith.index_cast %add3A_458 : i32 to index
          %get3A_460 = arith.constant 48 : index
          %get3A_461 = tpu.vector_load %arg8[%get3A_459, %get3A_460] {strides = array<i32>} : memref<400x128xf32, #tpu.memory_space<vmem>>, vector<1x16xf32>,
          %get3A_462 = vector.shape_cast %get3A_461 : vector<1x16xf32> to vector<16xf32>
          %add3A_463 = arith.addf %add3A_435, %add3A_442 : vector<16xf32>
          %add3A_464 = arith.constant 7 : i32
          %add3A_465 = arith.addi %mul3A_414, %add3A_464 : i32
          %get3A_466 = arith.index_cast %add3A_465 : i32 to index
          %get3A_467 = arith.constant 48 : index
          %get3A_468 = tpu.vector_load %arg8[%get3A_466, %get3A_467] {strides = array<i32>} : memref<400x128xf32, #tpu.memory_space<vmem>>, vector<1x16xf32>,
          %get3A_469 = vector.shape_cast %get3A_468 : vector<1x16xf32> to vector<16xf32>
          %add3A_470 = arith.constant 8 : i32
          %add3A_471 = arith.addi %mul3A_414, %add3A_470 : i32
          %get3A_472 = arith.index_cast %add3A_471 : i32 to index
          %get3A_473 = arith.constant 48 : index
          %get3A_474 = tpu.vector_load %arg8[%get3A_472, %get3A_473] {strides = array<i32>} : memref<400x128xf32, #tpu.memory_space<vmem>>, vector<1x16xf32>,
          %get3A_475 = vector.shape_cast %get3A_474 : vector<1x16xf32> to vector<16xf32>
          %add3A_476 = arith.addf %add3A_456, %add3A_463 : vector<16xf32>
          %add3A_477 = arith.constant 9 : i32
          %add3A_478 = arith.addi %mul3A_414, %add3A_477 : i32
          %get3A_479 = arith.index_cast %add3A_478 : i32 to index
          %get3A_480 = arith.constant 48 : index
          %get3A_481 = tpu.vector_load %arg8[%get3A_479, %get3A_480] {strides = array<i32>} : memref<400x128xf32, #tpu.memory_space<vmem>>, vector<1x16xf32>,
          %get3A_482 = vector.shape_cast %get3A_481 : vector<1x16xf32> to vector<16xf32>
          %add3A_483 = arith.addf %add3A_476, %add3A_449 : vector<16xf32>
          %mul3A_484 = vector.broadcast %scan3A_66 : f32 to vector<16xf32>
          %mul3A_485 = arith.mulf %add3A_483, %mul3A_484 : vector<16xf32>
          %swap3A_486 = arith.index_cast %add3A_138 : i32 to index
          %swap3A_487 = arith.constant 32 : index
          %swap3A_488 = tpu.vector_load %arg10[%swap3A_486, %swap3A_487] {strides = array<i32>} : memref<40x128xf32, #tpu.memory_space<vmem>>, vector<1x16xf32>,
          %swap3A_489 = vector.shape_cast %swap3A_488 : vector<1x16xf32> to vector<16xf32>
          %swap3A_490 = vector.shape_cast %mul3A_485 : vector<16xf32> to vector<1x16xf32>
          tpu.vector_store %arg10[%swap3A_486, %swap3A_487], %swap3A_490 {strides = array<i32>} : memref<40x128xf32, #tpu.memory_space<vmem>>, vector<1x16xf32>,
          %mul3A_491 = arith.constant 10 : i32
          %mul3A_492 = arith.muli %add3A_142, %mul3A_491 : i32
          %add3A_493 = arith.constant 0 : i32
          %add3A_494 = arith.addi %mul3A_492, %add3A_493 : i32
          %get3A_495 = arith.index_cast %add3A_494 : i32 to index
          %get3A_496 = arith.constant 64 : index
          %get3A_497 = tpu.vector_load %arg8[%get3A_495, %get3A_496] {strides = array<i32>} : memref<400x128xf32, #tpu.memory_space<vmem>>, vector<1x16xf32>,
          %get3A_498 = vector.shape_cast %get3A_497 : vector<1x16xf32> to vector<16xf32>
          %add3A_499 = arith.addf %get3A_420, %get3A_427 : vector<16xf32>
          %add3A_500 = arith.constant 1 : i32
          %add3A_501 = arith.addi %mul3A_492, %add3A_500 : i32
          %get3A_502 = arith.index_cast %add3A_501 : i32 to index
          %get3A_503 = arith.constant 64 : index
          %get3A_504 = tpu.vector_load %arg8[%get3A_502, %get3A_503] {strides = array<i32>} : memref<400x128xf32, #tpu.memory_space<vmem>>, vector<1x16xf32>,
          %get3A_505 = vector.shape_cast %get3A_504 : vector<1x16xf32> to vector<16xf32>
          %add3A_506 = arith.addf %get3A_434, %get3A_441 : vector<16xf32>
          %add3A_507 = arith.constant 2 : i32
          %add3A_508 = arith.addi %mul3A_492, %add3A_507 : i32
          %get3A_509 = arith.index_cast %add3A_508 : i32 to index
          %get3A_510 = arith.constant 64 : index
          %get3A_511 = tpu.vector_load %arg8[%get3A_509, %get3A_510] {strides = array<i32>} : memref<400x128xf32, #tpu.memory_space<vmem>>, vector<1x16xf32>,
          %get3A_512 = vector.shape_cast %get3A_511 : vector<1x16xf32> to vector<16xf32>
          %add3A_513 = arith.addf %get3A_448, %get3A_455 : vector<16xf32>
          %add3A_514 = arith.constant 3 : i32
          %add3A_515 = arith.addi %mul3A_492, %add3A_514 : i32
          %get3A_516 = arith.index_cast %add3A_515 : i32 to index
          %get3A_517 = arith.constant 64 : index
          %get3A_518 = tpu.vector_load %arg8[%get3A_516, %get3A_517] {strides = array<i32>} : memref<400x128xf32, #tpu.memory_space<vmem>>, vector<1x16xf32>,
          %get3A_519 = vector.shape_cast %get3A_518 : vector<1x16xf32> to vector<16xf32>
          %add3A_520 = arith.addf %get3A_462, %get3A_469 : vector<16xf32>
          %add3A_521 = arith.constant 4 : i32
          %add3A_522 = arith.addi %mul3A_492, %add3A_521 : i32
          %get3A_523 = arith.index_cast %add3A_522 : i32 to index
          %get3A_524 = arith.constant 64 : index
          %get3A_525 = tpu.vector_load %arg8[%get3A_523, %get3A_524] {strides = array<i32>} : memref<400x128xf32, #tpu.memory_space<vmem>>, vector<1x16xf32>,
          %get3A_526 = vector.shape_cast %get3A_525 : vector<1x16xf32> to vector<16xf32>
          %add3A_527 = arith.addf %get3A_475, %get3A_482 : vector<16xf32>
          %add3A_528 = arith.constant 5 : i32
          %add3A_529 = arith.addi %mul3A_492, %add3A_528 : i32
          %get3A_530 = arith.index_cast %add3A_529 : i32 to index
          %get3A_531 = arith.constant 64 : index
          %get3A_532 = tpu.vector_load %arg8[%get3A_530, %get3A_531] {strides = array<i32>} : memref<400x128xf32, #tpu.memory_space<vmem>>, vector<1x16xf32>,
          %get3A_533 = vector.shape_cast %get3A_532 : vector<1x16xf32> to vector<16xf32>
          %add3A_534 = arith.addf %add3A_499, %add3A_506 : vector<16xf32>
          %add3A_535 = arith.constant 6 : i32
          %add3A_536 = arith.addi %mul3A_492, %add3A_535 : i32
          %get3A_537 = arith.index_cast %add3A_536 : i32 to index
          %get3A_538 = arith.constant 64 : index
          %get3A_539 = tpu.vector_load %arg8[%get3A_537, %get3A_538] {strides = array<i32>} : memref<400x128xf32, #tpu.memory_space<vmem>>, vector<1x16xf32>,
          %get3A_540 = vector.shape_cast %get3A_539 : vector<1x16xf32> to vector<16xf32>
          %add3A_541 = arith.addf %add3A_513, %add3A_520 : vector<16xf32>
          %add3A_542 = arith.constant 7 : i32
          %add3A_543 = arith.addi %mul3A_492, %add3A_542 : i32
          %get3A_544 = arith.index_cast %add3A_543 : i32 to index
          %get3A_545 = arith.constant 64 : index
          %get3A_546 = tpu.vector_load %arg8[%get3A_544, %get3A_545] {strides = array<i32>} : memref<400x128xf32, #tpu.memory_space<vmem>>, vector<1x16xf32>,
          %get3A_547 = vector.shape_cast %get3A_546 : vector<1x16xf32> to vector<16xf32>
          %add3A_548 = arith.constant 8 : i32
          %add3A_549 = arith.addi %mul3A_492, %add3A_548 : i32
          %get3A_550 = arith.index_cast %add3A_549 : i32 to index
          %get3A_551 = arith.constant 64 : index
          %get3A_552 = tpu.vector_load %arg8[%get3A_550, %get3A_551] {strides = array<i32>} : memref<400x128xf32, #tpu.memory_space<vmem>>, vector<1x16xf32>,
          %get3A_553 = vector.shape_cast %get3A_552 : vector<1x16xf32> to vector<16xf32>
          %add3A_554 = arith.addf %add3A_534, %add3A_541 : vector<16xf32>
          %add3A_555 = arith.constant 9 : i32
          %add3A_556 = arith.addi %mul3A_492, %add3A_555 : i32
          %get3A_557 = arith.index_cast %add3A_556 : i32 to index
          %get3A_558 = arith.constant 64 : index
          %get3A_559 = tpu.vector_load %arg8[%get3A_557, %get3A_558] {strides = array<i32>} : memref<400x128xf32, #tpu.memory_space<vmem>>, vector<1x16xf32>,
          %get3A_560 = vector.shape_cast %get3A_559 : vector<1x16xf32> to vector<16xf32>
          %add3A_561 = arith.addf %add3A_554, %add3A_527 : vector<16xf32>
          %mul3A_562 = vector.broadcast %scan3A_66 : f32 to vector<16xf32>
          %mul3A_563 = arith.mulf %add3A_561, %mul3A_562 : vector<16xf32>
          %swap3A_564 = arith.index_cast %add3A_140 : i32 to index
          %swap3A_565 = arith.constant 48 : index
          %swap3A_566 = tpu.vector_load %arg10[%swap3A_564, %swap3A_565] {strides = array<i32>} : memref<40x128xf32, #tpu.memory_space<vmem>>, vector<1x16xf32>,
          %swap3A_567 = vector.shape_cast %swap3A_566 : vector<1x16xf32> to vector<16xf32>
          %swap3A_568 = vector.shape_cast %mul3A_563 : vector<16xf32> to vector<1x16xf32>
          tpu.vector_store %arg10[%swap3A_564, %swap3A_565], %swap3A_568 {strides = array<i32>} : memref<40x128xf32, #tpu.memory_space<vmem>>, vector<1x16xf32>,
          %mul3A_569 = arith.constant 10 : i32
          %mul3A_570 = arith.muli %add3A_144, %mul3A_569 : i32
          %add3A_571 = arith.constant 0 : i32
          %add3A_572 = arith.addi %mul3A_570, %add3A_571 : i32
          %get3A_573 = arith.index_cast %add3A_572 : i32 to index
          %get3A_574 = arith.constant 80 : index
          %get3A_575 = tpu.vector_load %arg8[%get3A_573, %get3A_574] {strides = array<i32>} : memref<400x128xf32, #tpu.memory_space<vmem>>, vector<1x16xf32>,
          %get3A_576 = vector.shape_cast %get3A_575 : vector<1x16xf32> to vector<16xf32>
          %add3A_577 = arith.addf %get3A_498, %get3A_505 : vector<16xf32>
          %add3A_578 = arith.constant 1 : i32
          %add3A_579 = arith.addi %mul3A_570, %add3A_578 : i32
          %get3A_580 = arith.index_cast %add3A_579 : i32 to index
          %get3A_581 = arith.constant 80 : index
          %get3A_582 = tpu.vector_load %arg8[%get3A_580, %get3A_581] {strides = array<i32>} : memref<400x128xf32, #tpu.memory_space<vmem>>, vector<1x16xf32>,
          %get3A_583 = vector.shape_cast %get3A_582 : vector<1x16xf32> to vector<16xf32>
          %add3A_584 = arith.addf %get3A_512, %get3A_519 : vector<16xf32>
          %add3A_585 = arith.constant 2 : i32
          %add3A_586 = arith.addi %mul3A_570, %add3A_585 : i32
          %get3A_587 = arith.index_cast %add3A_586 : i32 to index
          %get3A_588 = arith.constant 80 : index
          %get3A_589 = tpu.vector_load %arg8[%get3A_587, %get3A_588] {strides = array<i32>} : memref<400x128xf32, #tpu.memory_space<vmem>>, vector<1x16xf32>,
          %get3A_590 = vector.shape_cast %get3A_589 : vector<1x16xf32> to vector<16xf32>
          %add3A_591 = arith.addf %get3A_526, %get3A_533 : vector<16xf32>
          %add3A_592 = arith.constant 3 : i32
          %add3A_593 = arith.addi %mul3A_570, %add3A_592 : i32
          %get3A_594 = arith.index_cast %add3A_593 : i32 to index
          %get3A_595 = arith.constant 80 : index
          %get3A_596 = tpu.vector_load %arg8[%get3A_594, %get3A_595] {strides = array<i32>} : memref<400x128xf32, #tpu.memory_space<vmem>>, vector<1x16xf32>,
          %get3A_597 = vector.shape_cast %get3A_596 : vector<1x16xf32> to vector<16xf32>
          %add3A_598 = arith.addf %get3A_540, %get3A_547 : vector<16xf32>
          %add3A_599 = arith.constant 4 : i32
          %add3A_600 = arith.addi %mul3A_570, %add3A_599 : i32
          %get3A_601 = arith.index_cast %add3A_600 : i32 to index
          %get3A_602 = arith.constant 80 : index
          %get3A_603 = tpu.vector_load %arg8[%get3A_601, %get3A_602] {strides = array<i32>} : memref<400x128xf32, #tpu.memory_space<vmem>>, vector<1x16xf32>,
          %get3A_604 = vector.shape_cast %get3A_603 : vector<1x16xf32> to vector<16xf32>
          %add3A_605 = arith.addf %get3A_553, %get3A_560 : vector<16xf32>
          %add3A_606 = arith.constant 5 : i32
          %add3A_607 = arith.addi %mul3A_570, %add3A_606 : i32
          %get3A_608 = arith.index_cast %add3A_607 : i32 to index
          %get3A_609 = arith.constant 80 : index
          %get3A_610 = tpu.vector_load %arg8[%get3A_608, %get3A_609] {strides = array<i32>} : memref<400x128xf32, #tpu.memory_space<vmem>>, vector<1x16xf32>,
          %get3A_611 = vector.shape_cast %get3A_610 : vector<1x16xf32> to vector<16xf32>
          %add3A_612 = arith.addf %add3A_577, %add3A_584 : vector<16xf32>
          %add3A_613 = arith.constant 6 : i32
          %add3A_614 = arith.addi %mul3A_570, %add3A_613 : i32
          %get3A_615 = arith.index_cast %add3A_614 : i32 to index
          %get3A_616 = arith.constant 80 : index
          %get3A_617 = tpu.vector_load %arg8[%get3A_615, %get3A_616] {strides = array<i32>} : memref<400x128xf32, #tpu.memory_space<vmem>>, vector<1x16xf32>,
          %get3A_618 = vector.shape_cast %get3A_617 : vector<1x16xf32> to vector<16xf32>
          %add3A_619 = arith.addf %add3A_591, %add3A_598 : vector<16xf32>
          %add3A_620 = arith.constant 7 : i32
          %add3A_621 = arith.addi %mul3A_570, %add3A_620 : i32
          %get3A_622 = arith.index_cast %add3A_621 : i32 to index
          %get3A_623 = arith.constant 80 : index
          %get3A_624 = tpu.vector_load %arg8[%get3A_622, %get3A_623] {strides = array<i32>} : memref<400x128xf32, #tpu.memory_space<vmem>>, vector<1x16xf32>,
          %get3A_625 = vector.shape_cast %get3A_624 : vector<1x16xf32> to vector<16xf32>
          %add3A_626 = arith.constant 8 : i32
          %add3A_627 = arith.addi %mul3A_570, %add3A_626 : i32
          %get3A_628 = arith.index_cast %add3A_627 : i32 to index
          %get3A_629 = arith.constant 80 : index
          %get3A_630 = tpu.vector_load %arg8[%get3A_628, %get3A_629] {strides = array<i32>} : memref<400x128xf32, #tpu.memory_space<vmem>>, vector<1x16xf32>,
          %get3A_631 = vector.shape_cast %get3A_630 : vector<1x16xf32> to vector<16xf32>
          %add3A_632 = arith.addf %add3A_612, %add3A_619 : vector<16xf32>
          %add3A_633 = arith.constant 9 : i32
          %add3A_634 = arith.addi %mul3A_570, %add3A_633 : i32
          %get3A_635 = arith.index_cast %add3A_634 : i32 to index
          %get3A_636 = arith.constant 80 : index
          %get3A_637 = tpu.vector_load %arg8[%get3A_635, %get3A_636] {strides = array<i32>} : memref<400x128xf32, #tpu.memory_space<vmem>>, vector<1x16xf32>,
          %get3A_638 = vector.shape_cast %get3A_637 : vector<1x16xf32> to vector<16xf32>
          %add3A_639 = arith.addf %add3A_632, %add3A_605 : vector<16xf32>
          %mul3A_640 = vector.broadcast %scan3A_66 : f32 to vector<16xf32>
          %mul3A_641 = arith.mulf %add3A_639, %mul3A_640 : vector<16xf32>
          %swap3A_642 = arith.index_cast %add3A_142 : i32 to index
          %swap3A_643 = arith.constant 64 : index
          %swap3A_644 = tpu.vector_load %arg10[%swap3A_642, %swap3A_643] {strides = array<i32>} : memref<40x128xf32, #tpu.memory_space<vmem>>, vector<1x16xf32>,
          %swap3A_645 = vector.shape_cast %swap3A_644 : vector<1x16xf32> to vector<16xf32>
          %swap3A_646 = vector.shape_cast %mul3A_641 : vector<16xf32> to vector<1x16xf32>
          tpu.vector_store %arg10[%swap3A_642, %swap3A_643], %swap3A_646 {strides = array<i32>} : memref<40x128xf32, #tpu.memory_space<vmem>>, vector<1x16xf32>,
          %mul3A_647 = arith.constant 10 : i32
          %mul3A_648 = arith.muli %add3A_146, %mul3A_647 : i32
          %add3A_649 = arith.constant 0 : i32
          %add3A_650 = arith.addi %mul3A_648, %add3A_649 : i32
          %get3A_651 = arith.index_cast %add3A_650 : i32 to index
          %get3A_652 = arith.constant 96 : index
          %get3A_653 = tpu.vector_load %arg8[%get3A_651, %get3A_652] {strides = array<i32>} : memref<400x128xf32, #tpu.memory_space<vmem>>, vector<1x16xf32>,
          %get3A_654 = vector.shape_cast %get3A_653 : vector<1x16xf32> to vector<16xf32>
          %add3A_655 = arith.addf %get3A_576, %get3A_583 : vector<16xf32>
          %add3A_656 = arith.constant 1 : i32
          %add3A_657 = arith.addi %mul3A_648, %add3A_656 : i32
          %get3A_658 = arith.index_cast %add3A_657 : i32 to index
          %get3A_659 = arith.constant 96 : index
          %get3A_660 = tpu.vector_load %arg8[%get3A_658, %get3A_659] {strides = array<i32>} : memref<400x128xf32, #tpu.memory_space<vmem>>, vector<1x16xf32>,
          %get3A_661 = vector.shape_cast %get3A_660 : vector<1x16xf32> to vector<16xf32>
          %add3A_662 = arith.addf %get3A_590, %get3A_597 : vector<16xf32>
          %add3A_663 = arith.constant 2 : i32
          %add3A_664 = arith.addi %mul3A_648, %add3A_663 : i32
          %get3A_665 = arith.index_cast %add3A_664 : i32 to index
          %get3A_666 = arith.constant 96 : index
          %get3A_667 = tpu.vector_load %arg8[%get3A_665, %get3A_666] {strides = array<i32>} : memref<400x128xf32, #tpu.memory_space<vmem>>, vector<1x16xf32>,
          %get3A_668 = vector.shape_cast %get3A_667 : vector<1x16xf32> to vector<16xf32>
          %add3A_669 = arith.addf %get3A_604, %get3A_611 : vector<16xf32>
          %add3A_670 = arith.constant 3 : i32
          %add3A_671 = arith.addi %mul3A_648, %add3A_670 : i32
          %get3A_672 = arith.index_cast %add3A_671 : i32 to index
          %get3A_673 = arith.constant 96 : index
          %get3A_674 = tpu.vector_load %arg8[%get3A_672, %get3A_673] {strides = array<i32>} : memref<400x128xf32, #tpu.memory_space<vmem>>, vector<1x16xf32>,
          %get3A_675 = vector.shape_cast %get3A_674 : vector<1x16xf32> to vector<16xf32>
          %add3A_676 = arith.addf %get3A_618, %get3A_625 : vector<16xf32>
          %add3A_677 = arith.constant 4 : i32
          %add3A_678 = arith.addi %mul3A_648, %add3A_677 : i32
          %get3A_679 = arith.index_cast %add3A_678 : i32 to index
          %get3A_680 = arith.constant 96 : index
          %get3A_681 = tpu.vector_load %arg8[%get3A_679, %get3A_680] {strides = array<i32>} : memref<400x128xf32, #tpu.memory_space<vmem>>, vector<1x16xf32>,
          %get3A_682 = vector.shape_cast %get3A_681 : vector<1x16xf32> to vector<16xf32>
          %add3A_683 = arith.addf %get3A_631, %get3A_638 : vector<16xf32>
          %add3A_684 = arith.constant 5 : i32
          %add3A_685 = arith.addi %mul3A_648, %add3A_684 : i32
          %get3A_686 = arith.index_cast %add3A_685 : i32 to index
          %get3A_687 = arith.constant 96 : index
          %get3A_688 = tpu.vector_load %arg8[%get3A_686, %get3A_687] {strides = array<i32>} : memref<400x128xf32, #tpu.memory_space<vmem>>, vector<1x16xf32>,
          %get3A_689 = vector.shape_cast %get3A_688 : vector<1x16xf32> to vector<16xf32>
          %add3A_690 = arith.addf %add3A_655, %add3A_662 : vector<16xf32>
          %add3A_691 = arith.constant 6 : i32
          %add3A_692 = arith.addi %mul3A_648, %add3A_691 : i32
          %get3A_693 = arith.index_cast %add3A_692 : i32 to index
          %get3A_694 = arith.constant 96 : index
          %get3A_695 = tpu.vector_load %arg8[%get3A_693, %get3A_694] {strides = array<i32>} : memref<400x128xf32, #tpu.memory_space<vmem>>, vector<1x16xf32>,
          %get3A_696 = vector.shape_cast %get3A_695 : vector<1x16xf32> to vector<16xf32>
          %add3A_697 = arith.addf %add3A_669, %add3A_676 : vector<16xf32>
          %add3A_698 = arith.constant 7 : i32
          %add3A_699 = arith.addi %mul3A_648, %add3A_698 : i32
          %get3A_700 = arith.index_cast %add3A_699 : i32 to index
          %get3A_701 = arith.constant 96 : index
          %get3A_702 = tpu.vector_load %arg8[%get3A_700, %get3A_701] {strides = array<i32>} : memref<400x128xf32, #tpu.memory_space<vmem>>, vector<1x16xf32>,
          %get3A_703 = vector.shape_cast %get3A_702 : vector<1x16xf32> to vector<16xf32>
          %add3A_704 = arith.constant 8 : i32
          %add3A_705 = arith.addi %mul3A_648, %add3A_704 : i32
          %get3A_706 = arith.index_cast %add3A_705 : i32 to index
          %get3A_707 = arith.constant 96 : index
          %get3A_708 = tpu.vector_load %arg8[%get3A_706, %get3A_707] {strides = array<i32>} : memref<400x128xf32, #tpu.memory_space<vmem>>, vector<1x16xf32>,
          %get3A_709 = vector.shape_cast %get3A_708 : vector<1x16xf32> to vector<16xf32>
          %add3A_710 = arith.addf %add3A_690, %add3A_697 : vector<16xf32>
          %add3A_711 = arith.constant 9 : i32
          %add3A_712 = arith.addi %mul3A_648, %add3A_711 : i32
          %get3A_713 = arith.index_cast %add3A_712 : i32 to index
          %get3A_714 = arith.constant 96 : index
          %get3A_715 = tpu.vector_load %arg8[%get3A_713, %get3A_714] {strides = array<i32>} : memref<400x128xf32, #tpu.memory_space<vmem>>, vector<1x16xf32>,
          %get3A_716 = vector.shape_cast %get3A_715 : vector<1x16xf32> to vector<16xf32>
          %add3A_717 = arith.addf %add3A_710, %add3A_683 : vector<16xf32>
          %mul3A_718 = vector.broadcast %scan3A_66 : f32 to vector<16xf32>
          %mul3A_719 = arith.mulf %add3A_717, %mul3A_718 : vector<16xf32>
          %swap3A_720 = arith.index_cast %add3A_144 : i32 to index
          %swap3A_721 = arith.constant 80 : index
          %swap3A_722 = tpu.vector_load %arg10[%swap3A_720, %swap3A_721] {strides = array<i32>} : memref<40x128xf32, #tpu.memory_space<vmem>>, vector<1x16xf32>,
          %swap3A_723 = vector.shape_cast %swap3A_722 : vector<1x16xf32> to vector<16xf32>
          %swap3A_724 = vector.shape_cast %mul3A_719 : vector<16xf32> to vector<1x16xf32>
          tpu.vector_store %arg10[%swap3A_720, %swap3A_721], %swap3A_724 {strides = array<i32>} : memref<40x128xf32, #tpu.memory_space<vmem>>, vector<1x16xf32>,
          %mul3A_725 = arith.constant 10 : i32
          %mul3A_726 = arith.muli %add3A_148, %mul3A_725 : i32
          %add3A_727 = arith.constant 0 : i32
          %add3A_728 = arith.addi %mul3A_726, %add3A_727 : i32
          %get3A_729 = arith.index_cast %add3A_728 : i32 to index
          %get3A_730 = arith.constant 112 : index
          %get3A_731 = tpu.vector_load %arg8[%get3A_729, %get3A_730] {strides = array<i32>} : memref<400x128xf32, #tpu.memory_space<vmem>>, vector<1x16xf32>,
          %get3A_732 = vector.shape_cast %get3A_731 : vector<1x16xf32> to vector<16xf32>
          %add3A_733 = arith.addf %get3A_654, %get3A_661 : vector<16xf32>
          %add3A_734 = arith.constant 1 : i32
          %add3A_735 = arith.addi %mul3A_726, %add3A_734 : i32
          %get3A_736 = arith.index_cast %add3A_735 : i32 to index
          %get3A_737 = arith.constant 112 : index
          %get3A_738 = tpu.vector_load %arg8[%get3A_736, %get3A_737] {strides = array<i32>} : memref<400x128xf32, #tpu.memory_space<vmem>>, vector<1x16xf32>,
          %get3A_739 = vector.shape_cast %get3A_738 : vector<1x16xf32> to vector<16xf32>
          %add3A_740 = arith.addf %get3A_668, %get3A_675 : vector<16xf32>
          %add3A_741 = arith.constant 2 : i32
          %add3A_742 = arith.addi %mul3A_726, %add3A_741 : i32
          %get3A_743 = arith.index_cast %add3A_742 : i32 to index
          %get3A_744 = arith.constant 112 : index
          %get3A_745 = tpu.vector_load %arg8[%get3A_743, %get3A_744] {strides = array<i32>} : memref<400x128xf32, #tpu.memory_space<vmem>>, vector<1x16xf32>,
          %get3A_746 = vector.shape_cast %get3A_745 : vector<1x16xf32> to vector<16xf32>
          %add3A_747 = arith.addf %get3A_682, %get3A_689 : vector<16xf32>
          %add3A_748 = arith.constant 3 : i32
          %add3A_749 = arith.addi %mul3A_726, %add3A_748 : i32
          %get3A_750 = arith.index_cast %add3A_749 : i32 to index
          %get3A_751 = arith.constant 112 : index
          %get3A_752 = tpu.vector_load %arg8[%get3A_750, %get3A_751] {strides = array<i32>} : memref<400x128xf32, #tpu.memory_space<vmem>>, vector<1x16xf32>,
          %get3A_753 = vector.shape_cast %get3A_752 : vector<1x16xf32> to vector<16xf32>
          %add3A_754 = arith.addf %get3A_696, %get3A_703 : vector<16xf32>
          %add3A_755 = arith.constant 4 : i32
          %add3A_756 = arith.addi %mul3A_726, %add3A_755 : i32
          %get3A_757 = arith.index_cast %add3A_756 : i32 to index
          %get3A_758 = arith.constant 112 : index
          %get3A_759 = tpu.vector_load %arg8[%get3A_757, %get3A_758] {strides = array<i32>} : memref<400x128xf32, #tpu.memory_space<vmem>>, vector<1x16xf32>,
          %get3A_760 = vector.shape_cast %get3A_759 : vector<1x16xf32> to vector<16xf32>
          %add3A_761 = arith.addf %get3A_709, %get3A_716 : vector<16xf32>
          %add3A_762 = arith.constant 5 : i32
          %add3A_763 = arith.addi %mul3A_726, %add3A_762 : i32
          %get3A_764 = arith.index_cast %add3A_763 : i32 to index
          %get3A_765 = arith.constant 112 : index
          %get3A_766 = tpu.vector_load %arg8[%get3A_764, %get3A_765] {strides = array<i32>} : memref<400x128xf32, #tpu.memory_space<vmem>>, vector<1x16xf32>,
          %get3A_767 = vector.shape_cast %get3A_766 : vector<1x16xf32> to vector<16xf32>
          %add3A_768 = arith.addf %add3A_733, %add3A_740 : vector<16xf32>
          %add3A_769 = arith.constant 6 : i32
          %add3A_770 = arith.addi %mul3A_726, %add3A_769 : i32
          %get3A_771 = arith.index_cast %add3A_770 : i32 to index
          %get3A_772 = arith.constant 112 : index
          %get3A_773 = tpu.vector_load %arg8[%get3A_771, %get3A_772] {strides = array<i32>} : memref<400x128xf32, #tpu.memory_space<vmem>>, vector<1x16xf32>,
          %get3A_774 = vector.shape_cast %get3A_773 : vector<1x16xf32> to vector<16xf32>
          %add3A_775 = arith.addf %add3A_747, %add3A_754 : vector<16xf32>
          %add3A_776 = arith.constant 7 : i32
          %add3A_777 = arith.addi %mul3A_726, %add3A_776 : i32
          %get3A_778 = arith.index_cast %add3A_777 : i32 to index
          %get3A_779 = arith.constant 112 : index
          %get3A_780 = tpu.vector_load %arg8[%get3A_778, %get3A_779] {strides = array<i32>} : memref<400x128xf32, #tpu.memory_space<vmem>>, vector<1x16xf32>,
          %get3A_781 = vector.shape_cast %get3A_780 : vector<1x16xf32> to vector<16xf32>
          %add3A_782 = arith.constant 8 : i32
          %add3A_783 = arith.addi %mul3A_726, %add3A_782 : i32
          %get3A_784 = arith.index_cast %add3A_783 : i32 to index
          %get3A_785 = arith.constant 112 : index
          %get3A_786 = tpu.vector_load %arg8[%get3A_784, %get3A_785] {strides = array<i32>} : memref<400x128xf32, #tpu.memory_space<vmem>>, vector<1x16xf32>,
          %get3A_787 = vector.shape_cast %get3A_786 : vector<1x16xf32> to vector<16xf32>
          %add3A_788 = arith.addf %add3A_768, %add3A_775 : vector<16xf32>
          %add3A_789 = arith.constant 9 : i32
          %add3A_790 = arith.addi %mul3A_726, %add3A_789 : i32
          %get3A_791 = arith.index_cast %add3A_790 : i32 to index
          %get3A_792 = arith.constant 112 : index
          %get3A_793 = tpu.vector_load %arg8[%get3A_791, %get3A_792] {strides = array<i32>} : memref<400x128xf32, #tpu.memory_space<vmem>>, vector<1x16xf32>,
          %get3A_794 = vector.shape_cast %get3A_793 : vector<1x16xf32> to vector<16xf32>
          %add3A_795 = arith.addf %add3A_788, %add3A_761 : vector<16xf32>
          %mul3A_796 = vector.broadcast %scan3A_66 : f32 to vector<16xf32>
          %mul3A_797 = arith.mulf %add3A_795, %mul3A_796 : vector<16xf32>
          %swap3A_798 = arith.index_cast %add3A_146 : i32 to index
          %swap3A_799 = arith.constant 96 : index
          %swap3A_800 = tpu.vector_load %arg10[%swap3A_798, %swap3A_799] {strides = array<i32>} : memref<40x128xf32, #tpu.memory_space<vmem>>, vector<1x16xf32>,
          %swap3A_801 = vector.shape_cast %swap3A_800 : vector<1x16xf32> to vector<16xf32>
          %swap3A_802 = vector.shape_cast %mul3A_797 : vector<16xf32> to vector<1x16xf32>
          tpu.vector_store %arg10[%swap3A_798, %swap3A_799], %swap3A_802 {strides = array<i32>} : memref<40x128xf32, #tpu.memory_space<vmem>>, vector<1x16xf32>,
          %mul3A_803 = arith.constant 10 : i32
          %mul3A_804 = arith.muli %add3A_150, %mul3A_803 : i32
          %add3A_805 = arith.constant 0 : i32
          %add3A_806 = arith.addi %mul3A_804, %add3A_805 : i32
          %get3A_807 = arith.index_cast %add3A_806 : i32 to index
          %get3A_808 = arith.constant 0 : index
          %get3A_809 = tpu.vector_load %arg8[%get3A_807, %get3A_808] {strides = array<i32>} : memref<400x128xf32, #tpu.memory_space<vmem>>, vector<1x16xf32>,
          %get3A_810 = vector.shape_cast %get3A_809 : vector<1x16xf32> to vector<16xf32>
          %add3A_811 = arith.addf %get3A_732, %get3A_739 : vector<16xf32>
          %add3A_812 = arith.constant 1 : i32
          %add3A_813 = arith.addi %mul3A_804, %add3A_812 : i32
          %get3A_814 = arith.index_cast %add3A_813 : i32 to index
          %get3A_815 = arith.constant 0 : index
          %get3A_816 = tpu.vector_load %arg8[%get3A_814, %get3A_815] {strides = array<i32>} : memref<400x128xf32, #tpu.memory_space<vmem>>, vector<1x16xf32>,
          %get3A_817 = vector.shape_cast %get3A_816 : vector<1x16xf32> to vector<16xf32>
          %add3A_818 = arith.addf %get3A_746, %get3A_753 : vector<16xf32>
          %add3A_819 = arith.constant 2 : i32
          %add3A_820 = arith.addi %mul3A_804, %add3A_819 : i32
          %get3A_821 = arith.index_cast %add3A_820 : i32 to index
          %get3A_822 = arith.constant 0 : index
          %get3A_823 = tpu.vector_load %arg8[%get3A_821, %get3A_822] {strides = array<i32>} : memref<400x128xf32, #tpu.memory_space<vmem>>, vector<1x16xf32>,
          %get3A_824 = vector.shape_cast %get3A_823 : vector<1x16xf32> to vector<16xf32>
          %add3A_825 = arith.addf %get3A_760, %get3A_767 : vector<16xf32>
          %add3A_826 = arith.constant 3 : i32
          %add3A_827 = arith.addi %mul3A_804, %add3A_826 : i32
          %get3A_828 = arith.index_cast %add3A_827 : i32 to index
          %get3A_829 = arith.constant 0 : index
          %get3A_830 = tpu.vector_load %arg8[%get3A_828, %get3A_829] {strides = array<i32>} : memref<400x128xf32, #tpu.memory_space<vmem>>, vector<1x16xf32>,
          %get3A_831 = vector.shape_cast %get3A_830 : vector<1x16xf32> to vector<16xf32>
          %add3A_832 = arith.addf %get3A_774, %get3A_781 : vector<16xf32>
          %add3A_833 = arith.constant 4 : i32
          %add3A_834 = arith.addi %mul3A_804, %add3A_833 : i32
          %get3A_835 = arith.index_cast %add3A_834 : i32 to index
          %get3A_836 = arith.constant 0 : index
          %get3A_837 = tpu.vector_load %arg8[%get3A_835, %get3A_836] {strides = array<i32>} : memref<400x128xf32, #tpu.memory_space<vmem>>, vector<1x16xf32>,
          %get3A_838 = vector.shape_cast %get3A_837 : vector<1x16xf32> to vector<16xf32>
          %add3A_839 = arith.addf %get3A_787, %get3A_794 : vector<16xf32>
          %add3A_840 = arith.constant 5 : i32
          %add3A_841 = arith.addi %mul3A_804, %add3A_840 : i32
          %get3A_842 = arith.index_cast %add3A_841 : i32 to index
          %get3A_843 = arith.constant 0 : index
          %get3A_844 = tpu.vector_load %arg8[%get3A_842, %get3A_843] {strides = array<i32>} : memref<400x128xf32, #tpu.memory_space<vmem>>, vector<1x16xf32>,
          %get3A_845 = vector.shape_cast %get3A_844 : vector<1x16xf32> to vector<16xf32>
          %add3A_846 = arith.addf %add3A_811, %add3A_818 : vector<16xf32>
          %add3A_847 = arith.constant 6 : i32
          %add3A_848 = arith.addi %mul3A_804, %add3A_847 : i32
          %get3A_849 = arith.index_cast %add3A_848 : i32 to index
          %get3A_850 = arith.constant 0 : index
          %get3A_851 = tpu.vector_load %arg8[%get3A_849, %get3A_850] {strides = array<i32>} : memref<400x128xf32, #tpu.memory_space<vmem>>, vector<1x16xf32>,
          %get3A_852 = vector.shape_cast %get3A_851 : vector<1x16xf32> to vector<16xf32>
          %add3A_853 = arith.addf %add3A_825, %add3A_832 : vector<16xf32>
          %add3A_854 = arith.constant 7 : i32
          %add3A_855 = arith.addi %mul3A_804, %add3A_854 : i32
          %get3A_856 = arith.index_cast %add3A_855 : i32 to index
          %get3A_857 = arith.constant 0 : index
          %get3A_858 = tpu.vector_load %arg8[%get3A_856, %get3A_857] {strides = array<i32>} : memref<400x128xf32, #tpu.memory_space<vmem>>, vector<1x16xf32>,
          %get3A_859 = vector.shape_cast %get3A_858 : vector<1x16xf32> to vector<16xf32>
          %add3A_860 = arith.constant 8 : i32
          %add3A_861 = arith.addi %mul3A_804, %add3A_860 : i32
          %get3A_862 = arith.index_cast %add3A_861 : i32 to index
          %get3A_863 = arith.constant 0 : index
          %get3A_864 = tpu.vector_load %arg8[%get3A_862, %get3A_863] {strides = array<i32>} : memref<400x128xf32, #tpu.memory_space<vmem>>, vector<1x16xf32>,
          %get3A_865 = vector.shape_cast %get3A_864 : vector<1x16xf32> to vector<16xf32>
          %add3A_866 = arith.addf %add3A_846, %add3A_853 : vector<16xf32>
          %add3A_867 = arith.constant 9 : i32
          %add3A_868 = arith.addi %mul3A_804, %add3A_867 : i32
          %get3A_869 = arith.index_cast %add3A_868 : i32 to index
          %get3A_870 = arith.constant 0 : index
          %get3A_871 = tpu.vector_load %arg8[%get3A_869, %get3A_870] {strides = array<i32>} : memref<400x128xf32, #tpu.memory_space<vmem>>, vector<1x16xf32>,
          %get3A_872 = vector.shape_cast %get3A_871 : vector<1x16xf32> to vector<16xf32>
          %add3A_873 = arith.addf %add3A_866, %add3A_839 : vector<16xf32>
          %mul3A_874 = vector.broadcast %scan3A_66 : f32 to vector<16xf32>
          %mul3A_875 = arith.mulf %add3A_873, %mul3A_874 : vector<16xf32>
          %swap3A_876 = arith.index_cast %add3A_148 : i32 to index
          %swap3A_877 = arith.constant 112 : index
          %swap3A_878 = tpu.vector_load %arg10[%swap3A_876, %swap3A_877] {strides = array<i32>} : memref<40x128xf32, #tpu.memory_space<vmem>>, vector<1x16xf32>,
          %swap3A_879 = vector.shape_cast %swap3A_878 : vector<1x16xf32> to vector<16xf32>
          %swap3A_880 = vector.shape_cast %mul3A_875 : vector<16xf32> to vector<1x16xf32>
          tpu.vector_store %arg10[%swap3A_876, %swap3A_877], %swap3A_880 {strides = array<i32>} : memref<40x128xf32, #tpu.memory_space<vmem>>, vector<1x16xf32>,
          %mul3A_881 = arith.constant 10 : i32
          %mul3A_882 = arith.muli %add3A_152, %mul3A_881 : i32
          %add3A_883 = arith.constant 0 : i32
          %add3A_884 = arith.addi %mul3A_882, %add3A_883 : i32
          %get3A_885 = arith.index_cast %add3A_884 : i32 to index
          %get3A_886 = arith.constant 16 : index
          %get3A_887 = tpu.vector_load %arg8[%get3A_885, %get3A_886] {strides = array<i32>} : memref<400x128xf32, #tpu.memory_space<vmem>>, vector<1x16xf32>,
          %get3A_888 = vector.shape_cast %get3A_887 : vector<1x16xf32> to vector<16xf32>
          %add3A_889 = arith.addf %get3A_810, %get3A_817 : vector<16xf32>
          %add3A_890 = arith.constant 1 : i32
          %add3A_891 = arith.addi %mul3A_882, %add3A_890 : i32
          %get3A_892 = arith.index_cast %add3A_891 : i32 to index
          %get3A_893 = arith.constant 16 : index
          %get3A_894 = tpu.vector_load %arg8[%get3A_892, %get3A_893] {strides = array<i32>} : memref<400x128xf32, #tpu.memory_space<vmem>>, vector<1x16xf32>,
          %get3A_895 = vector.shape_cast %get3A_894 : vector<1x16xf32> to vector<16xf32>
          %add3A_896 = arith.addf %get3A_824, %get3A_831 : vector<16xf32>
          %add3A_897 = arith.constant 2 : i32
          %add3A_898 = arith.addi %mul3A_882, %add3A_897 : i32
          %get3A_899 = arith.index_cast %add3A_898 : i32 to index
          %get3A_900 = arith.constant 16 : index
          %get3A_901 = tpu.vector_load %arg8[%get3A_899, %get3A_900] {strides = array<i32>} : memref<400x128xf32, #tpu.memory_space<vmem>>, vector<1x16xf32>,
          %get3A_902 = vector.shape_cast %get3A_901 : vector<1x16xf32> to vector<16xf32>
          %add3A_903 = arith.addf %get3A_838, %get3A_845 : vector<16xf32>
          %add3A_904 = arith.constant 3 : i32
          %add3A_905 = arith.addi %mul3A_882, %add3A_904 : i32
          %get3A_906 = arith.index_cast %add3A_905 : i32 to index
          %get3A_907 = arith.constant 16 : index
          %get3A_908 = tpu.vector_load %arg8[%get3A_906, %get3A_907] {strides = array<i32>} : memref<400x128xf32, #tpu.memory_space<vmem>>, vector<1x16xf32>,
          %get3A_909 = vector.shape_cast %get3A_908 : vector<1x16xf32> to vector<16xf32>
          %add3A_910 = arith.addf %get3A_852, %get3A_859 : vector<16xf32>
          %add3A_911 = arith.constant 4 : i32
          %add3A_912 = arith.addi %mul3A_882, %add3A_911 : i32
          %get3A_913 = arith.index_cast %add3A_912 : i32 to index
          %get3A_914 = arith.constant 16 : index
          %get3A_915 = tpu.vector_load %arg8[%get3A_913, %get3A_914] {strides = array<i32>} : memref<400x128xf32, #tpu.memory_space<vmem>>, vector<1x16xf32>,
          %get3A_916 = vector.shape_cast %get3A_915 : vector<1x16xf32> to vector<16xf32>
          %add3A_917 = arith.addf %get3A_865, %get3A_872 : vector<16xf32>
          %add3A_918 = arith.constant 5 : i32
          %add3A_919 = arith.addi %mul3A_882, %add3A_918 : i32
          %get3A_920 = arith.index_cast %add3A_919 : i32 to index
          %get3A_921 = arith.constant 16 : index
          %get3A_922 = tpu.vector_load %arg8[%get3A_920, %get3A_921] {strides = array<i32>} : memref<400x128xf32, #tpu.memory_space<vmem>>, vector<1x16xf32>,
          %get3A_923 = vector.shape_cast %get3A_922 : vector<1x16xf32> to vector<16xf32>
          %add3A_924 = arith.addf %add3A_889, %add3A_896 : vector<16xf32>
          %add3A_925 = arith.constant 6 : i32
          %add3A_926 = arith.addi %mul3A_882, %add3A_925 : i32
          %get3A_927 = arith.index_cast %add3A_926 : i32 to index
          %get3A_928 = arith.constant 16 : index
          %get3A_929 = tpu.vector_load %arg8[%get3A_927, %get3A_928] {strides = array<i32>} : memref<400x128xf32, #tpu.memory_space<vmem>>, vector<1x16xf32>,
          %get3A_930 = vector.shape_cast %get3A_929 : vector<1x16xf32> to vector<16xf32>
          %add3A_931 = arith.addf %add3A_903, %add3A_910 : vector<16xf32>
          %add3A_932 = arith.constant 7 : i32
          %add3A_933 = arith.addi %mul3A_882, %add3A_932 : i32
          %get3A_934 = arith.index_cast %add3A_933 : i32 to index
          %get3A_935 = arith.constant 16 : index
          %get3A_936 = tpu.vector_load %arg8[%get3A_934, %get3A_935] {strides = array<i32>} : memref<400x128xf32, #tpu.memory_space<vmem>>, vector<1x16xf32>,
          %get3A_937 = vector.shape_cast %get3A_936 : vector<1x16xf32> to vector<16xf32>
          %add3A_938 = arith.constant 8 : i32
          %add3A_939 = arith.addi %mul3A_882, %add3A_938 : i32
          %get3A_940 = arith.index_cast %add3A_939 : i32 to index
          %get3A_941 = arith.constant 16 : index
          %get3A_942 = tpu.vector_load %arg8[%get3A_940, %get3A_941] {strides = array<i32>} : memref<400x128xf32, #tpu.memory_space<vmem>>, vector<1x16xf32>,
          %get3A_943 = vector.shape_cast %get3A_942 : vector<1x16xf32> to vector<16xf32>
          %add3A_944 = arith.addf %add3A_924, %add3A_931 : vector<16xf32>
          %add3A_945 = arith.constant 9 : i32
          %add3A_946 = arith.addi %mul3A_882, %add3A_945 : i32
          %get3A_947 = arith.index_cast %add3A_946 : i32 to index
          %get3A_948 = arith.constant 16 : index
          %get3A_949 = tpu.vector_load %arg8[%get3A_947, %get3A_948] {strides = array<i32>} : memref<400x128xf32, #tpu.memory_space<vmem>>, vector<1x16xf32>,
          %get3A_950 = vector.shape_cast %get3A_949 : vector<1x16xf32> to vector<16xf32>
          %add3A_951 = arith.addf %add3A_944, %add3A_917 : vector<16xf32>
          %mul3A_952 = vector.broadcast %scan3A_66 : f32 to vector<16xf32>
          %mul3A_953 = arith.mulf %add3A_951, %mul3A_952 : vector<16xf32>
          %swap3A_954 = arith.index_cast %add3A_150 : i32 to index
          %swap3A_955 = arith.constant 0 : index
          %swap3A_956 = tpu.vector_load %arg10[%swap3A_954, %swap3A_955] {strides = array<i32>} : memref<40x128xf32, #tpu.memory_space<vmem>>, vector<1x16xf32>,
          %swap3A_957 = vector.shape_cast %swap3A_956 : vector<1x16xf32> to vector<16xf32>
          %swap3A_958 = vector.shape_cast %mul3A_953 : vector<16xf32> to vector<1x16xf32>
          tpu.vector_store %arg10[%swap3A_954, %swap3A_955], %swap3A_958 {strides = array<i32>} : memref<40x128xf32, #tpu.memory_space<vmem>>, vector<1x16xf32>,
          %mul3A_959 = arith.constant 10 : i32
          %mul3A_960 = arith.muli %add3A_154, %mul3A_959 : i32
          %add3A_961 = arith.constant 0 : i32
          %add3A_962 = arith.addi %mul3A_960, %add3A_961 : i32
          %get3A_963 = arith.index_cast %add3A_962 : i32 to index
          %get3A_964 = arith.constant 32 : index
          %get3A_965 = tpu.vector_load %arg8[%get3A_963, %get3A_964] {strides = array<i32>} : memref<400x128xf32, #tpu.memory_space<vmem>>, vector<1x16xf32>,
          %get3A_966 = vector.shape_cast %get3A_965 : vector<1x16xf32> to vector<16xf32>
          %add3A_967 = arith.addf %get3A_888, %get3A_895 : vector<16xf32>
          %add3A_968 = arith.constant 1 : i32
          %add3A_969 = arith.addi %mul3A_960, %add3A_968 : i32
          %get3A_970 = arith.index_cast %add3A_969 : i32 to index
          %get3A_971 = arith.constant 32 : index
          %get3A_972 = tpu.vector_load %arg8[%get3A_970, %get3A_971] {strides = array<i32>} : memref<400x128xf32, #tpu.memory_space<vmem>>, vector<1x16xf32>,
          %get3A_973 = vector.shape_cast %get3A_972 : vector<1x16xf32> to vector<16xf32>
          %add3A_974 = arith.addf %get3A_902, %get3A_909 : vector<16xf32>
          %add3A_975 = arith.constant 2 : i32
          %add3A_976 = arith.addi %mul3A_960, %add3A_975 : i32
          %get3A_977 = arith.index_cast %add3A_976 : i32 to index
          %get3A_978 = arith.constant 32 : index
          %get3A_979 = tpu.vector_load %arg8[%get3A_977, %get3A_978] {strides = array<i32>} : memref<400x128xf32, #tpu.memory_space<vmem>>, vector<1x16xf32>,
          %get3A_980 = vector.shape_cast %get3A_979 : vector<1x16xf32> to vector<16xf32>
          %add3A_981 = arith.addf %get3A_916, %get3A_923 : vector<16xf32>
          %add3A_982 = arith.constant 3 : i32
          %add3A_983 = arith.addi %mul3A_960, %add3A_982 : i32
          %get3A_984 = arith.index_cast %add3A_983 : i32 to index
          %get3A_985 = arith.constant 32 : index
          %get3A_986 = tpu.vector_load %arg8[%get3A_984, %get3A_985] {strides = array<i32>} : memref<400x128xf32, #tpu.memory_space<vmem>>, vector<1x16xf32>,
          %get3A_987 = vector.shape_cast %get3A_986 : vector<1x16xf32> to vector<16xf32>
          %add3A_988 = arith.addf %get3A_930, %get3A_937 : vector<16xf32>
          %add3A_989 = arith.constant 4 : i32
          %add3A_990 = arith.addi %mul3A_960, %add3A_989 : i32
          %get3A_991 = arith.index_cast %add3A_990 : i32 to index
          %get3A_992 = arith.constant 32 : index
          %get3A_993 = tpu.vector_load %arg8[%get3A_991, %get3A_992] {strides = array<i32>} : memref<400x128xf32, #tpu.memory_space<vmem>>, vector<1x16xf32>,
          %get3A_994 = vector.shape_cast %get3A_993 : vector<1x16xf32> to vector<16xf32>
          %add3A_995 = arith.addf %get3A_943, %get3A_950 : vector<16xf32>
          %add3A_996 = arith.constant 5 : i32
          %add3A_997 = arith.addi %mul3A_960, %add3A_996 : i32
          %get3A_998 = arith.index_cast %add3A_997 : i32 to index
          %get3A_999 = arith.constant 32 : index
          %get3A_1000 = tpu.vector_load %arg8[%get3A_998, %get3A_999] {strides = array<i32>} : memref<400x128xf32, #tpu.memory_space<vmem>>, vector<1x16xf32>,
          %get3A_1001 = vector.shape_cast %get3A_1000 : vector<1x16xf32> to vector<16xf32>
          %add3A_1002 = arith.addf %add3A_967, %add3A_974 : vector<16xf32>
          %add3A_1003 = arith.constant 6 : i32
          %add3A_1004 = arith.addi %mul3A_960, %add3A_1003 : i32
          %get3A_1005 = arith.index_cast %add3A_1004 : i32 to index
          %get3A_1006 = arith.constant 32 : index
          %get3A_1007 = tpu.vector_load %arg8[%get3A_1005, %get3A_1006] {strides = array<i32>} : memref<400x128xf32, #tpu.memory_space<vmem>>, vector<1x16xf32>,
          %get3A_1008 = vector.shape_cast %get3A_1007 : vector<1x16xf32> to vector<16xf32>
          %add3A_1009 = arith.addf %add3A_981, %add3A_988 : vector<16xf32>
          %add3A_1010 = arith.constant 7 : i32
          %add3A_1011 = arith.addi %mul3A_960, %add3A_1010 : i32
          %get3A_1012 = arith.index_cast %add3A_1011 : i32 to index
          %get3A_1013 = arith.constant 32 : index
          %get3A_1014 = tpu.vector_load %arg8[%get3A_1012, %get3A_1013] {strides = array<i32>} : memref<400x128xf32, #tpu.memory_space<vmem>>, vector<1x16xf32>,
          %get3A_1015 = vector.shape_cast %get3A_1014 : vector<1x16xf32> to vector<16xf32>
          %add3A_1016 = arith.constant 8 : i32
          %add3A_1017 = arith.addi %mul3A_960, %add3A_1016 : i32
          %get3A_1018 = arith.index_cast %add3A_1017 : i32 to index
          %get3A_1019 = arith.constant 32 : index
          %get3A_1020 = tpu.vector_load %arg8[%get3A_1018, %get3A_1019] {strides = array<i32>} : memref<400x128xf32, #tpu.memory_space<vmem>>, vector<1x16xf32>,
          %get3A_1021 = vector.shape_cast %get3A_1020 : vector<1x16xf32> to vector<16xf32>
          %add3A_1022 = arith.addf %add3A_1002, %add3A_1009 : vector<16xf32>
          %add3A_1023 = arith.constant 9 : i32
          %add3A_1024 = arith.addi %mul3A_960, %add3A_1023 : i32
          %get3A_1025 = arith.index_cast %add3A_1024 : i32 to index
          %get3A_1026 = arith.constant 32 : index
          %get3A_1027 = tpu.vector_load %arg8[%get3A_1025, %get3A_1026] {strides = array<i32>} : memref<400x128xf32, #tpu.memory_space<vmem>>, vector<1x16xf32>,
          %get3A_1028 = vector.shape_cast %get3A_1027 : vector<1x16xf32> to vector<16xf32>
          %add3A_1029 = arith.addf %add3A_1022, %add3A_995 : vector<16xf32>
          %mul3A_1030 = vector.broadcast %scan3A_66 : f32 to vector<16xf32>
          %mul3A_1031 = arith.mulf %add3A_1029, %mul3A_1030 : vector<16xf32>
          %swap3A_1032 = arith.index_cast %add3A_152 : i32 to index
          %swap3A_1033 = arith.constant 16 : index
          %swap3A_1034 = tpu.vector_load %arg10[%swap3A_1032, %swap3A_1033] {strides = array<i32>} : memref<40x128xf32, #tpu.memory_space<vmem>>, vector<1x16xf32>,
          %swap3A_1035 = vector.shape_cast %swap3A_1034 : vector<1x16xf32> to vector<16xf32>
          %swap3A_1036 = vector.shape_cast %mul3A_1031 : vector<16xf32> to vector<1x16xf32>
          tpu.vector_store %arg10[%swap3A_1032, %swap3A_1033], %swap3A_1036 {strides = array<i32>} : memref<40x128xf32, #tpu.memory_space<vmem>>, vector<1x16xf32>,
          %mul3A_1037 = arith.constant 10 : i32
          %mul3A_1038 = arith.muli %add3A_156, %mul3A_1037 : i32
          %add3A_1039 = arith.constant 0 : i32
          %add3A_1040 = arith.addi %mul3A_1038, %add3A_1039 : i32
          %get3A_1041 = arith.index_cast %add3A_1040 : i32 to index
          %get3A_1042 = arith.constant 48 : index
          %get3A_1043 = tpu.vector_load %arg8[%get3A_1041, %get3A_1042] {strides = array<i32>} : memref<400x128xf32, #tpu.memory_space<vmem>>, vector<1x16xf32>,
          %get3A_1044 = vector.shape_cast %get3A_1043 : vector<1x16xf32> to vector<16xf32>
          %add3A_1045 = arith.addf %get3A_966, %get3A_973 : vector<16xf32>
          %add3A_1046 = arith.constant 1 : i32
          %add3A_1047 = arith.addi %mul3A_1038, %add3A_1046 : i32
          %get3A_1048 = arith.index_cast %add3A_1047 : i32 to index
          %get3A_1049 = arith.constant 48 : index
          %get3A_1050 = tpu.vector_load %arg8[%get3A_1048, %get3A_1049] {strides = array<i32>} : memref<400x128xf32, #tpu.memory_space<vmem>>, vector<1x16xf32>,
          %get3A_1051 = vector.shape_cast %get3A_1050 : vector<1x16xf32> to vector<16xf32>
          %add3A_1052 = arith.addf %get3A_980, %get3A_987 : vector<16xf32>
          %add3A_1053 = arith.constant 2 : i32
          %add3A_1054 = arith.addi %mul3A_1038, %add3A_1053 : i32
          %get3A_1055 = arith.index_cast %add3A_1054 : i32 to index
          %get3A_1056 = arith.constant 48 : index
          %get3A_1057 = tpu.vector_load %arg8[%get3A_1055, %get3A_1056] {strides = array<i32>} : memref<400x128xf32, #tpu.memory_space<vmem>>, vector<1x16xf32>,
          %get3A_1058 = vector.shape_cast %get3A_1057 : vector<1x16xf32> to vector<16xf32>
          %add3A_1059 = arith.addf %get3A_994, %get3A_1001 : vector<16xf32>
          %add3A_1060 = arith.constant 3 : i32
          %add3A_1061 = arith.addi %mul3A_1038, %add3A_1060 : i32
          %get3A_1062 = arith.index_cast %add3A_1061 : i32 to index
          %get3A_1063 = arith.constant 48 : index
          %get3A_1064 = tpu.vector_load %arg8[%get3A_1062, %get3A_1063] {strides = array<i32>} : memref<400x128xf32, #tpu.memory_space<vmem>>, vector<1x16xf32>,
          %get3A_1065 = vector.shape_cast %get3A_1064 : vector<1x16xf32> to vector<16xf32>
          %add3A_1066 = arith.addf %get3A_1008, %get3A_1015 : vector<16xf32>
          %add3A_1067 = arith.constant 4 : i32
          %add3A_1068 = arith.addi %mul3A_1038, %add3A_1067 : i32
          %get3A_1069 = arith.index_cast %add3A_1068 : i32 to index
          %get3A_1070 = arith.constant 48 : index
          %get3A_1071 = tpu.vector_load %arg8[%get3A_1069, %get3A_1070] {strides = array<i32>} : memref<400x128xf32, #tpu.memory_space<vmem>>, vector<1x16xf32>,
          %get3A_1072 = vector.shape_cast %get3A_1071 : vector<1x16xf32> to vector<16xf32>
          %add3A_1073 = arith.addf %get3A_1021, %get3A_1028 : vector<16xf32>
          %add3A_1074 = arith.constant 5 : i32
          %add3A_1075 = arith.addi %mul3A_1038, %add3A_1074 : i32
          %get3A_1076 = arith.index_cast %add3A_1075 : i32 to index
          %get3A_1077 = arith.constant 48 : index
          %get3A_1078 = tpu.vector_load %arg8[%get3A_1076, %get3A_1077] {strides = array<i32>} : memref<400x128xf32, #tpu.memory_space<vmem>>, vector<1x16xf32>,
          %get3A_1079 = vector.shape_cast %get3A_1078 : vector<1x16xf32> to vector<16xf32>
          %add3A_1080 = arith.addf %add3A_1045, %add3A_1052 : vector<16xf32>
          %add3A_1081 = arith.constant 6 : i32
          %add3A_1082 = arith.addi %mul3A_1038, %add3A_1081 : i32
          %get3A_1083 = arith.index_cast %add3A_1082 : i32 to index
          %get3A_1084 = arith.constant 48 : index
          %get3A_1085 = tpu.vector_load %arg8[%get3A_1083, %get3A_1084] {strides = array<i32>} : memref<400x128xf32, #tpu.memory_space<vmem>>, vector<1x16xf32>,
          %get3A_1086 = vector.shape_cast %get3A_1085 : vector<1x16xf32> to vector<16xf32>
          %add3A_1087 = arith.addf %add3A_1059, %add3A_1066 : vector<16xf32>
          %add3A_1088 = arith.constant 7 : i32
          %add3A_1089 = arith.addi %mul3A_1038, %add3A_1088 : i32
          %get3A_1090 = arith.index_cast %add3A_1089 : i32 to index
          %get3A_1091 = arith.constant 48 : index
          %get3A_1092 = tpu.vector_load %arg8[%get3A_1090, %get3A_1091] {strides = array<i32>} : memref<400x128xf32, #tpu.memory_space<vmem>>, vector<1x16xf32>,
          %get3A_1093 = vector.shape_cast %get3A_1092 : vector<1x16xf32> to vector<16xf32>
          %add3A_1094 = arith.constant 8 : i32
          %add3A_1095 = arith.addi %mul3A_1038, %add3A_1094 : i32
          %get3A_1096 = arith.index_cast %add3A_1095 : i32 to index
          %get3A_1097 = arith.constant 48 : index
          %get3A_1098 = tpu.vector_load %arg8[%get3A_1096, %get3A_1097] {strides = array<i32>} : memref<400x128xf32, #tpu.memory_space<vmem>>, vector<1x16xf32>,
          %get3A_1099 = vector.shape_cast %get3A_1098 : vector<1x16xf32> to vector<16xf32>
          %add3A_1100 = arith.addf %add3A_1080, %add3A_1087 : vector<16xf32>
          %add3A_1101 = arith.constant 9 : i32
          %add3A_1102 = arith.addi %mul3A_1038, %add3A_1101 : i32
          %get3A_1103 = arith.index_cast %add3A_1102 : i32 to index
          %get3A_1104 = arith.constant 48 : index
          %get3A_1105 = tpu.vector_load %arg8[%get3A_1103, %get3A_1104] {strides = array<i32>} : memref<400x128xf32, #tpu.memory_space<vmem>>, vector<1x16xf32>,
          %get3A_1106 = vector.shape_cast %get3A_1105 : vector<1x16xf32> to vector<16xf32>
          %add3A_1107 = arith.addf %add3A_1100, %add3A_1073 : vector<16xf32>
          %mul3A_1108 = vector.broadcast %scan3A_66 : f32 to vector<16xf32>
          %mul3A_1109 = arith.mulf %add3A_1107, %mul3A_1108 : vector<16xf32>
          %swap3A_1110 = arith.index_cast %add3A_154 : i32 to index
          %swap3A_1111 = arith.constant 32 : index
          %swap3A_1112 = tpu.vector_load %arg10[%swap3A_1110, %swap3A_1111] {strides = array<i32>} : memref<40x128xf32, #tpu.memory_space<vmem>>, vector<1x16xf32>,
          %swap3A_1113 = vector.shape_cast %swap3A_1112 : vector<1x16xf32> to vector<16xf32>
          %swap3A_1114 = vector.shape_cast %mul3A_1109 : vector<16xf32> to vector<1x16xf32>
          tpu.vector_store %arg10[%swap3A_1110, %swap3A_1111], %swap3A_1114 {strides = array<i32>} : memref<40x128xf32, #tpu.memory_space<vmem>>, vector<1x16xf32>,
          %mul3A_1115 = arith.constant 10 : i32
          %mul3A_1116 = arith.muli %add3A_158, %mul3A_1115 : i32
          %add3A_1117 = arith.constant 0 : i32
          %add3A_1118 = arith.addi %mul3A_1116, %add3A_1117 : i32
          %get3A_1119 = arith.index_cast %add3A_1118 : i32 to index
          %get3A_1120 = arith.constant 64 : index
          %get3A_1121 = tpu.vector_load %arg8[%get3A_1119, %get3A_1120] {strides = array<i32>} : memref<400x128xf32, #tpu.memory_space<vmem>>, vector<1x16xf32>,
          %get3A_1122 = vector.shape_cast %get3A_1121 : vector<1x16xf32> to vector<16xf32>
          %add3A_1123 = arith.addf %get3A_1044, %get3A_1051 : vector<16xf32>
          %add3A_1124 = arith.constant 1 : i32
          %add3A_1125 = arith.addi %mul3A_1116, %add3A_1124 : i32
          %get3A_1126 = arith.index_cast %add3A_1125 : i32 to index
          %get3A_1127 = arith.constant 64 : index
          %get3A_1128 = tpu.vector_load %arg8[%get3A_1126, %get3A_1127] {strides = array<i32>} : memref<400x128xf32, #tpu.memory_space<vmem>>, vector<1x16xf32>,
          %get3A_1129 = vector.shape_cast %get3A_1128 : vector<1x16xf32> to vector<16xf32>
          %add3A_1130 = arith.addf %get3A_1058, %get3A_1065 : vector<16xf32>
          %add3A_1131 = arith.constant 2 : i32
          %add3A_1132 = arith.addi %mul3A_1116, %add3A_1131 : i32
          %get3A_1133 = arith.index_cast %add3A_1132 : i32 to index
          %get3A_1134 = arith.constant 64 : index
          %get3A_1135 = tpu.vector_load %arg8[%get3A_1133, %get3A_1134] {strides = array<i32>} : memref<400x128xf32, #tpu.memory_space<vmem>>, vector<1x16xf32>,
          %get3A_1136 = vector.shape_cast %get3A_1135 : vector<1x16xf32> to vector<16xf32>
          %add3A_1137 = arith.addf %get3A_1072, %get3A_1079 : vector<16xf32>
          %add3A_1138 = arith.constant 3 : i32
          %add3A_1139 = arith.addi %mul3A_1116, %add3A_1138 : i32
          %get3A_1140 = arith.index_cast %add3A_1139 : i32 to index
          %get3A_1141 = arith.constant 64 : index
          %get3A_1142 = tpu.vector_load %arg8[%get3A_1140, %get3A_1141] {strides = array<i32>} : memref<400x128xf32, #tpu.memory_space<vmem>>, vector<1x16xf32>,
          %get3A_1143 = vector.shape_cast %get3A_1142 : vector<1x16xf32> to vector<16xf32>
          %add3A_1144 = arith.addf %get3A_1086, %get3A_1093 : vector<16xf32>
          %add3A_1145 = arith.constant 4 : i32
          %add3A_1146 = arith.addi %mul3A_1116, %add3A_1145 : i32
          %get3A_1147 = arith.index_cast %add3A_1146 : i32 to index
          %get3A_1148 = arith.constant 64 : index
          %get3A_1149 = tpu.vector_load %arg8[%get3A_1147, %get3A_1148] {strides = array<i32>} : memref<400x128xf32, #tpu.memory_space<vmem>>, vector<1x16xf32>,
          %get3A_1150 = vector.shape_cast %get3A_1149 : vector<1x16xf32> to vector<16xf32>
          %add3A_1151 = arith.addf %get3A_1099, %get3A_1106 : vector<16xf32>
          %add3A_1152 = arith.constant 5 : i32
          %add3A_1153 = arith.addi %mul3A_1116, %add3A_1152 : i32
          %get3A_1154 = arith.index_cast %add3A_1153 : i32 to index
          %get3A_1155 = arith.constant 64 : index
          %get3A_1156 = tpu.vector_load %arg8[%get3A_1154, %get3A_1155] {strides = array<i32>} : memref<400x128xf32, #tpu.memory_space<vmem>>, vector<1x16xf32>,
          %get3A_1157 = vector.shape_cast %get3A_1156 : vector<1x16xf32> to vector<16xf32>
          %add3A_1158 = arith.addf %add3A_1123, %add3A_1130 : vector<16xf32>
          %add3A_1159 = arith.constant 6 : i32
          %add3A_1160 = arith.addi %mul3A_1116, %add3A_1159 : i32
          %get3A_1161 = arith.index_cast %add3A_1160 : i32 to index
          %get3A_1162 = arith.constant 64 : index
          %get3A_1163 = tpu.vector_load %arg8[%get3A_1161, %get3A_1162] {strides = array<i32>} : memref<400x128xf32, #tpu.memory_space<vmem>>, vector<1x16xf32>,
          %get3A_1164 = vector.shape_cast %get3A_1163 : vector<1x16xf32> to vector<16xf32>
          %add3A_1165 = arith.addf %add3A_1137, %add3A_1144 : vector<16xf32>
          %add3A_1166 = arith.constant 7 : i32
          %add3A_1167 = arith.addi %mul3A_1116, %add3A_1166 : i32
          %get3A_1168 = arith.index_cast %add3A_1167 : i32 to index
          %get3A_1169 = arith.constant 64 : index
          %get3A_1170 = tpu.vector_load %arg8[%get3A_1168, %get3A_1169] {strides = array<i32>} : memref<400x128xf32, #tpu.memory_space<vmem>>, vector<1x16xf32>,
          %get3A_1171 = vector.shape_cast %get3A_1170 : vector<1x16xf32> to vector<16xf32>
          %add3A_1172 = arith.constant 8 : i32
          %add3A_1173 = arith.addi %mul3A_1116, %add3A_1172 : i32
          %get3A_1174 = arith.index_cast %add3A_1173 : i32 to index
          %get3A_1175 = arith.constant 64 : index
          %get3A_1176 = tpu.vector_load %arg8[%get3A_1174, %get3A_1175] {strides = array<i32>} : memref<400x128xf32, #tpu.memory_space<vmem>>, vector<1x16xf32>,
          %get3A_1177 = vector.shape_cast %get3A_1176 : vector<1x16xf32> to vector<16xf32>
          %add3A_1178 = arith.addf %add3A_1158, %add3A_1165 : vector<16xf32>
          %add3A_1179 = arith.constant 9 : i32
          %add3A_1180 = arith.addi %mul3A_1116, %add3A_1179 : i32
          %get3A_1181 = arith.index_cast %add3A_1180 : i32 to index
          %get3A_1182 = arith.constant 64 : index
          %get3A_1183 = tpu.vector_load %arg8[%get3A_1181, %get3A_1182] {strides = array<i32>} : memref<400x128xf32, #tpu.memory_space<vmem>>, vector<1x16xf32>,
          %get3A_1184 = vector.shape_cast %get3A_1183 : vector<1x16xf32> to vector<16xf32>
          %add3A_1185 = arith.addf %add3A_1178, %add3A_1151 : vector<16xf32>
          %mul3A_1186 = vector.broadcast %scan3A_66 : f32 to vector<16xf32>
          %mul3A_1187 = arith.mulf %add3A_1185, %mul3A_1186 : vector<16xf32>
          %swap3A_1188 = arith.index_cast %add3A_156 : i32 to index
          %swap3A_1189 = arith.constant 48 : index
          %swap3A_1190 = tpu.vector_load %arg10[%swap3A_1188, %swap3A_1189] {strides = array<i32>} : memref<40x128xf32, #tpu.memory_space<vmem>>, vector<1x16xf32>,
          %swap3A_1191 = vector.shape_cast %swap3A_1190 : vector<1x16xf32> to vector<16xf32>
          %swap3A_1192 = vector.shape_cast %mul3A_1187 : vector<16xf32> to vector<1x16xf32>
          tpu.vector_store %arg10[%swap3A_1188, %swap3A_1189], %swap3A_1192 {strides = array<i32>} : memref<40x128xf32, #tpu.memory_space<vmem>>, vector<1x16xf32>,
          %mul3A_1193 = arith.constant 10 : i32
          %mul3A_1194 = arith.muli %add3A_160, %mul3A_1193 : i32
          %add3A_1195 = arith.constant 0 : i32
          %add3A_1196 = arith.addi %mul3A_1194, %add3A_1195 : i32
          %get3A_1197 = arith.index_cast %add3A_1196 : i32 to index
          %get3A_1198 = arith.constant 80 : index
          %get3A_1199 = tpu.vector_load %arg8[%get3A_1197, %get3A_1198] {strides = array<i32>} : memref<400x128xf32, #tpu.memory_space<vmem>>, vector<1x16xf32>,
          %get3A_1200 = vector.shape_cast %get3A_1199 : vector<1x16xf32> to vector<16xf32>
          %add3A_1201 = arith.addf %get3A_1122, %get3A_1129 : vector<16xf32>
          %add3A_1202 = arith.constant 1 : i32
          %add3A_1203 = arith.addi %mul3A_1194, %add3A_1202 : i32
          %get3A_1204 = arith.index_cast %add3A_1203 : i32 to index
          %get3A_1205 = arith.constant 80 : index
          %get3A_1206 = tpu.vector_load %arg8[%get3A_1204, %get3A_1205] {strides = array<i32>} : memref<400x128xf32, #tpu.memory_space<vmem>>, vector<1x16xf32>,
          %get3A_1207 = vector.shape_cast %get3A_1206 : vector<1x16xf32> to vector<16xf32>
          %add3A_1208 = arith.addf %get3A_1136, %get3A_1143 : vector<16xf32>
          %add3A_1209 = arith.constant 2 : i32
          %add3A_1210 = arith.addi %mul3A_1194, %add3A_1209 : i32
          %get3A_1211 = arith.index_cast %add3A_1210 : i32 to index
          %get3A_1212 = arith.constant 80 : index
          %get3A_1213 = tpu.vector_load %arg8[%get3A_1211, %get3A_1212] {strides = array<i32>} : memref<400x128xf32, #tpu.memory_space<vmem>>, vector<1x16xf32>,
          %get3A_1214 = vector.shape_cast %get3A_1213 : vector<1x16xf32> to vector<16xf32>
          %add3A_1215 = arith.addf %get3A_1150, %get3A_1157 : vector<16xf32>
          %add3A_1216 = arith.constant 3 : i32
          %add3A_1217 = arith.addi %mul3A_1194, %add3A_1216 : i32
          %get3A_1218 = arith.index_cast %add3A_1217 : i32 to index
          %get3A_1219 = arith.constant 80 : index
          %get3A_1220 = tpu.vector_load %arg8[%get3A_1218, %get3A_1219] {strides = array<i32>} : memref<400x128xf32, #tpu.memory_space<vmem>>, vector<1x16xf32>,
          %get3A_1221 = vector.shape_cast %get3A_1220 : vector<1x16xf32> to vector<16xf32>
          %add3A_1222 = arith.addf %get3A_1164, %get3A_1171 : vector<16xf32>
          %add3A_1223 = arith.constant 4 : i32
          %add3A_1224 = arith.addi %mul3A_1194, %add3A_1223 : i32
          %get3A_1225 = arith.index_cast %add3A_1224 : i32 to index
          %get3A_1226 = arith.constant 80 : index
          %get3A_1227 = tpu.vector_load %arg8[%get3A_1225, %get3A_1226] {strides = array<i32>} : memref<400x128xf32, #tpu.memory_space<vmem>>, vector<1x16xf32>,
          %get3A_1228 = vector.shape_cast %get3A_1227 : vector<1x16xf32> to vector<16xf32>
          %add3A_1229 = arith.addf %get3A_1177, %get3A_1184 : vector<16xf32>
          %add3A_1230 = arith.constant 5 : i32
          %add3A_1231 = arith.addi %mul3A_1194, %add3A_1230 : i32
          %get3A_1232 = arith.index_cast %add3A_1231 : i32 to index
          %get3A_1233 = arith.constant 80 : index
          %get3A_1234 = tpu.vector_load %arg8[%get3A_1232, %get3A_1233] {strides = array<i32>} : memref<400x128xf32, #tpu.memory_space<vmem>>, vector<1x16xf32>,
          %get3A_1235 = vector.shape_cast %get3A_1234 : vector<1x16xf32> to vector<16xf32>
          %add3A_1236 = arith.addf %add3A_1201, %add3A_1208 : vector<16xf32>
          %add3A_1237 = arith.constant 6 : i32
          %add3A_1238 = arith.addi %mul3A_1194, %add3A_1237 : i32
          %get3A_1239 = arith.index_cast %add3A_1238 : i32 to index
          %get3A_1240 = arith.constant 80 : index
          %get3A_1241 = tpu.vector_load %arg8[%get3A_1239, %get3A_1240] {strides = array<i32>} : memref<400x128xf32, #tpu.memory_space<vmem>>, vector<1x16xf32>,
          %get3A_1242 = vector.shape_cast %get3A_1241 : vector<1x16xf32> to vector<16xf32>
          %add3A_1243 = arith.addf %add3A_1215, %add3A_1222 : vector<16xf32>
          %add3A_1244 = arith.constant 7 : i32
          %add3A_1245 = arith.addi %mul3A_1194, %add3A_1244 : i32
          %get3A_1246 = arith.index_cast %add3A_1245 : i32 to index
          %get3A_1247 = arith.constant 80 : index
          %get3A_1248 = tpu.vector_load %arg8[%get3A_1246, %get3A_1247] {strides = array<i32>} : memref<400x128xf32, #tpu.memory_space<vmem>>, vector<1x16xf32>,
          %get3A_1249 = vector.shape_cast %get3A_1248 : vector<1x16xf32> to vector<16xf32>
          %add3A_1250 = arith.constant 8 : i32
          %add3A_1251 = arith.addi %mul3A_1194, %add3A_1250 : i32
          %get3A_1252 = arith.index_cast %add3A_1251 : i32 to index
          %get3A_1253 = arith.constant 80 : index
          %get3A_1254 = tpu.vector_load %arg8[%get3A_1252, %get3A_1253] {strides = array<i32>} : memref<400x128xf32, #tpu.memory_space<vmem>>, vector<1x16xf32>,
          %get3A_1255 = vector.shape_cast %get3A_1254 : vector<1x16xf32> to vector<16xf32>
          %add3A_1256 = arith.addf %add3A_1236, %add3A_1243 : vector<16xf32>
          %add3A_1257 = arith.constant 9 : i32
          %add3A_1258 = arith.addi %mul3A_1194, %add3A_1257 : i32
          %get3A_1259 = arith.index_cast %add3A_1258 : i32 to index
          %get3A_1260 = arith.constant 80 : index
          %get3A_1261 = tpu.vector_load %arg8[%get3A_1259, %get3A_1260] {strides = array<i32>} : memref<400x128xf32, #tpu.memory_space<vmem>>, vector<1x16xf32>,
          %get3A_1262 = vector.shape_cast %get3A_1261 : vector<1x16xf32> to vector<16xf32>
          %add3A_1263 = arith.addf %add3A_1256, %add3A_1229 : vector<16xf32>
          %mul3A_1264 = vector.broadcast %scan3A_66 : f32 to vector<16xf32>
          %mul3A_1265 = arith.mulf %add3A_1263, %mul3A_1264 : vector<16xf32>
          %swap3A_1266 = arith.index_cast %add3A_158 : i32 to index
          %swap3A_1267 = arith.constant 64 : index
          %swap3A_1268 = tpu.vector_load %arg10[%swap3A_1266, %swap3A_1267] {strides = array<i32>} : memref<40x128xf32, #tpu.memory_space<vmem>>, vector<1x16xf32>,
          %swap3A_1269 = vector.shape_cast %swap3A_1268 : vector<1x16xf32> to vector<16xf32>
          %swap3A_1270 = vector.shape_cast %mul3A_1265 : vector<16xf32> to vector<1x16xf32>
          tpu.vector_store %arg10[%swap3A_1266, %swap3A_1267], %swap3A_1270 {strides = array<i32>} : memref<40x128xf32, #tpu.memory_space<vmem>>, vector<1x16xf32>,
          %mul3A_1271 = arith.constant 10 : i32
          %mul3A_1272 = arith.muli %add3A_162, %mul3A_1271 : i32
          %add3A_1273 = arith.constant 0 : i32
          %add3A_1274 = arith.addi %mul3A_1272, %add3A_1273 : i32
          %get3A_1275 = arith.index_cast %add3A_1274 : i32 to index
          %get3A_1276 = arith.constant 96 : index
          %get3A_1277 = tpu.vector_load %arg8[%get3A_1275, %get3A_1276] {strides = array<i32>} : memref<400x128xf32, #tpu.memory_space<vmem>>, vector<1x16xf32>,
          %get3A_1278 = vector.shape_cast %get3A_1277 : vector<1x16xf32> to vector<16xf32>
          %add3A_1279 = arith.addf %get3A_1200, %get3A_1207 : vector<16xf32>
          %add3A_1280 = arith.constant 1 : i32
          %add3A_1281 = arith.addi %mul3A_1272, %add3A_1280 : i32
          %get3A_1282 = arith.index_cast %add3A_1281 : i32 to index
          %get3A_1283 = arith.constant 96 : index
          %get3A_1284 = tpu.vector_load %arg8[%get3A_1282, %get3A_1283] {strides = array<i32>} : memref<400x128xf32, #tpu.memory_space<vmem>>, vector<1x16xf32>,
          %get3A_1285 = vector.shape_cast %get3A_1284 : vector<1x16xf32> to vector<16xf32>
          %add3A_1286 = arith.addf %get3A_1214, %get3A_1221 : vector<16xf32>
          %add3A_1287 = arith.constant 2 : i32
          %add3A_1288 = arith.addi %mul3A_1272, %add3A_1287 : i32
          %get3A_1289 = arith.index_cast %add3A_1288 : i32 to index
          %get3A_1290 = arith.constant 96 : index
          %get3A_1291 = tpu.vector_load %arg8[%get3A_1289, %get3A_1290] {strides = array<i32>} : memref<400x128xf32, #tpu.memory_space<vmem>>, vector<1x16xf32>,
          %get3A_1292 = vector.shape_cast %get3A_1291 : vector<1x16xf32> to vector<16xf32>
          %add3A_1293 = arith.addf %get3A_1228, %get3A_1235 : vector<16xf32>
          %add3A_1294 = arith.constant 3 : i32
          %add3A_1295 = arith.addi %mul3A_1272, %add3A_1294 : i32
          %get3A_1296 = arith.index_cast %add3A_1295 : i32 to index
          %get3A_1297 = arith.constant 96 : index
          %get3A_1298 = tpu.vector_load %arg8[%get3A_1296, %get3A_1297] {strides = array<i32>} : memref<400x128xf32, #tpu.memory_space<vmem>>, vector<1x16xf32>,
          %get3A_1299 = vector.shape_cast %get3A_1298 : vector<1x16xf32> to vector<16xf32>
          %add3A_1300 = arith.addf %get3A_1242, %get3A_1249 : vector<16xf32>
          %add3A_1301 = arith.constant 4 : i32
          %add3A_1302 = arith.addi %mul3A_1272, %add3A_1301 : i32
          %get3A_1303 = arith.index_cast %add3A_1302 : i32 to index
          %get3A_1304 = arith.constant 96 : index
          %get3A_1305 = tpu.vector_load %arg8[%get3A_1303, %get3A_1304] {strides = array<i32>} : memref<400x128xf32, #tpu.memory_space<vmem>>, vector<1x16xf32>,
          %get3A_1306 = vector.shape_cast %get3A_1305 : vector<1x16xf32> to vector<16xf32>
          %add3A_1307 = arith.addf %get3A_1255, %get3A_1262 : vector<16xf32>
          %add3A_1308 = arith.constant 5 : i32
          %add3A_1309 = arith.addi %mul3A_1272, %add3A_1308 : i32
          %get3A_1310 = arith.index_cast %add3A_1309 : i32 to index
          %get3A_1311 = arith.constant 96 : index
          %get3A_1312 = tpu.vector_load %arg8[%get3A_1310, %get3A_1311] {strides = array<i32>} : memref<400x128xf32, #tpu.memory_space<vmem>>, vector<1x16xf32>,
          %get3A_1313 = vector.shape_cast %get3A_1312 : vector<1x16xf32> to vector<16xf32>
          %add3A_1314 = arith.addf %add3A_1279, %add3A_1286 : vector<16xf32>
          %add3A_1315 = arith.constant 6 : i32
          %add3A_1316 = arith.addi %mul3A_1272, %add3A_1315 : i32
          %get3A_1317 = arith.index_cast %add3A_1316 : i32 to index
          %get3A_1318 = arith.constant 96 : index
          %get3A_1319 = tpu.vector_load %arg8[%get3A_1317, %get3A_1318] {strides = array<i32>} : memref<400x128xf32, #tpu.memory_space<vmem>>, vector<1x16xf32>,
          %get3A_1320 = vector.shape_cast %get3A_1319 : vector<1x16xf32> to vector<16xf32>
          %add3A_1321 = arith.addf %add3A_1293, %add3A_1300 : vector<16xf32>
          %add3A_1322 = arith.constant 7 : i32
          %add3A_1323 = arith.addi %mul3A_1272, %add3A_1322 : i32
          %get3A_1324 = arith.index_cast %add3A_1323 : i32 to index
          %get3A_1325 = arith.constant 96 : index
          %get3A_1326 = tpu.vector_load %arg8[%get3A_1324, %get3A_1325] {strides = array<i32>} : memref<400x128xf32, #tpu.memory_space<vmem>>, vector<1x16xf32>,
          %get3A_1327 = vector.shape_cast %get3A_1326 : vector<1x16xf32> to vector<16xf32>
          %add3A_1328 = arith.constant 8 : i32
          %add3A_1329 = arith.addi %mul3A_1272, %add3A_1328 : i32
          %get3A_1330 = arith.index_cast %add3A_1329 : i32 to index
          %get3A_1331 = arith.constant 96 : index
          %get3A_1332 = tpu.vector_load %arg8[%get3A_1330, %get3A_1331] {strides = array<i32>} : memref<400x128xf32, #tpu.memory_space<vmem>>, vector<1x16xf32>,
          %get3A_1333 = vector.shape_cast %get3A_1332 : vector<1x16xf32> to vector<16xf32>
          %add3A_1334 = arith.addf %add3A_1314, %add3A_1321 : vector<16xf32>
          %add3A_1335 = arith.constant 9 : i32
          %add3A_1336 = arith.addi %mul3A_1272, %add3A_1335 : i32
          %get3A_1337 = arith.index_cast %add3A_1336 : i32 to index
          %get3A_1338 = arith.constant 96 : index
          %get3A_1339 = tpu.vector_load %arg8[%get3A_1337, %get3A_1338] {strides = array<i32>} : memref<400x128xf32, #tpu.memory_space<vmem>>, vector<1x16xf32>,
          %get3A_1340 = vector.shape_cast %get3A_1339 : vector<1x16xf32> to vector<16xf32>
          %add3A_1341 = arith.addf %add3A_1334, %add3A_1307 : vector<16xf32>
          %mul3A_1342 = vector.broadcast %scan3A_66 : f32 to vector<16xf32>
          %mul3A_1343 = arith.mulf %add3A_1341, %mul3A_1342 : vector<16xf32>
          %swap3A_1344 = arith.index_cast %add3A_160 : i32 to index
          %swap3A_1345 = arith.constant 80 : index
          %swap3A_1346 = tpu.vector_load %arg10[%swap3A_1344, %swap3A_1345] {strides = array<i32>} : memref<40x128xf32, #tpu.memory_space<vmem>>, vector<1x16xf32>,
          %swap3A_1347 = vector.shape_cast %swap3A_1346 : vector<1x16xf32> to vector<16xf32>
          %swap3A_1348 = vector.shape_cast %mul3A_1343 : vector<16xf32> to vector<1x16xf32>
          tpu.vector_store %arg10[%swap3A_1344, %swap3A_1345], %swap3A_1348 {strides = array<i32>} : memref<40x128xf32, #tpu.memory_space<vmem>>, vector<1x16xf32>,
          %mul3A_1349 = arith.constant 10 : i32
          %mul3A_1350 = arith.muli %add3A_164, %mul3A_1349 : i32
          %add3A_1351 = arith.constant 0 : i32
          %add3A_1352 = arith.addi %mul3A_1350, %add3A_1351 : i32
          %get3A_1353 = arith.index_cast %add3A_1352 : i32 to index
          %get3A_1354 = arith.constant 112 : index
          %get3A_1355 = tpu.vector_load %arg8[%get3A_1353, %get3A_1354] {strides = array<i32>} : memref<400x128xf32, #tpu.memory_space<vmem>>, vector<1x16xf32>,
          %get3A_1356 = vector.shape_cast %get3A_1355 : vector<1x16xf32> to vector<16xf32>
          %add3A_1357 = arith.addf %get3A_1278, %get3A_1285 : vector<16xf32>
          %add3A_1358 = arith.constant 1 : i32
          %add3A_1359 = arith.addi %mul3A_1350, %add3A_1358 : i32
          %get3A_1360 = arith.index_cast %add3A_1359 : i32 to index
          %get3A_1361 = arith.constant 112 : index
          %get3A_1362 = tpu.vector_load %arg8[%get3A_1360, %get3A_1361] {strides = array<i32>} : memref<400x128xf32, #tpu.memory_space<vmem>>, vector<1x16xf32>,
          %get3A_1363 = vector.shape_cast %get3A_1362 : vector<1x16xf32> to vector<16xf32>
          %add3A_1364 = arith.addf %get3A_1292, %get3A_1299 : vector<16xf32>
          %add3A_1365 = arith.constant 2 : i32
          %add3A_1366 = arith.addi %mul3A_1350, %add3A_1365 : i32
          %get3A_1367 = arith.index_cast %add3A_1366 : i32 to index
          %get3A_1368 = arith.constant 112 : index
          %get3A_1369 = tpu.vector_load %arg8[%get3A_1367, %get3A_1368] {strides = array<i32>} : memref<400x128xf32, #tpu.memory_space<vmem>>, vector<1x16xf32>,
          %get3A_1370 = vector.shape_cast %get3A_1369 : vector<1x16xf32> to vector<16xf32>
          %add3A_1371 = arith.addf %get3A_1306, %get3A_1313 : vector<16xf32>
          %add3A_1372 = arith.constant 3 : i32
          %add3A_1373 = arith.addi %mul3A_1350, %add3A_1372 : i32
          %get3A_1374 = arith.index_cast %add3A_1373 : i32 to index
          %get3A_1375 = arith.constant 112 : index
          %get3A_1376 = tpu.vector_load %arg8[%get3A_1374, %get3A_1375] {strides = array<i32>} : memref<400x128xf32, #tpu.memory_space<vmem>>, vector<1x16xf32>,
          %get3A_1377 = vector.shape_cast %get3A_1376 : vector<1x16xf32> to vector<16xf32>
          %add3A_1378 = arith.addf %get3A_1320, %get3A_1327 : vector<16xf32>
          %add3A_1379 = arith.constant 4 : i32
          %add3A_1380 = arith.addi %mul3A_1350, %add3A_1379 : i32
          %get3A_1381 = arith.index_cast %add3A_1380 : i32 to index
          %get3A_1382 = arith.constant 112 : index
          %get3A_1383 = tpu.vector_load %arg8[%get3A_1381, %get3A_1382] {strides = array<i32>} : memref<400x128xf32, #tpu.memory_space<vmem>>, vector<1x16xf32>,
          %get3A_1384 = vector.shape_cast %get3A_1383 : vector<1x16xf32> to vector<16xf32>
          %add3A_1385 = arith.addf %get3A_1333, %get3A_1340 : vector<16xf32>
          %add3A_1386 = arith.constant 5 : i32
          %add3A_1387 = arith.addi %mul3A_1350, %add3A_1386 : i32
          %get3A_1388 = arith.index_cast %add3A_1387 : i32 to index
          %get3A_1389 = arith.constant 112 : index
          %get3A_1390 = tpu.vector_load %arg8[%get3A_1388, %get3A_1389] {strides = array<i32>} : memref<400x128xf32, #tpu.memory_space<vmem>>, vector<1x16xf32>,
          %get3A_1391 = vector.shape_cast %get3A_1390 : vector<1x16xf32> to vector<16xf32>
          %add3A_1392 = arith.addf %add3A_1357, %add3A_1364 : vector<16xf32>
          %add3A_1393 = arith.constant 6 : i32
          %add3A_1394 = arith.addi %mul3A_1350, %add3A_1393 : i32
          %get3A_1395 = arith.index_cast %add3A_1394 : i32 to index
          %get3A_1396 = arith.constant 112 : index
          %get3A_1397 = tpu.vector_load %arg8[%get3A_1395, %get3A_1396] {strides = array<i32>} : memref<400x128xf32, #tpu.memory_space<vmem>>, vector<1x16xf32>,
          %get3A_1398 = vector.shape_cast %get3A_1397 : vector<1x16xf32> to vector<16xf32>
          %add3A_1399 = arith.addf %add3A_1371, %add3A_1378 : vector<16xf32>
          %add3A_1400 = arith.constant 7 : i32
          %add3A_1401 = arith.addi %mul3A_1350, %add3A_1400 : i32
          %get3A_1402 = arith.index_cast %add3A_1401 : i32 to index
          %get3A_1403 = arith.constant 112 : index
          %get3A_1404 = tpu.vector_load %arg8[%get3A_1402, %get3A_1403] {strides = array<i32>} : memref<400x128xf32, #tpu.memory_space<vmem>>, vector<1x16xf32>,
          %get3A_1405 = vector.shape_cast %get3A_1404 : vector<1x16xf32> to vector<16xf32>
          %add3A_1406 = arith.constant 8 : i32
          %add3A_1407 = arith.addi %mul3A_1350, %add3A_1406 : i32
          %get3A_1408 = arith.index_cast %add3A_1407 : i32 to index
          %get3A_1409 = arith.constant 112 : index
          %get3A_1410 = tpu.vector_load %arg8[%get3A_1408, %get3A_1409] {strides = array<i32>} : memref<400x128xf32, #tpu.memory_space<vmem>>, vector<1x16xf32>,
          %get3A_1411 = vector.shape_cast %get3A_1410 : vector<1x16xf32> to vector<16xf32>
          %add3A_1412 = arith.addf %add3A_1392, %add3A_1399 : vector<16xf32>
          %add3A_1413 = arith.constant 9 : i32
          %add3A_1414 = arith.addi %mul3A_1350, %add3A_1413 : i32
          %get3A_1415 = arith.index_cast %add3A_1414 : i32 to index
          %get3A_1416 = arith.constant 112 : index
          %get3A_1417 = tpu.vector_load %arg8[%get3A_1415, %get3A_1416] {strides = array<i32>} : memref<400x128xf32, #tpu.memory_space<vmem>>, vector<1x16xf32>,
          %get3A_1418 = vector.shape_cast %get3A_1417 : vector<1x16xf32> to vector<16xf32>
          %add3A_1419 = arith.addf %add3A_1412, %add3A_1385 : vector<16xf32>
          %mul3A_1420 = vector.broadcast %scan3A_66 : f32 to vector<16xf32>
          %mul3A_1421 = arith.mulf %add3A_1419, %mul3A_1420 : vector<16xf32>
          %swap3A_1422 = arith.index_cast %add3A_162 : i32 to index
          %swap3A_1423 = arith.constant 96 : index
          %swap3A_1424 = tpu.vector_load %arg10[%swap3A_1422, %swap3A_1423] {strides = array<i32>} : memref<40x128xf32, #tpu.memory_space<vmem>>, vector<1x16xf32>,
          %swap3A_1425 = vector.shape_cast %swap3A_1424 : vector<1x16xf32> to vector<16xf32>
          %swap3A_1426 = vector.shape_cast %mul3A_1421 : vector<16xf32> to vector<1x16xf32>
          tpu.vector_store %arg10[%swap3A_1422, %swap3A_1423], %swap3A_1426 {strides = array<i32>} : memref<40x128xf32, #tpu.memory_space<vmem>>, vector<1x16xf32>,
          %mul3A_1427 = arith.constant 10 : i32
          %mul3A_1428 = arith.muli %add3A_166, %mul3A_1427 : i32
          %add3A_1429 = arith.constant 0 : i32
          %add3A_1430 = arith.addi %mul3A_1428, %add3A_1429 : i32
          %get3A_1431 = arith.index_cast %add3A_1430 : i32 to index
          %get3A_1432 = arith.constant 0 : index
          %get3A_1433 = tpu.vector_load %arg8[%get3A_1431, %get3A_1432] {strides = array<i32>} : memref<400x128xf32, #tpu.memory_space<vmem>>, vector<1x16xf32>,
          %get3A_1434 = vector.shape_cast %get3A_1433 : vector<1x16xf32> to vector<16xf32>
          %add3A_1435 = arith.addf %get3A_1356, %get3A_1363 : vector<16xf32>
          %add3A_1436 = arith.constant 1 : i32
          %add3A_1437 = arith.addi %mul3A_1428, %add3A_1436 : i32
          %get3A_1438 = arith.index_cast %add3A_1437 : i32 to index
          %get3A_1439 = arith.constant 0 : index
          %get3A_1440 = tpu.vector_load %arg8[%get3A_1438, %get3A_1439] {strides = array<i32>} : memref<400x128xf32, #tpu.memory_space<vmem>>, vector<1x16xf32>,
          %get3A_1441 = vector.shape_cast %get3A_1440 : vector<1x16xf32> to vector<16xf32>
          %add3A_1442 = arith.addf %get3A_1370, %get3A_1377 : vector<16xf32>
          %add3A_1443 = arith.constant 2 : i32
          %add3A_1444 = arith.addi %mul3A_1428, %add3A_1443 : i32
          %get3A_1445 = arith.index_cast %add3A_1444 : i32 to index
          %get3A_1446 = arith.constant 0 : index
          %get3A_1447 = tpu.vector_load %arg8[%get3A_1445, %get3A_1446] {strides = array<i32>} : memref<400x128xf32, #tpu.memory_space<vmem>>, vector<1x16xf32>,
          %get3A_1448 = vector.shape_cast %get3A_1447 : vector<1x16xf32> to vector<16xf32>
          %add3A_1449 = arith.addf %get3A_1384, %get3A_1391 : vector<16xf32>
          %add3A_1450 = arith.constant 3 : i32
          %add3A_1451 = arith.addi %mul3A_1428, %add3A_1450 : i32
          %get3A_1452 = arith.index_cast %add3A_1451 : i32 to index
          %get3A_1453 = arith.constant 0 : index
          %get3A_1454 = tpu.vector_load %arg8[%get3A_1452, %get3A_1453] {strides = array<i32>} : memref<400x128xf32, #tpu.memory_space<vmem>>, vector<1x16xf32>,
          %get3A_1455 = vector.shape_cast %get3A_1454 : vector<1x16xf32> to vector<16xf32>
          %add3A_1456 = arith.addf %get3A_1398, %get3A_1405 : vector<16xf32>
          %add3A_1457 = arith.constant 4 : i32
          %add3A_1458 = arith.addi %mul3A_1428, %add3A_1457 : i32
          %get3A_1459 = arith.index_cast %add3A_1458 : i32 to index
          %get3A_1460 = arith.constant 0 : index
          %get3A_1461 = tpu.vector_load %arg8[%get3A_1459, %get3A_1460] {strides = array<i32>} : memref<400x128xf32, #tpu.memory_space<vmem>>, vector<1x16xf32>,
          %get3A_1462 = vector.shape_cast %get3A_1461 : vector<1x16xf32> to vector<16xf32>
          %add3A_1463 = arith.addf %get3A_1411, %get3A_1418 : vector<16xf32>
          %add3A_1464 = arith.constant 5 : i32
          %add3A_1465 = arith.addi %mul3A_1428, %add3A_1464 : i32
          %get3A_1466 = arith.index_cast %add3A_1465 : i32 to index
          %get3A_1467 = arith.constant 0 : index
          %get3A_1468 = tpu.vector_load %arg8[%get3A_1466, %get3A_1467] {strides = array<i32>} : memref<400x128xf32, #tpu.memory_space<vmem>>, vector<1x16xf32>,
          %get3A_1469 = vector.shape_cast %get3A_1468 : vector<1x16xf32> to vector<16xf32>
          %add3A_1470 = arith.addf %add3A_1435, %add3A_1442 : vector<16xf32>
          %add3A_1471 = arith.constant 6 : i32
          %add3A_1472 = arith.addi %mul3A_1428, %add3A_1471 : i32
          %get3A_1473 = arith.index_cast %add3A_1472 : i32 to index
          %get3A_1474 = arith.constant 0 : index
          %get3A_1475 = tpu.vector_load %arg8[%get3A_1473, %get3A_1474] {strides = array<i32>} : memref<400x128xf32, #tpu.memory_space<vmem>>, vector<1x16xf32>,
          %get3A_1476 = vector.shape_cast %get3A_1475 : vector<1x16xf32> to vector<16xf32>
          %add3A_1477 = arith.addf %add3A_1449, %add3A_1456 : vector<16xf32>
          %add3A_1478 = arith.constant 7 : i32
          %add3A_1479 = arith.addi %mul3A_1428, %add3A_1478 : i32
          %get3A_1480 = arith.index_cast %add3A_1479 : i32 to index
          %get3A_1481 = arith.constant 0 : index
          %get3A_1482 = tpu.vector_load %arg8[%get3A_1480, %get3A_1481] {strides = array<i32>} : memref<400x128xf32, #tpu.memory_space<vmem>>, vector<1x16xf32>,
          %get3A_1483 = vector.shape_cast %get3A_1482 : vector<1x16xf32> to vector<16xf32>
          %add3A_1484 = arith.constant 8 : i32
          %add3A_1485 = arith.addi %mul3A_1428, %add3A_1484 : i32
          %get3A_1486 = arith.index_cast %add3A_1485 : i32 to index
          %get3A_1487 = arith.constant 0 : index
          %get3A_1488 = tpu.vector_load %arg8[%get3A_1486, %get3A_1487] {strides = array<i32>} : memref<400x128xf32, #tpu.memory_space<vmem>>, vector<1x16xf32>,
          %get3A_1489 = vector.shape_cast %get3A_1488 : vector<1x16xf32> to vector<16xf32>
          %add3A_1490 = arith.addf %add3A_1470, %add3A_1477 : vector<16xf32>
          %add3A_1491 = arith.constant 9 : i32
          %add3A_1492 = arith.addi %mul3A_1428, %add3A_1491 : i32
          %get3A_1493 = arith.index_cast %add3A_1492 : i32 to index
          %get3A_1494 = arith.constant 0 : index
          %get3A_1495 = tpu.vector_load %arg8[%get3A_1493, %get3A_1494] {strides = array<i32>} : memref<400x128xf32, #tpu.memory_space<vmem>>, vector<1x16xf32>,
          %get3A_1496 = vector.shape_cast %get3A_1495 : vector<1x16xf32> to vector<16xf32>
          %add3A_1497 = arith.addf %add3A_1490, %add3A_1463 : vector<16xf32>
          %mul3A_1498 = vector.broadcast %scan3A_66 : f32 to vector<16xf32>
          %mul3A_1499 = arith.mulf %add3A_1497, %mul3A_1498 : vector<16xf32>
          %swap3A_1500 = arith.index_cast %add3A_164 : i32 to index
          %swap3A_1501 = arith.constant 112 : index
          %swap3A_1502 = tpu.vector_load %arg10[%swap3A_1500, %swap3A_1501] {strides = array<i32>} : memref<40x128xf32, #tpu.memory_space<vmem>>, vector<1x16xf32>,
          %swap3A_1503 = vector.shape_cast %swap3A_1502 : vector<1x16xf32> to vector<16xf32>
          %swap3A_1504 = vector.shape_cast %mul3A_1499 : vector<16xf32> to vector<1x16xf32>
          tpu.vector_store %arg10[%swap3A_1500, %swap3A_1501], %swap3A_1504 {strides = array<i32>} : memref<40x128xf32, #tpu.memory_space<vmem>>, vector<1x16xf32>,
          %mul3A_1505 = arith.constant 10 : i32
          %mul3A_1506 = arith.muli %add3A_168, %mul3A_1505 : i32
          %add3A_1507 = arith.constant 0 : i32
          %add3A_1508 = arith.addi %mul3A_1506, %add3A_1507 : i32
          %get3A_1509 = arith.index_cast %add3A_1508 : i32 to index
          %get3A_1510 = arith.constant 16 : index
          %get3A_1511 = tpu.vector_load %arg8[%get3A_1509, %get3A_1510] {strides = array<i32>} : memref<400x128xf32, #tpu.memory_space<vmem>>, vector<1x16xf32>,
          %get3A_1512 = vector.shape_cast %get3A_1511 : vector<1x16xf32> to vector<16xf32>
          %add3A_1513 = arith.addf %get3A_1434, %get3A_1441 : vector<16xf32>
          %add3A_1514 = arith.constant 1 : i32
          %add3A_1515 = arith.addi %mul3A_1506, %add3A_1514 : i32
          %get3A_1516 = arith.index_cast %add3A_1515 : i32 to index
          %get3A_1517 = arith.constant 16 : index
          %get3A_1518 = tpu.vector_load %arg8[%get3A_1516, %get3A_1517] {strides = array<i32>} : memref<400x128xf32, #tpu.memory_space<vmem>>, vector<1x16xf32>,
          %get3A_1519 = vector.shape_cast %get3A_1518 : vector<1x16xf32> to vector<16xf32>
          %add3A_1520 = arith.addf %get3A_1448, %get3A_1455 : vector<16xf32>
          %add3A_1521 = arith.constant 2 : i32
          %add3A_1522 = arith.addi %mul3A_1506, %add3A_1521 : i32
          %get3A_1523 = arith.index_cast %add3A_1522 : i32 to index
          %get3A_1524 = arith.constant 16 : index
          %get3A_1525 = tpu.vector_load %arg8[%get3A_1523, %get3A_1524] {strides = array<i32>} : memref<400x128xf32, #tpu.memory_space<vmem>>, vector<1x16xf32>,
          %get3A_1526 = vector.shape_cast %get3A_1525 : vector<1x16xf32> to vector<16xf32>
          %add3A_1527 = arith.addf %get3A_1462, %get3A_1469 : vector<16xf32>
          %add3A_1528 = arith.constant 3 : i32
          %add3A_1529 = arith.addi %mul3A_1506, %add3A_1528 : i32
          %get3A_1530 = arith.index_cast %add3A_1529 : i32 to index
          %get3A_1531 = arith.constant 16 : index
          %get3A_1532 = tpu.vector_load %arg8[%get3A_1530, %get3A_1531] {strides = array<i32>} : memref<400x128xf32, #tpu.memory_space<vmem>>, vector<1x16xf32>,
          %get3A_1533 = vector.shape_cast %get3A_1532 : vector<1x16xf32> to vector<16xf32>
          %add3A_1534 = arith.addf %get3A_1476, %get3A_1483 : vector<16xf32>
          %add3A_1535 = arith.constant 4 : i32
          %add3A_1536 = arith.addi %mul3A_1506, %add3A_1535 : i32
          %get3A_1537 = arith.index_cast %add3A_1536 : i32 to index
          %get3A_1538 = arith.constant 16 : index
          %get3A_1539 = tpu.vector_load %arg8[%get3A_1537, %get3A_1538] {strides = array<i32>} : memref<400x128xf32, #tpu.memory_space<vmem>>, vector<1x16xf32>,
          %get3A_1540 = vector.shape_cast %get3A_1539 : vector<1x16xf32> to vector<16xf32>
          %add3A_1541 = arith.addf %get3A_1489, %get3A_1496 : vector<16xf32>
          %add3A_1542 = arith.constant 5 : i32
          %add3A_1543 = arith.addi %mul3A_1506, %add3A_1542 : i32
          %get3A_1544 = arith.index_cast %add3A_1543 : i32 to index
          %get3A_1545 = arith.constant 16 : index
          %get3A_1546 = tpu.vector_load %arg8[%get3A_1544, %get3A_1545] {strides = array<i32>} : memref<400x128xf32, #tpu.memory_space<vmem>>, vector<1x16xf32>,
          %get3A_1547 = vector.shape_cast %get3A_1546 : vector<1x16xf32> to vector<16xf32>
          %add3A_1548 = arith.addf %add3A_1513, %add3A_1520 : vector<16xf32>
          %add3A_1549 = arith.constant 6 : i32
          %add3A_1550 = arith.addi %mul3A_1506, %add3A_1549 : i32
          %get3A_1551 = arith.index_cast %add3A_1550 : i32 to index
          %get3A_1552 = arith.constant 16 : index
          %get3A_1553 = tpu.vector_load %arg8[%get3A_1551, %get3A_1552] {strides = array<i32>} : memref<400x128xf32, #tpu.memory_space<vmem>>, vector<1x16xf32>,
          %get3A_1554 = vector.shape_cast %get3A_1553 : vector<1x16xf32> to vector<16xf32>
          %add3A_1555 = arith.addf %add3A_1527, %add3A_1534 : vector<16xf32>
          %add3A_1556 = arith.constant 7 : i32
          %add3A_1557 = arith.addi %mul3A_1506, %add3A_1556 : i32
          %get3A_1558 = arith.index_cast %add3A_1557 : i32 to index
          %get3A_1559 = arith.constant 16 : index
          %get3A_1560 = tpu.vector_load %arg8[%get3A_1558, %get3A_1559] {strides = array<i32>} : memref<400x128xf32, #tpu.memory_space<vmem>>, vector<1x16xf32>,
          %get3A_1561 = vector.shape_cast %get3A_1560 : vector<1x16xf32> to vector<16xf32>
          %add3A_1562 = arith.constant 8 : i32
          %add3A_1563 = arith.addi %mul3A_1506, %add3A_1562 : i32
          %get3A_1564 = arith.index_cast %add3A_1563 : i32 to index
          %get3A_1565 = arith.constant 16 : index
          %get3A_1566 = tpu.vector_load %arg8[%get3A_1564, %get3A_1565] {strides = array<i32>} : memref<400x128xf32, #tpu.memory_space<vmem>>, vector<1x16xf32>,
          %get3A_1567 = vector.shape_cast %get3A_1566 : vector<1x16xf32> to vector<16xf32>
          %add3A_1568 = arith.addf %add3A_1548, %add3A_1555 : vector<16xf32>
          %add3A_1569 = arith.constant 9 : i32
          %add3A_1570 = arith.addi %mul3A_1506, %add3A_1569 : i32
          %get3A_1571 = arith.index_cast %add3A_1570 : i32 to index
          %get3A_1572 = arith.constant 16 : index
          %get3A_1573 = tpu.vector_load %arg8[%get3A_1571, %get3A_1572] {strides = array<i32>} : memref<400x128xf32, #tpu.memory_space<vmem>>, vector<1x16xf32>,
          %get3A_1574 = vector.shape_cast %get3A_1573 : vector<1x16xf32> to vector<16xf32>
          %add3A_1575 = arith.addf %add3A_1568, %add3A_1541 : vector<16xf32>
          %mul3A_1576 = vector.broadcast %scan3A_66 : f32 to vector<16xf32>
          %mul3A_1577 = arith.mulf %add3A_1575, %mul3A_1576 : vector<16xf32>
          %swap3A_1578 = arith.index_cast %add3A_166 : i32 to index
          %swap3A_1579 = arith.constant 0 : index
          %swap3A_1580 = tpu.vector_load %arg10[%swap3A_1578, %swap3A_1579] {strides = array<i32>} : memref<40x128xf32, #tpu.memory_space<vmem>>, vector<1x16xf32>,
          %swap3A_1581 = vector.shape_cast %swap3A_1580 : vector<1x16xf32> to vector<16xf32>
          %swap3A_1582 = vector.shape_cast %mul3A_1577 : vector<16xf32> to vector<1x16xf32>
          tpu.vector_store %arg10[%swap3A_1578, %swap3A_1579], %swap3A_1582 {strides = array<i32>} : memref<40x128xf32, #tpu.memory_space<vmem>>, vector<1x16xf32>,
          %mul3A_1583 = arith.constant 10 : i32
          %mul3A_1584 = arith.muli %add3A_170, %mul3A_1583 : i32
          %add3A_1585 = arith.constant 0 : i32
          %add3A_1586 = arith.addi %mul3A_1584, %add3A_1585 : i32
          %get3A_1587 = arith.index_cast %add3A_1586 : i32 to index
          %get3A_1588 = arith.constant 32 : index
          %get3A_1589 = tpu.vector_load %arg8[%get3A_1587, %get3A_1588] {strides = array<i32>} : memref<400x128xf32, #tpu.memory_space<vmem>>, vector<1x16xf32>,
          %get3A_1590 = vector.shape_cast %get3A_1589 : vector<1x16xf32> to vector<16xf32>
          %add3A_1591 = arith.addf %get3A_1512, %get3A_1519 : vector<16xf32>
          %add3A_1592 = arith.constant 1 : i32
          %add3A_1593 = arith.addi %mul3A_1584, %add3A_1592 : i32
          %get3A_1594 = arith.index_cast %add3A_1593 : i32 to index
          %get3A_1595 = arith.constant 32 : index
          %get3A_1596 = tpu.vector_load %arg8[%get3A_1594, %get3A_1595] {strides = array<i32>} : memref<400x128xf32, #tpu.memory_space<vmem>>, vector<1x16xf32>,
          %get3A_1597 = vector.shape_cast %get3A_1596 : vector<1x16xf32> to vector<16xf32>
          %add3A_1598 = arith.addf %get3A_1526, %get3A_1533 : vector<16xf32>
          %add3A_1599 = arith.constant 2 : i32
          %add3A_1600 = arith.addi %mul3A_1584, %add3A_1599 : i32
          %get3A_1601 = arith.index_cast %add3A_1600 : i32 to index
          %get3A_1602 = arith.constant 32 : index
          %get3A_1603 = tpu.vector_load %arg8[%get3A_1601, %get3A_1602] {strides = array<i32>} : memref<400x128xf32, #tpu.memory_space<vmem>>, vector<1x16xf32>,
          %get3A_1604 = vector.shape_cast %get3A_1603 : vector<1x16xf32> to vector<16xf32>
          %add3A_1605 = arith.addf %get3A_1540, %get3A_1547 : vector<16xf32>
          %add3A_1606 = arith.constant 3 : i32
          %add3A_1607 = arith.addi %mul3A_1584, %add3A_1606 : i32
          %get3A_1608 = arith.index_cast %add3A_1607 : i32 to index
          %get3A_1609 = arith.constant 32 : index
          %get3A_1610 = tpu.vector_load %arg8[%get3A_1608, %get3A_1609] {strides = array<i32>} : memref<400x128xf32, #tpu.memory_space<vmem>>, vector<1x16xf32>,
          %get3A_1611 = vector.shape_cast %get3A_1610 : vector<1x16xf32> to vector<16xf32>
          %add3A_1612 = arith.addf %get3A_1554, %get3A_1561 : vector<16xf32>
          %add3A_1613 = arith.constant 4 : i32
          %add3A_1614 = arith.addi %mul3A_1584, %add3A_1613 : i32
          %get3A_1615 = arith.index_cast %add3A_1614 : i32 to index
          %get3A_1616 = arith.constant 32 : index
          %get3A_1617 = tpu.vector_load %arg8[%get3A_1615, %get3A_1616] {strides = array<i32>} : memref<400x128xf32, #tpu.memory_space<vmem>>, vector<1x16xf32>,
          %get3A_1618 = vector.shape_cast %get3A_1617 : vector<1x16xf32> to vector<16xf32>
          %add3A_1619 = arith.addf %get3A_1567, %get3A_1574 : vector<16xf32>
          %add3A_1620 = arith.constant 5 : i32
          %add3A_1621 = arith.addi %mul3A_1584, %add3A_1620 : i32
          %get3A_1622 = arith.index_cast %add3A_1621 : i32 to index
          %get3A_1623 = arith.constant 32 : index
          %get3A_1624 = tpu.vector_load %arg8[%get3A_1622, %get3A_1623] {strides = array<i32>} : memref<400x128xf32, #tpu.memory_space<vmem>>, vector<1x16xf32>,
          %get3A_1625 = vector.shape_cast %get3A_1624 : vector<1x16xf32> to vector<16xf32>
          %add3A_1626 = arith.addf %add3A_1591, %add3A_1598 : vector<16xf32>
          %add3A_1627 = arith.constant 6 : i32
          %add3A_1628 = arith.addi %mul3A_1584, %add3A_1627 : i32
          %get3A_1629 = arith.index_cast %add3A_1628 : i32 to index
          %get3A_1630 = arith.constant 32 : index
          %get3A_1631 = tpu.vector_load %arg8[%get3A_1629, %get3A_1630] {strides = array<i32>} : memref<400x128xf32, #tpu.memory_space<vmem>>, vector<1x16xf32>,
          %get3A_1632 = vector.shape_cast %get3A_1631 : vector<1x16xf32> to vector<16xf32>
          %add3A_1633 = arith.addf %add3A_1605, %add3A_1612 : vector<16xf32>
          %add3A_1634 = arith.constant 7 : i32
          %add3A_1635 = arith.addi %mul3A_1584, %add3A_1634 : i32
          %get3A_1636 = arith.index_cast %add3A_1635 : i32 to index
          %get3A_1637 = arith.constant 32 : index
          %get3A_1638 = tpu.vector_load %arg8[%get3A_1636, %get3A_1637] {strides = array<i32>} : memref<400x128xf32, #tpu.memory_space<vmem>>, vector<1x16xf32>,
          %get3A_1639 = vector.shape_cast %get3A_1638 : vector<1x16xf32> to vector<16xf32>
          %add3A_1640 = arith.constant 8 : i32
          %add3A_1641 = arith.addi %mul3A_1584, %add3A_1640 : i32
          %get3A_1642 = arith.index_cast %add3A_1641 : i32 to index
          %get3A_1643 = arith.constant 32 : index
          %get3A_1644 = tpu.vector_load %arg8[%get3A_1642, %get3A_1643] {strides = array<i32>} : memref<400x128xf32, #tpu.memory_space<vmem>>, vector<1x16xf32>,
          %get3A_1645 = vector.shape_cast %get3A_1644 : vector<1x16xf32> to vector<16xf32>
          %add3A_1646 = arith.addf %add3A_1626, %add3A_1633 : vector<16xf32>
          %add3A_1647 = arith.constant 9 : i32
          %add3A_1648 = arith.addi %mul3A_1584, %add3A_1647 : i32
          %get3A_1649 = arith.index_cast %add3A_1648 : i32 to index
          %get3A_1650 = arith.constant 32 : index
          %get3A_1651 = tpu.vector_load %arg8[%get3A_1649, %get3A_1650] {strides = array<i32>} : memref<400x128xf32, #tpu.memory_space<vmem>>, vector<1x16xf32>,
          %get3A_1652 = vector.shape_cast %get3A_1651 : vector<1x16xf32> to vector<16xf32>
          %add3A_1653 = arith.addf %add3A_1646, %add3A_1619 : vector<16xf32>
          %mul3A_1654 = vector.broadcast %scan3A_66 : f32 to vector<16xf32>
          %mul3A_1655 = arith.mulf %add3A_1653, %mul3A_1654 : vector<16xf32>
          %swap3A_1656 = arith.index_cast %add3A_168 : i32 to index
          %swap3A_1657 = arith.constant 16 : index
          %swap3A_1658 = tpu.vector_load %arg10[%swap3A_1656, %swap3A_1657] {strides = array<i32>} : memref<40x128xf32, #tpu.memory_space<vmem>>, vector<1x16xf32>,
          %swap3A_1659 = vector.shape_cast %swap3A_1658 : vector<1x16xf32> to vector<16xf32>
          %swap3A_1660 = vector.shape_cast %mul3A_1655 : vector<16xf32> to vector<1x16xf32>
          tpu.vector_store %arg10[%swap3A_1656, %swap3A_1657], %swap3A_1660 {strides = array<i32>} : memref<40x128xf32, #tpu.memory_space<vmem>>, vector<1x16xf32>,
          %mul3A_1661 = arith.constant 10 : i32
          %mul3A_1662 = arith.muli %add3A_172, %mul3A_1661 : i32
          %add3A_1663 = arith.constant 0 : i32
          %add3A_1664 = arith.addi %mul3A_1662, %add3A_1663 : i32
          %get3A_1665 = arith.index_cast %add3A_1664 : i32 to index
          %get3A_1666 = arith.constant 48 : index
          %get3A_1667 = tpu.vector_load %arg8[%get3A_1665, %get3A_1666] {strides = array<i32>} : memref<400x128xf32, #tpu.memory_space<vmem>>, vector<1x16xf32>,
          %get3A_1668 = vector.shape_cast %get3A_1667 : vector<1x16xf32> to vector<16xf32>
          %add3A_1669 = arith.addf %get3A_1590, %get3A_1597 : vector<16xf32>
          %add3A_1670 = arith.constant 1 : i32
          %add3A_1671 = arith.addi %mul3A_1662, %add3A_1670 : i32
          %get3A_1672 = arith.index_cast %add3A_1671 : i32 to index
          %get3A_1673 = arith.constant 48 : index
          %get3A_1674 = tpu.vector_load %arg8[%get3A_1672, %get3A_1673] {strides = array<i32>} : memref<400x128xf32, #tpu.memory_space<vmem>>, vector<1x16xf32>,
          %get3A_1675 = vector.shape_cast %get3A_1674 : vector<1x16xf32> to vector<16xf32>
          %add3A_1676 = arith.addf %get3A_1604, %get3A_1611 : vector<16xf32>
          %add3A_1677 = arith.constant 2 : i32
          %add3A_1678 = arith.addi %mul3A_1662, %add3A_1677 : i32
          %get3A_1679 = arith.index_cast %add3A_1678 : i32 to index
          %get3A_1680 = arith.constant 48 : index
          %get3A_1681 = tpu.vector_load %arg8[%get3A_1679, %get3A_1680] {strides = array<i32>} : memref<400x128xf32, #tpu.memory_space<vmem>>, vector<1x16xf32>,
          %get3A_1682 = vector.shape_cast %get3A_1681 : vector<1x16xf32> to vector<16xf32>
          %add3A_1683 = arith.addf %get3A_1618, %get3A_1625 : vector<16xf32>
          %add3A_1684 = arith.constant 3 : i32
          %add3A_1685 = arith.addi %mul3A_1662, %add3A_1684 : i32
          %get3A_1686 = arith.index_cast %add3A_1685 : i32 to index
          %get3A_1687 = arith.constant 48 : index
          %get3A_1688 = tpu.vector_load %arg8[%get3A_1686, %get3A_1687] {strides = array<i32>} : memref<400x128xf32, #tpu.memory_space<vmem>>, vector<1x16xf32>,
          %get3A_1689 = vector.shape_cast %get3A_1688 : vector<1x16xf32> to vector<16xf32>
          %add3A_1690 = arith.addf %get3A_1632, %get3A_1639 : vector<16xf32>
          %add3A_1691 = arith.constant 4 : i32
          %add3A_1692 = arith.addi %mul3A_1662, %add3A_1691 : i32
          %get3A_1693 = arith.index_cast %add3A_1692 : i32 to index
          %get3A_1694 = arith.constant 48 : index
          %get3A_1695 = tpu.vector_load %arg8[%get3A_1693, %get3A_1694] {strides = array<i32>} : memref<400x128xf32, #tpu.memory_space<vmem>>, vector<1x16xf32>,
          %get3A_1696 = vector.shape_cast %get3A_1695 : vector<1x16xf32> to vector<16xf32>
          %add3A_1697 = arith.addf %get3A_1645, %get3A_1652 : vector<16xf32>
          %add3A_1698 = arith.constant 5 : i32
          %add3A_1699 = arith.addi %mul3A_1662, %add3A_1698 : i32
          %get3A_1700 = arith.index_cast %add3A_1699 : i32 to index
          %get3A_1701 = arith.constant 48 : index
          %get3A_1702 = tpu.vector_load %arg8[%get3A_1700, %get3A_1701] {strides = array<i32>} : memref<400x128xf32, #tpu.memory_space<vmem>>, vector<1x16xf32>,
          %get3A_1703 = vector.shape_cast %get3A_1702 : vector<1x16xf32> to vector<16xf32>
          %add3A_1704 = arith.addf %add3A_1669, %add3A_1676 : vector<16xf32>
          %add3A_1705 = arith.constant 6 : i32
          %add3A_1706 = arith.addi %mul3A_1662, %add3A_1705 : i32
          %get3A_1707 = arith.index_cast %add3A_1706 : i32 to index
          %get3A_1708 = arith.constant 48 : index
          %get3A_1709 = tpu.vector_load %arg8[%get3A_1707, %get3A_1708] {strides = array<i32>} : memref<400x128xf32, #tpu.memory_space<vmem>>, vector<1x16xf32>,
          %get3A_1710 = vector.shape_cast %get3A_1709 : vector<1x16xf32> to vector<16xf32>
          %add3A_1711 = arith.addf %add3A_1683, %add3A_1690 : vector<16xf32>
          %add3A_1712 = arith.constant 7 : i32
          %add3A_1713 = arith.addi %mul3A_1662, %add3A_1712 : i32
          %get3A_1714 = arith.index_cast %add3A_1713 : i32 to index
          %get3A_1715 = arith.constant 48 : index
          %get3A_1716 = tpu.vector_load %arg8[%get3A_1714, %get3A_1715] {strides = array<i32>} : memref<400x128xf32, #tpu.memory_space<vmem>>, vector<1x16xf32>,
          %get3A_1717 = vector.shape_cast %get3A_1716 : vector<1x16xf32> to vector<16xf32>
          %add3A_1718 = arith.constant 8 : i32
          %add3A_1719 = arith.addi %mul3A_1662, %add3A_1718 : i32
          %get3A_1720 = arith.index_cast %add3A_1719 : i32 to index
          %get3A_1721 = arith.constant 48 : index
          %get3A_1722 = tpu.vector_load %arg8[%get3A_1720, %get3A_1721] {strides = array<i32>} : memref<400x128xf32, #tpu.memory_space<vmem>>, vector<1x16xf32>,
          %get3A_1723 = vector.shape_cast %get3A_1722 : vector<1x16xf32> to vector<16xf32>
          %add3A_1724 = arith.addf %add3A_1704, %add3A_1711 : vector<16xf32>
          %add3A_1725 = arith.constant 9 : i32
          %add3A_1726 = arith.addi %mul3A_1662, %add3A_1725 : i32
          %get3A_1727 = arith.index_cast %add3A_1726 : i32 to index
          %get3A_1728 = arith.constant 48 : index
          %get3A_1729 = tpu.vector_load %arg8[%get3A_1727, %get3A_1728] {strides = array<i32>} : memref<400x128xf32, #tpu.memory_space<vmem>>, vector<1x16xf32>,
          %get3A_1730 = vector.shape_cast %get3A_1729 : vector<1x16xf32> to vector<16xf32>
          %add3A_1731 = arith.addf %add3A_1724, %add3A_1697 : vector<16xf32>
          %mul3A_1732 = vector.broadcast %scan3A_66 : f32 to vector<16xf32>
          %mul3A_1733 = arith.mulf %add3A_1731, %mul3A_1732 : vector<16xf32>
          %swap3A_1734 = arith.index_cast %add3A_170 : i32 to index
          %swap3A_1735 = arith.constant 32 : index
          %swap3A_1736 = tpu.vector_load %arg10[%swap3A_1734, %swap3A_1735] {strides = array<i32>} : memref<40x128xf32, #tpu.memory_space<vmem>>, vector<1x16xf32>,
          %swap3A_1737 = vector.shape_cast %swap3A_1736 : vector<1x16xf32> to vector<16xf32>
          %swap3A_1738 = vector.shape_cast %mul3A_1733 : vector<16xf32> to vector<1x16xf32>
          tpu.vector_store %arg10[%swap3A_1734, %swap3A_1735], %swap3A_1738 {strides = array<i32>} : memref<40x128xf32, #tpu.memory_space<vmem>>, vector<1x16xf32>,
          %mul3A_1739 = arith.constant 10 : i32
          %mul3A_1740 = arith.muli %add3A_174, %mul3A_1739 : i32
          %add3A_1741 = arith.constant 0 : i32
          %add3A_1742 = arith.addi %mul3A_1740, %add3A_1741 : i32
          %get3A_1743 = arith.index_cast %add3A_1742 : i32 to index
          %get3A_1744 = arith.constant 64 : index
          %get3A_1745 = tpu.vector_load %arg8[%get3A_1743, %get3A_1744] {strides = array<i32>} : memref<400x128xf32, #tpu.memory_space<vmem>>, vector<1x16xf32>,
          %get3A_1746 = vector.shape_cast %get3A_1745 : vector<1x16xf32> to vector<16xf32>
          %add3A_1747 = arith.addf %get3A_1668, %get3A_1675 : vector<16xf32>
          %add3A_1748 = arith.constant 1 : i32
          %add3A_1749 = arith.addi %mul3A_1740, %add3A_1748 : i32
          %get3A_1750 = arith.index_cast %add3A_1749 : i32 to index
          %get3A_1751 = arith.constant 64 : index
          %get3A_1752 = tpu.vector_load %arg8[%get3A_1750, %get3A_1751] {strides = array<i32>} : memref<400x128xf32, #tpu.memory_space<vmem>>, vector<1x16xf32>,
          %get3A_1753 = vector.shape_cast %get3A_1752 : vector<1x16xf32> to vector<16xf32>
          %add3A_1754 = arith.addf %get3A_1682, %get3A_1689 : vector<16xf32>
          %add3A_1755 = arith.constant 2 : i32
          %add3A_1756 = arith.addi %mul3A_1740, %add3A_1755 : i32
          %get3A_1757 = arith.index_cast %add3A_1756 : i32 to index
          %get3A_1758 = arith.constant 64 : index
          %get3A_1759 = tpu.vector_load %arg8[%get3A_1757, %get3A_1758] {strides = array<i32>} : memref<400x128xf32, #tpu.memory_space<vmem>>, vector<1x16xf32>,
          %get3A_1760 = vector.shape_cast %get3A_1759 : vector<1x16xf32> to vector<16xf32>
          %add3A_1761 = arith.addf %get3A_1696, %get3A_1703 : vector<16xf32>
          %add3A_1762 = arith.constant 3 : i32
          %add3A_1763 = arith.addi %mul3A_1740, %add3A_1762 : i32
          %get3A_1764 = arith.index_cast %add3A_1763 : i32 to index
          %get3A_1765 = arith.constant 64 : index
          %get3A_1766 = tpu.vector_load %arg8[%get3A_1764, %get3A_1765] {strides = array<i32>} : memref<400x128xf32, #tpu.memory_space<vmem>>, vector<1x16xf32>,
          %get3A_1767 = vector.shape_cast %get3A_1766 : vector<1x16xf32> to vector<16xf32>
          %add3A_1768 = arith.addf %get3A_1710, %get3A_1717 : vector<16xf32>
          %add3A_1769 = arith.constant 4 : i32
          %add3A_1770 = arith.addi %mul3A_1740, %add3A_1769 : i32
          %get3A_1771 = arith.index_cast %add3A_1770 : i32 to index
          %get3A_1772 = arith.constant 64 : index
          %get3A_1773 = tpu.vector_load %arg8[%get3A_1771, %get3A_1772] {strides = array<i32>} : memref<400x128xf32, #tpu.memory_space<vmem>>, vector<1x16xf32>,
          %get3A_1774 = vector.shape_cast %get3A_1773 : vector<1x16xf32> to vector<16xf32>
          %add3A_1775 = arith.addf %get3A_1723, %get3A_1730 : vector<16xf32>
          %add3A_1776 = arith.constant 5 : i32
          %add3A_1777 = arith.addi %mul3A_1740, %add3A_1776 : i32
          %get3A_1778 = arith.index_cast %add3A_1777 : i32 to index
          %get3A_1779 = arith.constant 64 : index
          %get3A_1780 = tpu.vector_load %arg8[%get3A_1778, %get3A_1779] {strides = array<i32>} : memref<400x128xf32, #tpu.memory_space<vmem>>, vector<1x16xf32>,
          %get3A_1781 = vector.shape_cast %get3A_1780 : vector<1x16xf32> to vector<16xf32>
          %add3A_1782 = arith.addf %add3A_1747, %add3A_1754 : vector<16xf32>
          %add3A_1783 = arith.constant 6 : i32
          %add3A_1784 = arith.addi %mul3A_1740, %add3A_1783 : i32
          %get3A_1785 = arith.index_cast %add3A_1784 : i32 to index
          %get3A_1786 = arith.constant 64 : index
          %get3A_1787 = tpu.vector_load %arg8[%get3A_1785, %get3A_1786] {strides = array<i32>} : memref<400x128xf32, #tpu.memory_space<vmem>>, vector<1x16xf32>,
          %get3A_1788 = vector.shape_cast %get3A_1787 : vector<1x16xf32> to vector<16xf32>
          %add3A_1789 = arith.addf %add3A_1761, %add3A_1768 : vector<16xf32>
          %add3A_1790 = arith.constant 7 : i32
          %add3A_1791 = arith.addi %mul3A_1740, %add3A_1790 : i32
          %get3A_1792 = arith.index_cast %add3A_1791 : i32 to index
          %get3A_1793 = arith.constant 64 : index
          %get3A_1794 = tpu.vector_load %arg8[%get3A_1792, %get3A_1793] {strides = array<i32>} : memref<400x128xf32, #tpu.memory_space<vmem>>, vector<1x16xf32>,
          %get3A_1795 = vector.shape_cast %get3A_1794 : vector<1x16xf32> to vector<16xf32>
          %add3A_1796 = arith.constant 8 : i32
          %add3A_1797 = arith.addi %mul3A_1740, %add3A_1796 : i32
          %get3A_1798 = arith.index_cast %add3A_1797 : i32 to index
          %get3A_1799 = arith.constant 64 : index
          %get3A_1800 = tpu.vector_load %arg8[%get3A_1798, %get3A_1799] {strides = array<i32>} : memref<400x128xf32, #tpu.memory_space<vmem>>, vector<1x16xf32>,
          %get3A_1801 = vector.shape_cast %get3A_1800 : vector<1x16xf32> to vector<16xf32>
          %add3A_1802 = arith.addf %add3A_1782, %add3A_1789 : vector<16xf32>
          %add3A_1803 = arith.constant 9 : i32
          %add3A_1804 = arith.addi %mul3A_1740, %add3A_1803 : i32
          %get3A_1805 = arith.index_cast %add3A_1804 : i32 to index
          %get3A_1806 = arith.constant 64 : index
          %get3A_1807 = tpu.vector_load %arg8[%get3A_1805, %get3A_1806] {strides = array<i32>} : memref<400x128xf32, #tpu.memory_space<vmem>>, vector<1x16xf32>,
          %get3A_1808 = vector.shape_cast %get3A_1807 : vector<1x16xf32> to vector<16xf32>
          %add3A_1809 = arith.addf %add3A_1802, %add3A_1775 : vector<16xf32>
          %mul3A_1810 = vector.broadcast %scan3A_66 : f32 to vector<16xf32>
          %mul3A_1811 = arith.mulf %add3A_1809, %mul3A_1810 : vector<16xf32>
          %swap3A_1812 = arith.index_cast %add3A_172 : i32 to index
          %swap3A_1813 = arith.constant 48 : index
          %swap3A_1814 = tpu.vector_load %arg10[%swap3A_1812, %swap3A_1813] {strides = array<i32>} : memref<40x128xf32, #tpu.memory_space<vmem>>, vector<1x16xf32>,
          %swap3A_1815 = vector.shape_cast %swap3A_1814 : vector<1x16xf32> to vector<16xf32>
          %swap3A_1816 = vector.shape_cast %mul3A_1811 : vector<16xf32> to vector<1x16xf32>
          tpu.vector_store %arg10[%swap3A_1812, %swap3A_1813], %swap3A_1816 {strides = array<i32>} : memref<40x128xf32, #tpu.memory_space<vmem>>, vector<1x16xf32>,
          %mul3A_1817 = arith.constant 10 : i32
          %mul3A_1818 = arith.muli %add3A_176, %mul3A_1817 : i32
          %add3A_1819 = arith.constant 0 : i32
          %add3A_1820 = arith.addi %mul3A_1818, %add3A_1819 : i32
          %get3A_1821 = arith.index_cast %add3A_1820 : i32 to index
          %get3A_1822 = arith.constant 80 : index
          %get3A_1823 = tpu.vector_load %arg8[%get3A_1821, %get3A_1822] {strides = array<i32>} : memref<400x128xf32, #tpu.memory_space<vmem>>, vector<1x16xf32>,
          %get3A_1824 = vector.shape_cast %get3A_1823 : vector<1x16xf32> to vector<16xf32>
          %add3A_1825 = arith.addf %get3A_1746, %get3A_1753 : vector<16xf32>
          %add3A_1826 = arith.constant 1 : i32
          %add3A_1827 = arith.addi %mul3A_1818, %add3A_1826 : i32
          %get3A_1828 = arith.index_cast %add3A_1827 : i32 to index
          %get3A_1829 = arith.constant 80 : index
          %get3A_1830 = tpu.vector_load %arg8[%get3A_1828, %get3A_1829] {strides = array<i32>} : memref<400x128xf32, #tpu.memory_space<vmem>>, vector<1x16xf32>,
          %get3A_1831 = vector.shape_cast %get3A_1830 : vector<1x16xf32> to vector<16xf32>
          %add3A_1832 = arith.addf %get3A_1760, %get3A_1767 : vector<16xf32>
          %add3A_1833 = arith.constant 2 : i32
          %add3A_1834 = arith.addi %mul3A_1818, %add3A_1833 : i32
          %get3A_1835 = arith.index_cast %add3A_1834 : i32 to index
          %get3A_1836 = arith.constant 80 : index
          %get3A_1837 = tpu.vector_load %arg8[%get3A_1835, %get3A_1836] {strides = array<i32>} : memref<400x128xf32, #tpu.memory_space<vmem>>, vector<1x16xf32>,
          %get3A_1838 = vector.shape_cast %get3A_1837 : vector<1x16xf32> to vector<16xf32>
          %add3A_1839 = arith.addf %get3A_1774, %get3A_1781 : vector<16xf32>
          %add3A_1840 = arith.constant 3 : i32
          %add3A_1841 = arith.addi %mul3A_1818, %add3A_1840 : i32
          %get3A_1842 = arith.index_cast %add3A_1841 : i32 to index
          %get3A_1843 = arith.constant 80 : index
          %get3A_1844 = tpu.vector_load %arg8[%get3A_1842, %get3A_1843] {strides = array<i32>} : memref<400x128xf32, #tpu.memory_space<vmem>>, vector<1x16xf32>,
          %get3A_1845 = vector.shape_cast %get3A_1844 : vector<1x16xf32> to vector<16xf32>
          %add3A_1846 = arith.addf %get3A_1788, %get3A_1795 : vector<16xf32>
          %add3A_1847 = arith.constant 4 : i32
          %add3A_1848 = arith.addi %mul3A_1818, %add3A_1847 : i32
          %get3A_1849 = arith.index_cast %add3A_1848 : i32 to index
          %get3A_1850 = arith.constant 80 : index
          %get3A_1851 = tpu.vector_load %arg8[%get3A_1849, %get3A_1850] {strides = array<i32>} : memref<400x128xf32, #tpu.memory_space<vmem>>, vector<1x16xf32>,
          %get3A_1852 = vector.shape_cast %get3A_1851 : vector<1x16xf32> to vector<16xf32>
          %add3A_1853 = arith.addf %get3A_1801, %get3A_1808 : vector<16xf32>
          %add3A_1854 = arith.constant 5 : i32
          %add3A_1855 = arith.addi %mul3A_1818, %add3A_1854 : i32
          %get3A_1856 = arith.index_cast %add3A_1855 : i32 to index
          %get3A_1857 = arith.constant 80 : index
          %get3A_1858 = tpu.vector_load %arg8[%get3A_1856, %get3A_1857] {strides = array<i32>} : memref<400x128xf32, #tpu.memory_space<vmem>>, vector<1x16xf32>,
          %get3A_1859 = vector.shape_cast %get3A_1858 : vector<1x16xf32> to vector<16xf32>
          %add3A_1860 = arith.addf %add3A_1825, %add3A_1832 : vector<16xf32>
          %add3A_1861 = arith.constant 6 : i32
          %add3A_1862 = arith.addi %mul3A_1818, %add3A_1861 : i32
          %get3A_1863 = arith.index_cast %add3A_1862 : i32 to index
          %get3A_1864 = arith.constant 80 : index
          %get3A_1865 = tpu.vector_load %arg8[%get3A_1863, %get3A_1864] {strides = array<i32>} : memref<400x128xf32, #tpu.memory_space<vmem>>, vector<1x16xf32>,
          %get3A_1866 = vector.shape_cast %get3A_1865 : vector<1x16xf32> to vector<16xf32>
          %add3A_1867 = arith.addf %add3A_1839, %add3A_1846 : vector<16xf32>
          %add3A_1868 = arith.constant 7 : i32
          %add3A_1869 = arith.addi %mul3A_1818, %add3A_1868 : i32
          %get3A_1870 = arith.index_cast %add3A_1869 : i32 to index
          %get3A_1871 = arith.constant 80 : index
          %get3A_1872 = tpu.vector_load %arg8[%get3A_1870, %get3A_1871] {strides = array<i32>} : memref<400x128xf32, #tpu.memory_space<vmem>>, vector<1x16xf32>,
          %get3A_1873 = vector.shape_cast %get3A_1872 : vector<1x16xf32> to vector<16xf32>
          %add3A_1874 = arith.constant 8 : i32
          %add3A_1875 = arith.addi %mul3A_1818, %add3A_1874 : i32
          %get3A_1876 = arith.index_cast %add3A_1875 : i32 to index
          %get3A_1877 = arith.constant 80 : index
          %get3A_1878 = tpu.vector_load %arg8[%get3A_1876, %get3A_1877] {strides = array<i32>} : memref<400x128xf32, #tpu.memory_space<vmem>>, vector<1x16xf32>,
          %get3A_1879 = vector.shape_cast %get3A_1878 : vector<1x16xf32> to vector<16xf32>
          %add3A_1880 = arith.addf %add3A_1860, %add3A_1867 : vector<16xf32>
          %add3A_1881 = arith.constant 9 : i32
          %add3A_1882 = arith.addi %mul3A_1818, %add3A_1881 : i32
          %get3A_1883 = arith.index_cast %add3A_1882 : i32 to index
          %get3A_1884 = arith.constant 80 : index
          %get3A_1885 = tpu.vector_load %arg8[%get3A_1883, %get3A_1884] {strides = array<i32>} : memref<400x128xf32, #tpu.memory_space<vmem>>, vector<1x16xf32>,
          %get3A_1886 = vector.shape_cast %get3A_1885 : vector<1x16xf32> to vector<16xf32>
          %add3A_1887 = arith.addf %add3A_1880, %add3A_1853 : vector<16xf32>
          %mul3A_1888 = vector.broadcast %scan3A_66 : f32 to vector<16xf32>
          %mul3A_1889 = arith.mulf %add3A_1887, %mul3A_1888 : vector<16xf32>
          %swap3A_1890 = arith.index_cast %add3A_174 : i32 to index
          %swap3A_1891 = arith.constant 64 : index
          %swap3A_1892 = tpu.vector_load %arg10[%swap3A_1890, %swap3A_1891] {strides = array<i32>} : memref<40x128xf32, #tpu.memory_space<vmem>>, vector<1x16xf32>,
          %swap3A_1893 = vector.shape_cast %swap3A_1892 : vector<1x16xf32> to vector<16xf32>
          %swap3A_1894 = vector.shape_cast %mul3A_1889 : vector<16xf32> to vector<1x16xf32>
          tpu.vector_store %arg10[%swap3A_1890, %swap3A_1891], %swap3A_1894 {strides = array<i32>} : memref<40x128xf32, #tpu.memory_space<vmem>>, vector<1x16xf32>,
          %mul3A_1895 = arith.constant 10 : i32
          %mul3A_1896 = arith.muli %add3A_178, %mul3A_1895 : i32
          %add3A_1897 = arith.constant 0 : i32
          %add3A_1898 = arith.addi %mul3A_1896, %add3A_1897 : i32
          %get3A_1899 = arith.index_cast %add3A_1898 : i32 to index
          %get3A_1900 = arith.constant 96 : index
          %get3A_1901 = tpu.vector_load %arg8[%get3A_1899, %get3A_1900] {strides = array<i32>} : memref<400x128xf32, #tpu.memory_space<vmem>>, vector<1x16xf32>,
          %get3A_1902 = vector.shape_cast %get3A_1901 : vector<1x16xf32> to vector<16xf32>
          %add3A_1903 = arith.addf %get3A_1824, %get3A_1831 : vector<16xf32>
          %add3A_1904 = arith.constant 1 : i32
          %add3A_1905 = arith.addi %mul3A_1896, %add3A_1904 : i32
          %get3A_1906 = arith.index_cast %add3A_1905 : i32 to index
          %get3A_1907 = arith.constant 96 : index
          %get3A_1908 = tpu.vector_load %arg8[%get3A_1906, %get3A_1907] {strides = array<i32>} : memref<400x128xf32, #tpu.memory_space<vmem>>, vector<1x16xf32>,
          %get3A_1909 = vector.shape_cast %get3A_1908 : vector<1x16xf32> to vector<16xf32>
          %add3A_1910 = arith.addf %get3A_1838, %get3A_1845 : vector<16xf32>
          %add3A_1911 = arith.constant 2 : i32
          %add3A_1912 = arith.addi %mul3A_1896, %add3A_1911 : i32
          %get3A_1913 = arith.index_cast %add3A_1912 : i32 to index
          %get3A_1914 = arith.constant 96 : index
          %get3A_1915 = tpu.vector_load %arg8[%get3A_1913, %get3A_1914] {strides = array<i32>} : memref<400x128xf32, #tpu.memory_space<vmem>>, vector<1x16xf32>,
          %get3A_1916 = vector.shape_cast %get3A_1915 : vector<1x16xf32> to vector<16xf32>
          %add3A_1917 = arith.addf %get3A_1852, %get3A_1859 : vector<16xf32>
          %add3A_1918 = arith.constant 3 : i32
          %add3A_1919 = arith.addi %mul3A_1896, %add3A_1918 : i32
          %get3A_1920 = arith.index_cast %add3A_1919 : i32 to index
          %get3A_1921 = arith.constant 96 : index
          %get3A_1922 = tpu.vector_load %arg8[%get3A_1920, %get3A_1921] {strides = array<i32>} : memref<400x128xf32, #tpu.memory_space<vmem>>, vector<1x16xf32>,
          %get3A_1923 = vector.shape_cast %get3A_1922 : vector<1x16xf32> to vector<16xf32>
          %add3A_1924 = arith.addf %get3A_1866, %get3A_1873 : vector<16xf32>
          %add3A_1925 = arith.constant 4 : i32
          %add3A_1926 = arith.addi %mul3A_1896, %add3A_1925 : i32
          %get3A_1927 = arith.index_cast %add3A_1926 : i32 to index
          %get3A_1928 = arith.constant 96 : index
          %get3A_1929 = tpu.vector_load %arg8[%get3A_1927, %get3A_1928] {strides = array<i32>} : memref<400x128xf32, #tpu.memory_space<vmem>>, vector<1x16xf32>,
          %get3A_1930 = vector.shape_cast %get3A_1929 : vector<1x16xf32> to vector<16xf32>
          %add3A_1931 = arith.addf %get3A_1879, %get3A_1886 : vector<16xf32>
          %add3A_1932 = arith.constant 5 : i32
          %add3A_1933 = arith.addi %mul3A_1896, %add3A_1932 : i32
          %get3A_1934 = arith.index_cast %add3A_1933 : i32 to index
          %get3A_1935 = arith.constant 96 : index
          %get3A_1936 = tpu.vector_load %arg8[%get3A_1934, %get3A_1935] {strides = array<i32>} : memref<400x128xf32, #tpu.memory_space<vmem>>, vector<1x16xf32>,
          %get3A_1937 = vector.shape_cast %get3A_1936 : vector<1x16xf32> to vector<16xf32>
          %add3A_1938 = arith.addf %add3A_1903, %add3A_1910 : vector<16xf32>
          %add3A_1939 = arith.constant 6 : i32
          %add3A_1940 = arith.addi %mul3A_1896, %add3A_1939 : i32
          %get3A_1941 = arith.index_cast %add3A_1940 : i32 to index
          %get3A_1942 = arith.constant 96 : index
          %get3A_1943 = tpu.vector_load %arg8[%get3A_1941, %get3A_1942] {strides = array<i32>} : memref<400x128xf32, #tpu.memory_space<vmem>>, vector<1x16xf32>,
          %get3A_1944 = vector.shape_cast %get3A_1943 : vector<1x16xf32> to vector<16xf32>
          %add3A_1945 = arith.addf %add3A_1917, %add3A_1924 : vector<16xf32>
          %add3A_1946 = arith.constant 7 : i32
          %add3A_1947 = arith.addi %mul3A_1896, %add3A_1946 : i32
          %get3A_1948 = arith.index_cast %add3A_1947 : i32 to index
          %get3A_1949 = arith.constant 96 : index
          %get3A_1950 = tpu.vector_load %arg8[%get3A_1948, %get3A_1949] {strides = array<i32>} : memref<400x128xf32, #tpu.memory_space<vmem>>, vector<1x16xf32>,
          %get3A_1951 = vector.shape_cast %get3A_1950 : vector<1x16xf32> to vector<16xf32>
          %add3A_1952 = arith.constant 8 : i32
          %add3A_1953 = arith.addi %mul3A_1896, %add3A_1952 : i32
          %get3A_1954 = arith.index_cast %add3A_1953 : i32 to index
          %get3A_1955 = arith.constant 96 : index
          %get3A_1956 = tpu.vector_load %arg8[%get3A_1954, %get3A_1955] {strides = array<i32>} : memref<400x128xf32, #tpu.memory_space<vmem>>, vector<1x16xf32>,
          %get3A_1957 = vector.shape_cast %get3A_1956 : vector<1x16xf32> to vector<16xf32>
          %add3A_1958 = arith.addf %add3A_1938, %add3A_1945 : vector<16xf32>
          %add3A_1959 = arith.constant 9 : i32
          %add3A_1960 = arith.addi %mul3A_1896, %add3A_1959 : i32
          %get3A_1961 = arith.index_cast %add3A_1960 : i32 to index
          %get3A_1962 = arith.constant 96 : index
          %get3A_1963 = tpu.vector_load %arg8[%get3A_1961, %get3A_1962] {strides = array<i32>} : memref<400x128xf32, #tpu.memory_space<vmem>>, vector<1x16xf32>,
          %get3A_1964 = vector.shape_cast %get3A_1963 : vector<1x16xf32> to vector<16xf32>
          %add3A_1965 = arith.addf %add3A_1958, %add3A_1931 : vector<16xf32>
          %mul3A_1966 = vector.broadcast %scan3A_66 : f32 to vector<16xf32>
          %mul3A_1967 = arith.mulf %add3A_1965, %mul3A_1966 : vector<16xf32>
          %swap3A_1968 = arith.index_cast %add3A_176 : i32 to index
          %swap3A_1969 = arith.constant 80 : index
          %swap3A_1970 = tpu.vector_load %arg10[%swap3A_1968, %swap3A_1969] {strides = array<i32>} : memref<40x128xf32, #tpu.memory_space<vmem>>, vector<1x16xf32>,
          %swap3A_1971 = vector.shape_cast %swap3A_1970 : vector<1x16xf32> to vector<16xf32>
          %swap3A_1972 = vector.shape_cast %mul3A_1967 : vector<16xf32> to vector<1x16xf32>
          tpu.vector_store %arg10[%swap3A_1968, %swap3A_1969], %swap3A_1972 {strides = array<i32>} : memref<40x128xf32, #tpu.memory_space<vmem>>, vector<1x16xf32>,
          %mul3A_1973 = arith.constant 10 : i32
          %mul3A_1974 = arith.muli %add3A_180, %mul3A_1973 : i32
          %add3A_1975 = arith.constant 0 : i32
          %add3A_1976 = arith.addi %mul3A_1974, %add3A_1975 : i32
          %get3A_1977 = arith.index_cast %add3A_1976 : i32 to index
          %get3A_1978 = arith.constant 112 : index
          %get3A_1979 = tpu.vector_load %arg8[%get3A_1977, %get3A_1978] {strides = array<i32>} : memref<400x128xf32, #tpu.memory_space<vmem>>, vector<1x16xf32>,
          %get3A_1980 = vector.shape_cast %get3A_1979 : vector<1x16xf32> to vector<16xf32>
          %add3A_1981 = arith.addf %get3A_1902, %get3A_1909 : vector<16xf32>
          %add3A_1982 = arith.constant 1 : i32
          %add3A_1983 = arith.addi %mul3A_1974, %add3A_1982 : i32
          %get3A_1984 = arith.index_cast %add3A_1983 : i32 to index
          %get3A_1985 = arith.constant 112 : index
          %get3A_1986 = tpu.vector_load %arg8[%get3A_1984, %get3A_1985] {strides = array<i32>} : memref<400x128xf32, #tpu.memory_space<vmem>>, vector<1x16xf32>,
          %get3A_1987 = vector.shape_cast %get3A_1986 : vector<1x16xf32> to vector<16xf32>
          %add3A_1988 = arith.addf %get3A_1916, %get3A_1923 : vector<16xf32>
          %add3A_1989 = arith.constant 2 : i32
          %add3A_1990 = arith.addi %mul3A_1974, %add3A_1989 : i32
          %get3A_1991 = arith.index_cast %add3A_1990 : i32 to index
          %get3A_1992 = arith.constant 112 : index
          %get3A_1993 = tpu.vector_load %arg8[%get3A_1991, %get3A_1992] {strides = array<i32>} : memref<400x128xf32, #tpu.memory_space<vmem>>, vector<1x16xf32>,
          %get3A_1994 = vector.shape_cast %get3A_1993 : vector<1x16xf32> to vector<16xf32>
          %add3A_1995 = arith.addf %get3A_1930, %get3A_1937 : vector<16xf32>
          %add3A_1996 = arith.constant 3 : i32
          %add3A_1997 = arith.addi %mul3A_1974, %add3A_1996 : i32
          %get3A_1998 = arith.index_cast %add3A_1997 : i32 to index
          %get3A_1999 = arith.constant 112 : index
          %get3A_2000 = tpu.vector_load %arg8[%get3A_1998, %get3A_1999] {strides = array<i32>} : memref<400x128xf32, #tpu.memory_space<vmem>>, vector<1x16xf32>,
          %get3A_2001 = vector.shape_cast %get3A_2000 : vector<1x16xf32> to vector<16xf32>
          %add3A_2002 = arith.addf %get3A_1944, %get3A_1951 : vector<16xf32>
          %add3A_2003 = arith.constant 4 : i32
          %add3A_2004 = arith.addi %mul3A_1974, %add3A_2003 : i32
          %get3A_2005 = arith.index_cast %add3A_2004 : i32 to index
          %get3A_2006 = arith.constant 112 : index
          %get3A_2007 = tpu.vector_load %arg8[%get3A_2005, %get3A_2006] {strides = array<i32>} : memref<400x128xf32, #tpu.memory_space<vmem>>, vector<1x16xf32>,
          %get3A_2008 = vector.shape_cast %get3A_2007 : vector<1x16xf32> to vector<16xf32>
          %add3A_2009 = arith.addf %get3A_1957, %get3A_1964 : vector<16xf32>
          %add3A_2010 = arith.constant 5 : i32
          %add3A_2011 = arith.addi %mul3A_1974, %add3A_2010 : i32
          %get3A_2012 = arith.index_cast %add3A_2011 : i32 to index
          %get3A_2013 = arith.constant 112 : index
          %get3A_2014 = tpu.vector_load %arg8[%get3A_2012, %get3A_2013] {strides = array<i32>} : memref<400x128xf32, #tpu.memory_space<vmem>>, vector<1x16xf32>,
          %get3A_2015 = vector.shape_cast %get3A_2014 : vector<1x16xf32> to vector<16xf32>
          %add3A_2016 = arith.addf %add3A_1981, %add3A_1988 : vector<16xf32>
          %add3A_2017 = arith.constant 6 : i32
          %add3A_2018 = arith.addi %mul3A_1974, %add3A_2017 : i32
          %get3A_2019 = arith.index_cast %add3A_2018 : i32 to index
          %get3A_2020 = arith.constant 112 : index
          %get3A_2021 = tpu.vector_load %arg8[%get3A_2019, %get3A_2020] {strides = array<i32>} : memref<400x128xf32, #tpu.memory_space<vmem>>, vector<1x16xf32>,
          %get3A_2022 = vector.shape_cast %get3A_2021 : vector<1x16xf32> to vector<16xf32>
          %add3A_2023 = arith.addf %add3A_1995, %add3A_2002 : vector<16xf32>
          %add3A_2024 = arith.constant 7 : i32
          %add3A_2025 = arith.addi %mul3A_1974, %add3A_2024 : i32
          %get3A_2026 = arith.index_cast %add3A_2025 : i32 to index
          %get3A_2027 = arith.constant 112 : index
          %get3A_2028 = tpu.vector_load %arg8[%get3A_2026, %get3A_2027] {strides = array<i32>} : memref<400x128xf32, #tpu.memory_space<vmem>>, vector<1x16xf32>,
          %get3A_2029 = vector.shape_cast %get3A_2028 : vector<1x16xf32> to vector<16xf32>
          %add3A_2030 = arith.constant 8 : i32
          %add3A_2031 = arith.addi %mul3A_1974, %add3A_2030 : i32
          %get3A_2032 = arith.index_cast %add3A_2031 : i32 to index
          %get3A_2033 = arith.constant 112 : index
          %get3A_2034 = tpu.vector_load %arg8[%get3A_2032, %get3A_2033] {strides = array<i32>} : memref<400x128xf32, #tpu.memory_space<vmem>>, vector<1x16xf32>,
          %get3A_2035 = vector.shape_cast %get3A_2034 : vector<1x16xf32> to vector<16xf32>
          %add3A_2036 = arith.addf %add3A_2016, %add3A_2023 : vector<16xf32>
          %add3A_2037 = arith.constant 9 : i32
          %add3A_2038 = arith.addi %mul3A_1974, %add3A_2037 : i32
          %get3A_2039 = arith.index_cast %add3A_2038 : i32 to index
          %get3A_2040 = arith.constant 112 : index
          %get3A_2041 = tpu.vector_load %arg8[%get3A_2039, %get3A_2040] {strides = array<i32>} : memref<400x128xf32, #tpu.memory_space<vmem>>, vector<1x16xf32>,
          %get3A_2042 = vector.shape_cast %get3A_2041 : vector<1x16xf32> to vector<16xf32>
          %add3A_2043 = arith.addf %add3A_2036, %add3A_2009 : vector<16xf32>
          %mul3A_2044 = vector.broadcast %scan3A_66 : f32 to vector<16xf32>
          %mul3A_2045 = arith.mulf %add3A_2043, %mul3A_2044 : vector<16xf32>
          %swap3A_2046 = arith.index_cast %add3A_178 : i32 to index
          %swap3A_2047 = arith.constant 96 : index
          %swap3A_2048 = tpu.vector_load %arg10[%swap3A_2046, %swap3A_2047] {strides = array<i32>} : memref<40x128xf32, #tpu.memory_space<vmem>>, vector<1x16xf32>,
          %swap3A_2049 = vector.shape_cast %swap3A_2048 : vector<1x16xf32> to vector<16xf32>
          %swap3A_2050 = vector.shape_cast %mul3A_2045 : vector<16xf32> to vector<1x16xf32>
          tpu.vector_store %arg10[%swap3A_2046, %swap3A_2047], %swap3A_2050 {strides = array<i32>} : memref<40x128xf32, #tpu.memory_space<vmem>>, vector<1x16xf32>,
          %mul3A_2051 = arith.constant 10 : i32
          %mul3A_2052 = arith.muli %add3A_182, %mul3A_2051 : i32
          %add3A_2053 = arith.constant 0 : i32
          %add3A_2054 = arith.addi %mul3A_2052, %add3A_2053 : i32
          %get3A_2055 = arith.index_cast %add3A_2054 : i32 to index
          %get3A_2056 = arith.constant 0 : index
          %get3A_2057 = tpu.vector_load %arg8[%get3A_2055, %get3A_2056] {strides = array<i32>} : memref<400x128xf32, #tpu.memory_space<vmem>>, vector<1x16xf32>,
          %get3A_2058 = vector.shape_cast %get3A_2057 : vector<1x16xf32> to vector<16xf32>
          %add3A_2059 = arith.addf %get3A_1980, %get3A_1987 : vector<16xf32>
          %add3A_2060 = arith.constant 1 : i32
          %add3A_2061 = arith.addi %mul3A_2052, %add3A_2060 : i32
          %get3A_2062 = arith.index_cast %add3A_2061 : i32 to index
          %get3A_2063 = arith.constant 0 : index
          %get3A_2064 = tpu.vector_load %arg8[%get3A_2062, %get3A_2063] {strides = array<i32>} : memref<400x128xf32, #tpu.memory_space<vmem>>, vector<1x16xf32>,
          %get3A_2065 = vector.shape_cast %get3A_2064 : vector<1x16xf32> to vector<16xf32>
          %add3A_2066 = arith.addf %get3A_1994, %get3A_2001 : vector<16xf32>
          %add3A_2067 = arith.constant 2 : i32
          %add3A_2068 = arith.addi %mul3A_2052, %add3A_2067 : i32
          %get3A_2069 = arith.index_cast %add3A_2068 : i32 to index
          %get3A_2070 = arith.constant 0 : index
          %get3A_2071 = tpu.vector_load %arg8[%get3A_2069, %get3A_2070] {strides = array<i32>} : memref<400x128xf32, #tpu.memory_space<vmem>>, vector<1x16xf32>,
          %get3A_2072 = vector.shape_cast %get3A_2071 : vector<1x16xf32> to vector<16xf32>
          %add3A_2073 = arith.addf %get3A_2008, %get3A_2015 : vector<16xf32>
          %add3A_2074 = arith.constant 3 : i32
          %add3A_2075 = arith.addi %mul3A_2052, %add3A_2074 : i32
          %get3A_2076 = arith.index_cast %add3A_2075 : i32 to index
          %get3A_2077 = arith.constant 0 : index
          %get3A_2078 = tpu.vector_load %arg8[%get3A_2076, %get3A_2077] {strides = array<i32>} : memref<400x128xf32, #tpu.memory_space<vmem>>, vector<1x16xf32>,
          %get3A_2079 = vector.shape_cast %get3A_2078 : vector<1x16xf32> to vector<16xf32>
          %add3A_2080 = arith.addf %get3A_2022, %get3A_2029 : vector<16xf32>
          %add3A_2081 = arith.constant 4 : i32
          %add3A_2082 = arith.addi %mul3A_2052, %add3A_2081 : i32
          %get3A_2083 = arith.index_cast %add3A_2082 : i32 to index
          %get3A_2084 = arith.constant 0 : index
          %get3A_2085 = tpu.vector_load %arg8[%get3A_2083, %get3A_2084] {strides = array<i32>} : memref<400x128xf32, #tpu.memory_space<vmem>>, vector<1x16xf32>,
          %get3A_2086 = vector.shape_cast %get3A_2085 : vector<1x16xf32> to vector<16xf32>
          %add3A_2087 = arith.addf %get3A_2035, %get3A_2042 : vector<16xf32>
          %add3A_2088 = arith.constant 5 : i32
          %add3A_2089 = arith.addi %mul3A_2052, %add3A_2088 : i32
          %get3A_2090 = arith.index_cast %add3A_2089 : i32 to index
          %get3A_2091 = arith.constant 0 : index
          %get3A_2092 = tpu.vector_load %arg8[%get3A_2090, %get3A_2091] {strides = array<i32>} : memref<400x128xf32, #tpu.memory_space<vmem>>, vector<1x16xf32>,
          %get3A_2093 = vector.shape_cast %get3A_2092 : vector<1x16xf32> to vector<16xf32>
          %add3A_2094 = arith.addf %add3A_2059, %add3A_2066 : vector<16xf32>
          %add3A_2095 = arith.constant 6 : i32
          %add3A_2096 = arith.addi %mul3A_2052, %add3A_2095 : i32
          %get3A_2097 = arith.index_cast %add3A_2096 : i32 to index
          %get3A_2098 = arith.constant 0 : index
          %get3A_2099 = tpu.vector_load %arg8[%get3A_2097, %get3A_2098] {strides = array<i32>} : memref<400x128xf32, #tpu.memory_space<vmem>>, vector<1x16xf32>,
          %get3A_2100 = vector.shape_cast %get3A_2099 : vector<1x16xf32> to vector<16xf32>
          %add3A_2101 = arith.addf %add3A_2073, %add3A_2080 : vector<16xf32>
          %add3A_2102 = arith.constant 7 : i32
          %add3A_2103 = arith.addi %mul3A_2052, %add3A_2102 : i32
          %get3A_2104 = arith.index_cast %add3A_2103 : i32 to index
          %get3A_2105 = arith.constant 0 : index
          %get3A_2106 = tpu.vector_load %arg8[%get3A_2104, %get3A_2105] {strides = array<i32>} : memref<400x128xf32, #tpu.memory_space<vmem>>, vector<1x16xf32>,
          %get3A_2107 = vector.shape_cast %get3A_2106 : vector<1x16xf32> to vector<16xf32>
          %add3A_2108 = arith.constant 8 : i32
          %add3A_2109 = arith.addi %mul3A_2052, %add3A_2108 : i32
          %get3A_2110 = arith.index_cast %add3A_2109 : i32 to index
          %get3A_2111 = arith.constant 0 : index
          %get3A_2112 = tpu.vector_load %arg8[%get3A_2110, %get3A_2111] {strides = array<i32>} : memref<400x128xf32, #tpu.memory_space<vmem>>, vector<1x16xf32>,
          %get3A_2113 = vector.shape_cast %get3A_2112 : vector<1x16xf32> to vector<16xf32>
          %add3A_2114 = arith.addf %add3A_2094, %add3A_2101 : vector<16xf32>
          %add3A_2115 = arith.constant 9 : i32
          %add3A_2116 = arith.addi %mul3A_2052, %add3A_2115 : i32
          %get3A_2117 = arith.index_cast %add3A_2116 : i32 to index
          %get3A_2118 = arith.constant 0 : index
          %get3A_2119 = tpu.vector_load %arg8[%get3A_2117, %get3A_2118] {strides = array<i32>} : memref<400x128xf32, #tpu.memory_space<vmem>>, vector<1x16xf32>,
          %get3A_2120 = vector.shape_cast %get3A_2119 : vector<1x16xf32> to vector<16xf32>
          %add3A_2121 = arith.addf %add3A_2114, %add3A_2087 : vector<16xf32>
          %mul3A_2122 = vector.broadcast %scan3A_66 : f32 to vector<16xf32>
          %mul3A_2123 = arith.mulf %add3A_2121, %mul3A_2122 : vector<16xf32>
          %swap3A_2124 = arith.index_cast %add3A_180 : i32 to index
          %swap3A_2125 = arith.constant 112 : index
          %swap3A_2126 = tpu.vector_load %arg10[%swap3A_2124, %swap3A_2125] {strides = array<i32>} : memref<40x128xf32, #tpu.memory_space<vmem>>, vector<1x16xf32>,
          %swap3A_2127 = vector.shape_cast %swap3A_2126 : vector<1x16xf32> to vector<16xf32>
          %swap3A_2128 = vector.shape_cast %mul3A_2123 : vector<16xf32> to vector<1x16xf32>
          tpu.vector_store %arg10[%swap3A_2124, %swap3A_2125], %swap3A_2128 {strides = array<i32>} : memref<40x128xf32, #tpu.memory_space<vmem>>, vector<1x16xf32>,
          %mul3A_2129 = arith.constant 10 : i32
          %mul3A_2130 = arith.muli %add3A_184, %mul3A_2129 : i32
          %add3A_2131 = arith.constant 0 : i32
          %add3A_2132 = arith.addi %mul3A_2130, %add3A_2131 : i32
          %get3A_2133 = arith.index_cast %add3A_2132 : i32 to index
          %get3A_2134 = arith.constant 16 : index
          %get3A_2135 = tpu.vector_load %arg8[%get3A_2133, %get3A_2134] {strides = array<i32>} : memref<400x128xf32, #tpu.memory_space<vmem>>, vector<1x16xf32>,
          %get3A_2136 = vector.shape_cast %get3A_2135 : vector<1x16xf32> to vector<16xf32>
          %add3A_2137 = arith.addf %get3A_2058, %get3A_2065 : vector<16xf32>
          %add3A_2138 = arith.constant 1 : i32
          %add3A_2139 = arith.addi %mul3A_2130, %add3A_2138 : i32
          %get3A_2140 = arith.index_cast %add3A_2139 : i32 to index
          %get3A_2141 = arith.constant 16 : index
          %get3A_2142 = tpu.vector_load %arg8[%get3A_2140, %get3A_2141] {strides = array<i32>} : memref<400x128xf32, #tpu.memory_space<vmem>>, vector<1x16xf32>,
          %get3A_2143 = vector.shape_cast %get3A_2142 : vector<1x16xf32> to vector<16xf32>
          %add3A_2144 = arith.addf %get3A_2072, %get3A_2079 : vector<16xf32>
          %add3A_2145 = arith.constant 2 : i32
          %add3A_2146 = arith.addi %mul3A_2130, %add3A_2145 : i32
          %get3A_2147 = arith.index_cast %add3A_2146 : i32 to index
          %get3A_2148 = arith.constant 16 : index
          %get3A_2149 = tpu.vector_load %arg8[%get3A_2147, %get3A_2148] {strides = array<i32>} : memref<400x128xf32, #tpu.memory_space<vmem>>, vector<1x16xf32>,
          %get3A_2150 = vector.shape_cast %get3A_2149 : vector<1x16xf32> to vector<16xf32>
          %add3A_2151 = arith.addf %get3A_2086, %get3A_2093 : vector<16xf32>
          %add3A_2152 = arith.constant 3 : i32
          %add3A_2153 = arith.addi %mul3A_2130, %add3A_2152 : i32
          %get3A_2154 = arith.index_cast %add3A_2153 : i32 to index
          %get3A_2155 = arith.constant 16 : index
          %get3A_2156 = tpu.vector_load %arg8[%get3A_2154, %get3A_2155] {strides = array<i32>} : memref<400x128xf32, #tpu.memory_space<vmem>>, vector<1x16xf32>,
          %get3A_2157 = vector.shape_cast %get3A_2156 : vector<1x16xf32> to vector<16xf32>
          %add3A_2158 = arith.addf %get3A_2100, %get3A_2107 : vector<16xf32>
          %add3A_2159 = arith.constant 4 : i32
          %add3A_2160 = arith.addi %mul3A_2130, %add3A_2159 : i32
          %get3A_2161 = arith.index_cast %add3A_2160 : i32 to index
          %get3A_2162 = arith.constant 16 : index
          %get3A_2163 = tpu.vector_load %arg8[%get3A_2161, %get3A_2162] {strides = array<i32>} : memref<400x128xf32, #tpu.memory_space<vmem>>, vector<1x16xf32>,
          %get3A_2164 = vector.shape_cast %get3A_2163 : vector<1x16xf32> to vector<16xf32>
          %add3A_2165 = arith.addf %get3A_2113, %get3A_2120 : vector<16xf32>
          %add3A_2166 = arith.constant 5 : i32
          %add3A_2167 = arith.addi %mul3A_2130, %add3A_2166 : i32
          %get3A_2168 = arith.index_cast %add3A_2167 : i32 to index
          %get3A_2169 = arith.constant 16 : index
          %get3A_2170 = tpu.vector_load %arg8[%get3A_2168, %get3A_2169] {strides = array<i32>} : memref<400x128xf32, #tpu.memory_space<vmem>>, vector<1x16xf32>,
          %get3A_2171 = vector.shape_cast %get3A_2170 : vector<1x16xf32> to vector<16xf32>
          %add3A_2172 = arith.addf %add3A_2137, %add3A_2144 : vector<16xf32>
          %add3A_2173 = arith.constant 6 : i32
          %add3A_2174 = arith.addi %mul3A_2130, %add3A_2173 : i32
          %get3A_2175 = arith.index_cast %add3A_2174 : i32 to index
          %get3A_2176 = arith.constant 16 : index
          %get3A_2177 = tpu.vector_load %arg8[%get3A_2175, %get3A_2176] {strides = array<i32>} : memref<400x128xf32, #tpu.memory_space<vmem>>, vector<1x16xf32>,
          %get3A_2178 = vector.shape_cast %get3A_2177 : vector<1x16xf32> to vector<16xf32>
          %add3A_2179 = arith.addf %add3A_2151, %add3A_2158 : vector<16xf32>
          %add3A_2180 = arith.constant 7 : i32
          %add3A_2181 = arith.addi %mul3A_2130, %add3A_2180 : i32
          %get3A_2182 = arith.index_cast %add3A_2181 : i32 to index
          %get3A_2183 = arith.constant 16 : index
          %get3A_2184 = tpu.vector_load %arg8[%get3A_2182, %get3A_2183] {strides = array<i32>} : memref<400x128xf32, #tpu.memory_space<vmem>>, vector<1x16xf32>,
          %get3A_2185 = vector.shape_cast %get3A_2184 : vector<1x16xf32> to vector<16xf32>
          %add3A_2186 = arith.constant 8 : i32
          %add3A_2187 = arith.addi %mul3A_2130, %add3A_2186 : i32
          %get3A_2188 = arith.index_cast %add3A_2187 : i32 to index
          %get3A_2189 = arith.constant 16 : index
          %get3A_2190 = tpu.vector_load %arg8[%get3A_2188, %get3A_2189] {strides = array<i32>} : memref<400x128xf32, #tpu.memory_space<vmem>>, vector<1x16xf32>,
          %get3A_2191 = vector.shape_cast %get3A_2190 : vector<1x16xf32> to vector<16xf32>
          %add3A_2192 = arith.addf %add3A_2172, %add3A_2179 : vector<16xf32>
          %add3A_2193 = arith.constant 9 : i32
          %add3A_2194 = arith.addi %mul3A_2130, %add3A_2193 : i32
          %get3A_2195 = arith.index_cast %add3A_2194 : i32 to index
          %get3A_2196 = arith.constant 16 : index
          %get3A_2197 = tpu.vector_load %arg8[%get3A_2195, %get3A_2196] {strides = array<i32>} : memref<400x128xf32, #tpu.memory_space<vmem>>, vector<1x16xf32>,
          %get3A_2198 = vector.shape_cast %get3A_2197 : vector<1x16xf32> to vector<16xf32>
          %add3A_2199 = arith.addf %add3A_2192, %add3A_2165 : vector<16xf32>
          %mul3A_2200 = vector.broadcast %scan3A_66 : f32 to vector<16xf32>
          %mul3A_2201 = arith.mulf %add3A_2199, %mul3A_2200 : vector<16xf32>
          %swap3A_2202 = arith.index_cast %add3A_182 : i32 to index
          %swap3A_2203 = arith.constant 0 : index
          %swap3A_2204 = tpu.vector_load %arg10[%swap3A_2202, %swap3A_2203] {strides = array<i32>} : memref<40x128xf32, #tpu.memory_space<vmem>>, vector<1x16xf32>,
          %swap3A_2205 = vector.shape_cast %swap3A_2204 : vector<1x16xf32> to vector<16xf32>
          %swap3A_2206 = vector.shape_cast %mul3A_2201 : vector<16xf32> to vector<1x16xf32>
          tpu.vector_store %arg10[%swap3A_2202, %swap3A_2203], %swap3A_2206 {strides = array<i32>} : memref<40x128xf32, #tpu.memory_space<vmem>>, vector<1x16xf32>,
          %mul3A_2207 = arith.constant 10 : i32
          %mul3A_2208 = arith.muli %add3A_186, %mul3A_2207 : i32
          %add3A_2209 = arith.constant 0 : i32
          %add3A_2210 = arith.addi %mul3A_2208, %add3A_2209 : i32
          %get3A_2211 = arith.index_cast %add3A_2210 : i32 to index
          %get3A_2212 = arith.constant 32 : index
          %get3A_2213 = tpu.vector_load %arg8[%get3A_2211, %get3A_2212] {strides = array<i32>} : memref<400x128xf32, #tpu.memory_space<vmem>>, vector<1x16xf32>,
          %get3A_2214 = vector.shape_cast %get3A_2213 : vector<1x16xf32> to vector<16xf32>
          %add3A_2215 = arith.addf %get3A_2136, %get3A_2143 : vector<16xf32>
          %add3A_2216 = arith.constant 1 : i32
          %add3A_2217 = arith.addi %mul3A_2208, %add3A_2216 : i32
          %get3A_2218 = arith.index_cast %add3A_2217 : i32 to index
          %get3A_2219 = arith.constant 32 : index
          %get3A_2220 = tpu.vector_load %arg8[%get3A_2218, %get3A_2219] {strides = array<i32>} : memref<400x128xf32, #tpu.memory_space<vmem>>, vector<1x16xf32>,
          %get3A_2221 = vector.shape_cast %get3A_2220 : vector<1x16xf32> to vector<16xf32>
          %add3A_2222 = arith.addf %get3A_2150, %get3A_2157 : vector<16xf32>
          %add3A_2223 = arith.constant 2 : i32
          %add3A_2224 = arith.addi %mul3A_2208, %add3A_2223 : i32
          %get3A_2225 = arith.index_cast %add3A_2224 : i32 to index
          %get3A_2226 = arith.constant 32 : index
          %get3A_2227 = tpu.vector_load %arg8[%get3A_2225, %get3A_2226] {strides = array<i32>} : memref<400x128xf32, #tpu.memory_space<vmem>>, vector<1x16xf32>,
          %get3A_2228 = vector.shape_cast %get3A_2227 : vector<1x16xf32> to vector<16xf32>
          %add3A_2229 = arith.addf %get3A_2164, %get3A_2171 : vector<16xf32>
          %add3A_2230 = arith.constant 3 : i32
          %add3A_2231 = arith.addi %mul3A_2208, %add3A_2230 : i32
          %get3A_2232 = arith.index_cast %add3A_2231 : i32 to index
          %get3A_2233 = arith.constant 32 : index
          %get3A_2234 = tpu.vector_load %arg8[%get3A_2232, %get3A_2233] {strides = array<i32>} : memref<400x128xf32, #tpu.memory_space<vmem>>, vector<1x16xf32>,
          %get3A_2235 = vector.shape_cast %get3A_2234 : vector<1x16xf32> to vector<16xf32>
          %add3A_2236 = arith.addf %get3A_2178, %get3A_2185 : vector<16xf32>
          %add3A_2237 = arith.constant 4 : i32
          %add3A_2238 = arith.addi %mul3A_2208, %add3A_2237 : i32
          %get3A_2239 = arith.index_cast %add3A_2238 : i32 to index
          %get3A_2240 = arith.constant 32 : index
          %get3A_2241 = tpu.vector_load %arg8[%get3A_2239, %get3A_2240] {strides = array<i32>} : memref<400x128xf32, #tpu.memory_space<vmem>>, vector<1x16xf32>,
          %get3A_2242 = vector.shape_cast %get3A_2241 : vector<1x16xf32> to vector<16xf32>
          %add3A_2243 = arith.addf %get3A_2191, %get3A_2198 : vector<16xf32>
          %add3A_2244 = arith.constant 5 : i32
          %add3A_2245 = arith.addi %mul3A_2208, %add3A_2244 : i32
          %get3A_2246 = arith.index_cast %add3A_2245 : i32 to index
          %get3A_2247 = arith.constant 32 : index
          %get3A_2248 = tpu.vector_load %arg8[%get3A_2246, %get3A_2247] {strides = array<i32>} : memref<400x128xf32, #tpu.memory_space<vmem>>, vector<1x16xf32>,
          %get3A_2249 = vector.shape_cast %get3A_2248 : vector<1x16xf32> to vector<16xf32>
          %add3A_2250 = arith.addf %add3A_2215, %add3A_2222 : vector<16xf32>
          %add3A_2251 = arith.constant 6 : i32
          %add3A_2252 = arith.addi %mul3A_2208, %add3A_2251 : i32
          %get3A_2253 = arith.index_cast %add3A_2252 : i32 to index
          %get3A_2254 = arith.constant 32 : index
          %get3A_2255 = tpu.vector_load %arg8[%get3A_2253, %get3A_2254] {strides = array<i32>} : memref<400x128xf32, #tpu.memory_space<vmem>>, vector<1x16xf32>,
          %get3A_2256 = vector.shape_cast %get3A_2255 : vector<1x16xf32> to vector<16xf32>
          %add3A_2257 = arith.addf %add3A_2229, %add3A_2236 : vector<16xf32>
          %add3A_2258 = arith.constant 7 : i32
          %add3A_2259 = arith.addi %mul3A_2208, %add3A_2258 : i32
          %get3A_2260 = arith.index_cast %add3A_2259 : i32 to index
          %get3A_2261 = arith.constant 32 : index
          %get3A_2262 = tpu.vector_load %arg8[%get3A_2260, %get3A_2261] {strides = array<i32>} : memref<400x128xf32, #tpu.memory_space<vmem>>, vector<1x16xf32>,
          %get3A_2263 = vector.shape_cast %get3A_2262 : vector<1x16xf32> to vector<16xf32>
          %add3A_2264 = arith.constant 8 : i32
          %add3A_2265 = arith.addi %mul3A_2208, %add3A_2264 : i32
          %get3A_2266 = arith.index_cast %add3A_2265 : i32 to index
          %get3A_2267 = arith.constant 32 : index
          %get3A_2268 = tpu.vector_load %arg8[%get3A_2266, %get3A_2267] {strides = array<i32>} : memref<400x128xf32, #tpu.memory_space<vmem>>, vector<1x16xf32>,
          %get3A_2269 = vector.shape_cast %get3A_2268 : vector<1x16xf32> to vector<16xf32>
          %add3A_2270 = arith.addf %add3A_2250, %add3A_2257 : vector<16xf32>
          %add3A_2271 = arith.constant 9 : i32
          %add3A_2272 = arith.addi %mul3A_2208, %add3A_2271 : i32
          %get3A_2273 = arith.index_cast %add3A_2272 : i32 to index
          %get3A_2274 = arith.constant 32 : index
          %get3A_2275 = tpu.vector_load %arg8[%get3A_2273, %get3A_2274] {strides = array<i32>} : memref<400x128xf32, #tpu.memory_space<vmem>>, vector<1x16xf32>,
          %get3A_2276 = vector.shape_cast %get3A_2275 : vector<1x16xf32> to vector<16xf32>
          %add3A_2277 = arith.addf %add3A_2270, %add3A_2243 : vector<16xf32>
          %mul3A_2278 = vector.broadcast %scan3A_66 : f32 to vector<16xf32>
          %mul3A_2279 = arith.mulf %add3A_2277, %mul3A_2278 : vector<16xf32>
          %swap3A_2280 = arith.index_cast %add3A_184 : i32 to index
          %swap3A_2281 = arith.constant 16 : index
          %swap3A_2282 = tpu.vector_load %arg10[%swap3A_2280, %swap3A_2281] {strides = array<i32>} : memref<40x128xf32, #tpu.memory_space<vmem>>, vector<1x16xf32>,
          %swap3A_2283 = vector.shape_cast %swap3A_2282 : vector<1x16xf32> to vector<16xf32>
          %swap3A_2284 = vector.shape_cast %mul3A_2279 : vector<16xf32> to vector<1x16xf32>
          tpu.vector_store %arg10[%swap3A_2280, %swap3A_2281], %swap3A_2284 {strides = array<i32>} : memref<40x128xf32, #tpu.memory_space<vmem>>, vector<1x16xf32>,
          %mul3A_2285 = arith.constant 10 : i32
          %mul3A_2286 = arith.muli %add3A_188, %mul3A_2285 : i32
          %add3A_2287 = arith.constant 0 : i32
          %add3A_2288 = arith.addi %mul3A_2286, %add3A_2287 : i32
          %get3A_2289 = arith.index_cast %add3A_2288 : i32 to index
          %get3A_2290 = arith.constant 48 : index
          %get3A_2291 = tpu.vector_load %arg8[%get3A_2289, %get3A_2290] {strides = array<i32>} : memref<400x128xf32, #tpu.memory_space<vmem>>, vector<1x16xf32>,
          %get3A_2292 = vector.shape_cast %get3A_2291 : vector<1x16xf32> to vector<16xf32>
          %add3A_2293 = arith.addf %get3A_2214, %get3A_2221 : vector<16xf32>
          %add3A_2294 = arith.constant 1 : i32
          %add3A_2295 = arith.addi %mul3A_2286, %add3A_2294 : i32
          %get3A_2296 = arith.index_cast %add3A_2295 : i32 to index
          %get3A_2297 = arith.constant 48 : index
          %get3A_2298 = tpu.vector_load %arg8[%get3A_2296, %get3A_2297] {strides = array<i32>} : memref<400x128xf32, #tpu.memory_space<vmem>>, vector<1x16xf32>,
          %get3A_2299 = vector.shape_cast %get3A_2298 : vector<1x16xf32> to vector<16xf32>
          %add3A_2300 = arith.addf %get3A_2228, %get3A_2235 : vector<16xf32>
          %add3A_2301 = arith.constant 2 : i32
          %add3A_2302 = arith.addi %mul3A_2286, %add3A_2301 : i32
          %get3A_2303 = arith.index_cast %add3A_2302 : i32 to index
          %get3A_2304 = arith.constant 48 : index
          %get3A_2305 = tpu.vector_load %arg8[%get3A_2303, %get3A_2304] {strides = array<i32>} : memref<400x128xf32, #tpu.memory_space<vmem>>, vector<1x16xf32>,
          %get3A_2306 = vector.shape_cast %get3A_2305 : vector<1x16xf32> to vector<16xf32>
          %add3A_2307 = arith.addf %get3A_2242, %get3A_2249 : vector<16xf32>
          %add3A_2308 = arith.constant 3 : i32
          %add3A_2309 = arith.addi %mul3A_2286, %add3A_2308 : i32
          %get3A_2310 = arith.index_cast %add3A_2309 : i32 to index
          %get3A_2311 = arith.constant 48 : index
          %get3A_2312 = tpu.vector_load %arg8[%get3A_2310, %get3A_2311] {strides = array<i32>} : memref<400x128xf32, #tpu.memory_space<vmem>>, vector<1x16xf32>,
          %get3A_2313 = vector.shape_cast %get3A_2312 : vector<1x16xf32> to vector<16xf32>
          %add3A_2314 = arith.addf %get3A_2256, %get3A_2263 : vector<16xf32>
          %add3A_2315 = arith.constant 4 : i32
          %add3A_2316 = arith.addi %mul3A_2286, %add3A_2315 : i32
          %get3A_2317 = arith.index_cast %add3A_2316 : i32 to index
          %get3A_2318 = arith.constant 48 : index
          %get3A_2319 = tpu.vector_load %arg8[%get3A_2317, %get3A_2318] {strides = array<i32>} : memref<400x128xf32, #tpu.memory_space<vmem>>, vector<1x16xf32>,
          %get3A_2320 = vector.shape_cast %get3A_2319 : vector<1x16xf32> to vector<16xf32>
          %add3A_2321 = arith.addf %get3A_2269, %get3A_2276 : vector<16xf32>
          %add3A_2322 = arith.constant 5 : i32
          %add3A_2323 = arith.addi %mul3A_2286, %add3A_2322 : i32
          %get3A_2324 = arith.index_cast %add3A_2323 : i32 to index
          %get3A_2325 = arith.constant 48 : index
          %get3A_2326 = tpu.vector_load %arg8[%get3A_2324, %get3A_2325] {strides = array<i32>} : memref<400x128xf32, #tpu.memory_space<vmem>>, vector<1x16xf32>,
          %get3A_2327 = vector.shape_cast %get3A_2326 : vector<1x16xf32> to vector<16xf32>
          %add3A_2328 = arith.addf %add3A_2293, %add3A_2300 : vector<16xf32>
          %add3A_2329 = arith.constant 6 : i32
          %add3A_2330 = arith.addi %mul3A_2286, %add3A_2329 : i32
          %get3A_2331 = arith.index_cast %add3A_2330 : i32 to index
          %get3A_2332 = arith.constant 48 : index
          %get3A_2333 = tpu.vector_load %arg8[%get3A_2331, %get3A_2332] {strides = array<i32>} : memref<400x128xf32, #tpu.memory_space<vmem>>, vector<1x16xf32>,
          %get3A_2334 = vector.shape_cast %get3A_2333 : vector<1x16xf32> to vector<16xf32>
          %add3A_2335 = arith.addf %add3A_2307, %add3A_2314 : vector<16xf32>
          %add3A_2336 = arith.constant 7 : i32
          %add3A_2337 = arith.addi %mul3A_2286, %add3A_2336 : i32
          %get3A_2338 = arith.index_cast %add3A_2337 : i32 to index
          %get3A_2339 = arith.constant 48 : index
          %get3A_2340 = tpu.vector_load %arg8[%get3A_2338, %get3A_2339] {strides = array<i32>} : memref<400x128xf32, #tpu.memory_space<vmem>>, vector<1x16xf32>,
          %get3A_2341 = vector.shape_cast %get3A_2340 : vector<1x16xf32> to vector<16xf32>
          %add3A_2342 = arith.constant 8 : i32
          %add3A_2343 = arith.addi %mul3A_2286, %add3A_2342 : i32
          %get3A_2344 = arith.index_cast %add3A_2343 : i32 to index
          %get3A_2345 = arith.constant 48 : index
          %get3A_2346 = tpu.vector_load %arg8[%get3A_2344, %get3A_2345] {strides = array<i32>} : memref<400x128xf32, #tpu.memory_space<vmem>>, vector<1x16xf32>,
          %get3A_2347 = vector.shape_cast %get3A_2346 : vector<1x16xf32> to vector<16xf32>
          %add3A_2348 = arith.addf %add3A_2328, %add3A_2335 : vector<16xf32>
          %add3A_2349 = arith.constant 9 : i32
          %add3A_2350 = arith.addi %mul3A_2286, %add3A_2349 : i32
          %get3A_2351 = arith.index_cast %add3A_2350 : i32 to index
          %get3A_2352 = arith.constant 48 : index
          %get3A_2353 = tpu.vector_load %arg8[%get3A_2351, %get3A_2352] {strides = array<i32>} : memref<400x128xf32, #tpu.memory_space<vmem>>, vector<1x16xf32>,
          %get3A_2354 = vector.shape_cast %get3A_2353 : vector<1x16xf32> to vector<16xf32>
          %add3A_2355 = arith.addf %add3A_2348, %add3A_2321 : vector<16xf32>
          %mul3A_2356 = vector.broadcast %scan3A_66 : f32 to vector<16xf32>
          %mul3A_2357 = arith.mulf %add3A_2355, %mul3A_2356 : vector<16xf32>
          %swap3A_2358 = arith.index_cast %add3A_186 : i32 to index
          %swap3A_2359 = arith.constant 32 : index
          %swap3A_2360 = tpu.vector_load %arg10[%swap3A_2358, %swap3A_2359] {strides = array<i32>} : memref<40x128xf32, #tpu.memory_space<vmem>>, vector<1x16xf32>,
          %swap3A_2361 = vector.shape_cast %swap3A_2360 : vector<1x16xf32> to vector<16xf32>
          %swap3A_2362 = vector.shape_cast %mul3A_2357 : vector<16xf32> to vector<1x16xf32>
          tpu.vector_store %arg10[%swap3A_2358, %swap3A_2359], %swap3A_2362 {strides = array<i32>} : memref<40x128xf32, #tpu.memory_space<vmem>>, vector<1x16xf32>,
          %mul3A_2363 = arith.constant 10 : i32
          %mul3A_2364 = arith.muli %add3A_190, %mul3A_2363 : i32
          %add3A_2365 = arith.constant 0 : i32
          %add3A_2366 = arith.addi %mul3A_2364, %add3A_2365 : i32
          %get3A_2367 = arith.index_cast %add3A_2366 : i32 to index
          %get3A_2368 = arith.constant 64 : index
          %get3A_2369 = tpu.vector_load %arg8[%get3A_2367, %get3A_2368] {strides = array<i32>} : memref<400x128xf32, #tpu.memory_space<vmem>>, vector<1x16xf32>,
          %get3A_2370 = vector.shape_cast %get3A_2369 : vector<1x16xf32> to vector<16xf32>
          %add3A_2371 = arith.addf %get3A_2292, %get3A_2299 : vector<16xf32>
          %add3A_2372 = arith.constant 1 : i32
          %add3A_2373 = arith.addi %mul3A_2364, %add3A_2372 : i32
          %get3A_2374 = arith.index_cast %add3A_2373 : i32 to index
          %get3A_2375 = arith.constant 64 : index
          %get3A_2376 = tpu.vector_load %arg8[%get3A_2374, %get3A_2375] {strides = array<i32>} : memref<400x128xf32, #tpu.memory_space<vmem>>, vector<1x16xf32>,
          %get3A_2377 = vector.shape_cast %get3A_2376 : vector<1x16xf32> to vector<16xf32>
          %add3A_2378 = arith.addf %get3A_2306, %get3A_2313 : vector<16xf32>
          %add3A_2379 = arith.constant 2 : i32
          %add3A_2380 = arith.addi %mul3A_2364, %add3A_2379 : i32
          %get3A_2381 = arith.index_cast %add3A_2380 : i32 to index
          %get3A_2382 = arith.constant 64 : index
          %get3A_2383 = tpu.vector_load %arg8[%get3A_2381, %get3A_2382] {strides = array<i32>} : memref<400x128xf32, #tpu.memory_space<vmem>>, vector<1x16xf32>,
          %get3A_2384 = vector.shape_cast %get3A_2383 : vector<1x16xf32> to vector<16xf32>
          %add3A_2385 = arith.addf %get3A_2320, %get3A_2327 : vector<16xf32>
          %add3A_2386 = arith.constant 3 : i32
          %add3A_2387 = arith.addi %mul3A_2364, %add3A_2386 : i32
          %get3A_2388 = arith.index_cast %add3A_2387 : i32 to index
          %get3A_2389 = arith.constant 64 : index
          %get3A_2390 = tpu.vector_load %arg8[%get3A_2388, %get3A_2389] {strides = array<i32>} : memref<400x128xf32, #tpu.memory_space<vmem>>, vector<1x16xf32>,
          %get3A_2391 = vector.shape_cast %get3A_2390 : vector<1x16xf32> to vector<16xf32>
          %add3A_2392 = arith.addf %get3A_2334, %get3A_2341 : vector<16xf32>
          %add3A_2393 = arith.constant 4 : i32
          %add3A_2394 = arith.addi %mul3A_2364, %add3A_2393 : i32
          %get3A_2395 = arith.index_cast %add3A_2394 : i32 to index
          %get3A_2396 = arith.constant 64 : index
          %get3A_2397 = tpu.vector_load %arg8[%get3A_2395, %get3A_2396] {strides = array<i32>} : memref<400x128xf32, #tpu.memory_space<vmem>>, vector<1x16xf32>,
          %get3A_2398 = vector.shape_cast %get3A_2397 : vector<1x16xf32> to vector<16xf32>
          %add3A_2399 = arith.addf %get3A_2347, %get3A_2354 : vector<16xf32>
          %add3A_2400 = arith.constant 5 : i32
          %add3A_2401 = arith.addi %mul3A_2364, %add3A_2400 : i32
          %get3A_2402 = arith.index_cast %add3A_2401 : i32 to index
          %get3A_2403 = arith.constant 64 : index
          %get3A_2404 = tpu.vector_load %arg8[%get3A_2402, %get3A_2403] {strides = array<i32>} : memref<400x128xf32, #tpu.memory_space<vmem>>, vector<1x16xf32>,
          %get3A_2405 = vector.shape_cast %get3A_2404 : vector<1x16xf32> to vector<16xf32>
          %add3A_2406 = arith.addf %add3A_2371, %add3A_2378 : vector<16xf32>
          %add3A_2407 = arith.constant 6 : i32
          %add3A_2408 = arith.addi %mul3A_2364, %add3A_2407 : i32
          %get3A_2409 = arith.index_cast %add3A_2408 : i32 to index
          %get3A_2410 = arith.constant 64 : index
          %get3A_2411 = tpu.vector_load %arg8[%get3A_2409, %get3A_2410] {strides = array<i32>} : memref<400x128xf32, #tpu.memory_space<vmem>>, vector<1x16xf32>,
          %get3A_2412 = vector.shape_cast %get3A_2411 : vector<1x16xf32> to vector<16xf32>
          %add3A_2413 = arith.addf %add3A_2385, %add3A_2392 : vector<16xf32>
          %add3A_2414 = arith.constant 7 : i32
          %add3A_2415 = arith.addi %mul3A_2364, %add3A_2414 : i32
          %get3A_2416 = arith.index_cast %add3A_2415 : i32 to index
          %get3A_2417 = arith.constant 64 : index
          %get3A_2418 = tpu.vector_load %arg8[%get3A_2416, %get3A_2417] {strides = array<i32>} : memref<400x128xf32, #tpu.memory_space<vmem>>, vector<1x16xf32>,
          %get3A_2419 = vector.shape_cast %get3A_2418 : vector<1x16xf32> to vector<16xf32>
          %add3A_2420 = arith.constant 8 : i32
          %add3A_2421 = arith.addi %mul3A_2364, %add3A_2420 : i32
          %get3A_2422 = arith.index_cast %add3A_2421 : i32 to index
          %get3A_2423 = arith.constant 64 : index
          %get3A_2424 = tpu.vector_load %arg8[%get3A_2422, %get3A_2423] {strides = array<i32>} : memref<400x128xf32, #tpu.memory_space<vmem>>, vector<1x16xf32>,
          %get3A_2425 = vector.shape_cast %get3A_2424 : vector<1x16xf32> to vector<16xf32>
          %add3A_2426 = arith.addf %add3A_2406, %add3A_2413 : vector<16xf32>
          %add3A_2427 = arith.constant 9 : i32
          %add3A_2428 = arith.addi %mul3A_2364, %add3A_2427 : i32
          %get3A_2429 = arith.index_cast %add3A_2428 : i32 to index
          %get3A_2430 = arith.constant 64 : index
          %get3A_2431 = tpu.vector_load %arg8[%get3A_2429, %get3A_2430] {strides = array<i32>} : memref<400x128xf32, #tpu.memory_space<vmem>>, vector<1x16xf32>,
          %get3A_2432 = vector.shape_cast %get3A_2431 : vector<1x16xf32> to vector<16xf32>
          %add3A_2433 = arith.addf %add3A_2426, %add3A_2399 : vector<16xf32>
          %mul3A_2434 = vector.broadcast %scan3A_66 : f32 to vector<16xf32>
          %mul3A_2435 = arith.mulf %add3A_2433, %mul3A_2434 : vector<16xf32>
          %swap3A_2436 = arith.index_cast %add3A_188 : i32 to index
          %swap3A_2437 = arith.constant 48 : index
          %swap3A_2438 = tpu.vector_load %arg10[%swap3A_2436, %swap3A_2437] {strides = array<i32>} : memref<40x128xf32, #tpu.memory_space<vmem>>, vector<1x16xf32>,
          %swap3A_2439 = vector.shape_cast %swap3A_2438 : vector<1x16xf32> to vector<16xf32>
          %swap3A_2440 = vector.shape_cast %mul3A_2435 : vector<16xf32> to vector<1x16xf32>
          tpu.vector_store %arg10[%swap3A_2436, %swap3A_2437], %swap3A_2440 {strides = array<i32>} : memref<40x128xf32, #tpu.memory_space<vmem>>, vector<1x16xf32>,
          %mul3A_2441 = arith.constant 10 : i32
          %mul3A_2442 = arith.muli %add3A_192, %mul3A_2441 : i32
          %add3A_2443 = arith.constant 0 : i32
          %add3A_2444 = arith.addi %mul3A_2442, %add3A_2443 : i32
          %get3A_2445 = arith.index_cast %add3A_2444 : i32 to index
          %get3A_2446 = arith.constant 80 : index
          %get3A_2447 = tpu.vector_load %arg8[%get3A_2445, %get3A_2446] {strides = array<i32>} : memref<400x128xf32, #tpu.memory_space<vmem>>, vector<1x16xf32>,
          %get3A_2448 = vector.shape_cast %get3A_2447 : vector<1x16xf32> to vector<16xf32>
          %add3A_2449 = arith.addf %get3A_2370, %get3A_2377 : vector<16xf32>
          %add3A_2450 = arith.constant 1 : i32
          %add3A_2451 = arith.addi %mul3A_2442, %add3A_2450 : i32
          %get3A_2452 = arith.index_cast %add3A_2451 : i32 to index
          %get3A_2453 = arith.constant 80 : index
          %get3A_2454 = tpu.vector_load %arg8[%get3A_2452, %get3A_2453] {strides = array<i32>} : memref<400x128xf32, #tpu.memory_space<vmem>>, vector<1x16xf32>,
          %get3A_2455 = vector.shape_cast %get3A_2454 : vector<1x16xf32> to vector<16xf32>
          %add3A_2456 = arith.addf %get3A_2384, %get3A_2391 : vector<16xf32>
          %add3A_2457 = arith.constant 2 : i32
          %add3A_2458 = arith.addi %mul3A_2442, %add3A_2457 : i32
          %get3A_2459 = arith.index_cast %add3A_2458 : i32 to index
          %get3A_2460 = arith.constant 80 : index
          %get3A_2461 = tpu.vector_load %arg8[%get3A_2459, %get3A_2460] {strides = array<i32>} : memref<400x128xf32, #tpu.memory_space<vmem>>, vector<1x16xf32>,
          %get3A_2462 = vector.shape_cast %get3A_2461 : vector<1x16xf32> to vector<16xf32>
          %add3A_2463 = arith.addf %get3A_2398, %get3A_2405 : vector<16xf32>
          %add3A_2464 = arith.constant 3 : i32
          %add3A_2465 = arith.addi %mul3A_2442, %add3A_2464 : i32
          %get3A_2466 = arith.index_cast %add3A_2465 : i32 to index
          %get3A_2467 = arith.constant 80 : index
          %get3A_2468 = tpu.vector_load %arg8[%get3A_2466, %get3A_2467] {strides = array<i32>} : memref<400x128xf32, #tpu.memory_space<vmem>>, vector<1x16xf32>,
          %get3A_2469 = vector.shape_cast %get3A_2468 : vector<1x16xf32> to vector<16xf32>
          %add3A_2470 = arith.addf %get3A_2412, %get3A_2419 : vector<16xf32>
          %add3A_2471 = arith.constant 4 : i32
          %add3A_2472 = arith.addi %mul3A_2442, %add3A_2471 : i32
          %get3A_2473 = arith.index_cast %add3A_2472 : i32 to index
          %get3A_2474 = arith.constant 80 : index
          %get3A_2475 = tpu.vector_load %arg8[%get3A_2473, %get3A_2474] {strides = array<i32>} : memref<400x128xf32, #tpu.memory_space<vmem>>, vector<1x16xf32>,
          %get3A_2476 = vector.shape_cast %get3A_2475 : vector<1x16xf32> to vector<16xf32>
          %add3A_2477 = arith.addf %get3A_2425, %get3A_2432 : vector<16xf32>
          %add3A_2478 = arith.constant 5 : i32
          %add3A_2479 = arith.addi %mul3A_2442, %add3A_2478 : i32
          %get3A_2480 = arith.index_cast %add3A_2479 : i32 to index
          %get3A_2481 = arith.constant 80 : index
          %get3A_2482 = tpu.vector_load %arg8[%get3A_2480, %get3A_2481] {strides = array<i32>} : memref<400x128xf32, #tpu.memory_space<vmem>>, vector<1x16xf32>,
          %get3A_2483 = vector.shape_cast %get3A_2482 : vector<1x16xf32> to vector<16xf32>
          %add3A_2484 = arith.addf %add3A_2449, %add3A_2456 : vector<16xf32>
          %add3A_2485 = arith.constant 6 : i32
          %add3A_2486 = arith.addi %mul3A_2442, %add3A_2485 : i32
          %get3A_2487 = arith.index_cast %add3A_2486 : i32 to index
          %get3A_2488 = arith.constant 80 : index
          %get3A_2489 = tpu.vector_load %arg8[%get3A_2487, %get3A_2488] {strides = array<i32>} : memref<400x128xf32, #tpu.memory_space<vmem>>, vector<1x16xf32>,
          %get3A_2490 = vector.shape_cast %get3A_2489 : vector<1x16xf32> to vector<16xf32>
          %add3A_2491 = arith.addf %add3A_2463, %add3A_2470 : vector<16xf32>
          %add3A_2492 = arith.constant 7 : i32
          %add3A_2493 = arith.addi %mul3A_2442, %add3A_2492 : i32
          %get3A_2494 = arith.index_cast %add3A_2493 : i32 to index
          %get3A_2495 = arith.constant 80 : index
          %get3A_2496 = tpu.vector_load %arg8[%get3A_2494, %get3A_2495] {strides = array<i32>} : memref<400x128xf32, #tpu.memory_space<vmem>>, vector<1x16xf32>,
          %get3A_2497 = vector.shape_cast %get3A_2496 : vector<1x16xf32> to vector<16xf32>
          %add3A_2498 = arith.constant 8 : i32
          %add3A_2499 = arith.addi %mul3A_2442, %add3A_2498 : i32
          %get3A_2500 = arith.index_cast %add3A_2499 : i32 to index
          %get3A_2501 = arith.constant 80 : index
          %get3A_2502 = tpu.vector_load %arg8[%get3A_2500, %get3A_2501] {strides = array<i32>} : memref<400x128xf32, #tpu.memory_space<vmem>>, vector<1x16xf32>,
          %get3A_2503 = vector.shape_cast %get3A_2502 : vector<1x16xf32> to vector<16xf32>
          %add3A_2504 = arith.addf %add3A_2484, %add3A_2491 : vector<16xf32>
          %add3A_2505 = arith.constant 9 : i32
          %add3A_2506 = arith.addi %mul3A_2442, %add3A_2505 : i32
          %get3A_2507 = arith.index_cast %add3A_2506 : i32 to index
          %get3A_2508 = arith.constant 80 : index
          %get3A_2509 = tpu.vector_load %arg8[%get3A_2507, %get3A_2508] {strides = array<i32>} : memref<400x128xf32, #tpu.memory_space<vmem>>, vector<1x16xf32>,
          %get3A_2510 = vector.shape_cast %get3A_2509 : vector<1x16xf32> to vector<16xf32>
          %add3A_2511 = arith.addf %add3A_2504, %add3A_2477 : vector<16xf32>
          %mul3A_2512 = vector.broadcast %scan3A_66 : f32 to vector<16xf32>
          %mul3A_2513 = arith.mulf %add3A_2511, %mul3A_2512 : vector<16xf32>
          %swap3A_2514 = arith.index_cast %add3A_190 : i32 to index
          %swap3A_2515 = arith.constant 64 : index
          %swap3A_2516 = tpu.vector_load %arg10[%swap3A_2514, %swap3A_2515] {strides = array<i32>} : memref<40x128xf32, #tpu.memory_space<vmem>>, vector<1x16xf32>,
          %swap3A_2517 = vector.shape_cast %swap3A_2516 : vector<1x16xf32> to vector<16xf32>
          %swap3A_2518 = vector.shape_cast %mul3A_2513 : vector<16xf32> to vector<1x16xf32>
          tpu.vector_store %arg10[%swap3A_2514, %swap3A_2515], %swap3A_2518 {strides = array<i32>} : memref<40x128xf32, #tpu.memory_space<vmem>>, vector<1x16xf32>,
          %mul3A_2519 = arith.constant 10 : i32
          %mul3A_2520 = arith.muli %add3A_194, %mul3A_2519 : i32
          %add3A_2521 = arith.constant 0 : i32
          %add3A_2522 = arith.addi %mul3A_2520, %add3A_2521 : i32
          %get3A_2523 = arith.index_cast %add3A_2522 : i32 to index
          %get3A_2524 = arith.constant 96 : index
          %get3A_2525 = tpu.vector_load %arg8[%get3A_2523, %get3A_2524] {strides = array<i32>} : memref<400x128xf32, #tpu.memory_space<vmem>>, vector<1x16xf32>,
          %get3A_2526 = vector.shape_cast %get3A_2525 : vector<1x16xf32> to vector<16xf32>
          %add3A_2527 = arith.addf %get3A_2448, %get3A_2455 : vector<16xf32>
          %add3A_2528 = arith.constant 1 : i32
          %add3A_2529 = arith.addi %mul3A_2520, %add3A_2528 : i32
          %get3A_2530 = arith.index_cast %add3A_2529 : i32 to index
          %get3A_2531 = arith.constant 96 : index
          %get3A_2532 = tpu.vector_load %arg8[%get3A_2530, %get3A_2531] {strides = array<i32>} : memref<400x128xf32, #tpu.memory_space<vmem>>, vector<1x16xf32>,
          %get3A_2533 = vector.shape_cast %get3A_2532 : vector<1x16xf32> to vector<16xf32>
          %add3A_2534 = arith.addf %get3A_2462, %get3A_2469 : vector<16xf32>
          %add3A_2535 = arith.constant 2 : i32
          %add3A_2536 = arith.addi %mul3A_2520, %add3A_2535 : i32
          %get3A_2537 = arith.index_cast %add3A_2536 : i32 to index
          %get3A_2538 = arith.constant 96 : index
          %get3A_2539 = tpu.vector_load %arg8[%get3A_2537, %get3A_2538] {strides = array<i32>} : memref<400x128xf32, #tpu.memory_space<vmem>>, vector<1x16xf32>,
          %get3A_2540 = vector.shape_cast %get3A_2539 : vector<1x16xf32> to vector<16xf32>
          %add3A_2541 = arith.addf %get3A_2476, %get3A_2483 : vector<16xf32>
          %add3A_2542 = arith.constant 3 : i32
          %add3A_2543 = arith.addi %mul3A_2520, %add3A_2542 : i32
          %get3A_2544 = arith.index_cast %add3A_2543 : i32 to index
          %get3A_2545 = arith.constant 96 : index
          %get3A_2546 = tpu.vector_load %arg8[%get3A_2544, %get3A_2545] {strides = array<i32>} : memref<400x128xf32, #tpu.memory_space<vmem>>, vector<1x16xf32>,
          %get3A_2547 = vector.shape_cast %get3A_2546 : vector<1x16xf32> to vector<16xf32>
          %add3A_2548 = arith.addf %get3A_2490, %get3A_2497 : vector<16xf32>
          %add3A_2549 = arith.constant 4 : i32
          %add3A_2550 = arith.addi %mul3A_2520, %add3A_2549 : i32
          %get3A_2551 = arith.index_cast %add3A_2550 : i32 to index
          %get3A_2552 = arith.constant 96 : index
          %get3A_2553 = tpu.vector_load %arg8[%get3A_2551, %get3A_2552] {strides = array<i32>} : memref<400x128xf32, #tpu.memory_space<vmem>>, vector<1x16xf32>,
          %get3A_2554 = vector.shape_cast %get3A_2553 : vector<1x16xf32> to vector<16xf32>
          %add3A_2555 = arith.addf %get3A_2503, %get3A_2510 : vector<16xf32>
          %add3A_2556 = arith.constant 5 : i32
          %add3A_2557 = arith.addi %mul3A_2520, %add3A_2556 : i32
          %get3A_2558 = arith.index_cast %add3A_2557 : i32 to index
          %get3A_2559 = arith.constant 96 : index
          %get3A_2560 = tpu.vector_load %arg8[%get3A_2558, %get3A_2559] {strides = array<i32>} : memref<400x128xf32, #tpu.memory_space<vmem>>, vector<1x16xf32>,
          %get3A_2561 = vector.shape_cast %get3A_2560 : vector<1x16xf32> to vector<16xf32>
          %add3A_2562 = arith.addf %add3A_2527, %add3A_2534 : vector<16xf32>
          %add3A_2563 = arith.constant 6 : i32
          %add3A_2564 = arith.addi %mul3A_2520, %add3A_2563 : i32
          %get3A_2565 = arith.index_cast %add3A_2564 : i32 to index
          %get3A_2566 = arith.constant 96 : index
          %get3A_2567 = tpu.vector_load %arg8[%get3A_2565, %get3A_2566] {strides = array<i32>} : memref<400x128xf32, #tpu.memory_space<vmem>>, vector<1x16xf32>,
          %get3A_2568 = vector.shape_cast %get3A_2567 : vector<1x16xf32> to vector<16xf32>
          %add3A_2569 = arith.addf %add3A_2541, %add3A_2548 : vector<16xf32>
          %add3A_2570 = arith.constant 7 : i32
          %add3A_2571 = arith.addi %mul3A_2520, %add3A_2570 : i32
          %get3A_2572 = arith.index_cast %add3A_2571 : i32 to index
          %get3A_2573 = arith.constant 96 : index
          %get3A_2574 = tpu.vector_load %arg8[%get3A_2572, %get3A_2573] {strides = array<i32>} : memref<400x128xf32, #tpu.memory_space<vmem>>, vector<1x16xf32>,
          %get3A_2575 = vector.shape_cast %get3A_2574 : vector<1x16xf32> to vector<16xf32>
          %add3A_2576 = arith.constant 8 : i32
          %add3A_2577 = arith.addi %mul3A_2520, %add3A_2576 : i32
          %get3A_2578 = arith.index_cast %add3A_2577 : i32 to index
          %get3A_2579 = arith.constant 96 : index
          %get3A_2580 = tpu.vector_load %arg8[%get3A_2578, %get3A_2579] {strides = array<i32>} : memref<400x128xf32, #tpu.memory_space<vmem>>, vector<1x16xf32>,
          %get3A_2581 = vector.shape_cast %get3A_2580 : vector<1x16xf32> to vector<16xf32>
          %add3A_2582 = arith.addf %add3A_2562, %add3A_2569 : vector<16xf32>
          %add3A_2583 = arith.constant 9 : i32
          %add3A_2584 = arith.addi %mul3A_2520, %add3A_2583 : i32
          %get3A_2585 = arith.index_cast %add3A_2584 : i32 to index
          %get3A_2586 = arith.constant 96 : index
          %get3A_2587 = tpu.vector_load %arg8[%get3A_2585, %get3A_2586] {strides = array<i32>} : memref<400x128xf32, #tpu.memory_space<vmem>>, vector<1x16xf32>,
          %get3A_2588 = vector.shape_cast %get3A_2587 : vector<1x16xf32> to vector<16xf32>
          %add3A_2589 = arith.addf %add3A_2582, %add3A_2555 : vector<16xf32>
          %mul3A_2590 = vector.broadcast %scan3A_66 : f32 to vector<16xf32>
          %mul3A_2591 = arith.mulf %add3A_2589, %mul3A_2590 : vector<16xf32>
          %swap3A_2592 = arith.index_cast %add3A_192 : i32 to index
          %swap3A_2593 = arith.constant 80 : index
          %swap3A_2594 = tpu.vector_load %arg10[%swap3A_2592, %swap3A_2593] {strides = array<i32>} : memref<40x128xf32, #tpu.memory_space<vmem>>, vector<1x16xf32>,
          %swap3A_2595 = vector.shape_cast %swap3A_2594 : vector<1x16xf32> to vector<16xf32>
          %swap3A_2596 = vector.shape_cast %mul3A_2591 : vector<16xf32> to vector<1x16xf32>
          tpu.vector_store %arg10[%swap3A_2592, %swap3A_2593], %swap3A_2596 {strides = array<i32>} : memref<40x128xf32, #tpu.memory_space<vmem>>, vector<1x16xf32>,
          %mul3A_2597 = arith.constant 10 : i32
          %mul3A_2598 = arith.muli %add3A_196, %mul3A_2597 : i32
          %add3A_2599 = arith.constant 0 : i32
          %add3A_2600 = arith.addi %mul3A_2598, %add3A_2599 : i32
          %get3A_2601 = arith.index_cast %add3A_2600 : i32 to index
          %get3A_2602 = arith.constant 112 : index
          %get3A_2603 = tpu.vector_load %arg8[%get3A_2601, %get3A_2602] {strides = array<i32>} : memref<400x128xf32, #tpu.memory_space<vmem>>, vector<1x16xf32>,
          %get3A_2604 = vector.shape_cast %get3A_2603 : vector<1x16xf32> to vector<16xf32>
          %add3A_2605 = arith.addf %get3A_2526, %get3A_2533 : vector<16xf32>
          %add3A_2606 = arith.constant 1 : i32
          %add3A_2607 = arith.addi %mul3A_2598, %add3A_2606 : i32
          %get3A_2608 = arith.index_cast %add3A_2607 : i32 to index
          %get3A_2609 = arith.constant 112 : index
          %get3A_2610 = tpu.vector_load %arg8[%get3A_2608, %get3A_2609] {strides = array<i32>} : memref<400x128xf32, #tpu.memory_space<vmem>>, vector<1x16xf32>,
          %get3A_2611 = vector.shape_cast %get3A_2610 : vector<1x16xf32> to vector<16xf32>
          %add3A_2612 = arith.addf %get3A_2540, %get3A_2547 : vector<16xf32>
          %add3A_2613 = arith.constant 2 : i32
          %add3A_2614 = arith.addi %mul3A_2598, %add3A_2613 : i32
          %get3A_2615 = arith.index_cast %add3A_2614 : i32 to index
          %get3A_2616 = arith.constant 112 : index
          %get3A_2617 = tpu.vector_load %arg8[%get3A_2615, %get3A_2616] {strides = array<i32>} : memref<400x128xf32, #tpu.memory_space<vmem>>, vector<1x16xf32>,
          %get3A_2618 = vector.shape_cast %get3A_2617 : vector<1x16xf32> to vector<16xf32>
          %add3A_2619 = arith.addf %get3A_2554, %get3A_2561 : vector<16xf32>
          %add3A_2620 = arith.constant 3 : i32
          %add3A_2621 = arith.addi %mul3A_2598, %add3A_2620 : i32
          %get3A_2622 = arith.index_cast %add3A_2621 : i32 to index
          %get3A_2623 = arith.constant 112 : index
          %get3A_2624 = tpu.vector_load %arg8[%get3A_2622, %get3A_2623] {strides = array<i32>} : memref<400x128xf32, #tpu.memory_space<vmem>>, vector<1x16xf32>,
          %get3A_2625 = vector.shape_cast %get3A_2624 : vector<1x16xf32> to vector<16xf32>
          %add3A_2626 = arith.addf %get3A_2568, %get3A_2575 : vector<16xf32>
          %add3A_2627 = arith.constant 4 : i32
          %add3A_2628 = arith.addi %mul3A_2598, %add3A_2627 : i32
          %get3A_2629 = arith.index_cast %add3A_2628 : i32 to index
          %get3A_2630 = arith.constant 112 : index
          %get3A_2631 = tpu.vector_load %arg8[%get3A_2629, %get3A_2630] {strides = array<i32>} : memref<400x128xf32, #tpu.memory_space<vmem>>, vector<1x16xf32>,
          %get3A_2632 = vector.shape_cast %get3A_2631 : vector<1x16xf32> to vector<16xf32>
          %add3A_2633 = arith.addf %get3A_2581, %get3A_2588 : vector<16xf32>
          %add3A_2634 = arith.constant 5 : i32
          %add3A_2635 = arith.addi %mul3A_2598, %add3A_2634 : i32
          %get3A_2636 = arith.index_cast %add3A_2635 : i32 to index
          %get3A_2637 = arith.constant 112 : index
          %get3A_2638 = tpu.vector_load %arg8[%get3A_2636, %get3A_2637] {strides = array<i32>} : memref<400x128xf32, #tpu.memory_space<vmem>>, vector<1x16xf32>,
          %get3A_2639 = vector.shape_cast %get3A_2638 : vector<1x16xf32> to vector<16xf32>
          %add3A_2640 = arith.addf %add3A_2605, %add3A_2612 : vector<16xf32>
          %add3A_2641 = arith.constant 6 : i32
          %add3A_2642 = arith.addi %mul3A_2598, %add3A_2641 : i32
          %get3A_2643 = arith.index_cast %add3A_2642 : i32 to index
          %get3A_2644 = arith.constant 112 : index
          %get3A_2645 = tpu.vector_load %arg8[%get3A_2643, %get3A_2644] {strides = array<i32>} : memref<400x128xf32, #tpu.memory_space<vmem>>, vector<1x16xf32>,
          %get3A_2646 = vector.shape_cast %get3A_2645 : vector<1x16xf32> to vector<16xf32>
          %add3A_2647 = arith.addf %add3A_2619, %add3A_2626 : vector<16xf32>
          %add3A_2648 = arith.constant 7 : i32
          %add3A_2649 = arith.addi %mul3A_2598, %add3A_2648 : i32
          %get3A_2650 = arith.index_cast %add3A_2649 : i32 to index
          %get3A_2651 = arith.constant 112 : index
          %get3A_2652 = tpu.vector_load %arg8[%get3A_2650, %get3A_2651] {strides = array<i32>} : memref<400x128xf32, #tpu.memory_space<vmem>>, vector<1x16xf32>,
          %get3A_2653 = vector.shape_cast %get3A_2652 : vector<1x16xf32> to vector<16xf32>
          %add3A_2654 = arith.constant 8 : i32
          %add3A_2655 = arith.addi %mul3A_2598, %add3A_2654 : i32
          %get3A_2656 = arith.index_cast %add3A_2655 : i32 to index
          %get3A_2657 = arith.constant 112 : index
          %get3A_2658 = tpu.vector_load %arg8[%get3A_2656, %get3A_2657] {strides = array<i32>} : memref<400x128xf32, #tpu.memory_space<vmem>>, vector<1x16xf32>,
          %get3A_2659 = vector.shape_cast %get3A_2658 : vector<1x16xf32> to vector<16xf32>
          %add3A_2660 = arith.addf %add3A_2640, %add3A_2647 : vector<16xf32>
          %add3A_2661 = arith.constant 9 : i32
          %add3A_2662 = arith.addi %mul3A_2598, %add3A_2661 : i32
          %get3A_2663 = arith.index_cast %add3A_2662 : i32 to index
          %get3A_2664 = arith.constant 112 : index
          %get3A_2665 = tpu.vector_load %arg8[%get3A_2663, %get3A_2664] {strides = array<i32>} : memref<400x128xf32, #tpu.memory_space<vmem>>, vector<1x16xf32>,
          %get3A_2666 = vector.shape_cast %get3A_2665 : vector<1x16xf32> to vector<16xf32>
          %add3A_2667 = arith.addf %add3A_2660, %add3A_2633 : vector<16xf32>
          %mul3A_2668 = vector.broadcast %scan3A_66 : f32 to vector<16xf32>
          %mul3A_2669 = arith.mulf %add3A_2667, %mul3A_2668 : vector<16xf32>
          %swap3A_2670 = arith.index_cast %add3A_194 : i32 to index
          %swap3A_2671 = arith.constant 96 : index
          %swap3A_2672 = tpu.vector_load %arg10[%swap3A_2670, %swap3A_2671] {strides = array<i32>} : memref<40x128xf32, #tpu.memory_space<vmem>>, vector<1x16xf32>,
          %swap3A_2673 = vector.shape_cast %swap3A_2672 : vector<1x16xf32> to vector<16xf32>
          %swap3A_2674 = vector.shape_cast %mul3A_2669 : vector<16xf32> to vector<1x16xf32>
          tpu.vector_store %arg10[%swap3A_2670, %swap3A_2671], %swap3A_2674 {strides = array<i32>} : memref<40x128xf32, #tpu.memory_space<vmem>>, vector<1x16xf32>,
          %add3A_2675 = arith.addf %get3A_2604, %get3A_2611 : vector<16xf32>
          %add3A_2676 = arith.addf %get3A_2618, %get3A_2625 : vector<16xf32>
          %add3A_2677 = arith.addf %get3A_2632, %get3A_2639 : vector<16xf32>
          %add3A_2678 = arith.addf %get3A_2646, %get3A_2653 : vector<16xf32>
          %add3A_2679 = arith.addf %get3A_2659, %get3A_2666 : vector<16xf32>
          %add3A_2680 = arith.addf %add3A_2675, %add3A_2676 : vector<16xf32>
          %add3A_2681 = arith.addf %add3A_2677, %add3A_2678 : vector<16xf32>
          %add3A_2682 = arith.addf %add3A_2680, %add3A_2681 : vector<16xf32>
          %add3A_2683 = arith.addf %add3A_2682, %add3A_2679 : vector<16xf32>
          %mul3A_2684 = vector.broadcast %scan3A_66 : f32 to vector<16xf32>
          %mul3A_2685 = arith.mulf %add3A_2683, %mul3A_2684 : vector<16xf32>
          %swap3A_2686 = arith.index_cast %add3A_196 : i32 to index
          %swap3A_2687 = arith.constant 112 : index
          %swap3A_2688 = tpu.vector_load %arg10[%swap3A_2686, %swap3A_2687] {strides = array<i32>} : memref<40x128xf32, #tpu.memory_space<vmem>>, vector<1x16xf32>,
          %swap3A_2689 = vector.shape_cast %swap3A_2688 : vector<1x16xf32> to vector<16xf32>
          %swap3A_2690 = vector.shape_cast %mul3A_2685 : vector<16xf32> to vector<1x16xf32>
          tpu.vector_store %arg10[%swap3A_2686, %swap3A_2687], %swap3A_2690 {strides = array<i32>} : memref<40x128xf32, #tpu.memory_space<vmem>>, vector<1x16xf32>,
        }
        %scan3A_118 = arith.constant 10 : i32
        %mul3A_119 = arith.constant 40 : i32
        %mul3A_120 = arith.muli %add3A, %mul3A_119 : i32
        %add3A_121 = arith.addi %mul3A_120, %scan3A_84 : i32
        %mul3A_122 = arith.constant 40 : i32
        %mul3A_123 = arith.muli %add3A_121, %mul3A_122 : i32
        %min3A_124 = arith.constant 49960 : i32
        %min3A_125 = arith.minsi %mul3A_123, %min3A_124 : i32
        %dma_start3A_126 = arith.constant 0 : i32
        %dma_start3A_127 = tpu.memref_slice %arg4[%min3A_125, %dma_start3A_126] : memref<50000x128xf32, #tpu.memory_space<hbm>> -> memref<40x128xf32, #tpu.memory_space<hbm>>
        %dma_start3A_128 = arith.constant 0 : i32
        %dma_start3A_129 = tpu.memref_slice %arg4[%min3A_125, %dma_start3A_128] : memref<50000x128xf32, #tpu.memory_space<hbm>> -> memref<40x128xf32, #tpu.memory_space<hbm>>
        tpu.enqueue_dma source(%arg10 : memref<40x128xf32, #tpu.memory_space<vmem>>) target(%dma_start3A_129 : memref<40x128xf32, #tpu.memory_space<hbm>>) target_semaphore(%arg13 : memref<!tpu.dma_semaphore, #tpu.memory_space<semaphore_mem>>)
      } else {
      }
    }
    %scan3A_71 = arith.constant 40 : i32
    %dma_wait3A_72 = arith.constant 0 : i32
    %dma_wait3A_73 = arith.constant 0 : i32
    %dma_wait3A_74 = tpu.memref_slice %arg4[%dma_wait3A_72, %dma_wait3A_73] : memref<50000x128xf32, #tpu.memory_space<hbm>> -> memref<40x128xf32, #tpu.memory_space<hbm>>
    %dma_wait3A_75 = arith.constant 0 : i32
    %dma_wait3A_76 = arith.constant 0 : i32
    %dma_wait3A_77 = tpu.memref_slice %arg4[%dma_wait3A_75, %dma_wait3A_76] : memref<50000x128xf32, #tpu.memory_space<hbm>> -> memref<40x128xf32, #tpu.memory_space<hbm>>
    tpu.wait_dma2 semaphore(%arg13 : memref<!tpu.dma_semaphore, #tpu.memory_space<semaphore_mem>>) src(%arg9 : memref<40x128xf32, #tpu.memory_space<vmem>>) dst(%dma_wait3A_77 : memref<40x128xf32, #tpu.memory_space<hbm>>)
    %dma_wait3A_78 = arith.constant 0 : i32
    %dma_wait3A_79 = arith.constant 0 : i32
    %dma_wait3A_80 = tpu.memref_slice %arg4[%dma_wait3A_78, %dma_wait3A_79] : memref<50000x128xf32, #tpu.memory_space<hbm>> -> memref<40x128xf32, #tpu.memory_space<hbm>>
    %dma_wait3A_81 = arith.constant 0 : i32
    %dma_wait3A_82 = arith.constant 0 : i32
    %dma_wait3A_83 = tpu.memref_slice %arg4[%dma_wait3A_81, %dma_wait3A_82] : memref<50000x128xf32, #tpu.memory_space<hbm>> -> memref<40x128xf32, #tpu.memory_space<hbm>>
    tpu.wait_dma2 semaphore(%arg13 : memref<!tpu.dma_semaphore, #tpu.memory_space<semaphore_mem>>) src(%arg9 : memref<40x128xf32, #tpu.memory_space<vmem>>) dst(%dma_wait3A_83 : memref<40x128xf32, #tpu.memory_space<hbm>>)
    return
  }
}

</mosaic_0001>

<sc_bundles>
// kernel: kernel.3.cloned.1.call-start
scs
__scs_entry_jumppad:
0x0: {  	(pc) =	sbr.rel $0x88, $3  }
0x1: {  	(tag) =	ssettag $0x0;
	lr =	simm.s32 $0x1  }
0x2: {  	[smem:$0x3F9F] =	sst lr;
	_ =	strace $0xD0000000  }
0x3: {  	_ = 	snop  }
0x4: {  	_ = 	snop  }
0x5: {  	_ = 	snop  }
0x6: {  	_ = 	snop  }
0x7: {  	_ = 	snop  }
__scs_overlays_trampoline_lowered:
0x8: {  	[smem:$0x3FAE] =	sst s0  }
0x9: {  	[smem:$0x3FAF] =	sst s1  }
0xa: {  	[smem:$0x3FB0] =	sst s2  }
0xb: {  	[smem:$0x3FB1] =	sst s3  }
0xc: {  	[smem:$0x3FB2] =	sst s4  }
0xd: {  	[smem:$0x3FB3] =	sst s5  }
0xe: {  	[smem:$0x3FB4] =	sst s6  }
0xf: {  	[smem:$0x3FB5] =	sst s7  }
0x10: {  	[smem:$0x3FB6] =	sst s8  }
0x11: {  	[smem:$0x3FB7] =	sst s9;
	s0 =	simm.s32 @!p0 $0x0  }
0x12: {  	s1 =	sld [smem:$0x3F9D];
	s0 =	simm.s32 @p0 $0x1  }
0x13: {  	[smem:$0x3FB8] =	sst s0;
	s0 =	simm.s32 @!p1 $0x0  }
0x14: {  	s2 =	sld [smem:$0x3F9C];
	s0 =	simm.s32 @p1 $0x1  }
0x15: {  	[smem:$0x3FB9] =	sst s0;
	s0 =	simm.s32 @!p2 $0x0  }
0x16: {  	s3 =	sld [smem:$0x3FDB];
	s0 =	simm.s32 @p2 $0x1  }
0x17: {  	s4 =	simm.s32 $0x1BF5;
	[smem:$0x3FBB] =	sst s0  }
0x18: {  	s0 =	sld [smem:$0x3F9E];
	_ =	swait.ge [sflag:s4], $0x0  }
0x19: {  	s7 =	sld [smem:$0x3F9F]  }
0x1a: {  	s8 =	sadd.s32 $0xFFFFE003, lr  }
0x1b: {  	s9 =	sadd.s32 $0xFFFFFEF7, lr;
	s5 =	simm.s32 $0xFFFFFFFF;
	p2 =	slt.u32 s8, $0xFFFFF086  }
0x1c: {  	p1 =	slt.u32 s9, $0xF7A;
	s5 =	simm.s32 @!p2 $0x0  }
0x1d: {  	s5 =	simm.s32 @p1 $0x1;
	p0 =	seq.s32 s7, s2  }
0x1e: {  	s7 =	smul.u32 @!p0 $0xF7A, s2;
	p2 =	seq.s32 @!p0 s5, $0x0  }
0x1f: {  	s9 =	smul.u32 $0xF7A, s1;
	s8 =	simm.s32 @!p0 $0x1BF5;
	p2 =	por !p2, p0  }
0x20: {  	[sflag:s8] =	ssyncset.s32 @!p0 $0xFFFFF086;
	s6 =	sadd.s32 @!p0 s3, s7;
	s7 =	simm.s32 @!p0 $0x108  }
0x21: {  	s3 =	sadd.s32 s3, s9;
	s6 =	sadd.s32 @!p0 $0x88, s6;
	s7 =	simm.s32 @p2 $0x1082  }
0x22: {  	[simem:s7], [sflag:s8] =	dma.local @!p0 [hbm:s6], $0xF7A  }
0x23: {  	s9 =	sor.u32 $0xD0000000, s2;
	s6 =	simm.s32 $0x108;
	_ =	swait.ge @!p0 [sflag:s8], $0x0  }
0x24: {  	s3 =	sadd.s32 $0x88, s3;
	s6 =	simm.s32 @!p1 $0x1082;
	[sflag:s4] =	ssyncset.s32 $0xFFFFF086  }
0x25: {  	[simem:s6], [sflag:s4] =	dma.local [hbm:s3], $0xF7A  }
0x26: {  	[smem:$0x3F9F] =	sst s1;
	(tag) =	ssettag s2;
	_ =	strace s9  }
0x27: {  	s1 =	sld [smem:$0x3FAF]  }
0x28: {  	s2 =	sld [smem:$0x3FB0]  }
0x29: {  	s4 =	sld [smem:$0x3FB2]  }
0x2a: {  	p0 =	seq.s32 s5, $0x0;
	s5 =	sld [smem:$0x3FB3]  }
0x2b: {  	s6 =	sld [smem:$0x3FB4]  }
0x2c: {  	s7 =	sld [smem:$0x3FB5]  }
0x2d: {  	s3 =	simm.s32 $0x108;
	s8 =	sld [smem:$0x3FB6]  }
0x2e: {  	s3 =	simm.s32 @!p0 $0x1082;
	s9 =	sld [smem:$0x3FB7]  }
0x2f: {  	lr =	sadd.s32 s0, s3;
	s0 =	sld [smem:$0x3FAE]  }
0x30: {  	s3 =	sld [smem:$0x3FB1]  }
0x31: {  	[smem:$0x3FBA] =	sst s10  }
0x32: {  	s10 =	sld [smem:$0x3FB8];
	_ =	sdelay $0x3  }
0x33: {  	p0 =	seq.s32 s10, $0x1;
	s10 =	sld [smem:$0x3FBA];
	_ =	sdelay $0x3  }
0x34: {  	[smem:$0x3FBA] =	sst s10  }
0x35: {  	s10 =	sld [smem:$0x3FB9];
	_ =	sdelay $0x3  }
0x36: {  	p1 =	seq.s32 s10, $0x1;
	s10 =	sld [smem:$0x3FBA];
	_ =	sdelay $0x3  }
0x37: {  	[smem:$0x3FBA] =	sst s10  }
0x38: {  	s10 =	sld [smem:$0x3FBB]  }
0x39: {  	_ = 	snop;
	(pc) =	sbr.ind lr, $3  }
0x3a: {  	_ = 	snop  }
0x3b: {  	_ = 	snop  }
0x3c: {  	p2 =	seq.s32 s10, $0x1;
	s10 =	sld [smem:$0x3FBA]  }
0x3d: {  	_ =	shalt  }
0x3e: {  	_ =	shalt  }
0x3f: {  	_ =	shalt  }
0x40: {  	_ =	shalt  }
0x41: {  	_ =	shalt  }
0x42: {  	_ =	shalt  }
0x43: {  	_ =	shalt  }
0x44: {  	_ =	shalt  }
0x45: {  	_ =	shalt  }
0x46: {  	_ =	shalt  }
0x47: {  	_ =	shalt  }
0x48: {  	_ =	shalt  }
0x49: {  	_ =	shalt  }
0x4a: {  	_ =	shalt  }
0x4b: {  	_ =	shalt  }
0x4c: {  	_ =	shalt  }
0x4d: {  	_ =	shalt  }
0x4e: {  	_ =	shalt  }
0x4f: {  	_ =	shalt  }
0x50: {  	_ =	shalt  }
0x51: {  	_ =	shalt  }
0x52: {  	_ =	shalt  }
0x53: {  	_ =	shalt  }
0x54: {  	_ =	shalt  }
0x55: {  	_ =	shalt  }
0x56: {  	_ =	shalt  }
0x57: {  	_ =	shalt  }
0x58: {  	_ =	shalt  }
0x59: {  	_ =	shalt  }
0x5a: {  	_ =	shalt  }
0x5b: {  	_ =	shalt  }
0x5c: {  	_ =	shalt  }
0x5d: {  	_ =	shalt  }
0x5e: {  	_ =	shalt  }
0x5f: {  	_ =	shalt  }
0x60: {  	_ =	shalt  }
0x61: {  	_ =	shalt  }
0x62: {  	_ =	shalt  }
0x63: {  	_ =	shalt  }
0x64: {  	_ =	shalt  }
0x65: {  	_ =	shalt  }
0x66: {  	_ =	shalt  }
0x67: {  	_ =	shalt  }
0x68: {  	_ =	shalt  }
0x69: {  	_ =	shalt  }
0x6a: {  	_ =	shalt  }
0x6b: {  	_ =	shalt  }
0x6c: {  	_ =	shalt  }
0x6d: {  	_ =	shalt  }
0x6e: {  	_ =	shalt  }
0x6f: {  	_ =	shalt  }
0x70: {  	_ =	shalt  }
0x71: {  	_ =	shalt  }
0x72: {  	_ =	shalt  }
0x73: {  	_ =	shalt  }
0x74: {  	_ =	shalt  }
0x75: {  	_ =	shalt  }
0x76: {  	_ =	shalt  }
0x77: {  	_ =	shalt  }
0x78: {  	_ =	shalt  }
0x79: {  	_ =	shalt  }
0x7a: {  	_ =	shalt  }
0x7b: {  	_ =	shalt  }
0x7c: {  	_ =	shalt  }
0x7d: {  	_ =	shalt  }
0x7e: {  	_ =	shalt  }
0x7f: {  	_ =	shalt  }
0x80: {  	_ =	shalt  }
0x81: {  	_ =	shalt  }
0x82: {  	_ =	shalt  }
0x83: {  	_ =	shalt  }
0x84: {  	_ =	shalt  }
0x85: {  	_ =	shalt  }
0x86: {  	_ =	shalt  }
0x87: {  	_ =	shalt  }
.Lfunc_end0:
.L_simem_size_0:
called_computation_lowered:
.L_overlay_start_0:
0x88: {  	s2 =	sld [smem:$0x3FD9]  }
0x89: {  	s3 =	sld [smem:$0x3FFE];
	_ =	sdelay $0x1  }
0x8a: {  	s1 =	srdreg.scid  }
0x8b: {  	s0 =	sand.u32 $0x1, s1  }
0x8c: {  	s17 =	sshll.u32 s0, $0xA;
	s2 =	sadd.s32 s3, s2  }
0x8d: {  	s2 =	sadd.s32 s2, s17  }
0x8e: {  	[smem:$0x3FC6] =	sst s2  }
0x8f: {  	_ = 	snop  }
0x90: {  	s2 =	sld [smem:$0x3FC9]  }
0x91: {  	s18 =	sld [smem:$0x3FD0];
	(tm) =	ssettm $0x1  }
0x92: {  	s4 =	sld [smem:$0x3FFB];
	_ =	sdelay $0x3  }
0x93: {  	_ =	strace s4  }
0x94: {  	s4 =	sld [smem:$0x3FFC];
	_ =	sdelay $0x3  }
0x95: {  	_ =	strace s4  }
0x96: {  	s4 =	sld [smem:$0x3FFD];
	_ =	sdelay $0x3  }
0x97: {  	_ =	strace s4  }
0x98: {  	_ =	strace $0x8FFFFFFF  }
0x99: {  	s19 =	sld [smem:$0x3FDB];
	_ =	sdelay $0x1  }
0x9a: {  	s5 =	simm.s32 $_scs_section_size  }
0x9b: {  	s6 =	simm.s32 $_size__tile_overlayer_lowered;
	s7 =	simm.s32 $_tile_overlayer_lowered  }
0x9c: {  	s22 =	simm.s32 $0x1BFF;
	s21 =	sshll.u32 s7, $0x1;
	s4 =	sadd.s32 s5, s19  }
0x9d: {  	s8 =	simm.s32 $0x0;
	s20 =	sshll.u32 s6, $0x1;
	s6 =	sadd.s32 s21, s4  }
0x9e: {  	[timem:s8], [sflag:s22] =	dma.local [hbm:s6], s20  }
0x9f: {  	_ =	swait.ge [sflag:s22], s20  }
0xa0: {  	s5 =	ssub.s32 $0x0, s20;
	[sflag:s22] =	ssyncset.done $0x0  }
0xa1: {  	[sflag:s22] =	ssyncadd.s32 s5;
	_ =	sdelay $0x1  }
0xa2: {  	s23 =	simm.s32 $0x1B8B  }
0xa3: {  	_ =	swait.ge [sflag:s23], $0x1  }
0xa4: {  	[sflag:s23] =	ssyncset.done $0x0  }
0xa5: {  	s25 =	simm.s32 $0x1B8E;
	s24 =	sld [smem:$0x3FFE];
	[sflag:s23] =	ssyncadd.s32 $0xFFFFFFFF  }
0xa6: {  	s26 =	simm.s32 $execute0_lowered;
	[smem:$0x3FD2] =	sst s25  }
0xa7: {  	s6 =	sshll.u32 s26, $0x1;
	_ =	strace $0x80000046;
	[dreg:$0x1] =	wrdreg $0xFFFFFFFF  }
0xa8: {  	s28 =	simm.s32 $_size_execute0_lowered;
	s4 =	sadd.s32 s4, s6;
	[dreg:$0x0] =	wrdreg $0x0  }
0xa9: {  	s6 =	sshll.u32 s28, $0x1;
	[dreg:$0x2] =	wrdreg s4  }
0xaa: {  	[dreg:$0x3] =	wrdreg s6  }
0xab: {  	[dreg:$0x4] =	wrdreg $0xC0  }
0xac: {  	_ =	task [dreg:s8], $0x5FFFF  }
0xad: {  	[dreg:$0x1] =	wrdreg $0xFFFFFFFF  }
0xae: {  	[dreg:$0x0] =	wrdreg $0x60  }
0xaf: {  	[dreg:$0x2] =	wrdreg s2  }
0xb0: {  	[dreg:$0x3] =	wrdreg s24  }
0xb1: {  	[dreg:$0x4] =	wrdreg s18  }
0xb2: {  	[dreg:$0x5] =	wrdreg $0x9  }
0xb3: {  	_ =	task.clear_ibuf [dreg:s8], $0x6FFFF;
	_ =	strace $0x90000046  }
0xb4: {  	s29 =	simm.s32 $0x9;
	_ =	strace $0x80000048  }
0xb5: {  	_ =	swait.ge [sflag:s29], $0x1  }
0xb6: {  	[sflag:s29] =	ssyncadd.s32 $0xFFFFFFFF  }
0xb7: {  	_ =	strace $0x90000048  }
0xb8: {  	_ =	sfence  }
0xb9: {  	s30 =	sld [smem:$0x0];
	_ =	sdelay $0x2  }
0xba: {  	s31 =	sshll.u32 s1, $0xD;
	s1 =	sshrl.u32 s1, $0x2  }
0xbb: {  	s3 =	sand.u32 $0x4000, s31;
	s1 =	sadd.s32 s1, s30  }
0xbc: {  	s0 =	sor.u32 s3, s0;
	s1 =	sshll.u32 s1, $0x11  }
0xbd: {  	s0 =	sor.u32 s1, s0  }
0xbe: {  	s0 =	sadd.s32 $0x8F2B, s0  }
0xbf: {  	[sflag:s0] =	ssyncadd.remote.s32 $0x1  }
0xc0: {  	_ =	sfence.sel $0xFFFF  }
0xc1: {  	[dreg:$0x0] =	wrdreg $0xFFFFFFFF;
	(pc) =	sbr.abs _section_cstart, $3  }
0xc2: {  	[dreg:$0x1] =	wrdreg $0xFFFFFFFF  }
0xc3: {  	_ =	task.clear_ibuf [dreg:s8], $0x2FFFF;
	_ =	strace $0x9FFFFFFF  }
0xc4: {  	(tm) =	ssettm $0x7FFFFFFF  }
0xc5: {  	_ =	shalt  }
tec
execute0_lowered:
.L_overlay_start_1:
0x0: {  	(tag) =	ssettag $0x1  }
0x1: {  	s1 =	rddreg [dreg:$0x0]  }
0x2: {  	s0 =	rddreg [dreg:$0x1]  }
0x3: {  	s2 =	srdreg.scid;
	s4 =	stileid.u32  }
0x4: {  	s3 =	rddreg [dreg:$0x2];
	s11 =	simm.s32 $0x1;
	s12 =	simm.s32 $0x200  }
0x5: {  	s13 =	simm.s32 $0x50;
	s14 =	simm.s32 $0x400;
	s15 =	simm.s32 $0x2C00  }
0x6: {  	s16 =	simm.s32 $0xA0;
	s17 =	simm.s32 $0x5400;
	s18 =	simm.s32 $0xF0  }
0x7: {  	s19 =	simm.s32 $0x7C00;
	s20 =	simm.s32 $0x140;
	s21 =	simm.s32 $0xA400  }
0x8: {  	s22 =	simm.s32 $0x2;
	s2 =	sand.u32 $0x1, s2;
	s5 =	sshll.u32 s4, $0x1  }
0x9: {  	s23 =	simm.s32 $0x3;
	s30 =	simm.s32 $0x2F0;
	s6 =	sor.u32 s2, s5  }
0xa: {  	s31 =	simm.s32 $0x14400;
	s4 =	simm.s32 $0x0;
	s7 =	smul.u32 $0x3E80, s6  }
0xb: {  	[smem:$0x7FF] =	sst s4;
	s26 =	ssub.s32 $0x2, s2;
	s28 =	smul.u32 $0x7D0, s6  }
0xc: {  	s5 =	sadd.s32 $0x400, s0;
	s8 =	sshrl.u32 s26, $0x1;
	s6 =	smul.u32 $0x28, s6  }
.Ltmp0:
0xd: {  	_ =	strace $0x80000047;
	s0 =	ssub.s32 s26, s8;
	(pc) =	sbr.rel .LBB2_1-.Ltmp0, $4  }
0xe: {  	s7 =	sshrl.u32 s7, $0x3;
	s2 =	sadd.s32 s5, s28;
	s9 =	sor.u32 $0x2, s6  }
0xf: {  	s0 =	smax.u32 s0, $0x1;
	s7 =	sadd.s32 s5, s7;
	[dreg:$0x4] =	wrdreg s2  }
0x10: {  	[dreg:$0x6] =	wrdreg s0;
	s2 =	simm.s32 $0x340;
	s29 =	sadd.s32 $0x32, s7  }
0x11: {  	s0 =	simm.s32 $0x16C00;
	s7 =	simm.s32 $0x0;
	[dreg:$0x5] =	wrdreg s29  }
.LBB2_21:
0x12: {  	_ =	swait.ge [sflag:s23], $0x1400  }
0x13: {  	[sflag:s23] =	ssyncset.done $0x0  }
0x14: {  	[sflag:s23] =	ssyncadd.s32 $0xFFFFEC00  }
0x15: {  	_ =	swait.ge [sflag:s23], $0x1400  }
0x16: {  	s7 =	sadd.s32 $0x1, s7;
	s8 =	rddreg [dreg:$0x6]  }
0x17: {  	p0 =	sne.s32 s7, s8  }
.Ltmp1:
0x18: {  	_ = 	snop;
	(pc) =	sbr.rel @!p0 .LBB2_22-.Ltmp1, $3  }
0x19: {  	_ =	sdelay $0x1  }
0x1a: {  	[sflag:s23] =	ssyncset.done $0x0  }
0x1b: {  	[sflag:s23] =	ssyncadd.s32 $0xFFFFEC00  }
.LBB2_1:
0x1c: {  	s8 =	rddreg [dreg:$0x4]  }
0x1d: {  	[tilespmem:s4], [sflag:$0x1] =	stream.linear.gather [hbm4b:s8+s4], $0x190, $0x38;
	[tilespmem:$0x1BC00] =	vst v63  }
0x1e: {  	_ =	swait.ge [sflag:s11], $0x190  }
0x1f: {  	[sflag:s11] =	ssyncset.done $0x0  }
0x20: {  	s29 =	rddreg [dreg:$0x5];
	[sflag:s11] =	ssyncadd.s32 $0xFFFFFE70  }
0x21: {  	[tilespmem:s12], [sflag:$0x1] =	stream.linear.gather [hbm4b:s29+s4], $0x190, $0x38;
	[tilespmem:$0x1BC00] =	vst v63  }
0x22: {  	_ = 	snop  }
0x23: {  	[tilespmem:s14], [sflag:$0x2] =	stream.indirect.gather [hbm4b:s1+s13], $0x80, s4, s13, $0xb8;
	[tilespmem:$0x1BC00] =	vst v63  }
0x24: {  	_ = 	snop  }
0x25: {  	[tilespmem:s15], [sflag:$0x2] =	stream.indirect.gather [hbm4b:s1+s13], $0x80, s13, s13, $0xb8;
	[tilespmem:$0x1BC00] =	vst v63  }
0x26: {  	_ = 	snop  }
0x27: {  	[tilespmem:s17], [sflag:$0x2] =	stream.indirect.gather [hbm4b:s1+s13], $0x80, s16, s13, $0xb8;
	[tilespmem:$0x1BC00] =	vst v63  }
.Ltmp2:
0x28: {  	_ = 	snop;
	(pc) =	sbr.rel .LBB2_2-.Ltmp2, $4  }
0x29: {  	_ = 	snop  }
0x2a: {  	[tilespmem:s19], [sflag:$0x2] =	stream.indirect.gather [hbm4b:s1+s13], $0x80, s18, s13, $0xb8;
	[tilespmem:$0x1BC00] =	vst v63  }
0x2b: {  	s8 =	simm.s32 $0x0  }
0x2c: {  	[tilespmem:s21], [sflag:$0x2] =	stream.indirect.gather [hbm4b:s1+s13], $0x80, s20, s13, $0xb8;
	[tilespmem:$0x1BC00] =	vst v63  }
.LBB2_20:
0x2d: {  	s24 =	sadd.s32 s6, s8;
	s8 =	sadd.s32 $0x1, s8  }
0x2e: {  	s24 =	smul.u32 $0x28, s24;
	p0 =	sne.s32 s8, $0x28  }
.Ltmp3:
0x2f: {  	_ = 	snop;
	(pc) =	sbr.rel @!p0 .LBB2_21-.Ltmp3, $4  }
0x30: {  	s24 =	smin.u32 s24, $0xC328  }
0x31: {  	s24 =	sshll.u32 s24, $0x4  }
0x32: {  	s24 =	sadd.s32 s3, s24  }
0x33: {  	[hbm4b:s24+s4] =	stream.linear.scatter [tilespmem:s10], [sflag:$0x3], $0x1400, $0x38;
	[tilespmem:$0x1BC00] =	vst v63  }
.LBB2_2:
0x34: {  	p0 =	sgt.u32 s8, $0x25  }
.Ltmp4:
0x35: {  	_ = 	snop;
	(pc) =	sbr.rel @p0 .LBB2_7-.Ltmp4, $4  }
0x36: {  	_ = 	snop  }
0x37: {  	_ =	swait.ge [sflag:s22], $0xC800  }
0x38: {  	[sflag:s22] =	ssyncset.done $0x0  }
0x39: {  	[sflag:s22] =	ssyncadd.s32 $0xFFFF3800  }
0x3a: {  	s10 =	sadd.s32 s8, s9  }
0x3b: {  	s24 =	sand.u32 $0x1, s8;
	s10 =	smul.u32 $0x28, s10  }
0x3c: {  	p0 =	seq.s32 s24, $0x1  }
.Ltmp5:
0x3d: {  	s10 =	smin.u32 s10, $0xC328;
	(pc) =	sbr.rel @!p0 .LBB2_4-.Ltmp5, $3  }
0x3e: {  	s10 =	smul.u32 $0xA, s10;
	_ =	sdelay $0x1  }
0x3f: {  	s10 =	sshrl.u32 s10, $0x3  }
0x40: {  	s10 =	sadd.s32 s5, s10  }
.Ltmp6:
0x41: {  	(pc) =	sbr.rel .LBB2_13-.Ltmp6, $4  }
0x42: {  	[tilespmem:s12], [sflag:$0x1] =	stream.linear.gather [hbm4b:s10+s4], $0x190, $0x38;
	[tilespmem:$0x1BC00] =	vst v63  }
0x43: {  	_ =	swait.ge [sflag:s11], $0x190  }
0x44: {  	[sflag:s11] =	ssyncset.done $0x0  }
0x45: {  	[sflag:s11] =	ssyncadd.s32 $0xFFFFFE70  }
.LBB2_7:
0x46: {  	p0 =	sne.s32 s8, $0x27  }
.Ltmp7:
0x47: {  	_ = 	snop;
	(pc) =	sbr.rel @p0 .LBB2_12-.Ltmp7, $1  }
0x48: {  	_ =	sdelay $0x3  }
.Ltmp8:
0x49: {  	(pc) =	sbr.rel .LBB2_9-.Ltmp8, $4  }
0x4a: {  	_ = 	snop  }
0x4b: {  	_ =	swait.ge [sflag:s23], $0x1400  }
0x4c: {  	[sflag:s23] =	ssyncset.done $0x0  }
0x4d: {  	[sflag:s23] =	ssyncadd.s32 $0xFFFFEC00  }
.LBB2_4:
.Ltmp9:
0x4e: {  	(pc) =	sbr.rel .LBB2_5-.Ltmp9, $4  }
0x4f: {  	[tilespmem:s4], [sflag:$0x1] =	stream.linear.gather [hbm4b:s10+s4], $0x190, $0x38;
	[tilespmem:$0x1BC00] =	vst v63  }
0x50: {  	_ =	swait.ge [sflag:s11], $0x190  }
0x51: {  	[sflag:s11] =	ssyncset.done $0x0  }
0x52: {  	[sflag:s11] =	ssyncadd.s32 $0xFFFFFE70  }
.LBB2_12:
0x53: {  	s10 =	sand.u32 $0x1, s8  }
0x54: {  	p0 =	seq.s32 s10, $0x0  }
.Ltmp10:
0x55: {  	_ = 	snop;
	(pc) =	sbr.rel @p0 .LBB2_5-.Ltmp10, $4  }
0x56: {  	_ = 	snop  }
0x57: {  	_ =	swait.ge [sflag:s11], $0x190  }
0x58: {  	[sflag:s11] =	ssyncset.done $0x0  }
0x59: {  	[sflag:s11] =	ssyncadd.s32 $0xFFFFFE70  }
.LBB2_13:
0x5a: {  	[tilespmem:s14], [sflag:$0x2] =	stream.indirect.gather [hbm4b:s1+s13], $0x80, s4, s13, $0xb8;
	[tilespmem:$0x1BC00] =	vst v63  }
0x5b: {  	_ = 	snop  }
0x5c: {  	[tilespmem:s15], [sflag:$0x2] =	stream.indirect.gather [hbm4b:s1+s13], $0x80, s13, s13, $0xb8;
	[tilespmem:$0x1BC00] =	vst v63  }
0x5d: {  	_ = 	snop  }
0x5e: {  	[tilespmem:s17], [sflag:$0x2] =	stream.indirect.gather [hbm4b:s1+s13], $0x80, s16, s13, $0xb8;
	[tilespmem:$0x1BC00] =	vst v63  }
.Ltmp11:
0x5f: {  	_ = 	snop;
	(pc) =	sbr.rel .LBB2_14-.Ltmp11, $4  }
0x60: {  	_ = 	snop  }
0x61: {  	[tilespmem:s19], [sflag:$0x2] =	stream.indirect.gather [hbm4b:s1+s13], $0x80, s18, s13, $0xb8;
	[tilespmem:$0x1BC00] =	vst v63  }
0x62: {  	p0 =	por $0x1, $0x1  }
0x63: {  	[tilespmem:s21], [sflag:$0x2] =	stream.indirect.gather [hbm4b:s1+s13], $0x80, s20, s13, $0xb8;
	[tilespmem:$0x1BC00] =	vst v63  }
.LBB2_5:
0x64: {  	s10 =	simm.s32 $0xCC00  }
0x65: {  	[tilespmem:s10], [sflag:$0x2] =	stream.indirect.gather [hbm4b:s1+s13], $0x80, s12, s13, $0xb8;
	[tilespmem:$0x1BC00] =	vst v63  }
0x66: {  	s26 =	simm.s32 $0x250;
	s24 =	simm.s32 $0xF400  }
0x67: {  	[tilespmem:s24], [sflag:$0x2] =	stream.indirect.gather [hbm4b:s1+s13], $0x80, s26, s13, $0xb8;
	[tilespmem:$0x1BC00] =	vst v63  }
0x68: {  	s28 =	simm.s32 $0x2A0;
	s29 =	simm.s32 $0x11C00  }
0x69: {  	[tilespmem:s29], [sflag:$0x2] =	stream.indirect.gather [hbm4b:s1+s13], $0x80, s28, s13, $0xb8;
	[tilespmem:$0x1BC00] =	vst v63  }
0x6a: {  	_ = 	snop  }
0x6b: {  	[tilespmem:s31], [sflag:$0x2] =	stream.indirect.gather [hbm4b:s1+s13], $0x80, s30, s13, $0xb8;
	[tilespmem:$0x1BC00] =	vst v63  }
0x6c: {  	p0 =	por $0x0, $0x0  }
0x6d: {  	[tilespmem:s0], [sflag:$0x2] =	stream.indirect.gather [hbm4b:s1+s13], $0x80, s2, s13, $0xb8;
	[tilespmem:$0x1BC00] =	vst v63  }
.LBB2_14:
0x6e: {  	p1 =	slt.u32 s8, $0x2  }
.Ltmp12:
0x6f: {  	_ = 	snop;
	(pc) =	sbr.rel @p1 .LBB2_16-.Ltmp12, $1  }
0x70: {  	_ =	sdelay $0x3  }
.Ltmp13:
0x71: {  	(pc) =	sbr.rel @p0 .LBB2_9-.Ltmp13, $4  }
0x72: {  	_ = 	snop  }
0x73: {  	_ =	swait.ge [sflag:s23], $0x1400  }
0x74: {  	[sflag:s23] =	ssyncset.done $0x0  }
0x75: {  	[sflag:s23] =	ssyncadd.s32 $0xFFFFEC00  }
.LBB2_17:
0x76: {  	s10 =	simm.s32 $0x0  }
.LBB2_18:
0x77: {  	s24 =	smul.u32 $0x5000, s10;
	_ =	sdelay $0x1  }
0x78: {  	s25 =	sshra.s32 s24, $0x2  }
0x79: {  	v0 =	vld [tilespmem:s25+$0x400]  }
0x7a: {  	v1 =	vld [tilespmem:s25+$0x480]  }
0x7b: {  	v2 =	vld [tilespmem:s25+$0x500]  }
0x7c: {  	v3 =	vld [tilespmem:s25+$0x580]  }
0x7d: {  	v4 =	vld [tilespmem:s25+$0x600]  }
0x7e: {  	v5 =	vld [tilespmem:s25+$0x680]  }
0x7f: {  	v6 =	vld [tilespmem:s25+$0x700]  }
0x80: {  	v7 =	vld [tilespmem:s25+$0x780]  }
0x81: {  	v8 =	vld [tilespmem:s25+$0x800]  }
0x82: {  	v9 =	vld [tilespmem:s25+$0x880]  }
0x83: {  	v10 =	vld [tilespmem:s25+$0x410]  }
0x84: {  	v21 =	vld [tilespmem:s25+$0x490];
	v0 =	vadd.f32 v1, v0;
	v20 =	vadd.f32 v3, v2  }
0x85: {  	v24 =	vld [tilespmem:s25+$0x510];
	v22 =	vadd.f32 v5, v4;
	v23 =	vadd.f32 v7, v6  }
0x86: {  	v25 =	vld [tilespmem:s25+$0x590]  }
0x87: {  	v27 =	vld [tilespmem:s25+$0x610];
	v0 =	vadd.f32 v20, v0;
	v26 =	vadd.f32 v23, v22  }
0x88: {  	v29 =	vld [tilespmem:s25+$0x690]  }
0x89: {  	v30 =	vld [tilespmem:s25+$0x710];
	v28 =	vadd.f32 v9, v8;
	v0 =	vadd.f32 v26, v0  }
0x8a: {  	v31 =	vld [tilespmem:s25+$0x790]  }
0x8b: {  	v0 =	vadd.f32 v28, v0;
	_ =	sdelay $0x1  }
0x8c: {  	s26 =	sshll.u32 s10, $0x9;
	v32 =	vld [tilespmem:s25+$0x810];
	v0 =	vmul.f32 $1.000000010e-01, v0  }
0x8d: {  	s26 =	sand.u32 $0x3FFFFE00, s26;
	v33 =	vld [tilespmem:s25+$0x890];
	v34 =	vadd.f32 v21, v10;
	v35 =	vadd.f32 v25, v24  }
0x8e: {  	v3 =	vadd.f32 v29, v27;
	v1 =	vadd.f32 v31, v30;
	[tilespmem:s26+$0x19400] =	vst v0  }
0x8f: {  	v36 =	vld [tilespmem:s25+$0x420]  }
0x90: {  	v1 =	vadd.f32 v1, v3;
	v0 =	vadd.f32 v35, v34;
	v37 =	vld [tilespmem:s25+$0x4A0]  }
0x91: {  	v38 =	vld [tilespmem:s25+$0x520]  }
0x92: {  	v4 =	vadd.f32 v33, v32;
	v39 =	vld [tilespmem:s25+$0x5A0];
	v0 =	vadd.f32 v1, v0  }
0x93: {  	v40 =	vld [tilespmem:s25+$0x620]  }
0x94: {  	v41 =	vld [tilespmem:s25+$0x6A0];
	v0 =	vadd.f32 v4, v0  }
0x95: {  	v42 =	vld [tilespmem:s25+$0x720]  }
0x96: {  	v43 =	vld [tilespmem:s25+$0x7A0];
	v0 =	vmul.f32 $1.000000010e-01, v0  }
0x97: {  	v44 =	vld [tilespmem:s25+$0x820]  }
0x98: {  	v45 =	vld [tilespmem:s25+$0x8A0];
	[tilespmem:s26+$0x19410] =	vst v0  }
0x99: {  	v0 =	vld [tilespmem:s25+$0x430]  }
0x9a: {  	v5 =	vadd.f32 v37, v36;
	v2 =	vadd.f32 v39, v38;
	v46 =	vld [tilespmem:s25+$0x4B0]  }
0x9b: {  	v1 =	vadd.f32 v41, v40;
	v47 =	vadd.f32 v43, v42;
	v48 =	vld [tilespmem:s25+$0x530]  }
0x9c: {  	v49 =	vld [tilespmem:s25+$0x5B0]  }
0x9d: {  	v2 =	vadd.f32 v2, v5;
	v1 =	vadd.f32 v47, v1;
	v50 =	vld [tilespmem:s25+$0x630]  }
0x9e: {  	v52 =	vld [tilespmem:s25+$0x6B0]  }
0x9f: {  	v51 =	vadd.f32 v45, v44;
	v53 =	vld [tilespmem:s25+$0x730];
	v1 =	vadd.f32 v1, v2  }
0xa0: {  	v54 =	vld [tilespmem:s25+$0x7B0]  }
0xa1: {  	v1 =	vadd.f32 v51, v1;
	_ =	sdelay $0x1  }
0xa2: {  	v55 =	vld [tilespmem:s25+$0x830];
	v1 =	vmul.f32 $1.000000010e-01, v1  }
0xa3: {  	v56 =	vld [tilespmem:s25+$0x8B0];
	v0 =	vadd.f32 v46, v0;
	v57 =	vadd.f32 v49, v48  }
0xa4: {  	v3 =	vadd.f32 v52, v50;
	v2 =	vadd.f32 v54, v53;
	[tilespmem:s26+$0x19420] =	vst v1  }
0xa5: {  	v58 =	vld [tilespmem:s25+$0x440]  }
0xa6: {  	v0 =	vadd.f32 v57, v0;
	v61 =	vadd.f32 v2, v3;
	v59 =	vld [tilespmem:s25+$0x4C0]  }
0xa7: {  	v60 =	vld [tilespmem:s25+$0x540]  }
0xa8: {  	v5 =	vadd.f32 v56, v55;
	v62 =	vld [tilespmem:s25+$0x5C0];
	v0 =	vadd.f32 v61, v0  }
0xa9: {  	v63 =	vld [tilespmem:s25+$0x640]  }
0xaa: {  	v12 =	vld [tilespmem:s25+$0x6C0];
	v0 =	vadd.f32 v5, v0  }
0xab: {  	v13 =	vld [tilespmem:s25+$0x740]  }
0xac: {  	v14 =	vld [tilespmem:s25+$0x7C0];
	v0 =	vmul.f32 $1.000000010e-01, v0  }
0xad: {  	v15 =	vld [tilespmem:s25+$0x840]  }
0xae: {  	v16 =	vld [tilespmem:s25+$0x8C0];
	[tilespmem:s26+$0x19430] =	vst v0  }
0xaf: {  	v0 =	vld [tilespmem:s25+$0x450]  }
0xb0: {  	v4 =	vadd.f32 v59, v58;
	v2 =	vadd.f32 v62, v60;
	v17 =	vld [tilespmem:s25+$0x4D0]  }
0xb1: {  	v1 =	vadd.f32 v12, v63;
	v18 =	vadd.f32 v14, v13;
	v19 =	vld [tilespmem:s25+$0x550]  }
0xb2: {  	v20 =	vld [tilespmem:s25+$0x5D0]  }
0xb3: {  	v2 =	vadd.f32 v2, v4;
	v1 =	vadd.f32 v18, v1;
	v21 =	vld [tilespmem:s25+$0x650]  }
0xb4: {  	v23 =	vld [tilespmem:s25+$0x6D0]  }
0xb5: {  	v22 =	vadd.f32 v16, v15;
	v24 =	vld [tilespmem:s25+$0x750];
	v1 =	vadd.f32 v1, v2  }
0xb6: {  	v25 =	vld [tilespmem:s25+$0x7D0]  }
0xb7: {  	v1 =	vadd.f32 v22, v1;
	_ =	sdelay $0x1  }
0xb8: {  	v26 =	vld [tilespmem:s25+$0x850];
	v1 =	vmul.f32 $1.000000010e-01, v1  }
0xb9: {  	v27 =	vld [tilespmem:s25+$0x8D0];
	v0 =	vadd.f32 v17, v0;
	v28 =	vadd.f32 v20, v19  }
0xba: {  	v3 =	vadd.f32 v23, v21;
	v2 =	vadd.f32 v25, v24;
	[tilespmem:s26+$0x19440] =	vst v1  }
0xbb: {  	v29 =	vld [tilespmem:s25+$0x460]  }
0xbc: {  	v0 =	vadd.f32 v28, v0;
	v32 =	vadd.f32 v2, v3;
	v30 =	vld [tilespmem:s25+$0x4E0]  }
0xbd: {  	v31 =	vld [tilespmem:s25+$0x560]  }
0xbe: {  	v4 =	vadd.f32 v27, v26;
	v33 =	vld [tilespmem:s25+$0x5E0];
	v0 =	vadd.f32 v32, v0  }
0xbf: {  	v34 =	vld [tilespmem:s25+$0x660]  }
0xc0: {  	v35 =	vld [tilespmem:s25+$0x6E0];
	v0 =	vadd.f32 v4, v0  }
0xc1: {  	v36 =	vld [tilespmem:s25+$0x760]  }
0xc2: {  	v37 =	vld [tilespmem:s25+$0x7E0];
	v0 =	vmul.f32 $1.000000010e-01, v0  }
0xc3: {  	v38 =	vld [tilespmem:s25+$0x860]  }
0xc4: {  	v39 =	vld [tilespmem:s25+$0x8E0];
	[tilespmem:s26+$0x19450] =	vst v0  }
0xc5: {  	v0 =	vld [tilespmem:s25+$0x470]  }
0xc6: {  	v5 =	vadd.f32 v30, v29;
	v2 =	vadd.f32 v33, v31;
	v40 =	vld [tilespmem:s25+$0x4F0]  }
0xc7: {  	v1 =	vadd.f32 v35, v34;
	v41 =	vadd.f32 v37, v36;
	v42 =	vld [tilespmem:s25+$0x570]  }
0xc8: {  	v43 =	vld [tilespmem:s25+$0x5F0]  }
0xc9: {  	v2 =	vadd.f32 v2, v5;
	v1 =	vadd.f32 v41, v1;
	v44 =	vld [tilespmem:s25+$0x670]  }
0xca: {  	v46 =	vld [tilespmem:s25+$0x6F0]  }
0xcb: {  	v45 =	vadd.f32 v39, v38;
	v47 =	vld [tilespmem:s25+$0x770];
	v1 =	vadd.f32 v1, v2  }
0xcc: {  	v48 =	vld [tilespmem:s25+$0x7F0]  }
0xcd: {  	s24 =	sshll.u32 s10, $0x2;
	v1 =	vadd.f32 v45, v1  }
0xce: {  	s28 =	sor.u32 $0x1, s24  }
0xcf: {  	s29 =	smul.u32 $0x1400, s28;
	v49 =	vld [tilespmem:s25+$0x870];
	v1 =	vmul.f32 $1.000000010e-01, v1  }
0xd0: {  	v50 =	vld [tilespmem:s25+$0x8F0];
	v0 =	vadd.f32 v40, v0;
	v51 =	vadd.f32 v43, v42  }
0xd1: {  	s25 =	sshra.s32 s29, $0x2;
	v3 =	vadd.f32 v46, v44;
	v2 =	vadd.f32 v48, v47;
	[tilespmem:s26+$0x19460] =	vst v1  }
0xd2: {  	v52 =	vld [tilespmem:s25+$0x400]  }
0xd3: {  	v0 =	vadd.f32 v51, v0;
	v55 =	vadd.f32 v2, v3;
	v53 =	vld [tilespmem:s25+$0x480]  }
0xd4: {  	v54 =	vld [tilespmem:s25+$0x500]  }
0xd5: {  	v5 =	vadd.f32 v50, v49;
	v56 =	vld [tilespmem:s25+$0x580];
	v0 =	vadd.f32 v55, v0  }
0xd6: {  	v57 =	vld [tilespmem:s25+$0x600]  }
0xd7: {  	v58 =	vld [tilespmem:s25+$0x680];
	v0 =	vadd.f32 v5, v0  }
0xd8: {  	v59 =	vld [tilespmem:s25+$0x700]  }
0xd9: {  	v60 =	vld [tilespmem:s25+$0x780];
	v0 =	vmul.f32 $1.000000010e-01, v0  }
0xda: {  	v61 =	vld [tilespmem:s25+$0x800]  }
0xdb: {  	v62 =	vld [tilespmem:s25+$0x880];
	[tilespmem:s26+$0x19470] =	vst v0  }
0xdc: {  	v0 =	vld [tilespmem:s25+$0x410]  }
0xdd: {  	v4 =	vadd.f32 v53, v52;
	v2 =	vadd.f32 v56, v54;
	v63 =	vld [tilespmem:s25+$0x490]  }
0xde: {  	v1 =	vadd.f32 v58, v57;
	v11 =	vadd.f32 v60, v59;
	v12 =	vld [tilespmem:s25+$0x510]  }
0xdf: {  	v13 =	vld [tilespmem:s25+$0x590]  }
0xe0: {  	v2 =	vadd.f32 v2, v4;
	v1 =	vadd.f32 v11, v1;
	v14 =	vld [tilespmem:s25+$0x610]  }
0xe1: {  	v16 =	vld [tilespmem:s25+$0x690]  }
0xe2: {  	v15 =	vadd.f32 v62, v61;
	v17 =	vld [tilespmem:s25+$0x710];
	v1 =	vadd.f32 v1, v2  }
0xe3: {  	v18 =	vld [tilespmem:s25+$0x790]  }
0xe4: {  	v1 =	vadd.f32 v15, v1;
	_ =	sdelay $0x1  }
0xe5: {  	s28 =	sshll.u32 s28, $0x7;
	v19 =	vld [tilespmem:s25+$0x810];
	v1 =	vmul.f32 $1.000000010e-01, v1  }
0xe6: {  	s26 =	sand.u32 $0x3FFFFE80, s28;
	v20 =	vld [tilespmem:s25+$0x890];
	v0 =	vadd.f32 v63, v0;
	v21 =	vadd.f32 v13, v12  }
0xe7: {  	v3 =	vadd.f32 v16, v14;
	v2 =	vadd.f32 v18, v17;
	[tilespmem:s26+$0x19400] =	vst v1  }
0xe8: {  	v22 =	vld [tilespmem:s25+$0x420]  }
0xe9: {  	v0 =	vadd.f32 v21, v0;
	v25 =	vadd.f32 v2, v3;
	v23 =	vld [tilespmem:s25+$0x4A0]  }
0xea: {  	v24 =	vld [tilespmem:s25+$0x520]  }
0xeb: {  	v4 =	vadd.f32 v20, v19;
	v26 =	vld [tilespmem:s25+$0x5A0];
	v0 =	vadd.f32 v25, v0  }
0xec: {  	v27 =	vld [tilespmem:s25+$0x620]  }
0xed: {  	v28 =	vld [tilespmem:s25+$0x6A0];
	v0 =	vadd.f32 v4, v0  }
0xee: {  	v29 =	vld [tilespmem:s25+$0x720]  }
0xef: {  	v30 =	vld [tilespmem:s25+$0x7A0];
	v0 =	vmul.f32 $1.000000010e-01, v0  }
0xf0: {  	v31 =	vld [tilespmem:s25+$0x820]  }
0xf1: {  	v32 =	vld [tilespmem:s25+$0x8A0];
	[tilespmem:s26+$0x19410] =	vst v0  }
0xf2: {  	v0 =	vld [tilespmem:s25+$0x430]  }
0xf3: {  	v5 =	vadd.f32 v23, v22;
	v2 =	vadd.f32 v26, v24;
	v33 =	vld [tilespmem:s25+$0x4B0]  }
0xf4: {  	v1 =	vadd.f32 v28, v27;
	v34 =	vadd.f32 v30, v29;
	v35 =	vld [tilespmem:s25+$0x530]  }
0xf5: {  	v36 =	vld [tilespmem:s25+$0x5B0]  }
0xf6: {  	v2 =	vadd.f32 v2, v5;
	v1 =	vadd.f32 v34, v1;
	v37 =	vld [tilespmem:s25+$0x630]  }
0xf7: {  	v39 =	vld [tilespmem:s25+$0x6B0]  }
0xf8: {  	v38 =	vadd.f32 v32, v31;
	v40 =	vld [tilespmem:s25+$0x730];
	v1 =	vadd.f32 v1, v2  }
0xf9: {  	v41 =	vld [tilespmem:s25+$0x7B0]  }
0xfa: {  	v1 =	vadd.f32 v38, v1;
	_ =	sdelay $0x1  }
0xfb: {  	v42 =	vld [tilespmem:s25+$0x830];
	v1 =	vmul.f32 $1.000000010e-01, v1  }
0xfc: {  	v43 =	vld [tilespmem:s25+$0x8B0];
	v0 =	vadd.f32 v33, v0;
	v44 =	vadd.f32 v36, v35  }
0xfd: {  	v3 =	vadd.f32 v39, v37;
	v2 =	vadd.f32 v41, v40;
	[tilespmem:s26+$0x19420] =	vst v1  }
0xfe: {  	v45 =	vld [tilespmem:s25+$0x440]  }
0xff: {  	v0 =	vadd.f32 v44, v0;
	v48 =	vadd.f32 v2, v3;
	v46 =	vld [tilespmem:s25+$0x4C0]  }
0x100: {  	v47 =	vld [tilespmem:s25+$0x540]  }
0x101: {  	v5 =	vadd.f32 v43, v42;
	v49 =	vld [tilespmem:s25+$0x5C0];
	v0 =	vadd.f32 v48, v0  }
0x102: {  	v50 =	vld [tilespmem:s25+$0x640]  }
0x103: {  	v51 =	vld [tilespmem:s25+$0x6C0];
	v0 =	vadd.f32 v5, v0  }
0x104: {  	v52 =	vld [tilespmem:s25+$0x740]  }
0x105: {  	v53 =	vld [tilespmem:s25+$0x7C0];
	v0 =	vmul.f32 $1.000000010e-01, v0  }
0x106: {  	v54 =	vld [tilespmem:s25+$0x840]  }
0x107: {  	v55 =	vld [tilespmem:s25+$0x8C0];
	[tilespmem:s26+$0x19430] =	vst v0  }
0x108: {  	v0 =	vld [tilespmem:s25+$0x450]  }
0x109: {  	v4 =	vadd.f32 v46, v45;
	v2 =	vadd.f32 v49, v47;
	v56 =	vld [tilespmem:s25+$0x4D0]  }
0x10a: {  	v1 =	vadd.f32 v51, v50;
	v57 =	vadd.f32 v53, v52;
	v58 =	vld [tilespmem:s25+$0x550]  }
0x10b: {  	v59 =	vld [tilespmem:s25+$0x5D0]  }
0x10c: {  	v2 =	vadd.f32 v2, v4;
	v1 =	vadd.f32 v57, v1;
	v60 =	vld [tilespmem:s25+$0x650]  }
0x10d: {  	v62 =	vld [tilespmem:s25+$0x6D0]  }
0x10e: {  	v61 =	vadd.f32 v55, v54;
	v63 =	vld [tilespmem:s25+$0x750];
	v1 =	vadd.f32 v1, v2  }
0x10f: {  	v12 =	vld [tilespmem:s25+$0x7D0]  }
0x110: {  	v1 =	vadd.f32 v61, v1;
	_ =	sdelay $0x1  }
0x111: {  	v13 =	vld [tilespmem:s25+$0x850];
	v1 =	vmul.f32 $1.000000010e-01, v1  }
0x112: {  	v14 =	vld [tilespmem:s25+$0x8D0];
	v0 =	vadd.f32 v56, v0;
	v15 =	vadd.f32 v59, v58  }
0x113: {  	v3 =	vadd.f32 v62, v60;
	v2 =	vadd.f32 v12, v63;
	[tilespmem:s26+$0x19440] =	vst v1  }
0x114: {  	v16 =	vld [tilespmem:s25+$0x460]  }
0x115: {  	v0 =	vadd.f32 v15, v0;
	v19 =	vadd.f32 v2, v3;
	v17 =	vld [tilespmem:s25+$0x4E0]  }
0x116: {  	v18 =	vld [tilespmem:s25+$0x560]  }
0x117: {  	v4 =	vadd.f32 v14, v13;
	v20 =	vld [tilespmem:s25+$0x5E0];
	v0 =	vadd.f32 v19, v0  }
0x118: {  	v21 =	vld [tilespmem:s25+$0x660]  }
0x119: {  	v22 =	vld [tilespmem:s25+$0x6E0];
	v0 =	vadd.f32 v4, v0  }
0x11a: {  	v23 =	vld [tilespmem:s25+$0x760]  }
0x11b: {  	v24 =	vld [tilespmem:s25+$0x7E0];
	v0 =	vmul.f32 $1.000000010e-01, v0  }
0x11c: {  	v25 =	vld [tilespmem:s25+$0x860]  }
0x11d: {  	v26 =	vld [tilespmem:s25+$0x8E0];
	[tilespmem:s26+$0x19450] =	vst v0  }
0x11e: {  	v0 =	vld [tilespmem:s25+$0x470]  }
0x11f: {  	v5 =	vadd.f32 v17, v16;
	v2 =	vadd.f32 v20, v18;
	v27 =	vld [tilespmem:s25+$0x4F0]  }
0x120: {  	v1 =	vadd.f32 v22, v21;
	v28 =	vadd.f32 v24, v23;
	v29 =	vld [tilespmem:s25+$0x570]  }
0x121: {  	v30 =	vld [tilespmem:s25+$0x5F0]  }
0x122: {  	v2 =	vadd.f32 v2, v5;
	v1 =	vadd.f32 v28, v1;
	v31 =	vld [tilespmem:s25+$0x670]  }
0x123: {  	v33 =	vld [tilespmem:s25+$0x6F0]  }
0x124: {  	v32 =	vadd.f32 v26, v25;
	v34 =	vld [tilespmem:s25+$0x770];
	v1 =	vadd.f32 v1, v2  }
0x125: {  	v35 =	vld [tilespmem:s25+$0x7F0]  }
0x126: {  	v1 =	vadd.f32 v32, v1  }
0x127: {  	s29 =	sor.u32 $0x2, s24  }
0x128: {  	s24 =	smul.u32 $0x1400, s29;
	v36 =	vld [tilespmem:s25+$0x870];
	v1 =	vmul.f32 $1.000000010e-01, v1  }
0x129: {  	v37 =	vld [tilespmem:s25+$0x8F0];
	v0 =	vadd.f32 v27, v0;
	v38 =	vadd.f32 v30, v29  }
0x12a: {  	s24 =	sshra.s32 s24, $0x2;
	v3 =	vadd.f32 v33, v31;
	v2 =	vadd.f32 v35, v34;
	[tilespmem:s26+$0x19460] =	vst v1  }
0x12b: {  	v39 =	vld [tilespmem:s24+$0x400]  }
0x12c: {  	v0 =	vadd.f32 v38, v0;
	v42 =	vadd.f32 v2, v3;
	v40 =	vld [tilespmem:s24+$0x480]  }
0x12d: {  	v41 =	vld [tilespmem:s24+$0x500]  }
0x12e: {  	v5 =	vadd.f32 v37, v36;
	v43 =	vld [tilespmem:s24+$0x580];
	v0 =	vadd.f32 v42, v0  }
0x12f: {  	v44 =	vld [tilespmem:s24+$0x600]  }
0x130: {  	v45 =	vld [tilespmem:s24+$0x680];
	v0 =	vadd.f32 v5, v0  }
0x131: {  	v46 =	vld [tilespmem:s24+$0x700]  }
0x132: {  	v47 =	vld [tilespmem:s24+$0x780];
	v0 =	vmul.f32 $1.000000010e-01, v0  }
0x133: {  	v48 =	vld [tilespmem:s24+$0x800]  }
0x134: {  	v49 =	vld [tilespmem:s24+$0x880];
	[tilespmem:s26+$0x19470] =	vst v0  }
0x135: {  	v0 =	vld [tilespmem:s24+$0x410]  }
0x136: {  	v4 =	vadd.f32 v40, v39;
	v2 =	vadd.f32 v43, v41;
	v50 =	vld [tilespmem:s24+$0x490]  }
0x137: {  	v1 =	vadd.f32 v45, v44;
	v51 =	vadd.f32 v47, v46;
	v52 =	vld [tilespmem:s24+$0x510]  }
0x138: {  	v53 =	vld [tilespmem:s24+$0x590]  }
0x139: {  	v2 =	vadd.f32 v2, v4;
	v1 =	vadd.f32 v51, v1;
	v54 =	vld [tilespmem:s24+$0x610]  }
0x13a: {  	v56 =	vld [tilespmem:s24+$0x690]  }
0x13b: {  	v55 =	vadd.f32 v49, v48;
	v57 =	vld [tilespmem:s24+$0x710];
	v1 =	vadd.f32 v1, v2  }
0x13c: {  	v58 =	vld [tilespmem:s24+$0x790]  }
0x13d: {  	v1 =	vadd.f32 v55, v1;
	_ =	sdelay $0x1  }
0x13e: {  	s28 =	sshll.u32 s29, $0x7;
	v59 =	vld [tilespmem:s24+$0x810];
	v1 =	vmul.f32 $1.000000010e-01, v1  }
0x13f: {  	s25 =	sand.u32 $0x3FFFFF00, s28;
	v60 =	vld [tilespmem:s24+$0x890];
	v0 =	vadd.f32 v50, v0;
	v61 =	vadd.f32 v53, v52  }
0x140: {  	v3 =	vadd.f32 v56, v54;
	v2 =	vadd.f32 v58, v57;
	[tilespmem:s25+$0x19400] =	vst v1  }
0x141: {  	v62 =	vld [tilespmem:s24+$0x420]  }
0x142: {  	v0 =	vadd.f32 v61, v0;
	v13 =	vadd.f32 v2, v3;
	v63 =	vld [tilespmem:s24+$0x4A0]  }
0x143: {  	v12 =	vld [tilespmem:s24+$0x520]  }
0x144: {  	v4 =	vadd.f32 v60, v59;
	v14 =	vld [tilespmem:s24+$0x5A0];
	v0 =	vadd.f32 v13, v0  }
0x145: {  	v15 =	vld [tilespmem:s24+$0x620]  }
0x146: {  	v16 =	vld [tilespmem:s24+$0x6A0];
	v0 =	vadd.f32 v4, v0  }
0x147: {  	v17 =	vld [tilespmem:s24+$0x720]  }
0x148: {  	v18 =	vld [tilespmem:s24+$0x7A0];
	v0 =	vmul.f32 $1.000000010e-01, v0  }
0x149: {  	v19 =	vld [tilespmem:s24+$0x820]  }
0x14a: {  	v20 =	vld [tilespmem:s24+$0x8A0];
	[tilespmem:s25+$0x19410] =	vst v0  }
0x14b: {  	v0 =	vld [tilespmem:s24+$0x430]  }
0x14c: {  	v5 =	vadd.f32 v63, v62;
	v2 =	vadd.f32 v14, v12;
	v21 =	vld [tilespmem:s24+$0x4B0]  }
0x14d: {  	v1 =	vadd.f32 v16, v15;
	v22 =	vadd.f32 v18, v17;
	v23 =	vld [tilespmem:s24+$0x530]  }
0x14e: {  	v24 =	vld [tilespmem:s24+$0x5B0]  }
0x14f: {  	v2 =	vadd.f32 v2, v5;
	v1 =	vadd.f32 v22, v1;
	v25 =	vld [tilespmem:s24+$0x630]  }
0x150: {  	v27 =	vld [tilespmem:s24+$0x6B0]  }
0x151: {  	v26 =	vadd.f32 v20, v19;
	v28 =	vld [tilespmem:s24+$0x730];
	v1 =	vadd.f32 v1, v2  }
0x152: {  	v29 =	vld [tilespmem:s24+$0x7B0]  }
0x153: {  	v1 =	vadd.f32 v26, v1;
	_ =	sdelay $0x1  }
0x154: {  	v30 =	vld [tilespmem:s24+$0x830];
	v1 =	vmul.f32 $1.000000010e-01, v1  }
0x155: {  	v31 =	vld [tilespmem:s24+$0x8B0];
	v0 =	vadd.f32 v21, v0;
	v32 =	vadd.f32 v24, v23  }
0x156: {  	v3 =	vadd.f32 v27, v25;
	v2 =	vadd.f32 v29, v28;
	[tilespmem:s25+$0x19420] =	vst v1  }
0x157: {  	v33 =	vld [tilespmem:s24+$0x440]  }
0x158: {  	v0 =	vadd.f32 v32, v0;
	v36 =	vadd.f32 v2, v3;
	v34 =	vld [tilespmem:s24+$0x4C0]  }
0x159: {  	v35 =	vld [tilespmem:s24+$0x540]  }
0x15a: {  	v5 =	vadd.f32 v31, v30;
	v37 =	vld [tilespmem:s24+$0x5C0];
	v0 =	vadd.f32 v36, v0  }
0x15b: {  	v38 =	vld [tilespmem:s24+$0x640]  }
0x15c: {  	v39 =	vld [tilespmem:s24+$0x6C0];
	v0 =	vadd.f32 v5, v0  }
0x15d: {  	v40 =	vld [tilespmem:s24+$0x740]  }
0x15e: {  	v41 =	vld [tilespmem:s24+$0x7C0];
	v0 =	vmul.f32 $1.000000010e-01, v0  }
0x15f: {  	v42 =	vld [tilespmem:s24+$0x840]  }
0x160: {  	v43 =	vld [tilespmem:s24+$0x8C0];
	[tilespmem:s25+$0x19430] =	vst v0  }
0x161: {  	v0 =	vld [tilespmem:s24+$0x450]  }
0x162: {  	v4 =	vadd.f32 v34, v33;
	v2 =	vadd.f32 v37, v35;
	v44 =	vld [tilespmem:s24+$0x4D0]  }
0x163: {  	v1 =	vadd.f32 v39, v38;
	v45 =	vadd.f32 v41, v40;
	v46 =	vld [tilespmem:s24+$0x550]  }
0x164: {  	v47 =	vld [tilespmem:s24+$0x5D0]  }
0x165: {  	v2 =	vadd.f32 v2, v4;
	v1 =	vadd.f32 v45, v1;
	v48 =	vld [tilespmem:s24+$0x650]  }
0x166: {  	v50 =	vld [tilespmem:s24+$0x6D0]  }
0x167: {  	v49 =	vadd.f32 v43, v42;
	v51 =	vld [tilespmem:s24+$0x750];
	v1 =	vadd.f32 v1, v2  }
0x168: {  	v52 =	vld [tilespmem:s24+$0x7D0]  }
0x169: {  	v1 =	vadd.f32 v49, v1;
	_ =	sdelay $0x1  }
0x16a: {  	v53 =	vld [tilespmem:s24+$0x850];
	v1 =	vmul.f32 $1.000000010e-01, v1  }
0x16b: {  	v54 =	vld [tilespmem:s24+$0x8D0];
	v0 =	vadd.f32 v44, v0;
	v55 =	vadd.f32 v47, v46  }
0x16c: {  	v3 =	vadd.f32 v50, v48;
	v2 =	vadd.f32 v52, v51;
	[tilespmem:s25+$0x19440] =	vst v1  }
0x16d: {  	v56 =	vld [tilespmem:s24+$0x460]  }
0x16e: {  	v0 =	vadd.f32 v55, v0;
	v59 =	vadd.f32 v2, v3;
	v57 =	vld [tilespmem:s24+$0x4E0]  }
0x16f: {  	v58 =	vld [tilespmem:s24+$0x560]  }
0x170: {  	v4 =	vadd.f32 v54, v53;
	v60 =	vld [tilespmem:s24+$0x5E0];
	v0 =	vadd.f32 v59, v0  }
0x171: {  	v61 =	vld [tilespmem:s24+$0x660]  }
0x172: {  	v62 =	vld [tilespmem:s24+$0x6E0];
	v0 =	vadd.f32 v4, v0  }
0x173: {  	v63 =	vld [tilespmem:s24+$0x760]  }
0x174: {  	v12 =	vld [tilespmem:s24+$0x7E0];
	v0 =	vmul.f32 $1.000000010e-01, v0  }
0x175: {  	v13 =	vld [tilespmem:s24+$0x860]  }
0x176: {  	v14 =	vld [tilespmem:s24+$0x8E0];
	[tilespmem:s25+$0x19450] =	vst v0  }
0x177: {  	v0 =	vld [tilespmem:s24+$0x470]  }
0x178: {  	v5 =	vadd.f32 v57, v56;
	v2 =	vadd.f32 v60, v58;
	v15 =	vld [tilespmem:s24+$0x4F0]  }
0x179: {  	v1 =	vadd.f32 v62, v61;
	v16 =	vadd.f32 v12, v63;
	v17 =	vld [tilespmem:s24+$0x570]  }
0x17a: {  	v18 =	vld [tilespmem:s24+$0x5F0]  }
0x17b: {  	v2 =	vadd.f32 v2, v5;
	v1 =	vadd.f32 v16, v1;
	v19 =	vld [tilespmem:s24+$0x670]  }
0x17c: {  	v21 =	vld [tilespmem:s24+$0x6F0]  }
0x17d: {  	v20 =	vadd.f32 v14, v13;
	v22 =	vld [tilespmem:s24+$0x770];
	v1 =	vadd.f32 v1, v2  }
0x17e: {  	v23 =	vld [tilespmem:s24+$0x7F0]  }
0x17f: {  	v1 =	vadd.f32 v20, v1  }
0x180: {  	s26 =	sshllo.u32 s10, $0x2  }
0x181: {  	s29 =	smul.u32 $0x1400, s26;
	v24 =	vld [tilespmem:s24+$0x870];
	v1 =	vmul.f32 $1.000000010e-01, v1  }
0x182: {  	v25 =	vld [tilespmem:s24+$0x8F0];
	v0 =	vadd.f32 v15, v0;
	v26 =	vadd.f32 v18, v17  }
0x183: {  	s28 =	sshra.s32 s29, $0x2;
	v3 =	vadd.f32 v21, v19;
	v2 =	vadd.f32 v23, v22;
	[tilespmem:s25+$0x19460] =	vst v1  }
0x184: {  	v27 =	vld [tilespmem:s28+$0x400]  }
0x185: {  	v0 =	vadd.f32 v26, v0;
	v30 =	vadd.f32 v2, v3;
	v28 =	vld [tilespmem:s28+$0x480]  }
0x186: {  	v29 =	vld [tilespmem:s28+$0x500]  }
0x187: {  	v5 =	vadd.f32 v25, v24;
	v31 =	vld [tilespmem:s28+$0x580];
	v0 =	vadd.f32 v30, v0  }
0x188: {  	v32 =	vld [tilespmem:s28+$0x600]  }
0x189: {  	v33 =	vld [tilespmem:s28+$0x680];
	v0 =	vadd.f32 v5, v0  }
0x18a: {  	v34 =	vld [tilespmem:s28+$0x700]  }
0x18b: {  	v35 =	vld [tilespmem:s28+$0x780];
	v0 =	vmul.f32 $1.000000010e-01, v0  }
0x18c: {  	v36 =	vld [tilespmem:s28+$0x800]  }
0x18d: {  	v37 =	vld [tilespmem:s28+$0x880];
	[tilespmem:s25+$0x19470] =	vst v0  }
0x18e: {  	v0 =	vld [tilespmem:s28+$0x410]  }
0x18f: {  	v4 =	vadd.f32 v28, v27;
	v2 =	vadd.f32 v31, v29;
	v38 =	vld [tilespmem:s28+$0x490]  }
0x190: {  	v1 =	vadd.f32 v33, v32;
	v39 =	vadd.f32 v35, v34;
	v40 =	vld [tilespmem:s28+$0x510]  }
0x191: {  	v41 =	vld [tilespmem:s28+$0x590]  }
0x192: {  	v2 =	vadd.f32 v2, v4;
	v1 =	vadd.f32 v39, v1;
	v42 =	vld [tilespmem:s28+$0x610]  }
0x193: {  	v44 =	vld [tilespmem:s28+$0x690]  }
0x194: {  	v43 =	vadd.f32 v37, v36;
	v45 =	vld [tilespmem:s28+$0x710];
	v1 =	vadd.f32 v1, v2  }
0x195: {  	v46 =	vld [tilespmem:s28+$0x790]  }
0x196: {  	v1 =	vadd.f32 v43, v1;
	_ =	sdelay $0x1  }
0x197: {  	s29 =	sshll.u32 s26, $0x7;
	v47 =	vld [tilespmem:s28+$0x810];
	v1 =	vmul.f32 $1.000000010e-01, v1  }
0x198: {  	s25 =	sand.u32 $0x3FFFFF80, s29;
	v48 =	vld [tilespmem:s28+$0x890];
	v0 =	vadd.f32 v38, v0;
	v49 =	vadd.f32 v41, v40  }
0x199: {  	v3 =	vadd.f32 v44, v42;
	v2 =	vadd.f32 v46, v45;
	[tilespmem:s25+$0x19400] =	vst v1  }
0x19a: {  	v50 =	vld [tilespmem:s28+$0x420]  }
0x19b: {  	v0 =	vadd.f32 v49, v0;
	v53 =	vadd.f32 v2, v3;
	v51 =	vld [tilespmem:s28+$0x4A0]  }
0x19c: {  	v52 =	vld [tilespmem:s28+$0x520]  }
0x19d: {  	v4 =	vadd.f32 v48, v47;
	v54 =	vld [tilespmem:s28+$0x5A0];
	v0 =	vadd.f32 v53, v0  }
0x19e: {  	v55 =	vld [tilespmem:s28+$0x620]  }
0x19f: {  	v56 =	vld [tilespmem:s28+$0x6A0];
	v0 =	vadd.f32 v4, v0  }
0x1a0: {  	v57 =	vld [tilespmem:s28+$0x720]  }
0x1a1: {  	v58 =	vld [tilespmem:s28+$0x7A0];
	v0 =	vmul.f32 $1.000000010e-01, v0  }
0x1a2: {  	v59 =	vld [tilespmem:s28+$0x820]  }
0x1a3: {  	v60 =	vld [tilespmem:s28+$0x8A0];
	[tilespmem:s25+$0x19410] =	vst v0  }
0x1a4: {  	v0 =	vld [tilespmem:s28+$0x430]  }
0x1a5: {  	v5 =	vadd.f32 v51, v50;
	v2 =	vadd.f32 v54, v52;
	v61 =	vld [tilespmem:s28+$0x4B0]  }
0x1a6: {  	v1 =	vadd.f32 v56, v55;
	v62 =	vadd.f32 v58, v57;
	v63 =	vld [tilespmem:s28+$0x530]  }
0x1a7: {  	v12 =	vld [tilespmem:s28+$0x5B0]  }
0x1a8: {  	v2 =	vadd.f32 v2, v5;
	v1 =	vadd.f32 v62, v1;
	v13 =	vld [tilespmem:s28+$0x630]  }
0x1a9: {  	v15 =	vld [tilespmem:s28+$0x6B0]  }
0x1aa: {  	v14 =	vadd.f32 v60, v59;
	v16 =	vld [tilespmem:s28+$0x730];
	v1 =	vadd.f32 v1, v2  }
0x1ab: {  	v17 =	vld [tilespmem:s28+$0x7B0]  }
0x1ac: {  	v1 =	vadd.f32 v14, v1;
	_ =	sdelay $0x1  }
0x1ad: {  	v18 =	vld [tilespmem:s28+$0x830];
	v1 =	vmul.f32 $1.000000010e-01, v1  }
0x1ae: {  	v19 =	vld [tilespmem:s28+$0x8B0];
	v0 =	vadd.f32 v61, v0;
	v20 =	vadd.f32 v12, v63  }
0x1af: {  	v3 =	vadd.f32 v15, v13;
	v2 =	vadd.f32 v17, v16;
	[tilespmem:s25+$0x19420] =	vst v1  }
0x1b0: {  	v21 =	vld [tilespmem:s28+$0x440]  }
0x1b1: {  	v0 =	vadd.f32 v20, v0;
	v24 =	vadd.f32 v2, v3;
	v22 =	vld [tilespmem:s28+$0x4C0]  }
0x1b2: {  	v23 =	vld [tilespmem:s28+$0x540]  }
0x1b3: {  	v5 =	vadd.f32 v19, v18;
	v25 =	vld [tilespmem:s28+$0x5C0];
	v0 =	vadd.f32 v24, v0  }
0x1b4: {  	v26 =	vld [tilespmem:s28+$0x640]  }
0x1b5: {  	v27 =	vld [tilespmem:s28+$0x6C0];
	v0 =	vadd.f32 v5, v0  }
0x1b6: {  	v28 =	vld [tilespmem:s28+$0x740]  }
0x1b7: {  	v29 =	vld [tilespmem:s28+$0x7C0];
	v0 =	vmul.f32 $1.000000010e-01, v0  }
0x1b8: {  	v30 =	vld [tilespmem:s28+$0x840]  }
0x1b9: {  	v31 =	vld [tilespmem:s28+$0x8C0];
	[tilespmem:s25+$0x19430] =	vst v0  }
0x1ba: {  	v0 =	vld [tilespmem:s28+$0x450]  }
0x1bb: {  	v4 =	vadd.f32 v22, v21;
	v2 =	vadd.f32 v25, v23;
	v32 =	vld [tilespmem:s28+$0x4D0]  }
0x1bc: {  	v1 =	vadd.f32 v27, v26;
	v33 =	vadd.f32 v29, v28;
	v34 =	vld [tilespmem:s28+$0x550]  }
0x1bd: {  	v35 =	vld [tilespmem:s28+$0x5D0]  }
0x1be: {  	v2 =	vadd.f32 v2, v4;
	v1 =	vadd.f32 v33, v1;
	v36 =	vld [tilespmem:s28+$0x650]  }
0x1bf: {  	v38 =	vld [tilespmem:s28+$0x6D0]  }
0x1c0: {  	v37 =	vadd.f32 v31, v30;
	v39 =	vld [tilespmem:s28+$0x750];
	v1 =	vadd.f32 v1, v2  }
0x1c1: {  	v40 =	vld [tilespmem:s28+$0x7D0]  }
0x1c2: {  	v1 =	vadd.f32 v37, v1;
	_ =	sdelay $0x1  }
0x1c3: {  	v41 =	vld [tilespmem:s28+$0x850];
	v1 =	vmul.f32 $1.000000010e-01, v1  }
0x1c4: {  	v42 =	vld [tilespmem:s28+$0x8D0];
	v0 =	vadd.f32 v32, v0;
	v43 =	vadd.f32 v35, v34  }
0x1c5: {  	v3 =	vadd.f32 v38, v36;
	v2 =	vadd.f32 v40, v39;
	[tilespmem:s25+$0x19440] =	vst v1  }
0x1c6: {  	v44 =	vld [tilespmem:s28+$0x460]  }
0x1c7: {  	v0 =	vadd.f32 v43, v0;
	v47 =	vadd.f32 v2, v3;
	v45 =	vld [tilespmem:s28+$0x4E0]  }
0x1c8: {  	v46 =	vld [tilespmem:s28+$0x560]  }
0x1c9: {  	v4 =	vadd.f32 v42, v41;
	v48 =	vld [tilespmem:s28+$0x5E0];
	v0 =	vadd.f32 v47, v0  }
0x1ca: {  	v49 =	vld [tilespmem:s28+$0x660]  }
0x1cb: {  	v50 =	vld [tilespmem:s28+$0x6E0];
	v0 =	vadd.f32 v4, v0  }
0x1cc: {  	v51 =	vld [tilespmem:s28+$0x760]  }
0x1cd: {  	v52 =	vld [tilespmem:s28+$0x7E0];
	v0 =	vmul.f32 $1.000000010e-01, v0  }
0x1ce: {  	v53 =	vld [tilespmem:s28+$0x860]  }
0x1cf: {  	v54 =	vld [tilespmem:s28+$0x8E0];
	[tilespmem:s25+$0x19450] =	vst v0  }
0x1d0: {  	v0 =	vld [tilespmem:s28+$0x470]  }
0x1d1: {  	v11 =	vld [tilespmem:s28+$0x4F0]  }
0x1d2: {  	v12 =	vld [tilespmem:s28+$0x570]  }
0x1d3: {  	v13 =	vld [tilespmem:s28+$0x5F0]  }
0x1d4: {  	v14 =	vld [tilespmem:s28+$0x670]  }
0x1d5: {  	v15 =	vld [tilespmem:s28+$0x6F0]  }
0x1d6: {  	v16 =	vld [tilespmem:s28+$0x770]  }
0x1d7: {  	v17 =	vld [tilespmem:s28+$0x7F0];
	_ =	sdelay $0x1  }
0x1d8: {  	v5 =	vadd.f32 v45, v44;
	v2 =	vadd.f32 v48, v46  }
0x1d9: {  	v1 =	vadd.f32 v50, v49;
	v55 =	vadd.f32 v52, v51;
	v56 =	vld [tilespmem:s28+$0x870]  }
0x1da: {  	v58 =	vld [tilespmem:s28+$0x8F0];
	v0 =	vadd.f32 v11, v0;
	v57 =	vadd.f32 v13, v12  }
0x1db: {  	v59 =	vadd.f32 v15, v14;
	v60 =	vadd.f32 v17, v16  }
0x1dc: {  	v2 =	vadd.f32 v2, v5;
	v1 =	vadd.f32 v55, v1  }
0x1dd: {  	v0 =	vadd.f32 v57, v0;
	v61 =	vadd.f32 v60, v59  }
0x1de: {  	v62 =	vadd.f32 v54, v53;
	v1 =	vadd.f32 v1, v2  }
0x1df: {  	v63 =	vadd.f32 v58, v56;
	v0 =	vadd.f32 v61, v0  }
0x1e0: {  	p0 =	seq.s32 s10, $0x9;
	v1 =	vadd.f32 v62, v1  }
.Ltmp14:
0x1e1: {  	v0 =	vadd.f32 v63, v0;
	(pc) =	sbr.rel @!p0 .LBB2_18-.Ltmp14, $4  }
0x1e2: {  	v1 =	vmul.f32 $1.000000010e-01, v1  }
0x1e3: {  	v0 =	vmul.f32 $1.000000010e-01, v0  }
0x1e4: {  	[tilespmem:s25+$0x19460] =	vst v1  }
0x1e5: {  	s10 =	sadd.s32 $0x1, s10;
	[tilespmem:s25+$0x19470] =	vst v0  }
.Ltmp15:
0x1e6: {  	(pc) =	sbr.rel .LBB2_20-.Ltmp15, $2  }
0x1e7: {  	_ =	sdelay $0x2  }
0x1e8: {  	s10 =	simm.s32 $0x19400  }
.LBB2_16:
.Ltmp16:
0x1e9: {  	(pc) =	sbr.rel @!p0 .LBB2_17-.Ltmp16, $1  }
0x1ea: {  	_ =	sdelay $0x3  }
.LBB2_9:
0x1eb: {  	s10 =	simm.s32 $0x0  }
.LBB2_10:
0x1ec: {  	s24 =	smul.u32 $0x5000, s10;
	_ =	sdelay $0x1  }
0x1ed: {  	s25 =	sshra.s32 s24, $0x2  }
0x1ee: {  	v0 =	vld [tilespmem:s25+$0xCC00]  }
0x1ef: {  	v1 =	vld [tilespmem:s25+$0xCC80]  }
0x1f0: {  	v2 =	vld [tilespmem:s25+$0xCD00]  }
0x1f1: {  	v3 =	vld [tilespmem:s25+$0xCD80]  }
0x1f2: {  	v4 =	vld [tilespmem:s25+$0xCE00]  }
0x1f3: {  	v5 =	vld [tilespmem:s25+$0xCE80]  }
0x1f4: {  	v6 =	vld [tilespmem:s25+$0xCF00]  }
0x1f5: {  	v7 =	vld [tilespmem:s25+$0xCF80]  }
0x1f6: {  	v8 =	vld [tilespmem:s25+$0xD000]  }
0x1f7: {  	v9 =	vld [tilespmem:s25+$0xD080]  }
0x1f8: {  	v10 =	vld [tilespmem:s25+$0xCC10]  }
0x1f9: {  	v21 =	vld [tilespmem:s25+$0xCC90];
	v0 =	vadd.f32 v1, v0;
	v20 =	vadd.f32 v3, v2  }
0x1fa: {  	v24 =	vld [tilespmem:s25+$0xCD10];
	v22 =	vadd.f32 v5, v4;
	v23 =	vadd.f32 v7, v6  }
0x1fb: {  	v25 =	vld [tilespmem:s25+$0xCD90]  }
0x1fc: {  	v27 =	vld [tilespmem:s25+$0xCE10];
	v0 =	vadd.f32 v20, v0;
	v26 =	vadd.f32 v23, v22  }
0x1fd: {  	v29 =	vld [tilespmem:s25+$0xCE90]  }
0x1fe: {  	v30 =	vld [tilespmem:s25+$0xCF10];
	v28 =	vadd.f32 v9, v8;
	v0 =	vadd.f32 v26, v0  }
0x1ff: {  	v31 =	vld [tilespmem:s25+$0xCF90]  }
0x200: {  	v0 =	vadd.f32 v28, v0;
	_ =	sdelay $0x1  }
0x201: {  	s26 =	sshll.u32 s10, $0x9;
	v32 =	vld [tilespmem:s25+$0xD010];
	v0 =	vmul.f32 $1.000000010e-01, v0  }
0x202: {  	s26 =	sand.u32 $0x3FFFFE00, s26;
	v33 =	vld [tilespmem:s25+$0xD090];
	v34 =	vadd.f32 v21, v10;
	v35 =	vadd.f32 v25, v24  }
0x203: {  	v3 =	vadd.f32 v29, v27;
	v1 =	vadd.f32 v31, v30;
	[tilespmem:s26+$0x1A800] =	vst v0  }
0x204: {  	v36 =	vld [tilespmem:s25+$0xCC20]  }
0x205: {  	v1 =	vadd.f32 v1, v3;
	v0 =	vadd.f32 v35, v34;
	v37 =	vld [tilespmem:s25+$0xCCA0]  }
0x206: {  	v38 =	vld [tilespmem:s25+$0xCD20]  }
0x207: {  	v4 =	vadd.f32 v33, v32;
	v39 =	vld [tilespmem:s25+$0xCDA0];
	v0 =	vadd.f32 v1, v0  }
0x208: {  	v40 =	vld [tilespmem:s25+$0xCE20]  }
0x209: {  	v41 =	vld [tilespmem:s25+$0xCEA0];
	v0 =	vadd.f32 v4, v0  }
0x20a: {  	v42 =	vld [tilespmem:s25+$0xCF20]  }
0x20b: {  	v43 =	vld [tilespmem:s25+$0xCFA0];
	v0 =	vmul.f32 $1.000000010e-01, v0  }
0x20c: {  	v44 =	vld [tilespmem:s25+$0xD020]  }
0x20d: {  	v45 =	vld [tilespmem:s25+$0xD0A0];
	[tilespmem:s26+$0x1A810] =	vst v0  }
0x20e: {  	v0 =	vld [tilespmem:s25+$0xCC30]  }
0x20f: {  	v5 =	vadd.f32 v37, v36;
	v2 =	vadd.f32 v39, v38;
	v46 =	vld [tilespmem:s25+$0xCCB0]  }
0x210: {  	v1 =	vadd.f32 v41, v40;
	v47 =	vadd.f32 v43, v42;
	v48 =	vld [tilespmem:s25+$0xCD30]  }
0x211: {  	v49 =	vld [tilespmem:s25+$0xCDB0]  }
0x212: {  	v2 =	vadd.f32 v2, v5;
	v1 =	vadd.f32 v47, v1;
	v50 =	vld [tilespmem:s25+$0xCE30]  }
0x213: {  	v52 =	vld [tilespmem:s25+$0xCEB0]  }
0x214: {  	v51 =	vadd.f32 v45, v44;
	v53 =	vld [tilespmem:s25+$0xCF30];
	v1 =	vadd.f32 v1, v2  }
0x215: {  	v54 =	vld [tilespmem:s25+$0xCFB0]  }
0x216: {  	v1 =	vadd.f32 v51, v1;
	_ =	sdelay $0x1  }
0x217: {  	v55 =	vld [tilespmem:s25+$0xD030];
	v1 =	vmul.f32 $1.000000010e-01, v1  }
0x218: {  	v56 =	vld [tilespmem:s25+$0xD0B0];
	v0 =	vadd.f32 v46, v0;
	v57 =	vadd.f32 v49, v48  }
0x219: {  	v3 =	vadd.f32 v52, v50;
	v2 =	vadd.f32 v54, v53;
	[tilespmem:s26+$0x1A820] =	vst v1  }
0x21a: {  	v58 =	vld [tilespmem:s25+$0xCC40]  }
0x21b: {  	v0 =	vadd.f32 v57, v0;
	v61 =	vadd.f32 v2, v3;
	v59 =	vld [tilespmem:s25+$0xCCC0]  }
0x21c: {  	v60 =	vld [tilespmem:s25+$0xCD40]  }
0x21d: {  	v5 =	vadd.f32 v56, v55;
	v62 =	vld [tilespmem:s25+$0xCDC0];
	v0 =	vadd.f32 v61, v0  }
0x21e: {  	v63 =	vld [tilespmem:s25+$0xCE40]  }
0x21f: {  	v12 =	vld [tilespmem:s25+$0xCEC0];
	v0 =	vadd.f32 v5, v0  }
0x220: {  	v13 =	vld [tilespmem:s25+$0xCF40]  }
0x221: {  	v14 =	vld [tilespmem:s25+$0xCFC0];
	v0 =	vmul.f32 $1.000000010e-01, v0  }
0x222: {  	v15 =	vld [tilespmem:s25+$0xD040]  }
0x223: {  	v16 =	vld [tilespmem:s25+$0xD0C0];
	[tilespmem:s26+$0x1A830] =	vst v0  }
0x224: {  	v0 =	vld [tilespmem:s25+$0xCC50]  }
0x225: {  	v4 =	vadd.f32 v59, v58;
	v2 =	vadd.f32 v62, v60;
	v17 =	vld [tilespmem:s25+$0xCCD0]  }
0x226: {  	v1 =	vadd.f32 v12, v63;
	v18 =	vadd.f32 v14, v13;
	v19 =	vld [tilespmem:s25+$0xCD50]  }
0x227: {  	v20 =	vld [tilespmem:s25+$0xCDD0]  }
0x228: {  	v2 =	vadd.f32 v2, v4;
	v1 =	vadd.f32 v18, v1;
	v21 =	vld [tilespmem:s25+$0xCE50]  }
0x229: {  	v23 =	vld [tilespmem:s25+$0xCED0]  }
0x22a: {  	v22 =	vadd.f32 v16, v15;
	v24 =	vld [tilespmem:s25+$0xCF50];
	v1 =	vadd.f32 v1, v2  }
0x22b: {  	v25 =	vld [tilespmem:s25+$0xCFD0]  }
0x22c: {  	v1 =	vadd.f32 v22, v1;
	_ =	sdelay $0x1  }
0x22d: {  	v26 =	vld [tilespmem:s25+$0xD050];
	v1 =	vmul.f32 $1.000000010e-01, v1  }
0x22e: {  	v27 =	vld [tilespmem:s25+$0xD0D0];
	v0 =	vadd.f32 v17, v0;
	v28 =	vadd.f32 v20, v19  }
0x22f: {  	v3 =	vadd.f32 v23, v21;
	v2 =	vadd.f32 v25, v24;
	[tilespmem:s26+$0x1A840] =	vst v1  }
0x230: {  	v29 =	vld [tilespmem:s25+$0xCC60]  }
0x231: {  	v0 =	vadd.f32 v28, v0;
	v32 =	vadd.f32 v2, v3;
	v30 =	vld [tilespmem:s25+$0xCCE0]  }
0x232: {  	v31 =	vld [tilespmem:s25+$0xCD60]  }
0x233: {  	v4 =	vadd.f32 v27, v26;
	v33 =	vld [tilespmem:s25+$0xCDE0];
	v0 =	vadd.f32 v32, v0  }
0x234: {  	v34 =	vld [tilespmem:s25+$0xCE60]  }
0x235: {  	v35 =	vld [tilespmem:s25+$0xCEE0];
	v0 =	vadd.f32 v4, v0  }
0x236: {  	v36 =	vld [tilespmem:s25+$0xCF60]  }
0x237: {  	v37 =	vld [tilespmem:s25+$0xCFE0];
	v0 =	vmul.f32 $1.000000010e-01, v0  }
0x238: {  	v38 =	vld [tilespmem:s25+$0xD060]  }
0x239: {  	v39 =	vld [tilespmem:s25+$0xD0E0];
	[tilespmem:s26+$0x1A850] =	vst v0  }
0x23a: {  	v0 =	vld [tilespmem:s25+$0xCC70]  }
0x23b: {  	v5 =	vadd.f32 v30, v29;
	v2 =	vadd.f32 v33, v31;
	v40 =	vld [tilespmem:s25+$0xCCF0]  }
0x23c: {  	v1 =	vadd.f32 v35, v34;
	v41 =	vadd.f32 v37, v36;
	v42 =	vld [tilespmem:s25+$0xCD70]  }
0x23d: {  	v43 =	vld [tilespmem:s25+$0xCDF0]  }
0x23e: {  	v2 =	vadd.f32 v2, v5;
	v1 =	vadd.f32 v41, v1;
	v44 =	vld [tilespmem:s25+$0xCE70]  }
0x23f: {  	v46 =	vld [tilespmem:s25+$0xCEF0]  }
0x240: {  	v45 =	vadd.f32 v39, v38;
	v47 =	vld [tilespmem:s25+$0xCF70];
	v1 =	vadd.f32 v1, v2  }
0x241: {  	v48 =	vld [tilespmem:s25+$0xCFF0]  }
0x242: {  	s24 =	sshll.u32 s10, $0x2;
	v1 =	vadd.f32 v45, v1  }
0x243: {  	s28 =	sor.u32 $0x1, s24  }
0x244: {  	s29 =	smul.u32 $0x1400, s28;
	v49 =	vld [tilespmem:s25+$0xD070];
	v1 =	vmul.f32 $1.000000010e-01, v1  }
0x245: {  	v50 =	vld [tilespmem:s25+$0xD0F0];
	v0 =	vadd.f32 v40, v0;
	v51 =	vadd.f32 v43, v42  }
0x246: {  	s25 =	sshra.s32 s29, $0x2;
	v3 =	vadd.f32 v46, v44;
	v2 =	vadd.f32 v48, v47;
	[tilespmem:s26+$0x1A860] =	vst v1  }
0x247: {  	v52 =	vld [tilespmem:s25+$0xCC00]  }
0x248: {  	v0 =	vadd.f32 v51, v0;
	v55 =	vadd.f32 v2, v3;
	v53 =	vld [tilespmem:s25+$0xCC80]  }
0x249: {  	v54 =	vld [tilespmem:s25+$0xCD00]  }
0x24a: {  	v5 =	vadd.f32 v50, v49;
	v56 =	vld [tilespmem:s25+$0xCD80];
	v0 =	vadd.f32 v55, v0  }
0x24b: {  	v57 =	vld [tilespmem:s25+$0xCE00]  }
0x24c: {  	v58 =	vld [tilespmem:s25+$0xCE80];
	v0 =	vadd.f32 v5, v0  }
0x24d: {  	v59 =	vld [tilespmem:s25+$0xCF00]  }
0x24e: {  	v60 =	vld [tilespmem:s25+$0xCF80];
	v0 =	vmul.f32 $1.000000010e-01, v0  }
0x24f: {  	v61 =	vld [tilespmem:s25+$0xD000]  }
0x250: {  	v62 =	vld [tilespmem:s25+$0xD080];
	[tilespmem:s26+$0x1A870] =	vst v0  }
0x251: {  	v0 =	vld [tilespmem:s25+$0xCC10]  }
0x252: {  	v4 =	vadd.f32 v53, v52;
	v2 =	vadd.f32 v56, v54;
	v63 =	vld [tilespmem:s25+$0xCC90]  }
0x253: {  	v1 =	vadd.f32 v58, v57;
	v11 =	vadd.f32 v60, v59;
	v12 =	vld [tilespmem:s25+$0xCD10]  }
0x254: {  	v13 =	vld [tilespmem:s25+$0xCD90]  }
0x255: {  	v2 =	vadd.f32 v2, v4;
	v1 =	vadd.f32 v11, v1;
	v14 =	vld [tilespmem:s25+$0xCE10]  }
0x256: {  	v16 =	vld [tilespmem:s25+$0xCE90]  }
0x257: {  	v15 =	vadd.f32 v62, v61;
	v17 =	vld [tilespmem:s25+$0xCF10];
	v1 =	vadd.f32 v1, v2  }
0x258: {  	v18 =	vld [tilespmem:s25+$0xCF90]  }
0x259: {  	v1 =	vadd.f32 v15, v1;
	_ =	sdelay $0x1  }
0x25a: {  	s28 =	sshll.u32 s28, $0x7;
	v19 =	vld [tilespmem:s25+$0xD010];
	v1 =	vmul.f32 $1.000000010e-01, v1  }
0x25b: {  	s26 =	sand.u32 $0x3FFFFE80, s28;
	v20 =	vld [tilespmem:s25+$0xD090];
	v0 =	vadd.f32 v63, v0;
	v21 =	vadd.f32 v13, v12  }
0x25c: {  	v3 =	vadd.f32 v16, v14;
	v2 =	vadd.f32 v18, v17;
	[tilespmem:s26+$0x1A800] =	vst v1  }
0x25d: {  	v22 =	vld [tilespmem:s25+$0xCC20]  }
0x25e: {  	v0 =	vadd.f32 v21, v0;
	v25 =	vadd.f32 v2, v3;
	v23 =	vld [tilespmem:s25+$0xCCA0]  }
0x25f: {  	v24 =	vld [tilespmem:s25+$0xCD20]  }
0x260: {  	v4 =	vadd.f32 v20, v19;
	v26 =	vld [tilespmem:s25+$0xCDA0];
	v0 =	vadd.f32 v25, v0  }
0x261: {  	v27 =	vld [tilespmem:s25+$0xCE20]  }
0x262: {  	v28 =	vld [tilespmem:s25+$0xCEA0];
	v0 =	vadd.f32 v4, v0  }
0x263: {  	v29 =	vld [tilespmem:s25+$0xCF20]  }
0x264: {  	v30 =	vld [tilespmem:s25+$0xCFA0];
	v0 =	vmul.f32 $1.000000010e-01, v0  }
0x265: {  	v31 =	vld [tilespmem:s25+$0xD020]  }
0x266: {  	v32 =	vld [tilespmem:s25+$0xD0A0];
	[tilespmem:s26+$0x1A810] =	vst v0  }
0x267: {  	v0 =	vld [tilespmem:s25+$0xCC30]  }
0x268: {  	v5 =	vadd.f32 v23, v22;
	v2 =	vadd.f32 v26, v24;
	v33 =	vld [tilespmem:s25+$0xCCB0]  }
0x269: {  	v1 =	vadd.f32 v28, v27;
	v34 =	vadd.f32 v30, v29;
	v35 =	vld [tilespmem:s25+$0xCD30]  }
0x26a: {  	v36 =	vld [tilespmem:s25+$0xCDB0]  }
0x26b: {  	v2 =	vadd.f32 v2, v5;
	v1 =	vadd.f32 v34, v1;
	v37 =	vld [tilespmem:s25+$0xCE30]  }
0x26c: {  	v39 =	vld [tilespmem:s25+$0xCEB0]  }
0x26d: {  	v38 =	vadd.f32 v32, v31;
	v40 =	vld [tilespmem:s25+$0xCF30];
	v1 =	vadd.f32 v1, v2  }
0x26e: {  	v41 =	vld [tilespmem:s25+$0xCFB0]  }
0x26f: {  	v1 =	vadd.f32 v38, v1;
	_ =	sdelay $0x1  }
0x270: {  	v42 =	vld [tilespmem:s25+$0xD030];
	v1 =	vmul.f32 $1.000000010e-01, v1  }
0x271: {  	v43 =	vld [tilespmem:s25+$0xD0B0];
	v0 =	vadd.f32 v33, v0;
	v44 =	vadd.f32 v36, v35  }
0x272: {  	v3 =	vadd.f32 v39, v37;
	v2 =	vadd.f32 v41, v40;
	[tilespmem:s26+$0x1A820] =	vst v1  }
0x273: {  	v45 =	vld [tilespmem:s25+$0xCC40]  }
0x274: {  	v0 =	vadd.f32 v44, v0;
	v48 =	vadd.f32 v2, v3;
	v46 =	vld [tilespmem:s25+$0xCCC0]  }
0x275: {  	v47 =	vld [tilespmem:s25+$0xCD40]  }
0x276: {  	v5 =	vadd.f32 v43, v42;
	v49 =	vld [tilespmem:s25+$0xCDC0];
	v0 =	vadd.f32 v48, v0  }
0x277: {  	v50 =	vld [tilespmem:s25+$0xCE40]  }
0x278: {  	v51 =	vld [tilespmem:s25+$0xCEC0];
	v0 =	vadd.f32 v5, v0  }
0x279: {  	v52 =	vld [tilespmem:s25+$0xCF40]  }
0x27a: {  	v53 =	vld [tilespmem:s25+$0xCFC0];
	v0 =	vmul.f32 $1.000000010e-01, v0  }
0x27b: {  	v54 =	vld [tilespmem:s25+$0xD040]  }
0x27c: {  	v55 =	vld [tilespmem:s25+$0xD0C0];
	[tilespmem:s26+$0x1A830] =	vst v0  }
0x27d: {  	v0 =	vld [tilespmem:s25+$0xCC50]  }
0x27e: {  	v4 =	vadd.f32 v46, v45;
	v2 =	vadd.f32 v49, v47;
	v56 =	vld [tilespmem:s25+$0xCCD0]  }
0x27f: {  	v1 =	vadd.f32 v51, v50;
	v57 =	vadd.f32 v53, v52;
	v58 =	vld [tilespmem:s25+$0xCD50]  }
0x280: {  	v59 =	vld [tilespmem:s25+$0xCDD0]  }
0x281: {  	v2 =	vadd.f32 v2, v4;
	v1 =	vadd.f32 v57, v1;
	v60 =	vld [tilespmem:s25+$0xCE50]  }
0x282: {  	v62 =	vld [tilespmem:s25+$0xCED0]  }
0x283: {  	v61 =	vadd.f32 v55, v54;
	v63 =	vld [tilespmem:s25+$0xCF50];
	v1 =	vadd.f32 v1, v2  }
0x284: {  	v12 =	vld [tilespmem:s25+$0xCFD0]  }
0x285: {  	v1 =	vadd.f32 v61, v1;
	_ =	sdelay $0x1  }
0x286: {  	v13 =	vld [tilespmem:s25+$0xD050];
	v1 =	vmul.f32 $1.000000010e-01, v1  }
0x287: {  	v14 =	vld [tilespmem:s25+$0xD0D0];
	v0 =	vadd.f32 v56, v0;
	v15 =	vadd.f32 v59, v58  }
0x288: {  	v3 =	vadd.f32 v62, v60;
	v2 =	vadd.f32 v12, v63;
	[tilespmem:s26+$0x1A840] =	vst v1  }
0x289: {  	v16 =	vld [tilespmem:s25+$0xCC60]  }
0x28a: {  	v0 =	vadd.f32 v15, v0;
	v19 =	vadd.f32 v2, v3;
	v17 =	vld [tilespmem:s25+$0xCCE0]  }
0x28b: {  	v18 =	vld [tilespmem:s25+$0xCD60]  }
0x28c: {  	v4 =	vadd.f32 v14, v13;
	v20 =	vld [tilespmem:s25+$0xCDE0];
	v0 =	vadd.f32 v19, v0  }
0x28d: {  	v21 =	vld [tilespmem:s25+$0xCE60]  }
0x28e: {  	v22 =	vld [tilespmem:s25+$0xCEE0];
	v0 =	vadd.f32 v4, v0  }
0x28f: {  	v23 =	vld [tilespmem:s25+$0xCF60]  }
0x290: {  	v24 =	vld [tilespmem:s25+$0xCFE0];
	v0 =	vmul.f32 $1.000000010e-01, v0  }
0x291: {  	v25 =	vld [tilespmem:s25+$0xD060]  }
0x292: {  	v26 =	vld [tilespmem:s25+$0xD0E0];
	[tilespmem:s26+$0x1A850] =	vst v0  }
0x293: {  	v0 =	vld [tilespmem:s25+$0xCC70]  }
0x294: {  	v5 =	vadd.f32 v17, v16;
	v2 =	vadd.f32 v20, v18;
	v27 =	vld [tilespmem:s25+$0xCCF0]  }
0x295: {  	v1 =	vadd.f32 v22, v21;
	v28 =	vadd.f32 v24, v23;
	v29 =	vld [tilespmem:s25+$0xCD70]  }
0x296: {  	v30 =	vld [tilespmem:s25+$0xCDF0]  }
0x297: {  	v2 =	vadd.f32 v2, v5;
	v1 =	vadd.f32 v28, v1;
	v31 =	vld [tilespmem:s25+$0xCE70]  }
0x298: {  	v33 =	vld [tilespmem:s25+$0xCEF0]  }
0x299: {  	v32 =	vadd.f32 v26, v25;
	v34 =	vld [tilespmem:s25+$0xCF70];
	v1 =	vadd.f32 v1, v2  }
0x29a: {  	v35 =	vld [tilespmem:s25+$0xCFF0]  }
0x29b: {  	v1 =	vadd.f32 v32, v1  }
0x29c: {  	s29 =	sor.u32 $0x2, s24  }
0x29d: {  	s24 =	smul.u32 $0x1400, s29;
	v36 =	vld [tilespmem:s25+$0xD070];
	v1 =	vmul.f32 $1.000000010e-01, v1  }
0x29e: {  	v37 =	vld [tilespmem:s25+$0xD0F0];
	v0 =	vadd.f32 v27, v0;
	v38 =	vadd.f32 v30, v29  }
0x29f: {  	s24 =	sshra.s32 s24, $0x2;
	v3 =	vadd.f32 v33, v31;
	v2 =	vadd.f32 v35, v34;
	[tilespmem:s26+$0x1A860] =	vst v1  }
0x2a0: {  	v39 =	vld [tilespmem:s24+$0xCC00]  }
0x2a1: {  	v0 =	vadd.f32 v38, v0;
	v42 =	vadd.f32 v2, v3;
	v40 =	vld [tilespmem:s24+$0xCC80]  }
0x2a2: {  	v41 =	vld [tilespmem:s24+$0xCD00]  }
0x2a3: {  	v5 =	vadd.f32 v37, v36;
	v43 =	vld [tilespmem:s24+$0xCD80];
	v0 =	vadd.f32 v42, v0  }
0x2a4: {  	v44 =	vld [tilespmem:s24+$0xCE00]  }
0x2a5: {  	v45 =	vld [tilespmem:s24+$0xCE80];
	v0 =	vadd.f32 v5, v0  }
0x2a6: {  	v46 =	vld [tilespmem:s24+$0xCF00]  }
0x2a7: {  	v47 =	vld [tilespmem:s24+$0xCF80];
	v0 =	vmul.f32 $1.000000010e-01, v0  }
0x2a8: {  	v48 =	vld [tilespmem:s24+$0xD000]  }
0x2a9: {  	v49 =	vld [tilespmem:s24+$0xD080];
	[tilespmem:s26+$0x1A870] =	vst v0  }
0x2aa: {  	v0 =	vld [tilespmem:s24+$0xCC10]  }
0x2ab: {  	v4 =	vadd.f32 v40, v39;
	v2 =	vadd.f32 v43, v41;
	v50 =	vld [tilespmem:s24+$0xCC90]  }
0x2ac: {  	v1 =	vadd.f32 v45, v44;
	v51 =	vadd.f32 v47, v46;
	v52 =	vld [tilespmem:s24+$0xCD10]  }
0x2ad: {  	v53 =	vld [tilespmem:s24+$0xCD90]  }
0x2ae: {  	v2 =	vadd.f32 v2, v4;
	v1 =	vadd.f32 v51, v1;
	v54 =	vld [tilespmem:s24+$0xCE10]  }
0x2af: {  	v56 =	vld [tilespmem:s24+$0xCE90]  }
0x2b0: {  	v55 =	vadd.f32 v49, v48;
	v57 =	vld [tilespmem:s24+$0xCF10];
	v1 =	vadd.f32 v1, v2  }
0x2b1: {  	v58 =	vld [tilespmem:s24+$0xCF90]  }
0x2b2: {  	v1 =	vadd.f32 v55, v1;
	_ =	sdelay $0x1  }
0x2b3: {  	s28 =	sshll.u32 s29, $0x7;
	v59 =	vld [tilespmem:s24+$0xD010];
	v1 =	vmul.f32 $1.000000010e-01, v1  }
0x2b4: {  	s25 =	sand.u32 $0x3FFFFF00, s28;
	v60 =	vld [tilespmem:s24+$0xD090];
	v0 =	vadd.f32 v50, v0;
	v61 =	vadd.f32 v53, v52  }
0x2b5: {  	v3 =	vadd.f32 v56, v54;
	v2 =	vadd.f32 v58, v57;
	[tilespmem:s25+$0x1A800] =	vst v1  }
0x2b6: {  	v62 =	vld [tilespmem:s24+$0xCC20]  }
0x2b7: {  	v0 =	vadd.f32 v61, v0;
	v13 =	vadd.f32 v2, v3;
	v63 =	vld [tilespmem:s24+$0xCCA0]  }
0x2b8: {  	v12 =	vld [tilespmem:s24+$0xCD20]  }
0x2b9: {  	v4 =	vadd.f32 v60, v59;
	v14 =	vld [tilespmem:s24+$0xCDA0];
	v0 =	vadd.f32 v13, v0  }
0x2ba: {  	v15 =	vld [tilespmem:s24+$0xCE20]  }
0x2bb: {  	v16 =	vld [tilespmem:s24+$0xCEA0];
	v0 =	vadd.f32 v4, v0  }
0x2bc: {  	v17 =	vld [tilespmem:s24+$0xCF20]  }
0x2bd: {  	v18 =	vld [tilespmem:s24+$0xCFA0];
	v0 =	vmul.f32 $1.000000010e-01, v0  }
0x2be: {  	v19 =	vld [tilespmem:s24+$0xD020]  }
0x2bf: {  	v20 =	vld [tilespmem:s24+$0xD0A0];
	[tilespmem:s25+$0x1A810] =	vst v0  }
0x2c0: {  	v0 =	vld [tilespmem:s24+$0xCC30]  }
0x2c1: {  	v5 =	vadd.f32 v63, v62;
	v2 =	vadd.f32 v14, v12;
	v21 =	vld [tilespmem:s24+$0xCCB0]  }
0x2c2: {  	v1 =	vadd.f32 v16, v15;
	v22 =	vadd.f32 v18, v17;
	v23 =	vld [tilespmem:s24+$0xCD30]  }
0x2c3: {  	v24 =	vld [tilespmem:s24+$0xCDB0]  }
0x2c4: {  	v2 =	vadd.f32 v2, v5;
	v1 =	vadd.f32 v22, v1;
	v25 =	vld [tilespmem:s24+$0xCE30]  }
0x2c5: {  	v27 =	vld [tilespmem:s24+$0xCEB0]  }
0x2c6: {  	v26 =	vadd.f32 v20, v19;
	v28 =	vld [tilespmem:s24+$0xCF30];
	v1 =	vadd.f32 v1, v2  }
0x2c7: {  	v29 =	vld [tilespmem:s24+$0xCFB0]  }
0x2c8: {  	v1 =	vadd.f32 v26, v1;
	_ =	sdelay $0x1  }
0x2c9: {  	v30 =	vld [tilespmem:s24+$0xD030];
	v1 =	vmul.f32 $1.000000010e-01, v1  }
0x2ca: {  	v31 =	vld [tilespmem:s24+$0xD0B0];
	v0 =	vadd.f32 v21, v0;
	v32 =	vadd.f32 v24, v23  }
0x2cb: {  	v3 =	vadd.f32 v27, v25;
	v2 =	vadd.f32 v29, v28;
	[tilespmem:s25+$0x1A820] =	vst v1  }
0x2cc: {  	v33 =	vld [tilespmem:s24+$0xCC40]  }
0x2cd: {  	v0 =	vadd.f32 v32, v0;
	v36 =	vadd.f32 v2, v3;
	v34 =	vld [tilespmem:s24+$0xCCC0]  }
0x2ce: {  	v35 =	vld [tilespmem:s24+$0xCD40]  }
0x2cf: {  	v5 =	vadd.f32 v31, v30;
	v37 =	vld [tilespmem:s24+$0xCDC0];
	v0 =	vadd.f32 v36, v0  }
0x2d0: {  	v38 =	vld [tilespmem:s24+$0xCE40]  }
0x2d1: {  	v39 =	vld [tilespmem:s24+$0xCEC0];
	v0 =	vadd.f32 v5, v0  }
0x2d2: {  	v40 =	vld [tilespmem:s24+$0xCF40]  }
0x2d3: {  	v41 =	vld [tilespmem:s24+$0xCFC0];
	v0 =	vmul.f32 $1.000000010e-01, v0  }
0x2d4: {  	v42 =	vld [tilespmem:s24+$0xD040]  }
0x2d5: {  	v43 =	vld [tilespmem:s24+$0xD0C0];
	[tilespmem:s25+$0x1A830] =	vst v0  }
0x2d6: {  	v0 =	vld [tilespmem:s24+$0xCC50]  }
0x2d7: {  	v4 =	vadd.f32 v34, v33;
	v2 =	vadd.f32 v37, v35;
	v44 =	vld [tilespmem:s24+$0xCCD0]  }
0x2d8: {  	v1 =	vadd.f32 v39, v38;
	v45 =	vadd.f32 v41, v40;
	v46 =	vld [tilespmem:s24+$0xCD50]  }
0x2d9: {  	v47 =	vld [tilespmem:s24+$0xCDD0]  }
0x2da: {  	v2 =	vadd.f32 v2, v4;
	v1 =	vadd.f32 v45, v1;
	v48 =	vld [tilespmem:s24+$0xCE50]  }
0x2db: {  	v50 =	vld [tilespmem:s24+$0xCED0]  }
0x2dc: {  	v49 =	vadd.f32 v43, v42;
	v51 =	vld [tilespmem:s24+$0xCF50];
	v1 =	vadd.f32 v1, v2  }
0x2dd: {  	v52 =	vld [tilespmem:s24+$0xCFD0]  }
0x2de: {  	v1 =	vadd.f32 v49, v1;
	_ =	sdelay $0x1  }
0x2df: {  	v53 =	vld [tilespmem:s24+$0xD050];
	v1 =	vmul.f32 $1.000000010e-01, v1  }
0x2e0: {  	v54 =	vld [tilespmem:s24+$0xD0D0];
	v0 =	vadd.f32 v44, v0;
	v55 =	vadd.f32 v47, v46  }
0x2e1: {  	v3 =	vadd.f32 v50, v48;
	v2 =	vadd.f32 v52, v51;
	[tilespmem:s25+$0x1A840] =	vst v1  }
0x2e2: {  	v56 =	vld [tilespmem:s24+$0xCC60]  }
0x2e3: {  	v0 =	vadd.f32 v55, v0;
	v59 =	vadd.f32 v2, v3;
	v57 =	vld [tilespmem:s24+$0xCCE0]  }
0x2e4: {  	v58 =	vld [tilespmem:s24+$0xCD60]  }
0x2e5: {  	v4 =	vadd.f32 v54, v53;
	v60 =	vld [tilespmem:s24+$0xCDE0];
	v0 =	vadd.f32 v59, v0  }
0x2e6: {  	v61 =	vld [tilespmem:s24+$0xCE60]  }
0x2e7: {  	v62 =	vld [tilespmem:s24+$0xCEE0];
	v0 =	vadd.f32 v4, v0  }
0x2e8: {  	v63 =	vld [tilespmem:s24+$0xCF60]  }
0x2e9: {  	v12 =	vld [tilespmem:s24+$0xCFE0];
	v0 =	vmul.f32 $1.000000010e-01, v0  }
0x2ea: {  	v13 =	vld [tilespmem:s24+$0xD060]  }
0x2eb: {  	v14 =	vld [tilespmem:s24+$0xD0E0];
	[tilespmem:s25+$0x1A850] =	vst v0  }
0x2ec: {  	v0 =	vld [tilespmem:s24+$0xCC70]  }
0x2ed: {  	v5 =	vadd.f32 v57, v56;
	v2 =	vadd.f32 v60, v58;
	v15 =	vld [tilespmem:s24+$0xCCF0]  }
0x2ee: {  	v1 =	vadd.f32 v62, v61;
	v16 =	vadd.f32 v12, v63;
	v17 =	vld [tilespmem:s24+$0xCD70]  }
0x2ef: {  	v18 =	vld [tilespmem:s24+$0xCDF0]  }
0x2f0: {  	v2 =	vadd.f32 v2, v5;
	v1 =	vadd.f32 v16, v1;
	v19 =	vld [tilespmem:s24+$0xCE70]  }
0x2f1: {  	v21 =	vld [tilespmem:s24+$0xCEF0]  }
0x2f2: {  	v20 =	vadd.f32 v14, v13;
	v22 =	vld [tilespmem:s24+$0xCF70];
	v1 =	vadd.f32 v1, v2  }
0x2f3: {  	v23 =	vld [tilespmem:s24+$0xCFF0]  }
0x2f4: {  	v1 =	vadd.f32 v20, v1  }
0x2f5: {  	s26 =	sshllo.u32 s10, $0x2  }
0x2f6: {  	s29 =	smul.u32 $0x1400, s26;
	v24 =	vld [tilespmem:s24+$0xD070];
	v1 =	vmul.f32 $1.000000010e-01, v1  }
0x2f7: {  	v25 =	vld [tilespmem:s24+$0xD0F0];
	v0 =	vadd.f32 v15, v0;
	v26 =	vadd.f32 v18, v17  }
0x2f8: {  	s28 =	sshra.s32 s29, $0x2;
	v3 =	vadd.f32 v21, v19;
	v2 =	vadd.f32 v23, v22;
	[tilespmem:s25+$0x1A860] =	vst v1  }
0x2f9: {  	v27 =	vld [tilespmem:s28+$0xCC00]  }
0x2fa: {  	v0 =	vadd.f32 v26, v0;
	v30 =	vadd.f32 v2, v3;
	v28 =	vld [tilespmem:s28+$0xCC80]  }
0x2fb: {  	v29 =	vld [tilespmem:s28+$0xCD00]  }
0x2fc: {  	v5 =	vadd.f32 v25, v24;
	v31 =	vld [tilespmem:s28+$0xCD80];
	v0 =	vadd.f32 v30, v0  }
0x2fd: {  	v32 =	vld [tilespmem:s28+$0xCE00]  }
0x2fe: {  	v33 =	vld [tilespmem:s28+$0xCE80];
	v0 =	vadd.f32 v5, v0  }
0x2ff: {  	v34 =	vld [tilespmem:s28+$0xCF00]  }
0x300: {  	v35 =	vld [tilespmem:s28+$0xCF80];
	v0 =	vmul.f32 $1.000000010e-01, v0  }
0x301: {  	v36 =	vld [tilespmem:s28+$0xD000]  }
0x302: {  	v37 =	vld [tilespmem:s28+$0xD080];
	[tilespmem:s25+$0x1A870] =	vst v0  }
0x303: {  	v0 =	vld [tilespmem:s28+$0xCC10]  }
0x304: {  	v4 =	vadd.f32 v28, v27;
	v2 =	vadd.f32 v31, v29;
	v38 =	vld [tilespmem:s28+$0xCC90]  }
0x305: {  	v1 =	vadd.f32 v33, v32;
	v39 =	vadd.f32 v35, v34;
	v40 =	vld [tilespmem:s28+$0xCD10]  }
0x306: {  	v41 =	vld [tilespmem:s28+$0xCD90]  }
0x307: {  	v2 =	vadd.f32 v2, v4;
	v1 =	vadd.f32 v39, v1;
	v42 =	vld [tilespmem:s28+$0xCE10]  }
0x308: {  	v44 =	vld [tilespmem:s28+$0xCE90]  }
0x309: {  	v43 =	vadd.f32 v37, v36;
	v45 =	vld [tilespmem:s28+$0xCF10];
	v1 =	vadd.f32 v1, v2  }
0x30a: {  	v46 =	vld [tilespmem:s28+$0xCF90]  }
0x30b: {  	v1 =	vadd.f32 v43, v1;
	_ =	sdelay $0x1  }
0x30c: {  	s29 =	sshll.u32 s26, $0x7;
	v47 =	vld [tilespmem:s28+$0xD010];
	v1 =	vmul.f32 $1.000000010e-01, v1  }
0x30d: {  	s25 =	sand.u32 $0x3FFFFF80, s29;
	v48 =	vld [tilespmem:s28+$0xD090];
	v0 =	vadd.f32 v38, v0;
	v49 =	vadd.f32 v41, v40  }
0x30e: {  	v3 =	vadd.f32 v44, v42;
	v2 =	vadd.f32 v46, v45;
	[tilespmem:s25+$0x1A800] =	vst v1  }
0x30f: {  	v50 =	vld [tilespmem:s28+$0xCC20]  }
0x310: {  	v0 =	vadd.f32 v49, v0;
	v53 =	vadd.f32 v2, v3;
	v51 =	vld [tilespmem:s28+$0xCCA0]  }
0x311: {  	v52 =	vld [tilespmem:s28+$0xCD20]  }
0x312: {  	v4 =	vadd.f32 v48, v47;
	v54 =	vld [tilespmem:s28+$0xCDA0];
	v0 =	vadd.f32 v53, v0  }
0x313: {  	v55 =	vld [tilespmem:s28+$0xCE20]  }
0x314: {  	v56 =	vld [tilespmem:s28+$0xCEA0];
	v0 =	vadd.f32 v4, v0  }
0x315: {  	v57 =	vld [tilespmem:s28+$0xCF20]  }
0x316: {  	v58 =	vld [tilespmem:s28+$0xCFA0];
	v0 =	vmul.f32 $1.000000010e-01, v0  }
0x317: {  	v59 =	vld [tilespmem:s28+$0xD020]  }
0x318: {  	v60 =	vld [tilespmem:s28+$0xD0A0];
	[tilespmem:s25+$0x1A810] =	vst v0  }
0x319: {  	v0 =	vld [tilespmem:s28+$0xCC30]  }
0x31a: {  	v5 =	vadd.f32 v51, v50;
	v2 =	vadd.f32 v54, v52;
	v61 =	vld [tilespmem:s28+$0xCCB0]  }
0x31b: {  	v1 =	vadd.f32 v56, v55;
	v62 =	vadd.f32 v58, v57;
	v63 =	vld [tilespmem:s28+$0xCD30]  }
0x31c: {  	v12 =	vld [tilespmem:s28+$0xCDB0]  }
0x31d: {  	v2 =	vadd.f32 v2, v5;
	v1 =	vadd.f32 v62, v1;
	v13 =	vld [tilespmem:s28+$0xCE30]  }
0x31e: {  	v15 =	vld [tilespmem:s28+$0xCEB0]  }
0x31f: {  	v14 =	vadd.f32 v60, v59;
	v16 =	vld [tilespmem:s28+$0xCF30];
	v1 =	vadd.f32 v1, v2  }
0x320: {  	v17 =	vld [tilespmem:s28+$0xCFB0]  }
0x321: {  	v1 =	vadd.f32 v14, v1;
	_ =	sdelay $0x1  }
0x322: {  	v18 =	vld [tilespmem:s28+$0xD030];
	v1 =	vmul.f32 $1.000000010e-01, v1  }
0x323: {  	v19 =	vld [tilespmem:s28+$0xD0B0];
	v0 =	vadd.f32 v61, v0;
	v20 =	vadd.f32 v12, v63  }
0x324: {  	v3 =	vadd.f32 v15, v13;
	v2 =	vadd.f32 v17, v16;
	[tilespmem:s25+$0x1A820] =	vst v1  }
0x325: {  	v21 =	vld [tilespmem:s28+$0xCC40]  }
0x326: {  	v0 =	vadd.f32 v20, v0;
	v24 =	vadd.f32 v2, v3;
	v22 =	vld [tilespmem:s28+$0xCCC0]  }
0x327: {  	v23 =	vld [tilespmem:s28+$0xCD40]  }
0x328: {  	v5 =	vadd.f32 v19, v18;
	v25 =	vld [tilespmem:s28+$0xCDC0];
	v0 =	vadd.f32 v24, v0  }
0x329: {  	v26 =	vld [tilespmem:s28+$0xCE40]  }
0x32a: {  	v27 =	vld [tilespmem:s28+$0xCEC0];
	v0 =	vadd.f32 v5, v0  }
0x32b: {  	v28 =	vld [tilespmem:s28+$0xCF40]  }
0x32c: {  	v29 =	vld [tilespmem:s28+$0xCFC0];
	v0 =	vmul.f32 $1.000000010e-01, v0  }
0x32d: {  	v30 =	vld [tilespmem:s28+$0xD040]  }
0x32e: {  	v31 =	vld [tilespmem:s28+$0xD0C0];
	[tilespmem:s25+$0x1A830] =	vst v0  }
0x32f: {  	v0 =	vld [tilespmem:s28+$0xCC50]  }
0x330: {  	v4 =	vadd.f32 v22, v21;
	v2 =	vadd.f32 v25, v23;
	v32 =	vld [tilespmem:s28+$0xCCD0]  }
0x331: {  	v1 =	vadd.f32 v27, v26;
	v33 =	vadd.f32 v29, v28;
	v34 =	vld [tilespmem:s28+$0xCD50]  }
0x332: {  	v35 =	vld [tilespmem:s28+$0xCDD0]  }
0x333: {  	v2 =	vadd.f32 v2, v4;
	v1 =	vadd.f32 v33, v1;
	v36 =	vld [tilespmem:s28+$0xCE50]  }
0x334: {  	v38 =	vld [tilespmem:s28+$0xCED0]  }
0x335: {  	v37 =	vadd.f32 v31, v30;
	v39 =	vld [tilespmem:s28+$0xCF50];
	v1 =	vadd.f32 v1, v2  }
0x336: {  	v40 =	vld [tilespmem:s28+$0xCFD0]  }
0x337: {  	v1 =	vadd.f32 v37, v1;
	_ =	sdelay $0x1  }
0x338: {  	v41 =	vld [tilespmem:s28+$0xD050];
	v1 =	vmul.f32 $1.000000010e-01, v1  }
0x339: {  	v42 =	vld [tilespmem:s28+$0xD0D0];
	v0 =	vadd.f32 v32, v0;
	v43 =	vadd.f32 v35, v34  }
0x33a: {  	v3 =	vadd.f32 v38, v36;
	v2 =	vadd.f32 v40, v39;
	[tilespmem:s25+$0x1A840] =	vst v1  }
0x33b: {  	v44 =	vld [tilespmem:s28+$0xCC60]  }
0x33c: {  	v0 =	vadd.f32 v43, v0;
	v47 =	vadd.f32 v2, v3;
	v45 =	vld [tilespmem:s28+$0xCCE0]  }
0x33d: {  	v46 =	vld [tilespmem:s28+$0xCD60]  }
0x33e: {  	v4 =	vadd.f32 v42, v41;
	v48 =	vld [tilespmem:s28+$0xCDE0];
	v0 =	vadd.f32 v47, v0  }
0x33f: {  	v49 =	vld [tilespmem:s28+$0xCE60]  }
0x340: {  	v50 =	vld [tilespmem:s28+$0xCEE0];
	v0 =	vadd.f32 v4, v0  }
0x341: {  	v51 =	vld [tilespmem:s28+$0xCF60]  }
0x342: {  	v52 =	vld [tilespmem:s28+$0xCFE0];
	v0 =	vmul.f32 $1.000000010e-01, v0  }
0x343: {  	v53 =	vld [tilespmem:s28+$0xD060]  }
0x344: {  	v54 =	vld [tilespmem:s28+$0xD0E0];
	[tilespmem:s25+$0x1A850] =	vst v0  }
0x345: {  	v0 =	vld [tilespmem:s28+$0xCC70]  }
0x346: {  	v11 =	vld [tilespmem:s28+$0xCCF0]  }
0x347: {  	v12 =	vld [tilespmem:s28+$0xCD70]  }
0x348: {  	v13 =	vld [tilespmem:s28+$0xCDF0]  }
0x349: {  	v14 =	vld [tilespmem:s28+$0xCE70]  }
0x34a: {  	v15 =	vld [tilespmem:s28+$0xCEF0]  }
0x34b: {  	v16 =	vld [tilespmem:s28+$0xCF70]  }
0x34c: {  	v17 =	vld [tilespmem:s28+$0xCFF0];
	_ =	sdelay $0x1  }
0x34d: {  	v5 =	vadd.f32 v45, v44;
	v2 =	vadd.f32 v48, v46  }
0x34e: {  	v1 =	vadd.f32 v50, v49;
	v55 =	vadd.f32 v52, v51;
	v56 =	vld [tilespmem:s28+$0xD070]  }
0x34f: {  	v58 =	vld [tilespmem:s28+$0xD0F0];
	v0 =	vadd.f32 v11, v0;
	v57 =	vadd.f32 v13, v12  }
0x350: {  	v59 =	vadd.f32 v15, v14;
	v60 =	vadd.f32 v17, v16  }
0x351: {  	v2 =	vadd.f32 v2, v5;
	v1 =	vadd.f32 v55, v1  }
0x352: {  	v0 =	vadd.f32 v57, v0;
	v61 =	vadd.f32 v60, v59  }
0x353: {  	v62 =	vadd.f32 v54, v53;
	v1 =	vadd.f32 v1, v2  }
0x354: {  	v63 =	vadd.f32 v58, v56;
	v0 =	vadd.f32 v61, v0  }
0x355: {  	p0 =	sne.s32 s10, $0x9;
	v1 =	vadd.f32 v62, v1  }
.Ltmp17:
0x356: {  	v0 =	vadd.f32 v63, v0;
	(pc) =	sbr.rel @p0 .LBB2_10-.Ltmp17, $4  }
0x357: {  	v1 =	vmul.f32 $1.000000010e-01, v1  }
0x358: {  	v0 =	vmul.f32 $1.000000010e-01, v0  }
0x359: {  	[tilespmem:s25+$0x1A860] =	vst v1  }
0x35a: {  	s10 =	sadd.s32 $0x1, s10;
	[tilespmem:s25+$0x1A870] =	vst v0  }
.Ltmp18:
0x35b: {  	(pc) =	sbr.rel .LBB2_20-.Ltmp18, $2  }
0x35c: {  	_ =	sdelay $0x2  }
0x35d: {  	s10 =	simm.s32 $0x1A800  }
.LBB2_22:
0x35e: {  	_ =	sfence.sel $0x180000  }
0x35f: {  	[bflag:$0x0] =	sbarrier.arrive $0xFFFF  }
0x360: {  	_ =	strace $0x90000047  }
0x361: {  	s0 =	stileid.u32;
	[bflag:$0x2] =	sbarrier.arrive $0xFFFF  }
0x362: {  	p0 =	sne.s32 s0, $0x0;
	s0 =	rddreg [dreg:$0x3]  }
0x363: {  	s0 =	sadd.s32 @!p0 $0x100000, s0  }
0x364: {  	[sflag:s0] =	ssyncadd.tile.s32 @!p0 $0x1;
	_ =	shalt  }
.Lfunc_end2:
_tile_overlayer_lowered:
.L_overlay_start_2:
0x365: {  	(tag) =	ssettag $0x2  }
0x366: {  	s0 =	rddreg [dreg:$0x0];
	s2 =	stileid.u32  }
0x367: {  	s1 =	rddreg [dreg:$0x1];
	p0 =	sne.s32 s2, $0x0  }
0x368: {  	s3 =	rddreg [dreg:$0x2];
	[bflag:$0x3] =	sbarrier.arrive $0xFFFF;
	s2 =	simm.s32 @!p0 $0x1C04  }
0x369: {  	[timem:s3], [sflag:s2] =	dma.local @!p0 [hbm:s0], s1  }
0x36a: {  	s0 =	simm.s32 @!p0 $0x4  }
0x36b: {  	_ =	swait.ge @!p0 [sflag:s0], s1  }
0x36c: {  	s1 =	ssub.s32 @!p0 $0x0, s1;
	[sflag:s0] =	ssyncset.done @!p0 $0x0  }
0x36d: {  	[sflag:s0] =	ssyncadd.s32 @!p0 s1  }
0x36e: {  	[bflag:$0x3] =	sbarrier.arrive $0xFFFF  }
0x36f: {  	_ =	shalt  }

</sc_bundles>
